<compile_context>
chip_gen: v7x
topology: tpu7x:2x2x1
jax: 0.10.2.dev20260603
libtpu: 0.0.44.dev20260713+nightly
codegen_flags: <defaults>
</compile_context>

<pallas_src>
import jax
import jax.numpy as jnp
from jax import lax
from jax.experimental import pallas as pl
from jax.experimental.pallas import tpu as pltpu
from jax.experimental.pallas import tpu_sc as plsc

N = 10000
D = 128
E = 320000

NC = 2
NS = 16
L = 16

DH = D // NC
W = DH + L
EPT = E // NS
CHUNK = 100
NCHUNK = EPT // CHUNK
RPT = N // NS
RCH = 125
NRCH = RPT // RCH

NBUF = 8
AHEAD = 6
G = 4
NGRP = NCHUNK // G
NSETS = 6

SZA = [100] * 6 + [25]
OFA = [sum(SZA[:i]) for i in range(7)]


def _body(feat_hbm, dst_hbm, src_hbm, out_hbm, table_hbm,
          dst_idx_v, src_idx_v, rows_v, div_v, acc_s,
          gsem, ssem, isem):
    c = lax.axis_index("c")
    s = lax.axis_index("s")
    row0 = s * RPT

    def iset(chunk):
        return (chunk // G) % NSETS

    def fire_idx(grp):
        st = grp % NSETS
        pltpu.async_copy(dst_hbm.at[s, grp], dst_idx_v.at[st], isem.at[st])
        pltpu.async_copy(src_hbm.at[s, grp], src_idx_v.at[st], isem.at[st])

    def wait_idx(grp):
        st = grp % NSETS
        pltpu.make_async_copy(dst_hbm.at[s, 0], dst_idx_v.at[st],
                              isem.at[st]).wait()
        pltpu.make_async_copy(src_hbm.at[s, 0], src_idx_v.at[st],
                              isem.at[st]).wait()

    tab_core = table_hbm.at[pl.ds(c * N, N)]

    def fire_gather(ch, row, b):
        pltpu.async_copy(tab_core.at[dst_idx_v.at[iset(ch), row]],
                         rows_v.at[b], gsem.at[b])

    def wait_gather(b):
        pltpu.make_async_copy(tab_core.at[dst_idx_v.at[0, 0]], rows_v.at[b],
                              gsem.at[b]).wait()

    def fire_scatter(ch, row, b):
        pltpu.async_copy(rows_v.at[b], acc_s.at[src_idx_v.at[iset(ch), row]],
                         ssem.at[b], add=True)

    def wait_scatter(b):
        pltpu.make_async_copy(rows_v.at[b], acc_s.at[src_idx_v.at[0, 0]],
                              ssem.at[b]).wait()

    def _ones_row(r, _):
        for b in range(2):
            rows_v[b, r, pl.ds(DH, L)] = jnp.ones((L,), jnp.float32)
        return _
    lax.fori_loop(0, CHUNK, _ones_row, None)

    def _read_feat(k, b):
        pltpu.async_copy(
            feat_hbm.at[pl.ds(row0 + OFA[k], SZA[k]), pl.ds(c * DH, DH)],
            rows_v.at[b].at[pl.ds(0, SZA[k]), pl.ds(0, DH)], gsem.at[b])

    def _wait_feat(k, b):
        pltpu.make_async_copy(
            feat_hbm.at[pl.ds(0, SZA[k]), pl.ds(0, DH)],
            rows_v.at[b].at[pl.ds(0, SZA[k]), pl.ds(0, DH)], gsem.at[b]).wait()

    def _write_tab(k, b):
        pltpu.async_copy(
            rows_v.at[b].at[pl.ds(0, SZA[k])],
            table_hbm.at[pl.ds(c * N + row0 + OFA[k], SZA[k])], ssem.at[b])

    def _wait_tab(k, b):
        pltpu.make_async_copy(
            rows_v.at[b].at[pl.ds(0, SZA[k])],
            table_hbm.at[pl.ds(0, SZA[k])], ssem.at[b]).wait()

    _read_feat(0, 0)
    _read_feat(1, 1)
    for k in range(len(SZA)):
        b = k % 2
        _wait_feat(k, b)
        _write_tab(k, b)
        if k + 2 < len(SZA):
            _wait_tab(k, b)
            _read_feat(k + 2, b)
    _wait_tab(len(SZA) - 2, (len(SZA) - 2) % 2)
    _wait_tab(len(SZA) - 1, (len(SZA) - 1) % 2)

    def _zero_row(r, _):
        for k in range(W // L):
            div_v[r, pl.ds(k * L, L)] = jnp.zeros((L,), jnp.float32)
        return _
    lax.fori_loop(0, RCH, _zero_row, None)
    for k in range(NRCH):
        pltpu.sync_copy(div_v, acc_s.at[pl.ds(row0 + k * RCH, RCH)])

    for grp in range(NSETS):
        fire_idx(grp)
    wait_idx(0)
    wait_idx(1)

    plsc.subcore_barrier()

    for ch in range(AHEAD):
        fire_gather(ch, ch % G, ch % NBUF)
    for ch in range(NBUF):
        if ch == 2:
            wait_idx(2)
        if ch == 6:
            wait_idx(3)
        wait_gather(ch)
        fire_scatter(ch, ch % G, ch)
        if ch + AHEAD >= NBUF:
            wait_scatter((ch + AHEAD) % NBUF)
        fire_gather(ch + AHEAD, (ch + AHEAD) % G, (ch + AHEAD) % NBUF)

    def _group(i, _):
        j = NBUF + i * NBUF
        gA = j // G

        @pl.when(gA + 4 < NGRP)
        def _():
            fire_idx(gA + 4)

        for b in range(NBUF):
            ch = j + b
            if b == 2:
                @pl.when(gA + 2 < NGRP)
                def _():
                    wait_idx(gA + 2)
            if b == 6:
                @pl.when(gA + 3 < NGRP)
                def _():
                    wait_idx(gA + 3)
            wait_gather(b)
            fire_scatter(ch, b % G, b)
            nxt = ch + AHEAD

            @pl.when(nxt < NCHUNK)
            def _():
                b2 = (b + AHEAD) % NBUF
                wait_scatter(b2)
                fire_gather(nxt, (b + AHEAD) % G, b2)
            if b == 1:
                @pl.when(gA + 5 < NGRP)
                def _():
                    fire_idx(gA + 5)
        return _
    lax.fori_loop(0, (NCHUNK - NBUF) // NBUF, _group, None)

    for b in range(NBUF):
        wait_scatter(b)

    plsc.subcore_barrier()

    for k in range(NRCH):
        base = row0 + k * RCH
        pltpu.sync_copy(acc_s.at[pl.ds(base, RCH)], div_v)

        def _div_row(r, _):
            deg = div_v[r, pl.ds(DH, L)]
            recip = 1.0 / deg
            for q in range(DH // L):
                div_v[r, pl.ds(q * L, L)] = div_v[r, pl.ds(q * L, L)] * recip
            return _
        lax.fori_loop(0, RCH, _div_row, None)
        pltpu.sync_copy(div_v.at[:, pl.ds(0, DH)],
                        out_hbm.at[pl.ds(base, RCH), pl.ds(c * DH, DH)])


def kernel(features, edge_index):
    dst_r = edge_index[1].reshape(NS, NGRP, G, CHUNK)
    src_r = edge_index[0].reshape(NS, NGRP, G, CHUNK)

    mesh = plsc.VectorSubcoreMesh(core_axis_name="c", subcore_axis_name="s")
    k = pl.kernel(
        _body,
        out_type=(jax.ShapeDtypeStruct((N, D), jnp.float32),
                  jax.ShapeDtypeStruct((NC * N, W), jnp.float32)),
        mesh=mesh,
        scratch_types=[
            pltpu.VMEM((NSETS, G, CHUNK), jnp.int32),
            pltpu.VMEM((NSETS, G, CHUNK), jnp.int32),
            pltpu.VMEM((NBUF, CHUNK, W), jnp.float32),
            pltpu.VMEM((RCH, W), jnp.float32),
            pltpu.VMEM_SHARED((N, W), jnp.float32),
            pltpu.SemaphoreType.DMA((NBUF,)),
            pltpu.SemaphoreType.DMA((NBUF,)),
            pltpu.SemaphoreType.DMA((NSETS,)),
        ],
        compiler_params=pltpu.CompilerParams(use_tc_tiling_on_sc=False),
    )
    out, _table = k(features, dst_r, src_r)
    return out

# --- scband reference (transcript-rebuilt; emitter-appended) ---
"""Pipeline reference for scband-gnnessentials-12584254177944 (READ-ONLY COPY).

The authoritative reference and input builder live on the scoring server;
editing this copy changes nothing except your own understanding.
"""

import jax, jax.numpy as jnp
import numpy as np

N_NODES = 10000
D_FEAT = 128
N_EDGES = 320000


def setup_inputs(seed: int = 0) -> dict:
    key = jax.random.key(seed)
    k1, k2 = jax.random.split(key)
    features = jax.random.normal(k1, (N_NODES, D_FEAT), dtype=jnp.float32)
    edge_index = jax.random.randint(k2, (2, N_EDGES), 0, N_NODES, dtype=jnp.int32)
    return {"features": features, "edge_index": edge_index}


def reference(features, edge_index):
    # GNNEssentials.meanAggregation:
    #   A = sparse_coo(edge_index, ones, (n, n))  -> A[src, dst] = 1
    #   H = spmm(A, X)         -> H[i] = sum_{(i,j) in E} X[j]
    #   D_inv = diag(1 / degree(edge_index[0]))
    #   out = spmm(D_inv, H)   -> out[i] = H[i] / deg(i)
    n = features.shape[0]
    src = edge_index[0]
    dst = edge_index[1]
    # gather neighbor features along dst, scatter-add onto src rows
    gathered = jnp.take(features, dst, axis=0)
    agg = jax.ops.segment_sum(gathered, src, num_segments=n)
    # degree of src nodes (torch_geometric.utils.degree(edge_index[0]))
    deg = jax.ops.segment_sum(
        jnp.ones(edge_index.shape[1], dtype=features.dtype), src, num_segments=n
    )
    inv_deg = 1.0 / deg
    out = agg * inv_deg[:, None]
    return out

if __name__ == "__main__":
    import jax
    _d = setup_inputs()
    print(jax.jit(kernel)(*tuple(_d.values())))

</pallas_src>

<mosaic_0001>
#map = affine_map<(d0, d1) -> (0, 0)>
#map1 = affine_map<(d0, d1) -> (0, 0, 0, 0)>
module attributes {stable_mosaic.version = 14 : i64} {
  func.func @_body(%arg0: i32, %arg1: i32, %arg2: memref<10000x128xf32, #tpu.memory_space<hbm>>, %arg3: memref<16x50x4x100xi32, #tpu.memory_space<hbm>>, %arg4: memref<16x50x4x100xi32, #tpu.memory_space<hbm>>, %arg5: memref<10000x128xf32, #tpu.memory_space<hbm>>, %arg6: memref<20000x80xf32, #tpu.memory_space<hbm>>, %arg7: memref<6x4x100xi32, #tpu.memory_space<vmem>>, %arg8: memref<6x4x100xi32, #tpu.memory_space<vmem>>, %arg9: memref<8x100x80xf32, #tpu.memory_space<vmem>>, %arg10: memref<125x80xf32, #tpu.memory_space<vmem>>, %arg11: memref<10000x80xf32, #tpu.memory_space<vmem_shared>>, %arg12: memref<8x!tpu.dma_semaphore, #tpu.memory_space<semaphore_mem>>, %arg13: memref<8x!tpu.dma_semaphore, #tpu.memory_space<semaphore_mem>>, %arg14: memref<6x!tpu.dma_semaphore, #tpu.memory_space<semaphore_mem>>) attributes {dimension_semantics = [#tpu.dimension_semantics<core_parallel>, #tpu.dimension_semantics<subcore_parallel>], iteration_bounds = array<i64: 2, 16>, scalar_prefetch = 0 : i64, scratch_operands = 8 : i64, tpu.core_type = #tpu.core_type<sc_vector_subcore>, window_params = [{transform_indices = #map}, {transform_indices = #map1}, {transform_indices = #map1}, {transform_indices = #map}, {transform_indices = #map}]} {
    %mul3A = arith.constant 625 : i32
    %mul3A_0 = arith.muli %arg1, %mul3A : i32
    %mul3A_1 = arith.constant 10000 : i32
    %mul3A_2 = arith.muli %arg0, %mul3A_1 : i32
    %scan3A = arith.constant 0 : i32
    %scan3A_3 = arith.constant 100 : i32
    %scan3A_4 = arith.addi %scan3A, %scan3A_3 : i32
    %scan3A_5 = arith.constant 1 : i32
    scf.for %scan3A_1931 = %scan3A to %scan3A_4 step %scan3A_5  : i32 {
      %broadcast_in_dim3A = arith.constant 1.000000e+00 : f32
      %broadcast_in_dim3A_1932 = vector.broadcast %broadcast_in_dim3A : f32 to vector<16xf32>
      %swap3A = arith.constant 0 : i32
      %swap3A_1933 = arith.index_cast %swap3A : i32 to index
      %swap3A_1934 = arith.index_cast %scan3A_1931 : i32 to index
      %swap3A_1935 = arith.constant 64 : index
      %swap3A_1936 = tpu.vector_load %arg9[%swap3A_1933, %swap3A_1934, %swap3A_1935] {strides = array<i32>} : memref<8x100x80xf32, #tpu.memory_space<vmem>>, vector<1x1x16xf32>,
      %swap3A_1937 = vector.shape_cast %swap3A_1936 : vector<1x1x16xf32> to vector<16xf32>
      %swap3A_1938 = vector.shape_cast %broadcast_in_dim3A_1932 : vector<16xf32> to vector<1x1x16xf32>
      tpu.vector_store %arg9[%swap3A_1933, %swap3A_1934, %swap3A_1935], %swap3A_1938 {strides = array<i32>} : memref<8x100x80xf32, #tpu.memory_space<vmem>>, vector<1x1x16xf32>,
      %broadcast_in_dim3A_1939 = arith.constant 1.000000e+00 : f32
      %broadcast_in_dim3A_1940 = vector.broadcast %broadcast_in_dim3A_1939 : f32 to vector<16xf32>
      %swap3A_1941 = arith.constant 1 : i32
      %swap3A_1942 = arith.index_cast %swap3A_1941 : i32 to index
      %swap3A_1943 = arith.index_cast %scan3A_1931 : i32 to index
      %swap3A_1944 = arith.constant 64 : index
      %swap3A_1945 = tpu.vector_load %arg9[%swap3A_1942, %swap3A_1943, %swap3A_1944] {strides = array<i32>} : memref<8x100x80xf32, #tpu.memory_space<vmem>>, vector<1x1x16xf32>,
      %swap3A_1946 = vector.shape_cast %swap3A_1945 : vector<1x1x16xf32> to vector<16xf32>
      %swap3A_1947 = vector.shape_cast %broadcast_in_dim3A_1940 : vector<16xf32> to vector<1x1x16xf32>
      tpu.vector_store %arg9[%swap3A_1942, %swap3A_1943, %swap3A_1944], %swap3A_1947 {strides = array<i32>} : memref<8x100x80xf32, #tpu.memory_space<vmem>>, vector<1x1x16xf32>,
    }
    %scan3A_6 = arith.constant 100 : i32
    %add3A = arith.constant 0 : i32
    %add3A_7 = arith.addi %mul3A_0, %add3A : i32
    %mul3A_8 = arith.constant 64 : i32
    %mul3A_9 = arith.muli %arg0, %mul3A_8 : i32
    %dma_start3A = arith.constant 0 : i32
    %dma_start3A_10 = arith.constant 0 : i32
    %dma_start3A_11 = arith.constant 0 : i32
    %dma_start3A_12 = arith.constant 0 : i32
    %dma_start3A_13 = tpu.memref_slice %arg9[%dma_start3A, %dma_start3A_11, %dma_start3A_12] : memref<8x100x80xf32, #tpu.memory_space<vmem>> -> memref<1x100x80xf32, #tpu.memory_space<vmem>>
    %dma_start3A_14 = tpu.memref_squeeze %dma_start3A_13 : memref<1x100x80xf32, #tpu.memory_space<vmem>> -> memref<100x80xf32, #tpu.memory_space<vmem>>
    %dma_start3A_15 = arith.constant 0 : i32
    %dma_start3A_16 = arith.constant 0 : i32
    %dma_start3A_17 = tpu.memref_slice %dma_start3A_14[%dma_start3A_15, %dma_start3A_16] : memref<100x80xf32, #tpu.memory_space<vmem>> -> memref<100x64xf32, #tpu.memory_space<vmem>>
    %dma_start3A_18 = tpu.memref_slice %arg2[%add3A_7, %mul3A_9] : memref<10000x128xf32, #tpu.memory_space<hbm>> -> memref<100x64xf32, #tpu.memory_space<hbm>>
    %dma_start3A_19 = tpu.memref_slice %arg12[%dma_start3A_10] : memref<8x!tpu.dma_semaphore, #tpu.memory_space<semaphore_mem>> -> memref<1x!tpu.dma_semaphore, #tpu.memory_space<semaphore_mem>>
    %dma_start3A_20 = tpu.memref_squeeze %dma_start3A_19 : memref<1x!tpu.dma_semaphore, #tpu.memory_space<semaphore_mem>> -> memref<!tpu.dma_semaphore, #tpu.memory_space<semaphore_mem>>
    %dma_start3A_21 = arith.constant 0 : i32
    %dma_start3A_22 = arith.constant 0 : i32
    %dma_start3A_23 = tpu.memref_slice %arg9[%dma_start3A, %dma_start3A_21, %dma_start3A_22] : memref<8x100x80xf32, #tpu.memory_space<vmem>> -> memref<1x100x80xf32, #tpu.memory_space<vmem>>
    %dma_start3A_24 = tpu.memref_squeeze %dma_start3A_23 : memref<1x100x80xf32, #tpu.memory_space<vmem>> -> memref<100x80xf32, #tpu.memory_space<vmem>>
    %dma_start3A_25 = arith.constant 0 : i32
    %dma_start3A_26 = arith.constant 0 : i32
    %dma_start3A_27 = tpu.memref_slice %dma_start3A_24[%dma_start3A_25, %dma_start3A_26] : memref<100x80xf32, #tpu.memory_space<vmem>> -> memref<100x64xf32, #tpu.memory_space<vmem>>
    %dma_start3A_28 = tpu.memref_slice %arg2[%add3A_7, %mul3A_9] : memref<10000x128xf32, #tpu.memory_space<hbm>> -> memref<100x64xf32, #tpu.memory_space<hbm>>
    tpu.enqueue_dma source(%dma_start3A_28 : memref<100x64xf32, #tpu.memory_space<hbm>>) target(%dma_start3A_27 : memref<100x64xf32, #tpu.memory_space<vmem>>) target_semaphore(%dma_start3A_20 : memref<!tpu.dma_semaphore, #tpu.memory_space<semaphore_mem>>)
    %add3A_29 = arith.constant 100 : i32
    %add3A_30 = arith.addi %mul3A_0, %add3A_29 : i32
    %mul3A_31 = arith.constant 64 : i32
    %mul3A_32 = arith.muli %arg0, %mul3A_31 : i32
    %dma_start3A_33 = arith.constant 1 : i32
    %dma_start3A_34 = arith.constant 1 : i32
    %dma_start3A_35 = arith.constant 0 : i32
    %dma_start3A_36 = arith.constant 0 : i32
    %dma_start3A_37 = tpu.memref_slice %arg9[%dma_start3A_33, %dma_start3A_35, %dma_start3A_36] : memref<8x100x80xf32, #tpu.memory_space<vmem>> -> memref<1x100x80xf32, #tpu.memory_space<vmem>>
    %dma_start3A_38 = tpu.memref_squeeze %dma_start3A_37 : memref<1x100x80xf32, #tpu.memory_space<vmem>> -> memref<100x80xf32, #tpu.memory_space<vmem>>
    %dma_start3A_39 = arith.constant 0 : i32
    %dma_start3A_40 = arith.constant 0 : i32
    %dma_start3A_41 = tpu.memref_slice %dma_start3A_38[%dma_start3A_39, %dma_start3A_40] : memref<100x80xf32, #tpu.memory_space<vmem>> -> memref<100x64xf32, #tpu.memory_space<vmem>>
    %dma_start3A_42 = tpu.memref_slice %arg2[%add3A_30, %mul3A_32] : memref<10000x128xf32, #tpu.memory_space<hbm>> -> memref<100x64xf32, #tpu.memory_space<hbm>>
    %dma_start3A_43 = tpu.memref_slice %arg12[%dma_start3A_34] : memref<8x!tpu.dma_semaphore, #tpu.memory_space<semaphore_mem>> -> memref<1x!tpu.dma_semaphore, #tpu.memory_space<semaphore_mem>>
    %dma_start3A_44 = tpu.memref_squeeze %dma_start3A_43 : memref<1x!tpu.dma_semaphore, #tpu.memory_space<semaphore_mem>> -> memref<!tpu.dma_semaphore, #tpu.memory_space<semaphore_mem>>
    %dma_start3A_45 = arith.constant 0 : i32
    %dma_start3A_46 = arith.constant 0 : i32
    %dma_start3A_47 = tpu.memref_slice %arg9[%dma_start3A_33, %dma_start3A_45, %dma_start3A_46] : memref<8x100x80xf32, #tpu.memory_space<vmem>> -> memref<1x100x80xf32, #tpu.memory_space<vmem>>
    %dma_start3A_48 = tpu.memref_squeeze %dma_start3A_47 : memref<1x100x80xf32, #tpu.memory_space<vmem>> -> memref<100x80xf32, #tpu.memory_space<vmem>>
    %dma_start3A_49 = arith.constant 0 : i32
    %dma_start3A_50 = arith.constant 0 : i32
    %dma_start3A_51 = tpu.memref_slice %dma_start3A_48[%dma_start3A_49, %dma_start3A_50] : memref<100x80xf32, #tpu.memory_space<vmem>> -> memref<100x64xf32, #tpu.memory_space<vmem>>
    %dma_start3A_52 = tpu.memref_slice %arg2[%add3A_30, %mul3A_32] : memref<10000x128xf32, #tpu.memory_space<hbm>> -> memref<100x64xf32, #tpu.memory_space<hbm>>
    tpu.enqueue_dma source(%dma_start3A_52 : memref<100x64xf32, #tpu.memory_space<hbm>>) target(%dma_start3A_51 : memref<100x64xf32, #tpu.memory_space<vmem>>) target_semaphore(%dma_start3A_44 : memref<!tpu.dma_semaphore, #tpu.memory_space<semaphore_mem>>)
    %dma_wait3A = arith.constant 0 : i32
    %dma_wait3A_53 = arith.constant 0 : i32
    %dma_wait3A_54 = arith.constant 0 : i32
    %dma_wait3A_55 = arith.constant 0 : i32
    %dma_wait3A_56 = tpu.memref_slice %arg9[%dma_wait3A, %dma_wait3A_54, %dma_wait3A_55] : memref<8x100x80xf32, #tpu.memory_space<vmem>> -> memref<1x100x80xf32, #tpu.memory_space<vmem>>
    %dma_wait3A_57 = tpu.memref_squeeze %dma_wait3A_56 : memref<1x100x80xf32, #tpu.memory_space<vmem>> -> memref<100x80xf32, #tpu.memory_space<vmem>>
    %dma_wait3A_58 = arith.constant 0 : i32
    %dma_wait3A_59 = arith.constant 0 : i32
    %dma_wait3A_60 = tpu.memref_slice %dma_wait3A_57[%dma_wait3A_58, %dma_wait3A_59] : memref<100x80xf32, #tpu.memory_space<vmem>> -> memref<100x64xf32, #tpu.memory_space<vmem>>
    %dma_wait3A_61 = arith.constant 0 : i32
    %dma_wait3A_62 = arith.constant 0 : i32
    %dma_wait3A_63 = tpu.memref_slice %arg2[%dma_wait3A_61, %dma_wait3A_62] : memref<10000x128xf32, #tpu.memory_space<hbm>> -> memref<100x64xf32, #tpu.memory_space<hbm>>
    %dma_wait3A_64 = tpu.memref_slice %arg12[%dma_wait3A_53] : memref<8x!tpu.dma_semaphore, #tpu.memory_space<semaphore_mem>> -> memref<1x!tpu.dma_semaphore, #tpu.memory_space<semaphore_mem>>
    %dma_wait3A_65 = tpu.memref_squeeze %dma_wait3A_64 : memref<1x!tpu.dma_semaphore, #tpu.memory_space<semaphore_mem>> -> memref<!tpu.dma_semaphore, #tpu.memory_space<semaphore_mem>>
    %dma_wait3A_66 = arith.constant 0 : i32
    %dma_wait3A_67 = arith.constant 0 : i32
    %dma_wait3A_68 = tpu.memref_slice %arg9[%dma_wait3A, %dma_wait3A_66, %dma_wait3A_67] : memref<8x100x80xf32, #tpu.memory_space<vmem>> -> memref<1x100x80xf32, #tpu.memory_space<vmem>>
    %dma_wait3A_69 = tpu.memref_squeeze %dma_wait3A_68 : memref<1x100x80xf32, #tpu.memory_space<vmem>> -> memref<100x80xf32, #tpu.memory_space<vmem>>
    %dma_wait3A_70 = arith.constant 0 : i32
    %dma_wait3A_71 = arith.constant 0 : i32
    %dma_wait3A_72 = tpu.memref_slice %dma_wait3A_69[%dma_wait3A_70, %dma_wait3A_71] : memref<100x80xf32, #tpu.memory_space<vmem>> -> memref<100x64xf32, #tpu.memory_space<vmem>>
    %dma_wait3A_73 = arith.constant 0 : i32
    %dma_wait3A_74 = arith.constant 0 : i32
    %dma_wait3A_75 = tpu.memref_slice %arg2[%dma_wait3A_73, %dma_wait3A_74] : memref<10000x128xf32, #tpu.memory_space<hbm>> -> memref<100x64xf32, #tpu.memory_space<hbm>>
    tpu.wait_dma2 semaphore(%dma_wait3A_65 : memref<!tpu.dma_semaphore, #tpu.memory_space<semaphore_mem>>) src(%dma_wait3A_75 : memref<100x64xf32, #tpu.memory_space<hbm>>) dst(%dma_wait3A_72 : memref<100x64xf32, #tpu.memory_space<vmem>>)
    %mul3A_76 = arith.constant 10000 : i32
    %mul3A_77 = arith.muli %arg0, %mul3A_76 : i32
    %add3A_78 = arith.addi %mul3A_77, %mul3A_0 : i32
    %add3A_79 = arith.constant 0 : i32
    %add3A_80 = arith.addi %add3A_78, %add3A_79 : i32
    %dma_start3A_81 = arith.constant 0 : i32
    %dma_start3A_82 = arith.constant 0 : i32
    %dma_start3A_83 = arith.constant 0 : i32
    %dma_start3A_84 = arith.constant 0 : i32
    %dma_start3A_85 = tpu.memref_slice %arg9[%dma_start3A_81, %dma_start3A_83, %dma_start3A_84] : memref<8x100x80xf32, #tpu.memory_space<vmem>> -> memref<1x100x80xf32, #tpu.memory_space<vmem>>
    %dma_start3A_86 = tpu.memref_squeeze %dma_start3A_85 : memref<1x100x80xf32, #tpu.memory_space<vmem>> -> memref<100x80xf32, #tpu.memory_space<vmem>>
    %dma_start3A_87 = arith.constant 0 : i32
    %dma_start3A_88 = arith.constant 0 : i32
    %dma_start3A_89 = tpu.memref_slice %dma_start3A_86[%dma_start3A_87, %dma_start3A_88] : memref<100x80xf32, #tpu.memory_space<vmem>> -> memref<100x80xf32, #tpu.memory_space<vmem>>
    %dma_start3A_90 = arith.constant 0 : i32
    %dma_start3A_91 = tpu.memref_slice %arg6[%add3A_80, %dma_start3A_90] : memref<20000x80xf32, #tpu.memory_space<hbm>> -> memref<100x80xf32, #tpu.memory_space<hbm>>
    %dma_start3A_92 = tpu.memref_slice %arg13[%dma_start3A_82] : memref<8x!tpu.dma_semaphore, #tpu.memory_space<semaphore_mem>> -> memref<1x!tpu.dma_semaphore, #tpu.memory_space<semaphore_mem>>
    %dma_start3A_93 = tpu.memref_squeeze %dma_start3A_92 : memref<1x!tpu.dma_semaphore, #tpu.memory_space<semaphore_mem>> -> memref<!tpu.dma_semaphore, #tpu.memory_space<semaphore_mem>>
    %dma_start3A_94 = arith.constant 0 : i32
    %dma_start3A_95 = tpu.memref_slice %arg6[%add3A_80, %dma_start3A_94] : memref<20000x80xf32, #tpu.memory_space<hbm>> -> memref<100x80xf32, #tpu.memory_space<hbm>>
    %dma_start3A_96 = arith.constant 0 : i32
    %dma_start3A_97 = arith.constant 0 : i32
    %dma_start3A_98 = tpu.memref_slice %arg9[%dma_start3A_81, %dma_start3A_96, %dma_start3A_97] : memref<8x100x80xf32, #tpu.memory_space<vmem>> -> memref<1x100x80xf32, #tpu.memory_space<vmem>>
    %dma_start3A_99 = tpu.memref_squeeze %dma_start3A_98 : memref<1x100x80xf32, #tpu.memory_space<vmem>> -> memref<100x80xf32, #tpu.memory_space<vmem>>
    %dma_start3A_100 = arith.constant 0 : i32
    %dma_start3A_101 = arith.constant 0 : i32
    %dma_start3A_102 = tpu.memref_slice %dma_start3A_99[%dma_start3A_100, %dma_start3A_101] : memref<100x80xf32, #tpu.memory_space<vmem>> -> memref<100x80xf32, #tpu.memory_space<vmem>>
    tpu.enqueue_dma source(%dma_start3A_102 : memref<100x80xf32, #tpu.memory_space<vmem>>) target(%dma_start3A_95 : memref<100x80xf32, #tpu.memory_space<hbm>>) target_semaphore(%dma_start3A_93 : memref<!tpu.dma_semaphore, #tpu.memory_space<semaphore_mem>>)
    %dma_wait3A_103 = arith.constant 0 : i32
    %dma_wait3A_104 = arith.constant 0 : i32
    %dma_wait3A_105 = arith.constant 0 : i32
    %dma_wait3A_106 = arith.constant 0 : i32
    %dma_wait3A_107 = tpu.memref_slice %arg9[%dma_wait3A_103, %dma_wait3A_105, %dma_wait3A_106] : memref<8x100x80xf32, #tpu.memory_space<vmem>> -> memref<1x100x80xf32, #tpu.memory_space<vmem>>
    %dma_wait3A_108 = tpu.memref_squeeze %dma_wait3A_107 : memref<1x100x80xf32, #tpu.memory_space<vmem>> -> memref<100x80xf32, #tpu.memory_space<vmem>>
    %dma_wait3A_109 = arith.constant 0 : i32
    %dma_wait3A_110 = arith.constant 0 : i32
    %dma_wait3A_111 = tpu.memref_slice %dma_wait3A_108[%dma_wait3A_109, %dma_wait3A_110] : memref<100x80xf32, #tpu.memory_space<vmem>> -> memref<100x80xf32, #tpu.memory_space<vmem>>
    %dma_wait3A_112 = arith.constant 0 : i32
    %dma_wait3A_113 = arith.constant 0 : i32
    %dma_wait3A_114 = tpu.memref_slice %arg6[%dma_wait3A_112, %dma_wait3A_113] : memref<20000x80xf32, #tpu.memory_space<hbm>> -> memref<100x80xf32, #tpu.memory_space<hbm>>
    %dma_wait3A_115 = tpu.memref_slice %arg13[%dma_wait3A_104] : memref<8x!tpu.dma_semaphore, #tpu.memory_space<semaphore_mem>> -> memref<1x!tpu.dma_semaphore, #tpu.memory_space<semaphore_mem>>
    %dma_wait3A_116 = tpu.memref_squeeze %dma_wait3A_115 : memref<1x!tpu.dma_semaphore, #tpu.memory_space<semaphore_mem>> -> memref<!tpu.dma_semaphore, #tpu.memory_space<semaphore_mem>>
    %dma_wait3A_117 = arith.constant 0 : i32
    %dma_wait3A_118 = arith.constant 0 : i32
    %dma_wait3A_119 = tpu.memref_slice %arg6[%dma_wait3A_117, %dma_wait3A_118] : memref<20000x80xf32, #tpu.memory_space<hbm>> -> memref<100x80xf32, #tpu.memory_space<hbm>>
    %dma_wait3A_120 = arith.constant 0 : i32
    %dma_wait3A_121 = arith.constant 0 : i32
    %dma_wait3A_122 = tpu.memref_slice %arg9[%dma_wait3A_103, %dma_wait3A_120, %dma_wait3A_121] : memref<8x100x80xf32, #tpu.memory_space<vmem>> -> memref<1x100x80xf32, #tpu.memory_space<vmem>>
    %dma_wait3A_123 = tpu.memref_squeeze %dma_wait3A_122 : memref<1x100x80xf32, #tpu.memory_space<vmem>> -> memref<100x80xf32, #tpu.memory_space<vmem>>
    %dma_wait3A_124 = arith.constant 0 : i32
    %dma_wait3A_125 = arith.constant 0 : i32
    %dma_wait3A_126 = tpu.memref_slice %dma_wait3A_123[%dma_wait3A_124, %dma_wait3A_125] : memref<100x80xf32, #tpu.memory_space<vmem>> -> memref<100x80xf32, #tpu.memory_space<vmem>>
    tpu.wait_dma2 semaphore(%dma_wait3A_116 : memref<!tpu.dma_semaphore, #tpu.memory_space<semaphore_mem>>) src(%dma_wait3A_126 : memref<100x80xf32, #tpu.memory_space<vmem>>) dst(%dma_wait3A_119 : memref<100x80xf32, #tpu.memory_space<hbm>>)
    %add3A_127 = arith.constant 200 : i32
    %add3A_128 = arith.addi %mul3A_0, %add3A_127 : i32
    %mul3A_129 = arith.constant 64 : i32
    %mul3A_130 = arith.muli %arg0, %mul3A_129 : i32
    %dma_start3A_131 = arith.constant 0 : i32
    %dma_start3A_132 = arith.constant 0 : i32
    %dma_start3A_133 = arith.constant 0 : i32
    %dma_start3A_134 = arith.constant 0 : i32
    %dma_start3A_135 = tpu.memref_slice %arg9[%dma_start3A_131, %dma_start3A_133, %dma_start3A_134] : memref<8x100x80xf32, #tpu.memory_space<vmem>> -> memref<1x100x80xf32, #tpu.memory_space<vmem>>
    %dma_start3A_136 = tpu.memref_squeeze %dma_start3A_135 : memref<1x100x80xf32, #tpu.memory_space<vmem>> -> memref<100x80xf32, #tpu.memory_space<vmem>>
    %dma_start3A_137 = arith.constant 0 : i32
    %dma_start3A_138 = arith.constant 0 : i32
    %dma_start3A_139 = tpu.memref_slice %dma_start3A_136[%dma_start3A_137, %dma_start3A_138] : memref<100x80xf32, #tpu.memory_space<vmem>> -> memref<100x64xf32, #tpu.memory_space<vmem>>
    %dma_start3A_140 = tpu.memref_slice %arg2[%add3A_128, %mul3A_130] : memref<10000x128xf32, #tpu.memory_space<hbm>> -> memref<100x64xf32, #tpu.memory_space<hbm>>
    %dma_start3A_141 = tpu.memref_slice %arg12[%dma_start3A_132] : memref<8x!tpu.dma_semaphore, #tpu.memory_space<semaphore_mem>> -> memref<1x!tpu.dma_semaphore, #tpu.memory_space<semaphore_mem>>
    %dma_start3A_142 = tpu.memref_squeeze %dma_start3A_141 : memref<1x!tpu.dma_semaphore, #tpu.memory_space<semaphore_mem>> -> memref<!tpu.dma_semaphore, #tpu.memory_space<semaphore_mem>>
    %dma_start3A_143 = arith.constant 0 : i32
    %dma_start3A_144 = arith.constant 0 : i32
    %dma_start3A_145 = tpu.memref_slice %arg9[%dma_start3A_131, %dma_start3A_143, %dma_start3A_144] : memref<8x100x80xf32, #tpu.memory_space<vmem>> -> memref<1x100x80xf32, #tpu.memory_space<vmem>>
    %dma_start3A_146 = tpu.memref_squeeze %dma_start3A_145 : memref<1x100x80xf32, #tpu.memory_space<vmem>> -> memref<100x80xf32, #tpu.memory_space<vmem>>
    %dma_start3A_147 = arith.constant 0 : i32
    %dma_start3A_148 = arith.constant 0 : i32
    %dma_start3A_149 = tpu.memref_slice %dma_start3A_146[%dma_start3A_147, %dma_start3A_148] : memref<100x80xf32, #tpu.memory_space<vmem>> -> memref<100x64xf32, #tpu.memory_space<vmem>>
    %dma_start3A_150 = tpu.memref_slice %arg2[%add3A_128, %mul3A_130] : memref<10000x128xf32, #tpu.memory_space<hbm>> -> memref<100x64xf32, #tpu.memory_space<hbm>>
    tpu.enqueue_dma source(%dma_start3A_150 : memref<100x64xf32, #tpu.memory_space<hbm>>) target(%dma_start3A_149 : memref<100x64xf32, #tpu.memory_space<vmem>>) target_semaphore(%dma_start3A_142 : memref<!tpu.dma_semaphore, #tpu.memory_space<semaphore_mem>>)
    %dma_wait3A_151 = arith.constant 1 : i32
    %dma_wait3A_152 = arith.constant 1 : i32
    %dma_wait3A_153 = arith.constant 0 : i32
    %dma_wait3A_154 = arith.constant 0 : i32
    %dma_wait3A_155 = tpu.memref_slice %arg9[%dma_wait3A_151, %dma_wait3A_153, %dma_wait3A_154] : memref<8x100x80xf32, #tpu.memory_space<vmem>> -> memref<1x100x80xf32, #tpu.memory_space<vmem>>
    %dma_wait3A_156 = tpu.memref_squeeze %dma_wait3A_155 : memref<1x100x80xf32, #tpu.memory_space<vmem>> -> memref<100x80xf32, #tpu.memory_space<vmem>>
    %dma_wait3A_157 = arith.constant 0 : i32
    %dma_wait3A_158 = arith.constant 0 : i32
    %dma_wait3A_159 = tpu.memref_slice %dma_wait3A_156[%dma_wait3A_157, %dma_wait3A_158] : memref<100x80xf32, #tpu.memory_space<vmem>> -> memref<100x64xf32, #tpu.memory_space<vmem>>
    %dma_wait3A_160 = arith.constant 0 : i32
    %dma_wait3A_161 = arith.constant 0 : i32
    %dma_wait3A_162 = tpu.memref_slice %arg2[%dma_wait3A_160, %dma_wait3A_161] : memref<10000x128xf32, #tpu.memory_space<hbm>> -> memref<100x64xf32, #tpu.memory_space<hbm>>
    %dma_wait3A_163 = tpu.memref_slice %arg12[%dma_wait3A_152] : memref<8x!tpu.dma_semaphore, #tpu.memory_space<semaphore_mem>> -> memref<1x!tpu.dma_semaphore, #tpu.memory_space<semaphore_mem>>
    %dma_wait3A_164 = tpu.memref_squeeze %dma_wait3A_163 : memref<1x!tpu.dma_semaphore, #tpu.memory_space<semaphore_mem>> -> memref<!tpu.dma_semaphore, #tpu.memory_space<semaphore_mem>>
    %dma_wait3A_165 = arith.constant 0 : i32
    %dma_wait3A_166 = arith.constant 0 : i32
    %dma_wait3A_167 = tpu.memref_slice %arg9[%dma_wait3A_151, %dma_wait3A_165, %dma_wait3A_166] : memref<8x100x80xf32, #tpu.memory_space<vmem>> -> memref<1x100x80xf32, #tpu.memory_space<vmem>>
    %dma_wait3A_168 = tpu.memref_squeeze %dma_wait3A_167 : memref<1x100x80xf32, #tpu.memory_space<vmem>> -> memref<100x80xf32, #tpu.memory_space<vmem>>
    %dma_wait3A_169 = arith.constant 0 : i32
    %dma_wait3A_170 = arith.constant 0 : i32
    %dma_wait3A_171 = tpu.memref_slice %dma_wait3A_168[%dma_wait3A_169, %dma_wait3A_170] : memref<100x80xf32, #tpu.memory_space<vmem>> -> memref<100x64xf32, #tpu.memory_space<vmem>>
    %dma_wait3A_172 = arith.constant 0 : i32
    %dma_wait3A_173 = arith.constant 0 : i32
    %dma_wait3A_174 = tpu.memref_slice %arg2[%dma_wait3A_172, %dma_wait3A_173] : memref<10000x128xf32, #tpu.memory_space<hbm>> -> memref<100x64xf32, #tpu.memory_space<hbm>>
    tpu.wait_dma2 semaphore(%dma_wait3A_164 : memref<!tpu.dma_semaphore, #tpu.memory_space<semaphore_mem>>) src(%dma_wait3A_174 : memref<100x64xf32, #tpu.memory_space<hbm>>) dst(%dma_wait3A_171 : memref<100x64xf32, #tpu.memory_space<vmem>>)
    %mul3A_175 = arith.constant 10000 : i32
    %mul3A_176 = arith.muli %arg0, %mul3A_175 : i32
    %add3A_177 = arith.addi %mul3A_176, %mul3A_0 : i32
    %add3A_178 = arith.constant 100 : i32
    %add3A_179 = arith.addi %add3A_177, %add3A_178 : i32
    %dma_start3A_180 = arith.constant 1 : i32
    %dma_start3A_181 = arith.constant 1 : i32
    %dma_start3A_182 = arith.constant 0 : i32
    %dma_start3A_183 = arith.constant 0 : i32
    %dma_start3A_184 = tpu.memref_slice %arg9[%dma_start3A_180, %dma_start3A_182, %dma_start3A_183] : memref<8x100x80xf32, #tpu.memory_space<vmem>> -> memref<1x100x80xf32, #tpu.memory_space<vmem>>
    %dma_start3A_185 = tpu.memref_squeeze %dma_start3A_184 : memref<1x100x80xf32, #tpu.memory_space<vmem>> -> memref<100x80xf32, #tpu.memory_space<vmem>>
    %dma_start3A_186 = arith.constant 0 : i32
    %dma_start3A_187 = arith.constant 0 : i32
    %dma_start3A_188 = tpu.memref_slice %dma_start3A_185[%dma_start3A_186, %dma_start3A_187] : memref<100x80xf32, #tpu.memory_space<vmem>> -> memref<100x80xf32, #tpu.memory_space<vmem>>
    %dma_start3A_189 = arith.constant 0 : i32
    %dma_start3A_190 = tpu.memref_slice %arg6[%add3A_179, %dma_start3A_189] : memref<20000x80xf32, #tpu.memory_space<hbm>> -> memref<100x80xf32, #tpu.memory_space<hbm>>
    %dma_start3A_191 = tpu.memref_slice %arg13[%dma_start3A_181] : memref<8x!tpu.dma_semaphore, #tpu.memory_space<semaphore_mem>> -> memref<1x!tpu.dma_semaphore, #tpu.memory_space<semaphore_mem>>
    %dma_start3A_192 = tpu.memref_squeeze %dma_start3A_191 : memref<1x!tpu.dma_semaphore, #tpu.memory_space<semaphore_mem>> -> memref<!tpu.dma_semaphore, #tpu.memory_space<semaphore_mem>>
    %dma_start3A_193 = arith.constant 0 : i32
    %dma_start3A_194 = tpu.memref_slice %arg6[%add3A_179, %dma_start3A_193] : memref<20000x80xf32, #tpu.memory_space<hbm>> -> memref<100x80xf32, #tpu.memory_space<hbm>>
    %dma_start3A_195 = arith.constant 0 : i32
    %dma_start3A_196 = arith.constant 0 : i32
    %dma_start3A_197 = tpu.memref_slice %arg9[%dma_start3A_180, %dma_start3A_195, %dma_start3A_196] : memref<8x100x80xf32, #tpu.memory_space<vmem>> -> memref<1x100x80xf32, #tpu.memory_space<vmem>>
    %dma_start3A_198 = tpu.memref_squeeze %dma_start3A_197 : memref<1x100x80xf32, #tpu.memory_space<vmem>> -> memref<100x80xf32, #tpu.memory_space<vmem>>
    %dma_start3A_199 = arith.constant 0 : i32
    %dma_start3A_200 = arith.constant 0 : i32
    %dma_start3A_201 = tpu.memref_slice %dma_start3A_198[%dma_start3A_199, %dma_start3A_200] : memref<100x80xf32, #tpu.memory_space<vmem>> -> memref<100x80xf32, #tpu.memory_space<vmem>>
    tpu.enqueue_dma source(%dma_start3A_201 : memref<100x80xf32, #tpu.memory_space<vmem>>) target(%dma_start3A_194 : memref<100x80xf32, #tpu.memory_space<hbm>>) target_semaphore(%dma_start3A_192 : memref<!tpu.dma_semaphore, #tpu.memory_space<semaphore_mem>>)
    %dma_wait3A_202 = arith.constant 1 : i32
    %dma_wait3A_203 = arith.constant 1 : i32
    %dma_wait3A_204 = arith.constant 0 : i32
    %dma_wait3A_205 = arith.constant 0 : i32
    %dma_wait3A_206 = tpu.memref_slice %arg9[%dma_wait3A_202, %dma_wait3A_204, %dma_wait3A_205] : memref<8x100x80xf32, #tpu.memory_space<vmem>> -> memref<1x100x80xf32, #tpu.memory_space<vmem>>
    %dma_wait3A_207 = tpu.memref_squeeze %dma_wait3A_206 : memref<1x100x80xf32, #tpu.memory_space<vmem>> -> memref<100x80xf32, #tpu.memory_space<vmem>>
    %dma_wait3A_208 = arith.constant 0 : i32
    %dma_wait3A_209 = arith.constant 0 : i32
    %dma_wait3A_210 = tpu.memref_slice %dma_wait3A_207[%dma_wait3A_208, %dma_wait3A_209] : memref<100x80xf32, #tpu.memory_space<vmem>> -> memref<100x80xf32, #tpu.memory_space<vmem>>
    %dma_wait3A_211 = arith.constant 0 : i32
    %dma_wait3A_212 = arith.constant 0 : i32
    %dma_wait3A_213 = tpu.memref_slice %arg6[%dma_wait3A_211, %dma_wait3A_212] : memref<20000x80xf32, #tpu.memory_space<hbm>> -> memref<100x80xf32, #tpu.memory_space<hbm>>
    %dma_wait3A_214 = tpu.memref_slice %arg13[%dma_wait3A_203] : memref<8x!tpu.dma_semaphore, #tpu.memory_space<semaphore_mem>> -> memref<1x!tpu.dma_semaphore, #tpu.memory_space<semaphore_mem>>
    %dma_wait3A_215 = tpu.memref_squeeze %dma_wait3A_214 : memref<1x!tpu.dma_semaphore, #tpu.memory_space<semaphore_mem>> -> memref<!tpu.dma_semaphore, #tpu.memory_space<semaphore_mem>>
    %dma_wait3A_216 = arith.constant 0 : i32
    %dma_wait3A_217 = arith.constant 0 : i32
    %dma_wait3A_218 = tpu.memref_slice %arg6[%dma_wait3A_216, %dma_wait3A_217] : memref<20000x80xf32, #tpu.memory_space<hbm>> -> memref<100x80xf32, #tpu.memory_space<hbm>>
    %dma_wait3A_219 = arith.constant 0 : i32
    %dma_wait3A_220 = arith.constant 0 : i32
    %dma_wait3A_221 = tpu.memref_slice %arg9[%dma_wait3A_202, %dma_wait3A_219, %dma_wait3A_220] : memref<8x100x80xf32, #tpu.memory_space<vmem>> -> memref<1x100x80xf32, #tpu.memory_space<vmem>>
    %dma_wait3A_222 = tpu.memref_squeeze %dma_wait3A_221 : memref<1x100x80xf32, #tpu.memory_space<vmem>> -> memref<100x80xf32, #tpu.memory_space<vmem>>
    %dma_wait3A_223 = arith.constant 0 : i32
    %dma_wait3A_224 = arith.constant 0 : i32
    %dma_wait3A_225 = tpu.memref_slice %dma_wait3A_222[%dma_wait3A_223, %dma_wait3A_224] : memref<100x80xf32, #tpu.memory_space<vmem>> -> memref<100x80xf32, #tpu.memory_space<vmem>>
    tpu.wait_dma2 semaphore(%dma_wait3A_215 : memref<!tpu.dma_semaphore, #tpu.memory_space<semaphore_mem>>) src(%dma_wait3A_225 : memref<100x80xf32, #tpu.memory_space<vmem>>) dst(%dma_wait3A_218 : memref<100x80xf32, #tpu.memory_space<hbm>>)
    %add3A_226 = arith.constant 300 : i32
    %add3A_227 = arith.addi %mul3A_0, %add3A_226 : i32
    %mul3A_228 = arith.constant 64 : i32
    %mul3A_229 = arith.muli %arg0, %mul3A_228 : i32
    %dma_start3A_230 = arith.constant 1 : i32
    %dma_start3A_231 = arith.constant 1 : i32
    %dma_start3A_232 = arith.constant 0 : i32
    %dma_start3A_233 = arith.constant 0 : i32
    %dma_start3A_234 = tpu.memref_slice %arg9[%dma_start3A_230, %dma_start3A_232, %dma_start3A_233] : memref<8x100x80xf32, #tpu.memory_space<vmem>> -> memref<1x100x80xf32, #tpu.memory_space<vmem>>
    %dma_start3A_235 = tpu.memref_squeeze %dma_start3A_234 : memref<1x100x80xf32, #tpu.memory_space<vmem>> -> memref<100x80xf32, #tpu.memory_space<vmem>>
    %dma_start3A_236 = arith.constant 0 : i32
    %dma_start3A_237 = arith.constant 0 : i32
    %dma_start3A_238 = tpu.memref_slice %dma_start3A_235[%dma_start3A_236, %dma_start3A_237] : memref<100x80xf32, #tpu.memory_space<vmem>> -> memref<100x64xf32, #tpu.memory_space<vmem>>
    %dma_start3A_239 = tpu.memref_slice %arg2[%add3A_227, %mul3A_229] : memref<10000x128xf32, #tpu.memory_space<hbm>> -> memref<100x64xf32, #tpu.memory_space<hbm>>
    %dma_start3A_240 = tpu.memref_slice %arg12[%dma_start3A_231] : memref<8x!tpu.dma_semaphore, #tpu.memory_space<semaphore_mem>> -> memref<1x!tpu.dma_semaphore, #tpu.memory_space<semaphore_mem>>
    %dma_start3A_241 = tpu.memref_squeeze %dma_start3A_240 : memref<1x!tpu.dma_semaphore, #tpu.memory_space<semaphore_mem>> -> memref<!tpu.dma_semaphore, #tpu.memory_space<semaphore_mem>>
    %dma_start3A_242 = arith.constant 0 : i32
    %dma_start3A_243 = arith.constant 0 : i32
    %dma_start3A_244 = tpu.memref_slice %arg9[%dma_start3A_230, %dma_start3A_242, %dma_start3A_243] : memref<8x100x80xf32, #tpu.memory_space<vmem>> -> memref<1x100x80xf32, #tpu.memory_space<vmem>>
    %dma_start3A_245 = tpu.memref_squeeze %dma_start3A_244 : memref<1x100x80xf32, #tpu.memory_space<vmem>> -> memref<100x80xf32, #tpu.memory_space<vmem>>
    %dma_start3A_246 = arith.constant 0 : i32
    %dma_start3A_247 = arith.constant 0 : i32
    %dma_start3A_248 = tpu.memref_slice %dma_start3A_245[%dma_start3A_246, %dma_start3A_247] : memref<100x80xf32, #tpu.memory_space<vmem>> -> memref<100x64xf32, #tpu.memory_space<vmem>>
    %dma_start3A_249 = tpu.memref_slice %arg2[%add3A_227, %mul3A_229] : memref<10000x128xf32, #tpu.memory_space<hbm>> -> memref<100x64xf32, #tpu.memory_space<hbm>>
    tpu.enqueue_dma source(%dma_start3A_249 : memref<100x64xf32, #tpu.memory_space<hbm>>) target(%dma_start3A_248 : memref<100x64xf32, #tpu.memory_space<vmem>>) target_semaphore(%dma_start3A_241 : memref<!tpu.dma_semaphore, #tpu.memory_space<semaphore_mem>>)
    %dma_wait3A_250 = arith.constant 0 : i32
    %dma_wait3A_251 = arith.constant 0 : i32
    %dma_wait3A_252 = arith.constant 0 : i32
    %dma_wait3A_253 = arith.constant 0 : i32
    %dma_wait3A_254 = tpu.memref_slice %arg9[%dma_wait3A_250, %dma_wait3A_252, %dma_wait3A_253] : memref<8x100x80xf32, #tpu.memory_space<vmem>> -> memref<1x100x80xf32, #tpu.memory_space<vmem>>
    %dma_wait3A_255 = tpu.memref_squeeze %dma_wait3A_254 : memref<1x100x80xf32, #tpu.memory_space<vmem>> -> memref<100x80xf32, #tpu.memory_space<vmem>>
    %dma_wait3A_256 = arith.constant 0 : i32
    %dma_wait3A_257 = arith.constant 0 : i32
    %dma_wait3A_258 = tpu.memref_slice %dma_wait3A_255[%dma_wait3A_256, %dma_wait3A_257] : memref<100x80xf32, #tpu.memory_space<vmem>> -> memref<100x64xf32, #tpu.memory_space<vmem>>
    %dma_wait3A_259 = arith.constant 0 : i32
    %dma_wait3A_260 = arith.constant 0 : i32
    %dma_wait3A_261 = tpu.memref_slice %arg2[%dma_wait3A_259, %dma_wait3A_260] : memref<10000x128xf32, #tpu.memory_space<hbm>> -> memref<100x64xf32, #tpu.memory_space<hbm>>
    %dma_wait3A_262 = tpu.memref_slice %arg12[%dma_wait3A_251] : memref<8x!tpu.dma_semaphore, #tpu.memory_space<semaphore_mem>> -> memref<1x!tpu.dma_semaphore, #tpu.memory_space<semaphore_mem>>
    %dma_wait3A_263 = tpu.memref_squeeze %dma_wait3A_262 : memref<1x!tpu.dma_semaphore, #tpu.memory_space<semaphore_mem>> -> memref<!tpu.dma_semaphore, #tpu.memory_space<semaphore_mem>>
    %dma_wait3A_264 = arith.constant 0 : i32
    %dma_wait3A_265 = arith.constant 0 : i32
    %dma_wait3A_266 = tpu.memref_slice %arg9[%dma_wait3A_250, %dma_wait3A_264, %dma_wait3A_265] : memref<8x100x80xf32, #tpu.memory_space<vmem>> -> memref<1x100x80xf32, #tpu.memory_space<vmem>>
    %dma_wait3A_267 = tpu.memref_squeeze %dma_wait3A_266 : memref<1x100x80xf32, #tpu.memory_space<vmem>> -> memref<100x80xf32, #tpu.memory_space<vmem>>
    %dma_wait3A_268 = arith.constant 0 : i32
    %dma_wait3A_269 = arith.constant 0 : i32
    %dma_wait3A_270 = tpu.memref_slice %dma_wait3A_267[%dma_wait3A_268, %dma_wait3A_269] : memref<100x80xf32, #tpu.memory_space<vmem>> -> memref<100x64xf32, #tpu.memory_space<vmem>>
    %dma_wait3A_271 = arith.constant 0 : i32
    %dma_wait3A_272 = arith.constant 0 : i32
    %dma_wait3A_273 = tpu.memref_slice %arg2[%dma_wait3A_271, %dma_wait3A_272] : memref<10000x128xf32, #tpu.memory_space<hbm>> -> memref<100x64xf32, #tpu.memory_space<hbm>>
    tpu.wait_dma2 semaphore(%dma_wait3A_263 : memref<!tpu.dma_semaphore, #tpu.memory_space<semaphore_mem>>) src(%dma_wait3A_273 : memref<100x64xf32, #tpu.memory_space<hbm>>) dst(%dma_wait3A_270 : memref<100x64xf32, #tpu.memory_space<vmem>>)
    %mul3A_274 = arith.constant 10000 : i32
    %mul3A_275 = arith.muli %arg0, %mul3A_274 : i32
    %add3A_276 = arith.addi %mul3A_275, %mul3A_0 : i32
    %add3A_277 = arith.constant 200 : i32
    %add3A_278 = arith.addi %add3A_276, %add3A_277 : i32
    %dma_start3A_279 = arith.constant 0 : i32
    %dma_start3A_280 = arith.constant 0 : i32
    %dma_start3A_281 = arith.constant 0 : i32
    %dma_start3A_282 = arith.constant 0 : i32
    %dma_start3A_283 = tpu.memref_slice %arg9[%dma_start3A_279, %dma_start3A_281, %dma_start3A_282] : memref<8x100x80xf32, #tpu.memory_space<vmem>> -> memref<1x100x80xf32, #tpu.memory_space<vmem>>
    %dma_start3A_284 = tpu.memref_squeeze %dma_start3A_283 : memref<1x100x80xf32, #tpu.memory_space<vmem>> -> memref<100x80xf32, #tpu.memory_space<vmem>>
    %dma_start3A_285 = arith.constant 0 : i32
    %dma_start3A_286 = arith.constant 0 : i32
    %dma_start3A_287 = tpu.memref_slice %dma_start3A_284[%dma_start3A_285, %dma_start3A_286] : memref<100x80xf32, #tpu.memory_space<vmem>> -> memref<100x80xf32, #tpu.memory_space<vmem>>
    %dma_start3A_288 = arith.constant 0 : i32
    %dma_start3A_289 = tpu.memref_slice %arg6[%add3A_278, %dma_start3A_288] : memref<20000x80xf32, #tpu.memory_space<hbm>> -> memref<100x80xf32, #tpu.memory_space<hbm>>
    %dma_start3A_290 = tpu.memref_slice %arg13[%dma_start3A_280] : memref<8x!tpu.dma_semaphore, #tpu.memory_space<semaphore_mem>> -> memref<1x!tpu.dma_semaphore, #tpu.memory_space<semaphore_mem>>
    %dma_start3A_291 = tpu.memref_squeeze %dma_start3A_290 : memref<1x!tpu.dma_semaphore, #tpu.memory_space<semaphore_mem>> -> memref<!tpu.dma_semaphore, #tpu.memory_space<semaphore_mem>>
    %dma_start3A_292 = arith.constant 0 : i32
    %dma_start3A_293 = tpu.memref_slice %arg6[%add3A_278, %dma_start3A_292] : memref<20000x80xf32, #tpu.memory_space<hbm>> -> memref<100x80xf32, #tpu.memory_space<hbm>>
    %dma_start3A_294 = arith.constant 0 : i32
    %dma_start3A_295 = arith.constant 0 : i32
    %dma_start3A_296 = tpu.memref_slice %arg9[%dma_start3A_279, %dma_start3A_294, %dma_start3A_295] : memref<8x100x80xf32, #tpu.memory_space<vmem>> -> memref<1x100x80xf32, #tpu.memory_space<vmem>>
    %dma_start3A_297 = tpu.memref_squeeze %dma_start3A_296 : memref<1x100x80xf32, #tpu.memory_space<vmem>> -> memref<100x80xf32, #tpu.memory_space<vmem>>
    %dma_start3A_298 = arith.constant 0 : i32
    %dma_start3A_299 = arith.constant 0 : i32
    %dma_start3A_300 = tpu.memref_slice %dma_start3A_297[%dma_start3A_298, %dma_start3A_299] : memref<100x80xf32, #tpu.memory_space<vmem>> -> memref<100x80xf32, #tpu.memory_space<vmem>>
    tpu.enqueue_dma source(%dma_start3A_300 : memref<100x80xf32, #tpu.memory_space<vmem>>) target(%dma_start3A_293 : memref<100x80xf32, #tpu.memory_space<hbm>>) target_semaphore(%dma_start3A_291 : memref<!tpu.dma_semaphore, #tpu.memory_space<semaphore_mem>>)
    %dma_wait3A_301 = arith.constant 0 : i32
    %dma_wait3A_302 = arith.constant 0 : i32
    %dma_wait3A_303 = arith.constant 0 : i32
    %dma_wait3A_304 = arith.constant 0 : i32
    %dma_wait3A_305 = tpu.memref_slice %arg9[%dma_wait3A_301, %dma_wait3A_303, %dma_wait3A_304] : memref<8x100x80xf32, #tpu.memory_space<vmem>> -> memref<1x100x80xf32, #tpu.memory_space<vmem>>
    %dma_wait3A_306 = tpu.memref_squeeze %dma_wait3A_305 : memref<1x100x80xf32, #tpu.memory_space<vmem>> -> memref<100x80xf32, #tpu.memory_space<vmem>>
    %dma_wait3A_307 = arith.constant 0 : i32
    %dma_wait3A_308 = arith.constant 0 : i32
    %dma_wait3A_309 = tpu.memref_slice %dma_wait3A_306[%dma_wait3A_307, %dma_wait3A_308] : memref<100x80xf32, #tpu.memory_space<vmem>> -> memref<100x80xf32, #tpu.memory_space<vmem>>
    %dma_wait3A_310 = arith.constant 0 : i32
    %dma_wait3A_311 = arith.constant 0 : i32
    %dma_wait3A_312 = tpu.memref_slice %arg6[%dma_wait3A_310, %dma_wait3A_311] : memref<20000x80xf32, #tpu.memory_space<hbm>> -> memref<100x80xf32, #tpu.memory_space<hbm>>
    %dma_wait3A_313 = tpu.memref_slice %arg13[%dma_wait3A_302] : memref<8x!tpu.dma_semaphore, #tpu.memory_space<semaphore_mem>> -> memref<1x!tpu.dma_semaphore, #tpu.memory_space<semaphore_mem>>
    %dma_wait3A_314 = tpu.memref_squeeze %dma_wait3A_313 : memref<1x!tpu.dma_semaphore, #tpu.memory_space<semaphore_mem>> -> memref<!tpu.dma_semaphore, #tpu.memory_space<semaphore_mem>>
    %dma_wait3A_315 = arith.constant 0 : i32
    %dma_wait3A_316 = arith.constant 0 : i32
    %dma_wait3A_317 = tpu.memref_slice %arg6[%dma_wait3A_315, %dma_wait3A_316] : memref<20000x80xf32, #tpu.memory_space<hbm>> -> memref<100x80xf32, #tpu.memory_space<hbm>>
    %dma_wait3A_318 = arith.constant 0 : i32
    %dma_wait3A_319 = arith.constant 0 : i32
    %dma_wait3A_320 = tpu.memref_slice %arg9[%dma_wait3A_301, %dma_wait3A_318, %dma_wait3A_319] : memref<8x100x80xf32, #tpu.memory_space<vmem>> -> memref<1x100x80xf32, #tpu.memory_space<vmem>>
    %dma_wait3A_321 = tpu.memref_squeeze %dma_wait3A_320 : memref<1x100x80xf32, #tpu.memory_space<vmem>> -> memref<100x80xf32, #tpu.memory_space<vmem>>
    %dma_wait3A_322 = arith.constant 0 : i32
    %dma_wait3A_323 = arith.constant 0 : i32
    %dma_wait3A_324 = tpu.memref_slice %dma_wait3A_321[%dma_wait3A_322, %dma_wait3A_323] : memref<100x80xf32, #tpu.memory_space<vmem>> -> memref<100x80xf32, #tpu.memory_space<vmem>>
    tpu.wait_dma2 semaphore(%dma_wait3A_314 : memref<!tpu.dma_semaphore, #tpu.memory_space<semaphore_mem>>) src(%dma_wait3A_324 : memref<100x80xf32, #tpu.memory_space<vmem>>) dst(%dma_wait3A_317 : memref<100x80xf32, #tpu.memory_space<hbm>>)
    %add3A_325 = arith.constant 400 : i32
    %add3A_326 = arith.addi %mul3A_0, %add3A_325 : i32
    %mul3A_327 = arith.constant 64 : i32
    %mul3A_328 = arith.muli %arg0, %mul3A_327 : i32
    %dma_start3A_329 = arith.constant 0 : i32
    %dma_start3A_330 = arith.constant 0 : i32
    %dma_start3A_331 = arith.constant 0 : i32
    %dma_start3A_332 = arith.constant 0 : i32
    %dma_start3A_333 = tpu.memref_slice %arg9[%dma_start3A_329, %dma_start3A_331, %dma_start3A_332] : memref<8x100x80xf32, #tpu.memory_space<vmem>> -> memref<1x100x80xf32, #tpu.memory_space<vmem>>
    %dma_start3A_334 = tpu.memref_squeeze %dma_start3A_333 : memref<1x100x80xf32, #tpu.memory_space<vmem>> -> memref<100x80xf32, #tpu.memory_space<vmem>>
    %dma_start3A_335 = arith.constant 0 : i32
    %dma_start3A_336 = arith.constant 0 : i32
    %dma_start3A_337 = tpu.memref_slice %dma_start3A_334[%dma_start3A_335, %dma_start3A_336] : memref<100x80xf32, #tpu.memory_space<vmem>> -> memref<100x64xf32, #tpu.memory_space<vmem>>
    %dma_start3A_338 = tpu.memref_slice %arg2[%add3A_326, %mul3A_328] : memref<10000x128xf32, #tpu.memory_space<hbm>> -> memref<100x64xf32, #tpu.memory_space<hbm>>
    %dma_start3A_339 = tpu.memref_slice %arg12[%dma_start3A_330] : memref<8x!tpu.dma_semaphore, #tpu.memory_space<semaphore_mem>> -> memref<1x!tpu.dma_semaphore, #tpu.memory_space<semaphore_mem>>
    %dma_start3A_340 = tpu.memref_squeeze %dma_start3A_339 : memref<1x!tpu.dma_semaphore, #tpu.memory_space<semaphore_mem>> -> memref<!tpu.dma_semaphore, #tpu.memory_space<semaphore_mem>>
    %dma_start3A_341 = arith.constant 0 : i32
    %dma_start3A_342 = arith.constant 0 : i32
    %dma_start3A_343 = tpu.memref_slice %arg9[%dma_start3A_329, %dma_start3A_341, %dma_start3A_342] : memref<8x100x80xf32, #tpu.memory_space<vmem>> -> memref<1x100x80xf32, #tpu.memory_space<vmem>>
    %dma_start3A_344 = tpu.memref_squeeze %dma_start3A_343 : memref<1x100x80xf32, #tpu.memory_space<vmem>> -> memref<100x80xf32, #tpu.memory_space<vmem>>
    %dma_start3A_345 = arith.constant 0 : i32
    %dma_start3A_346 = arith.constant 0 : i32
    %dma_start3A_347 = tpu.memref_slice %dma_start3A_344[%dma_start3A_345, %dma_start3A_346] : memref<100x80xf32, #tpu.memory_space<vmem>> -> memref<100x64xf32, #tpu.memory_space<vmem>>
    %dma_start3A_348 = tpu.memref_slice %arg2[%add3A_326, %mul3A_328] : memref<10000x128xf32, #tpu.memory_space<hbm>> -> memref<100x64xf32, #tpu.memory_space<hbm>>
    tpu.enqueue_dma source(%dma_start3A_348 : memref<100x64xf32, #tpu.memory_space<hbm>>) target(%dma_start3A_347 : memref<100x64xf32, #tpu.memory_space<vmem>>) target_semaphore(%dma_start3A_340 : memref<!tpu.dma_semaphore, #tpu.memory_space<semaphore_mem>>)
    %dma_wait3A_349 = arith.constant 1 : i32
    %dma_wait3A_350 = arith.constant 1 : i32
    %dma_wait3A_351 = arith.constant 0 : i32
    %dma_wait3A_352 = arith.constant 0 : i32
    %dma_wait3A_353 = tpu.memref_slice %arg9[%dma_wait3A_349, %dma_wait3A_351, %dma_wait3A_352] : memref<8x100x80xf32, #tpu.memory_space<vmem>> -> memref<1x100x80xf32, #tpu.memory_space<vmem>>
    %dma_wait3A_354 = tpu.memref_squeeze %dma_wait3A_353 : memref<1x100x80xf32, #tpu.memory_space<vmem>> -> memref<100x80xf32, #tpu.memory_space<vmem>>
    %dma_wait3A_355 = arith.constant 0 : i32
    %dma_wait3A_356 = arith.constant 0 : i32
    %dma_wait3A_357 = tpu.memref_slice %dma_wait3A_354[%dma_wait3A_355, %dma_wait3A_356] : memref<100x80xf32, #tpu.memory_space<vmem>> -> memref<100x64xf32, #tpu.memory_space<vmem>>
    %dma_wait3A_358 = arith.constant 0 : i32
    %dma_wait3A_359 = arith.constant 0 : i32
    %dma_wait3A_360 = tpu.memref_slice %arg2[%dma_wait3A_358, %dma_wait3A_359] : memref<10000x128xf32, #tpu.memory_space<hbm>> -> memref<100x64xf32, #tpu.memory_space<hbm>>
    %dma_wait3A_361 = tpu.memref_slice %arg12[%dma_wait3A_350] : memref<8x!tpu.dma_semaphore, #tpu.memory_space<semaphore_mem>> -> memref<1x!tpu.dma_semaphore, #tpu.memory_space<semaphore_mem>>
    %dma_wait3A_362 = tpu.memref_squeeze %dma_wait3A_361 : memref<1x!tpu.dma_semaphore, #tpu.memory_space<semaphore_mem>> -> memref<!tpu.dma_semaphore, #tpu.memory_space<semaphore_mem>>
    %dma_wait3A_363 = arith.constant 0 : i32
    %dma_wait3A_364 = arith.constant 0 : i32
    %dma_wait3A_365 = tpu.memref_slice %arg9[%dma_wait3A_349, %dma_wait3A_363, %dma_wait3A_364] : memref<8x100x80xf32, #tpu.memory_space<vmem>> -> memref<1x100x80xf32, #tpu.memory_space<vmem>>
    %dma_wait3A_366 = tpu.memref_squeeze %dma_wait3A_365 : memref<1x100x80xf32, #tpu.memory_space<vmem>> -> memref<100x80xf32, #tpu.memory_space<vmem>>
    %dma_wait3A_367 = arith.constant 0 : i32
    %dma_wait3A_368 = arith.constant 0 : i32
    %dma_wait3A_369 = tpu.memref_slice %dma_wait3A_366[%dma_wait3A_367, %dma_wait3A_368] : memref<100x80xf32, #tpu.memory_space<vmem>> -> memref<100x64xf32, #tpu.memory_space<vmem>>
    %dma_wait3A_370 = arith.constant 0 : i32
    %dma_wait3A_371 = arith.constant 0 : i32
    %dma_wait3A_372 = tpu.memref_slice %arg2[%dma_wait3A_370, %dma_wait3A_371] : memref<10000x128xf32, #tpu.memory_space<hbm>> -> memref<100x64xf32, #tpu.memory_space<hbm>>
    tpu.wait_dma2 semaphore(%dma_wait3A_362 : memref<!tpu.dma_semaphore, #tpu.memory_space<semaphore_mem>>) src(%dma_wait3A_372 : memref<100x64xf32, #tpu.memory_space<hbm>>) dst(%dma_wait3A_369 : memref<100x64xf32, #tpu.memory_space<vmem>>)
    %mul3A_373 = arith.constant 10000 : i32
    %mul3A_374 = arith.muli %arg0, %mul3A_373 : i32
    %add3A_375 = arith.addi %mul3A_374, %mul3A_0 : i32
    %add3A_376 = arith.constant 300 : i32
    %add3A_377 = arith.addi %add3A_375, %add3A_376 : i32
    %dma_start3A_378 = arith.constant 1 : i32
    %dma_start3A_379 = arith.constant 1 : i32
    %dma_start3A_380 = arith.constant 0 : i32
    %dma_start3A_381 = arith.constant 0 : i32
    %dma_start3A_382 = tpu.memref_slice %arg9[%dma_start3A_378, %dma_start3A_380, %dma_start3A_381] : memref<8x100x80xf32, #tpu.memory_space<vmem>> -> memref<1x100x80xf32, #tpu.memory_space<vmem>>
    %dma_start3A_383 = tpu.memref_squeeze %dma_start3A_382 : memref<1x100x80xf32, #tpu.memory_space<vmem>> -> memref<100x80xf32, #tpu.memory_space<vmem>>
    %dma_start3A_384 = arith.constant 0 : i32
    %dma_start3A_385 = arith.constant 0 : i32
    %dma_start3A_386 = tpu.memref_slice %dma_start3A_383[%dma_start3A_384, %dma_start3A_385] : memref<100x80xf32, #tpu.memory_space<vmem>> -> memref<100x80xf32, #tpu.memory_space<vmem>>
    %dma_start3A_387 = arith.constant 0 : i32
    %dma_start3A_388 = tpu.memref_slice %arg6[%add3A_377, %dma_start3A_387] : memref<20000x80xf32, #tpu.memory_space<hbm>> -> memref<100x80xf32, #tpu.memory_space<hbm>>
    %dma_start3A_389 = tpu.memref_slice %arg13[%dma_start3A_379] : memref<8x!tpu.dma_semaphore, #tpu.memory_space<semaphore_mem>> -> memref<1x!tpu.dma_semaphore, #tpu.memory_space<semaphore_mem>>
    %dma_start3A_390 = tpu.memref_squeeze %dma_start3A_389 : memref<1x!tpu.dma_semaphore, #tpu.memory_space<semaphore_mem>> -> memref<!tpu.dma_semaphore, #tpu.memory_space<semaphore_mem>>
    %dma_start3A_391 = arith.constant 0 : i32
    %dma_start3A_392 = tpu.memref_slice %arg6[%add3A_377, %dma_start3A_391] : memref<20000x80xf32, #tpu.memory_space<hbm>> -> memref<100x80xf32, #tpu.memory_space<hbm>>
    %dma_start3A_393 = arith.constant 0 : i32
    %dma_start3A_394 = arith.constant 0 : i32
    %dma_start3A_395 = tpu.memref_slice %arg9[%dma_start3A_378, %dma_start3A_393, %dma_start3A_394] : memref<8x100x80xf32, #tpu.memory_space<vmem>> -> memref<1x100x80xf32, #tpu.memory_space<vmem>>
    %dma_start3A_396 = tpu.memref_squeeze %dma_start3A_395 : memref<1x100x80xf32, #tpu.memory_space<vmem>> -> memref<100x80xf32, #tpu.memory_space<vmem>>
    %dma_start3A_397 = arith.constant 0 : i32
    %dma_start3A_398 = arith.constant 0 : i32
    %dma_start3A_399 = tpu.memref_slice %dma_start3A_396[%dma_start3A_397, %dma_start3A_398] : memref<100x80xf32, #tpu.memory_space<vmem>> -> memref<100x80xf32, #tpu.memory_space<vmem>>
    tpu.enqueue_dma source(%dma_start3A_399 : memref<100x80xf32, #tpu.memory_space<vmem>>) target(%dma_start3A_392 : memref<100x80xf32, #tpu.memory_space<hbm>>) target_semaphore(%dma_start3A_390 : memref<!tpu.dma_semaphore, #tpu.memory_space<semaphore_mem>>)
    %dma_wait3A_400 = arith.constant 1 : i32
    %dma_wait3A_401 = arith.constant 1 : i32
    %dma_wait3A_402 = arith.constant 0 : i32
    %dma_wait3A_403 = arith.constant 0 : i32
    %dma_wait3A_404 = tpu.memref_slice %arg9[%dma_wait3A_400, %dma_wait3A_402, %dma_wait3A_403] : memref<8x100x80xf32, #tpu.memory_space<vmem>> -> memref<1x100x80xf32, #tpu.memory_space<vmem>>
    %dma_wait3A_405 = tpu.memref_squeeze %dma_wait3A_404 : memref<1x100x80xf32, #tpu.memory_space<vmem>> -> memref<100x80xf32, #tpu.memory_space<vmem>>
    %dma_wait3A_406 = arith.constant 0 : i32
    %dma_wait3A_407 = arith.constant 0 : i32
    %dma_wait3A_408 = tpu.memref_slice %dma_wait3A_405[%dma_wait3A_406, %dma_wait3A_407] : memref<100x80xf32, #tpu.memory_space<vmem>> -> memref<100x80xf32, #tpu.memory_space<vmem>>
    %dma_wait3A_409 = arith.constant 0 : i32
    %dma_wait3A_410 = arith.constant 0 : i32
    %dma_wait3A_411 = tpu.memref_slice %arg6[%dma_wait3A_409, %dma_wait3A_410] : memref<20000x80xf32, #tpu.memory_space<hbm>> -> memref<100x80xf32, #tpu.memory_space<hbm>>
    %dma_wait3A_412 = tpu.memref_slice %arg13[%dma_wait3A_401] : memref<8x!tpu.dma_semaphore, #tpu.memory_space<semaphore_mem>> -> memref<1x!tpu.dma_semaphore, #tpu.memory_space<semaphore_mem>>
    %dma_wait3A_413 = tpu.memref_squeeze %dma_wait3A_412 : memref<1x!tpu.dma_semaphore, #tpu.memory_space<semaphore_mem>> -> memref<!tpu.dma_semaphore, #tpu.memory_space<semaphore_mem>>
    %dma_wait3A_414 = arith.constant 0 : i32
    %dma_wait3A_415 = arith.constant 0 : i32
    %dma_wait3A_416 = tpu.memref_slice %arg6[%dma_wait3A_414, %dma_wait3A_415] : memref<20000x80xf32, #tpu.memory_space<hbm>> -> memref<100x80xf32, #tpu.memory_space<hbm>>
    %dma_wait3A_417 = arith.constant 0 : i32
    %dma_wait3A_418 = arith.constant 0 : i32
    %dma_wait3A_419 = tpu.memref_slice %arg9[%dma_wait3A_400, %dma_wait3A_417, %dma_wait3A_418] : memref<8x100x80xf32, #tpu.memory_space<vmem>> -> memref<1x100x80xf32, #tpu.memory_space<vmem>>
    %dma_wait3A_420 = tpu.memref_squeeze %dma_wait3A_419 : memref<1x100x80xf32, #tpu.memory_space<vmem>> -> memref<100x80xf32, #tpu.memory_space<vmem>>
    %dma_wait3A_421 = arith.constant 0 : i32
    %dma_wait3A_422 = arith.constant 0 : i32
    %dma_wait3A_423 = tpu.memref_slice %dma_wait3A_420[%dma_wait3A_421, %dma_wait3A_422] : memref<100x80xf32, #tpu.memory_space<vmem>> -> memref<100x80xf32, #tpu.memory_space<vmem>>
    tpu.wait_dma2 semaphore(%dma_wait3A_413 : memref<!tpu.dma_semaphore, #tpu.memory_space<semaphore_mem>>) src(%dma_wait3A_423 : memref<100x80xf32, #tpu.memory_space<vmem>>) dst(%dma_wait3A_416 : memref<100x80xf32, #tpu.memory_space<hbm>>)
    %add3A_424 = arith.constant 500 : i32
    %add3A_425 = arith.addi %mul3A_0, %add3A_424 : i32
    %mul3A_426 = arith.constant 64 : i32
    %mul3A_427 = arith.muli %arg0, %mul3A_426 : i32
    %dma_start3A_428 = arith.constant 1 : i32
    %dma_start3A_429 = arith.constant 1 : i32
    %dma_start3A_430 = arith.constant 0 : i32
    %dma_start3A_431 = arith.constant 0 : i32
    %dma_start3A_432 = tpu.memref_slice %arg9[%dma_start3A_428, %dma_start3A_430, %dma_start3A_431] : memref<8x100x80xf32, #tpu.memory_space<vmem>> -> memref<1x100x80xf32, #tpu.memory_space<vmem>>
    %dma_start3A_433 = tpu.memref_squeeze %dma_start3A_432 : memref<1x100x80xf32, #tpu.memory_space<vmem>> -> memref<100x80xf32, #tpu.memory_space<vmem>>
    %dma_start3A_434 = arith.constant 0 : i32
    %dma_start3A_435 = arith.constant 0 : i32
    %dma_start3A_436 = tpu.memref_slice %dma_start3A_433[%dma_start3A_434, %dma_start3A_435] : memref<100x80xf32, #tpu.memory_space<vmem>> -> memref<100x64xf32, #tpu.memory_space<vmem>>
    %dma_start3A_437 = tpu.memref_slice %arg2[%add3A_425, %mul3A_427] : memref<10000x128xf32, #tpu.memory_space<hbm>> -> memref<100x64xf32, #tpu.memory_space<hbm>>
    %dma_start3A_438 = tpu.memref_slice %arg12[%dma_start3A_429] : memref<8x!tpu.dma_semaphore, #tpu.memory_space<semaphore_mem>> -> memref<1x!tpu.dma_semaphore, #tpu.memory_space<semaphore_mem>>
    %dma_start3A_439 = tpu.memref_squeeze %dma_start3A_438 : memref<1x!tpu.dma_semaphore, #tpu.memory_space<semaphore_mem>> -> memref<!tpu.dma_semaphore, #tpu.memory_space<semaphore_mem>>
    %dma_start3A_440 = arith.constant 0 : i32
    %dma_start3A_441 = arith.constant 0 : i32
    %dma_start3A_442 = tpu.memref_slice %arg9[%dma_start3A_428, %dma_start3A_440, %dma_start3A_441] : memref<8x100x80xf32, #tpu.memory_space<vmem>> -> memref<1x100x80xf32, #tpu.memory_space<vmem>>
    %dma_start3A_443 = tpu.memref_squeeze %dma_start3A_442 : memref<1x100x80xf32, #tpu.memory_space<vmem>> -> memref<100x80xf32, #tpu.memory_space<vmem>>
    %dma_start3A_444 = arith.constant 0 : i32
    %dma_start3A_445 = arith.constant 0 : i32
    %dma_start3A_446 = tpu.memref_slice %dma_start3A_443[%dma_start3A_444, %dma_start3A_445] : memref<100x80xf32, #tpu.memory_space<vmem>> -> memref<100x64xf32, #tpu.memory_space<vmem>>
    %dma_start3A_447 = tpu.memref_slice %arg2[%add3A_425, %mul3A_427] : memref<10000x128xf32, #tpu.memory_space<hbm>> -> memref<100x64xf32, #tpu.memory_space<hbm>>
    tpu.enqueue_dma source(%dma_start3A_447 : memref<100x64xf32, #tpu.memory_space<hbm>>) target(%dma_start3A_446 : memref<100x64xf32, #tpu.memory_space<vmem>>) target_semaphore(%dma_start3A_439 : memref<!tpu.dma_semaphore, #tpu.memory_space<semaphore_mem>>)
    %dma_wait3A_448 = arith.constant 0 : i32
    %dma_wait3A_449 = arith.constant 0 : i32
    %dma_wait3A_450 = arith.constant 0 : i32
    %dma_wait3A_451 = arith.constant 0 : i32
    %dma_wait3A_452 = tpu.memref_slice %arg9[%dma_wait3A_448, %dma_wait3A_450, %dma_wait3A_451] : memref<8x100x80xf32, #tpu.memory_space<vmem>> -> memref<1x100x80xf32, #tpu.memory_space<vmem>>
    %dma_wait3A_453 = tpu.memref_squeeze %dma_wait3A_452 : memref<1x100x80xf32, #tpu.memory_space<vmem>> -> memref<100x80xf32, #tpu.memory_space<vmem>>
    %dma_wait3A_454 = arith.constant 0 : i32
    %dma_wait3A_455 = arith.constant 0 : i32
    %dma_wait3A_456 = tpu.memref_slice %dma_wait3A_453[%dma_wait3A_454, %dma_wait3A_455] : memref<100x80xf32, #tpu.memory_space<vmem>> -> memref<100x64xf32, #tpu.memory_space<vmem>>
    %dma_wait3A_457 = arith.constant 0 : i32
    %dma_wait3A_458 = arith.constant 0 : i32
    %dma_wait3A_459 = tpu.memref_slice %arg2[%dma_wait3A_457, %dma_wait3A_458] : memref<10000x128xf32, #tpu.memory_space<hbm>> -> memref<100x64xf32, #tpu.memory_space<hbm>>
    %dma_wait3A_460 = tpu.memref_slice %arg12[%dma_wait3A_449] : memref<8x!tpu.dma_semaphore, #tpu.memory_space<semaphore_mem>> -> memref<1x!tpu.dma_semaphore, #tpu.memory_space<semaphore_mem>>
    %dma_wait3A_461 = tpu.memref_squeeze %dma_wait3A_460 : memref<1x!tpu.dma_semaphore, #tpu.memory_space<semaphore_mem>> -> memref<!tpu.dma_semaphore, #tpu.memory_space<semaphore_mem>>
    %dma_wait3A_462 = arith.constant 0 : i32
    %dma_wait3A_463 = arith.constant 0 : i32
    %dma_wait3A_464 = tpu.memref_slice %arg9[%dma_wait3A_448, %dma_wait3A_462, %dma_wait3A_463] : memref<8x100x80xf32, #tpu.memory_space<vmem>> -> memref<1x100x80xf32, #tpu.memory_space<vmem>>
    %dma_wait3A_465 = tpu.memref_squeeze %dma_wait3A_464 : memref<1x100x80xf32, #tpu.memory_space<vmem>> -> memref<100x80xf32, #tpu.memory_space<vmem>>
    %dma_wait3A_466 = arith.constant 0 : i32
    %dma_wait3A_467 = arith.constant 0 : i32
    %dma_wait3A_468 = tpu.memref_slice %dma_wait3A_465[%dma_wait3A_466, %dma_wait3A_467] : memref<100x80xf32, #tpu.memory_space<vmem>> -> memref<100x64xf32, #tpu.memory_space<vmem>>
    %dma_wait3A_469 = arith.constant 0 : i32
    %dma_wait3A_470 = arith.constant 0 : i32
    %dma_wait3A_471 = tpu.memref_slice %arg2[%dma_wait3A_469, %dma_wait3A_470] : memref<10000x128xf32, #tpu.memory_space<hbm>> -> memref<100x64xf32, #tpu.memory_space<hbm>>
    tpu.wait_dma2 semaphore(%dma_wait3A_461 : memref<!tpu.dma_semaphore, #tpu.memory_space<semaphore_mem>>) src(%dma_wait3A_471 : memref<100x64xf32, #tpu.memory_space<hbm>>) dst(%dma_wait3A_468 : memref<100x64xf32, #tpu.memory_space<vmem>>)
    %mul3A_472 = arith.constant 10000 : i32
    %mul3A_473 = arith.muli %arg0, %mul3A_472 : i32
    %add3A_474 = arith.addi %mul3A_473, %mul3A_0 : i32
    %add3A_475 = arith.constant 400 : i32
    %add3A_476 = arith.addi %add3A_474, %add3A_475 : i32
    %dma_start3A_477 = arith.constant 0 : i32
    %dma_start3A_478 = arith.constant 0 : i32
    %dma_start3A_479 = arith.constant 0 : i32
    %dma_start3A_480 = arith.constant 0 : i32
    %dma_start3A_481 = tpu.memref_slice %arg9[%dma_start3A_477, %dma_start3A_479, %dma_start3A_480] : memref<8x100x80xf32, #tpu.memory_space<vmem>> -> memref<1x100x80xf32, #tpu.memory_space<vmem>>
    %dma_start3A_482 = tpu.memref_squeeze %dma_start3A_481 : memref<1x100x80xf32, #tpu.memory_space<vmem>> -> memref<100x80xf32, #tpu.memory_space<vmem>>
    %dma_start3A_483 = arith.constant 0 : i32
    %dma_start3A_484 = arith.constant 0 : i32
    %dma_start3A_485 = tpu.memref_slice %dma_start3A_482[%dma_start3A_483, %dma_start3A_484] : memref<100x80xf32, #tpu.memory_space<vmem>> -> memref<100x80xf32, #tpu.memory_space<vmem>>
    %dma_start3A_486 = arith.constant 0 : i32
    %dma_start3A_487 = tpu.memref_slice %arg6[%add3A_476, %dma_start3A_486] : memref<20000x80xf32, #tpu.memory_space<hbm>> -> memref<100x80xf32, #tpu.memory_space<hbm>>
    %dma_start3A_488 = tpu.memref_slice %arg13[%dma_start3A_478] : memref<8x!tpu.dma_semaphore, #tpu.memory_space<semaphore_mem>> -> memref<1x!tpu.dma_semaphore, #tpu.memory_space<semaphore_mem>>
    %dma_start3A_489 = tpu.memref_squeeze %dma_start3A_488 : memref<1x!tpu.dma_semaphore, #tpu.memory_space<semaphore_mem>> -> memref<!tpu.dma_semaphore, #tpu.memory_space<semaphore_mem>>
    %dma_start3A_490 = arith.constant 0 : i32
    %dma_start3A_491 = tpu.memref_slice %arg6[%add3A_476, %dma_start3A_490] : memref<20000x80xf32, #tpu.memory_space<hbm>> -> memref<100x80xf32, #tpu.memory_space<hbm>>
    %dma_start3A_492 = arith.constant 0 : i32
    %dma_start3A_493 = arith.constant 0 : i32
    %dma_start3A_494 = tpu.memref_slice %arg9[%dma_start3A_477, %dma_start3A_492, %dma_start3A_493] : memref<8x100x80xf32, #tpu.memory_space<vmem>> -> memref<1x100x80xf32, #tpu.memory_space<vmem>>
    %dma_start3A_495 = tpu.memref_squeeze %dma_start3A_494 : memref<1x100x80xf32, #tpu.memory_space<vmem>> -> memref<100x80xf32, #tpu.memory_space<vmem>>
    %dma_start3A_496 = arith.constant 0 : i32
    %dma_start3A_497 = arith.constant 0 : i32
    %dma_start3A_498 = tpu.memref_slice %dma_start3A_495[%dma_start3A_496, %dma_start3A_497] : memref<100x80xf32, #tpu.memory_space<vmem>> -> memref<100x80xf32, #tpu.memory_space<vmem>>
    tpu.enqueue_dma source(%dma_start3A_498 : memref<100x80xf32, #tpu.memory_space<vmem>>) target(%dma_start3A_491 : memref<100x80xf32, #tpu.memory_space<hbm>>) target_semaphore(%dma_start3A_489 : memref<!tpu.dma_semaphore, #tpu.memory_space<semaphore_mem>>)
    %dma_wait3A_499 = arith.constant 0 : i32
    %dma_wait3A_500 = arith.constant 0 : i32
    %dma_wait3A_501 = arith.constant 0 : i32
    %dma_wait3A_502 = arith.constant 0 : i32
    %dma_wait3A_503 = tpu.memref_slice %arg9[%dma_wait3A_499, %dma_wait3A_501, %dma_wait3A_502] : memref<8x100x80xf32, #tpu.memory_space<vmem>> -> memref<1x100x80xf32, #tpu.memory_space<vmem>>
    %dma_wait3A_504 = tpu.memref_squeeze %dma_wait3A_503 : memref<1x100x80xf32, #tpu.memory_space<vmem>> -> memref<100x80xf32, #tpu.memory_space<vmem>>
    %dma_wait3A_505 = arith.constant 0 : i32
    %dma_wait3A_506 = arith.constant 0 : i32
    %dma_wait3A_507 = tpu.memref_slice %dma_wait3A_504[%dma_wait3A_505, %dma_wait3A_506] : memref<100x80xf32, #tpu.memory_space<vmem>> -> memref<100x80xf32, #tpu.memory_space<vmem>>
    %dma_wait3A_508 = arith.constant 0 : i32
    %dma_wait3A_509 = arith.constant 0 : i32
    %dma_wait3A_510 = tpu.memref_slice %arg6[%dma_wait3A_508, %dma_wait3A_509] : memref<20000x80xf32, #tpu.memory_space<hbm>> -> memref<100x80xf32, #tpu.memory_space<hbm>>
    %dma_wait3A_511 = tpu.memref_slice %arg13[%dma_wait3A_500] : memref<8x!tpu.dma_semaphore, #tpu.memory_space<semaphore_mem>> -> memref<1x!tpu.dma_semaphore, #tpu.memory_space<semaphore_mem>>
    %dma_wait3A_512 = tpu.memref_squeeze %dma_wait3A_511 : memref<1x!tpu.dma_semaphore, #tpu.memory_space<semaphore_mem>> -> memref<!tpu.dma_semaphore, #tpu.memory_space<semaphore_mem>>
    %dma_wait3A_513 = arith.constant 0 : i32
    %dma_wait3A_514 = arith.constant 0 : i32
    %dma_wait3A_515 = tpu.memref_slice %arg6[%dma_wait3A_513, %dma_wait3A_514] : memref<20000x80xf32, #tpu.memory_space<hbm>> -> memref<100x80xf32, #tpu.memory_space<hbm>>
    %dma_wait3A_516 = arith.constant 0 : i32
    %dma_wait3A_517 = arith.constant 0 : i32
    %dma_wait3A_518 = tpu.memref_slice %arg9[%dma_wait3A_499, %dma_wait3A_516, %dma_wait3A_517] : memref<8x100x80xf32, #tpu.memory_space<vmem>> -> memref<1x100x80xf32, #tpu.memory_space<vmem>>
    %dma_wait3A_519 = tpu.memref_squeeze %dma_wait3A_518 : memref<1x100x80xf32, #tpu.memory_space<vmem>> -> memref<100x80xf32, #tpu.memory_space<vmem>>
    %dma_wait3A_520 = arith.constant 0 : i32
    %dma_wait3A_521 = arith.constant 0 : i32
    %dma_wait3A_522 = tpu.memref_slice %dma_wait3A_519[%dma_wait3A_520, %dma_wait3A_521] : memref<100x80xf32, #tpu.memory_space<vmem>> -> memref<100x80xf32, #tpu.memory_space<vmem>>
    tpu.wait_dma2 semaphore(%dma_wait3A_512 : memref<!tpu.dma_semaphore, #tpu.memory_space<semaphore_mem>>) src(%dma_wait3A_522 : memref<100x80xf32, #tpu.memory_space<vmem>>) dst(%dma_wait3A_515 : memref<100x80xf32, #tpu.memory_space<hbm>>)
    %add3A_523 = arith.constant 600 : i32
    %add3A_524 = arith.addi %mul3A_0, %add3A_523 : i32
    %mul3A_525 = arith.constant 64 : i32
    %mul3A_526 = arith.muli %arg0, %mul3A_525 : i32
    %dma_start3A_527 = arith.constant 0 : i32
    %dma_start3A_528 = arith.constant 0 : i32
    %dma_start3A_529 = arith.constant 0 : i32
    %dma_start3A_530 = arith.constant 0 : i32
    %dma_start3A_531 = tpu.memref_slice %arg9[%dma_start3A_527, %dma_start3A_529, %dma_start3A_530] : memref<8x100x80xf32, #tpu.memory_space<vmem>> -> memref<1x100x80xf32, #tpu.memory_space<vmem>>
    %dma_start3A_532 = tpu.memref_squeeze %dma_start3A_531 : memref<1x100x80xf32, #tpu.memory_space<vmem>> -> memref<100x80xf32, #tpu.memory_space<vmem>>
    %dma_start3A_533 = arith.constant 0 : i32
    %dma_start3A_534 = arith.constant 0 : i32
    %dma_start3A_535 = tpu.memref_slice %dma_start3A_532[%dma_start3A_533, %dma_start3A_534] : memref<100x80xf32, #tpu.memory_space<vmem>> -> memref<25x64xf32, #tpu.memory_space<vmem>>
    %dma_start3A_536 = tpu.memref_slice %arg2[%add3A_524, %mul3A_526] : memref<10000x128xf32, #tpu.memory_space<hbm>> -> memref<25x64xf32, #tpu.memory_space<hbm>>
    %dma_start3A_537 = tpu.memref_slice %arg12[%dma_start3A_528] : memref<8x!tpu.dma_semaphore, #tpu.memory_space<semaphore_mem>> -> memref<1x!tpu.dma_semaphore, #tpu.memory_space<semaphore_mem>>
    %dma_start3A_538 = tpu.memref_squeeze %dma_start3A_537 : memref<1x!tpu.dma_semaphore, #tpu.memory_space<semaphore_mem>> -> memref<!tpu.dma_semaphore, #tpu.memory_space<semaphore_mem>>
    %dma_start3A_539 = arith.constant 0 : i32
    %dma_start3A_540 = arith.constant 0 : i32
    %dma_start3A_541 = tpu.memref_slice %arg9[%dma_start3A_527, %dma_start3A_539, %dma_start3A_540] : memref<8x100x80xf32, #tpu.memory_space<vmem>> -> memref<1x100x80xf32, #tpu.memory_space<vmem>>
    %dma_start3A_542 = tpu.memref_squeeze %dma_start3A_541 : memref<1x100x80xf32, #tpu.memory_space<vmem>> -> memref<100x80xf32, #tpu.memory_space<vmem>>
    %dma_start3A_543 = arith.constant 0 : i32
    %dma_start3A_544 = arith.constant 0 : i32
    %dma_start3A_545 = tpu.memref_slice %dma_start3A_542[%dma_start3A_543, %dma_start3A_544] : memref<100x80xf32, #tpu.memory_space<vmem>> -> memref<25x64xf32, #tpu.memory_space<vmem>>
    %dma_start3A_546 = tpu.memref_slice %arg2[%add3A_524, %mul3A_526] : memref<10000x128xf32, #tpu.memory_space<hbm>> -> memref<25x64xf32, #tpu.memory_space<hbm>>
    tpu.enqueue_dma source(%dma_start3A_546 : memref<25x64xf32, #tpu.memory_space<hbm>>) target(%dma_start3A_545 : memref<25x64xf32, #tpu.memory_space<vmem>>) target_semaphore(%dma_start3A_538 : memref<!tpu.dma_semaphore, #tpu.memory_space<semaphore_mem>>)
    %dma_wait3A_547 = arith.constant 1 : i32
    %dma_wait3A_548 = arith.constant 1 : i32
    %dma_wait3A_549 = arith.constant 0 : i32
    %dma_wait3A_550 = arith.constant 0 : i32
    %dma_wait3A_551 = tpu.memref_slice %arg9[%dma_wait3A_547, %dma_wait3A_549, %dma_wait3A_550] : memref<8x100x80xf32, #tpu.memory_space<vmem>> -> memref<1x100x80xf32, #tpu.memory_space<vmem>>
    %dma_wait3A_552 = tpu.memref_squeeze %dma_wait3A_551 : memref<1x100x80xf32, #tpu.memory_space<vmem>> -> memref<100x80xf32, #tpu.memory_space<vmem>>
    %dma_wait3A_553 = arith.constant 0 : i32
    %dma_wait3A_554 = arith.constant 0 : i32
    %dma_wait3A_555 = tpu.memref_slice %dma_wait3A_552[%dma_wait3A_553, %dma_wait3A_554] : memref<100x80xf32, #tpu.memory_space<vmem>> -> memref<100x64xf32, #tpu.memory_space<vmem>>
    %dma_wait3A_556 = arith.constant 0 : i32
    %dma_wait3A_557 = arith.constant 0 : i32
    %dma_wait3A_558 = tpu.memref_slice %arg2[%dma_wait3A_556, %dma_wait3A_557] : memref<10000x128xf32, #tpu.memory_space<hbm>> -> memref<100x64xf32, #tpu.memory_space<hbm>>
    %dma_wait3A_559 = tpu.memref_slice %arg12[%dma_wait3A_548] : memref<8x!tpu.dma_semaphore, #tpu.memory_space<semaphore_mem>> -> memref<1x!tpu.dma_semaphore, #tpu.memory_space<semaphore_mem>>
    %dma_wait3A_560 = tpu.memref_squeeze %dma_wait3A_559 : memref<1x!tpu.dma_semaphore, #tpu.memory_space<semaphore_mem>> -> memref<!tpu.dma_semaphore, #tpu.memory_space<semaphore_mem>>
    %dma_wait3A_561 = arith.constant 0 : i32
    %dma_wait3A_562 = arith.constant 0 : i32
    %dma_wait3A_563 = tpu.memref_slice %arg9[%dma_wait3A_547, %dma_wait3A_561, %dma_wait3A_562] : memref<8x100x80xf32, #tpu.memory_space<vmem>> -> memref<1x100x80xf32, #tpu.memory_space<vmem>>
    %dma_wait3A_564 = tpu.memref_squeeze %dma_wait3A_563 : memref<1x100x80xf32, #tpu.memory_space<vmem>> -> memref<100x80xf32, #tpu.memory_space<vmem>>
    %dma_wait3A_565 = arith.constant 0 : i32
    %dma_wait3A_566 = arith.constant 0 : i32
    %dma_wait3A_567 = tpu.memref_slice %dma_wait3A_564[%dma_wait3A_565, %dma_wait3A_566] : memref<100x80xf32, #tpu.memory_space<vmem>> -> memref<100x64xf32, #tpu.memory_space<vmem>>
    %dma_wait3A_568 = arith.constant 0 : i32
    %dma_wait3A_569 = arith.constant 0 : i32
    %dma_wait3A_570 = tpu.memref_slice %arg2[%dma_wait3A_568, %dma_wait3A_569] : memref<10000x128xf32, #tpu.memory_space<hbm>> -> memref<100x64xf32, #tpu.memory_space<hbm>>
    tpu.wait_dma2 semaphore(%dma_wait3A_560 : memref<!tpu.dma_semaphore, #tpu.memory_space<semaphore_mem>>) src(%dma_wait3A_570 : memref<100x64xf32, #tpu.memory_space<hbm>>) dst(%dma_wait3A_567 : memref<100x64xf32, #tpu.memory_space<vmem>>)
    %mul3A_571 = arith.constant 10000 : i32
    %mul3A_572 = arith.muli %arg0, %mul3A_571 : i32
    %add3A_573 = arith.addi %mul3A_572, %mul3A_0 : i32
    %add3A_574 = arith.constant 500 : i32
    %add3A_575 = arith.addi %add3A_573, %add3A_574 : i32
    %dma_start3A_576 = arith.constant 1 : i32
    %dma_start3A_577 = arith.constant 1 : i32
    %dma_start3A_578 = arith.constant 0 : i32
    %dma_start3A_579 = arith.constant 0 : i32
    %dma_start3A_580 = tpu.memref_slice %arg9[%dma_start3A_576, %dma_start3A_578, %dma_start3A_579] : memref<8x100x80xf32, #tpu.memory_space<vmem>> -> memref<1x100x80xf32, #tpu.memory_space<vmem>>
    %dma_start3A_581 = tpu.memref_squeeze %dma_start3A_580 : memref<1x100x80xf32, #tpu.memory_space<vmem>> -> memref<100x80xf32, #tpu.memory_space<vmem>>
    %dma_start3A_582 = arith.constant 0 : i32
    %dma_start3A_583 = arith.constant 0 : i32
    %dma_start3A_584 = tpu.memref_slice %dma_start3A_581[%dma_start3A_582, %dma_start3A_583] : memref<100x80xf32, #tpu.memory_space<vmem>> -> memref<100x80xf32, #tpu.memory_space<vmem>>
    %dma_start3A_585 = arith.constant 0 : i32
    %dma_start3A_586 = tpu.memref_slice %arg6[%add3A_575, %dma_start3A_585] : memref<20000x80xf32, #tpu.memory_space<hbm>> -> memref<100x80xf32, #tpu.memory_space<hbm>>
    %dma_start3A_587 = tpu.memref_slice %arg13[%dma_start3A_577] : memref<8x!tpu.dma_semaphore, #tpu.memory_space<semaphore_mem>> -> memref<1x!tpu.dma_semaphore, #tpu.memory_space<semaphore_mem>>
    %dma_start3A_588 = tpu.memref_squeeze %dma_start3A_587 : memref<1x!tpu.dma_semaphore, #tpu.memory_space<semaphore_mem>> -> memref<!tpu.dma_semaphore, #tpu.memory_space<semaphore_mem>>
    %dma_start3A_589 = arith.constant 0 : i32
    %dma_start3A_590 = tpu.memref_slice %arg6[%add3A_575, %dma_start3A_589] : memref<20000x80xf32, #tpu.memory_space<hbm>> -> memref<100x80xf32, #tpu.memory_space<hbm>>
    %dma_start3A_591 = arith.constant 0 : i32
    %dma_start3A_592 = arith.constant 0 : i32
    %dma_start3A_593 = tpu.memref_slice %arg9[%dma_start3A_576, %dma_start3A_591, %dma_start3A_592] : memref<8x100x80xf32, #tpu.memory_space<vmem>> -> memref<1x100x80xf32, #tpu.memory_space<vmem>>
    %dma_start3A_594 = tpu.memref_squeeze %dma_start3A_593 : memref<1x100x80xf32, #tpu.memory_space<vmem>> -> memref<100x80xf32, #tpu.memory_space<vmem>>
    %dma_start3A_595 = arith.constant 0 : i32
    %dma_start3A_596 = arith.constant 0 : i32
    %dma_start3A_597 = tpu.memref_slice %dma_start3A_594[%dma_start3A_595, %dma_start3A_596] : memref<100x80xf32, #tpu.memory_space<vmem>> -> memref<100x80xf32, #tpu.memory_space<vmem>>
    tpu.enqueue_dma source(%dma_start3A_597 : memref<100x80xf32, #tpu.memory_space<vmem>>) target(%dma_start3A_590 : memref<100x80xf32, #tpu.memory_space<hbm>>) target_semaphore(%dma_start3A_588 : memref<!tpu.dma_semaphore, #tpu.memory_space<semaphore_mem>>)
    %dma_wait3A_598 = arith.constant 0 : i32
    %dma_wait3A_599 = arith.constant 0 : i32
    %dma_wait3A_600 = arith.constant 0 : i32
    %dma_wait3A_601 = arith.constant 0 : i32
    %dma_wait3A_602 = tpu.memref_slice %arg9[%dma_wait3A_598, %dma_wait3A_600, %dma_wait3A_601] : memref<8x100x80xf32, #tpu.memory_space<vmem>> -> memref<1x100x80xf32, #tpu.memory_space<vmem>>
    %dma_wait3A_603 = tpu.memref_squeeze %dma_wait3A_602 : memref<1x100x80xf32, #tpu.memory_space<vmem>> -> memref<100x80xf32, #tpu.memory_space<vmem>>
    %dma_wait3A_604 = arith.constant 0 : i32
    %dma_wait3A_605 = arith.constant 0 : i32
    %dma_wait3A_606 = tpu.memref_slice %dma_wait3A_603[%dma_wait3A_604, %dma_wait3A_605] : memref<100x80xf32, #tpu.memory_space<vmem>> -> memref<25x64xf32, #tpu.memory_space<vmem>>
    %dma_wait3A_607 = arith.constant 0 : i32
    %dma_wait3A_608 = arith.constant 0 : i32
    %dma_wait3A_609 = tpu.memref_slice %arg2[%dma_wait3A_607, %dma_wait3A_608] : memref<10000x128xf32, #tpu.memory_space<hbm>> -> memref<25x64xf32, #tpu.memory_space<hbm>>
    %dma_wait3A_610 = tpu.memref_slice %arg12[%dma_wait3A_599] : memref<8x!tpu.dma_semaphore, #tpu.memory_space<semaphore_mem>> -> memref<1x!tpu.dma_semaphore, #tpu.memory_space<semaphore_mem>>
    %dma_wait3A_611 = tpu.memref_squeeze %dma_wait3A_610 : memref<1x!tpu.dma_semaphore, #tpu.memory_space<semaphore_mem>> -> memref<!tpu.dma_semaphore, #tpu.memory_space<semaphore_mem>>
    %dma_wait3A_612 = arith.constant 0 : i32
    %dma_wait3A_613 = arith.constant 0 : i32
    %dma_wait3A_614 = tpu.memref_slice %arg9[%dma_wait3A_598, %dma_wait3A_612, %dma_wait3A_613] : memref<8x100x80xf32, #tpu.memory_space<vmem>> -> memref<1x100x80xf32, #tpu.memory_space<vmem>>
    %dma_wait3A_615 = tpu.memref_squeeze %dma_wait3A_614 : memref<1x100x80xf32, #tpu.memory_space<vmem>> -> memref<100x80xf32, #tpu.memory_space<vmem>>
    %dma_wait3A_616 = arith.constant 0 : i32
    %dma_wait3A_617 = arith.constant 0 : i32
    %dma_wait3A_618 = tpu.memref_slice %dma_wait3A_615[%dma_wait3A_616, %dma_wait3A_617] : memref<100x80xf32, #tpu.memory_space<vmem>> -> memref<25x64xf32, #tpu.memory_space<vmem>>
    %dma_wait3A_619 = arith.constant 0 : i32
    %dma_wait3A_620 = arith.constant 0 : i32
    %dma_wait3A_621 = tpu.memref_slice %arg2[%dma_wait3A_619, %dma_wait3A_620] : memref<10000x128xf32, #tpu.memory_space<hbm>> -> memref<25x64xf32, #tpu.memory_space<hbm>>
    tpu.wait_dma2 semaphore(%dma_wait3A_611 : memref<!tpu.dma_semaphore, #tpu.memory_space<semaphore_mem>>) src(%dma_wait3A_621 : memref<25x64xf32, #tpu.memory_space<hbm>>) dst(%dma_wait3A_618 : memref<25x64xf32, #tpu.memory_space<vmem>>)
    %mul3A_622 = arith.constant 10000 : i32
    %mul3A_623 = arith.muli %arg0, %mul3A_622 : i32
    %add3A_624 = arith.addi %mul3A_623, %mul3A_0 : i32
    %add3A_625 = arith.constant 600 : i32
    %add3A_626 = arith.addi %add3A_624, %add3A_625 : i32
    %dma_start3A_627 = arith.constant 0 : i32
    %dma_start3A_628 = arith.constant 0 : i32
    %dma_start3A_629 = arith.constant 0 : i32
    %dma_start3A_630 = arith.constant 0 : i32
    %dma_start3A_631 = tpu.memref_slice %arg9[%dma_start3A_627, %dma_start3A_629, %dma_start3A_630] : memref<8x100x80xf32, #tpu.memory_space<vmem>> -> memref<1x100x80xf32, #tpu.memory_space<vmem>>
    %dma_start3A_632 = tpu.memref_squeeze %dma_start3A_631 : memref<1x100x80xf32, #tpu.memory_space<vmem>> -> memref<100x80xf32, #tpu.memory_space<vmem>>
    %dma_start3A_633 = arith.constant 0 : i32
    %dma_start3A_634 = arith.constant 0 : i32
    %dma_start3A_635 = tpu.memref_slice %dma_start3A_632[%dma_start3A_633, %dma_start3A_634] : memref<100x80xf32, #tpu.memory_space<vmem>> -> memref<25x80xf32, #tpu.memory_space<vmem>>
    %dma_start3A_636 = arith.constant 0 : i32
    %dma_start3A_637 = tpu.memref_slice %arg6[%add3A_626, %dma_start3A_636] : memref<20000x80xf32, #tpu.memory_space<hbm>> -> memref<25x80xf32, #tpu.memory_space<hbm>>
    %dma_start3A_638 = tpu.memref_slice %arg13[%dma_start3A_628] : memref<8x!tpu.dma_semaphore, #tpu.memory_space<semaphore_mem>> -> memref<1x!tpu.dma_semaphore, #tpu.memory_space<semaphore_mem>>
    %dma_start3A_639 = tpu.memref_squeeze %dma_start3A_638 : memref<1x!tpu.dma_semaphore, #tpu.memory_space<semaphore_mem>> -> memref<!tpu.dma_semaphore, #tpu.memory_space<semaphore_mem>>
    %dma_start3A_640 = arith.constant 0 : i32
    %dma_start3A_641 = tpu.memref_slice %arg6[%add3A_626, %dma_start3A_640] : memref<20000x80xf32, #tpu.memory_space<hbm>> -> memref<25x80xf32, #tpu.memory_space<hbm>>
    %dma_start3A_642 = arith.constant 0 : i32
    %dma_start3A_643 = arith.constant 0 : i32
    %dma_start3A_644 = tpu.memref_slice %arg9[%dma_start3A_627, %dma_start3A_642, %dma_start3A_643] : memref<8x100x80xf32, #tpu.memory_space<vmem>> -> memref<1x100x80xf32, #tpu.memory_space<vmem>>
    %dma_start3A_645 = tpu.memref_squeeze %dma_start3A_644 : memref<1x100x80xf32, #tpu.memory_space<vmem>> -> memref<100x80xf32, #tpu.memory_space<vmem>>
    %dma_start3A_646 = arith.constant 0 : i32
    %dma_start3A_647 = arith.constant 0 : i32
    %dma_start3A_648 = tpu.memref_slice %dma_start3A_645[%dma_start3A_646, %dma_start3A_647] : memref<100x80xf32, #tpu.memory_space<vmem>> -> memref<25x80xf32, #tpu.memory_space<vmem>>
    tpu.enqueue_dma source(%dma_start3A_648 : memref<25x80xf32, #tpu.memory_space<vmem>>) target(%dma_start3A_641 : memref<25x80xf32, #tpu.memory_space<hbm>>) target_semaphore(%dma_start3A_639 : memref<!tpu.dma_semaphore, #tpu.memory_space<semaphore_mem>>)
    %dma_wait3A_649 = arith.constant 1 : i32
    %dma_wait3A_650 = arith.constant 1 : i32
    %dma_wait3A_651 = arith.constant 0 : i32
    %dma_wait3A_652 = arith.constant 0 : i32
    %dma_wait3A_653 = tpu.memref_slice %arg9[%dma_wait3A_649, %dma_wait3A_651, %dma_wait3A_652] : memref<8x100x80xf32, #tpu.memory_space<vmem>> -> memref<1x100x80xf32, #tpu.memory_space<vmem>>
    %dma_wait3A_654 = tpu.memref_squeeze %dma_wait3A_653 : memref<1x100x80xf32, #tpu.memory_space<vmem>> -> memref<100x80xf32, #tpu.memory_space<vmem>>
    %dma_wait3A_655 = arith.constant 0 : i32
    %dma_wait3A_656 = arith.constant 0 : i32
    %dma_wait3A_657 = tpu.memref_slice %dma_wait3A_654[%dma_wait3A_655, %dma_wait3A_656] : memref<100x80xf32, #tpu.memory_space<vmem>> -> memref<100x80xf32, #tpu.memory_space<vmem>>
    %dma_wait3A_658 = arith.constant 0 : i32
    %dma_wait3A_659 = arith.constant 0 : i32
    %dma_wait3A_660 = tpu.memref_slice %arg6[%dma_wait3A_658, %dma_wait3A_659] : memref<20000x80xf32, #tpu.memory_space<hbm>> -> memref<100x80xf32, #tpu.memory_space<hbm>>
    %dma_wait3A_661 = tpu.memref_slice %arg13[%dma_wait3A_650] : memref<8x!tpu.dma_semaphore, #tpu.memory_space<semaphore_mem>> -> memref<1x!tpu.dma_semaphore, #tpu.memory_space<semaphore_mem>>
    %dma_wait3A_662 = tpu.memref_squeeze %dma_wait3A_661 : memref<1x!tpu.dma_semaphore, #tpu.memory_space<semaphore_mem>> -> memref<!tpu.dma_semaphore, #tpu.memory_space<semaphore_mem>>
    %dma_wait3A_663 = arith.constant 0 : i32
    %dma_wait3A_664 = arith.constant 0 : i32
    %dma_wait3A_665 = tpu.memref_slice %arg6[%dma_wait3A_663, %dma_wait3A_664] : memref<20000x80xf32, #tpu.memory_space<hbm>> -> memref<100x80xf32, #tpu.memory_space<hbm>>
    %dma_wait3A_666 = arith.constant 0 : i32
    %dma_wait3A_667 = arith.constant 0 : i32
    %dma_wait3A_668 = tpu.memref_slice %arg9[%dma_wait3A_649, %dma_wait3A_666, %dma_wait3A_667] : memref<8x100x80xf32, #tpu.memory_space<vmem>> -> memref<1x100x80xf32, #tpu.memory_space<vmem>>
    %dma_wait3A_669 = tpu.memref_squeeze %dma_wait3A_668 : memref<1x100x80xf32, #tpu.memory_space<vmem>> -> memref<100x80xf32, #tpu.memory_space<vmem>>
    %dma_wait3A_670 = arith.constant 0 : i32
    %dma_wait3A_671 = arith.constant 0 : i32
    %dma_wait3A_672 = tpu.memref_slice %dma_wait3A_669[%dma_wait3A_670, %dma_wait3A_671] : memref<100x80xf32, #tpu.memory_space<vmem>> -> memref<100x80xf32, #tpu.memory_space<vmem>>
    tpu.wait_dma2 semaphore(%dma_wait3A_662 : memref<!tpu.dma_semaphore, #tpu.memory_space<semaphore_mem>>) src(%dma_wait3A_672 : memref<100x80xf32, #tpu.memory_space<vmem>>) dst(%dma_wait3A_665 : memref<100x80xf32, #tpu.memory_space<hbm>>)
    %dma_wait3A_673 = arith.constant 0 : i32
    %dma_wait3A_674 = arith.constant 0 : i32
    %dma_wait3A_675 = arith.constant 0 : i32
    %dma_wait3A_676 = arith.constant 0 : i32
    %dma_wait3A_677 = tpu.memref_slice %arg9[%dma_wait3A_673, %dma_wait3A_675, %dma_wait3A_676] : memref<8x100x80xf32, #tpu.memory_space<vmem>> -> memref<1x100x80xf32, #tpu.memory_space<vmem>>
    %dma_wait3A_678 = tpu.memref_squeeze %dma_wait3A_677 : memref<1x100x80xf32, #tpu.memory_space<vmem>> -> memref<100x80xf32, #tpu.memory_space<vmem>>
    %dma_wait3A_679 = arith.constant 0 : i32
    %dma_wait3A_680 = arith.constant 0 : i32
    %dma_wait3A_681 = tpu.memref_slice %dma_wait3A_678[%dma_wait3A_679, %dma_wait3A_680] : memref<100x80xf32, #tpu.memory_space<vmem>> -> memref<25x80xf32, #tpu.memory_space<vmem>>
    %dma_wait3A_682 = arith.constant 0 : i32
    %dma_wait3A_683 = arith.constant 0 : i32
    %dma_wait3A_684 = tpu.memref_slice %arg6[%dma_wait3A_682, %dma_wait3A_683] : memref<20000x80xf32, #tpu.memory_space<hbm>> -> memref<25x80xf32, #tpu.memory_space<hbm>>
    %dma_wait3A_685 = tpu.memref_slice %arg13[%dma_wait3A_674] : memref<8x!tpu.dma_semaphore, #tpu.memory_space<semaphore_mem>> -> memref<1x!tpu.dma_semaphore, #tpu.memory_space<semaphore_mem>>
    %dma_wait3A_686 = tpu.memref_squeeze %dma_wait3A_685 : memref<1x!tpu.dma_semaphore, #tpu.memory_space<semaphore_mem>> -> memref<!tpu.dma_semaphore, #tpu.memory_space<semaphore_mem>>
    %dma_wait3A_687 = arith.constant 0 : i32
    %dma_wait3A_688 = arith.constant 0 : i32
    %dma_wait3A_689 = tpu.memref_slice %arg6[%dma_wait3A_687, %dma_wait3A_688] : memref<20000x80xf32, #tpu.memory_space<hbm>> -> memref<25x80xf32, #tpu.memory_space<hbm>>
    %dma_wait3A_690 = arith.constant 0 : i32
    %dma_wait3A_691 = arith.constant 0 : i32
    %dma_wait3A_692 = tpu.memref_slice %arg9[%dma_wait3A_673, %dma_wait3A_690, %dma_wait3A_691] : memref<8x100x80xf32, #tpu.memory_space<vmem>> -> memref<1x100x80xf32, #tpu.memory_space<vmem>>
    %dma_wait3A_693 = tpu.memref_squeeze %dma_wait3A_692 : memref<1x100x80xf32, #tpu.memory_space<vmem>> -> memref<100x80xf32, #tpu.memory_space<vmem>>
    %dma_wait3A_694 = arith.constant 0 : i32
    %dma_wait3A_695 = arith.constant 0 : i32
    %dma_wait3A_696 = tpu.memref_slice %dma_wait3A_693[%dma_wait3A_694, %dma_wait3A_695] : memref<100x80xf32, #tpu.memory_space<vmem>> -> memref<25x80xf32, #tpu.memory_space<vmem>>
    tpu.wait_dma2 semaphore(%dma_wait3A_686 : memref<!tpu.dma_semaphore, #tpu.memory_space<semaphore_mem>>) src(%dma_wait3A_696 : memref<25x80xf32, #tpu.memory_space<vmem>>) dst(%dma_wait3A_689 : memref<25x80xf32, #tpu.memory_space<hbm>>)
    %scan3A_697 = arith.constant 0 : i32
    %scan3A_698 = arith.constant 125 : i32
    %scan3A_699 = arith.addi %scan3A_697, %scan3A_698 : i32
    %scan3A_700 = arith.constant 1 : i32
    scf.for %scan3A_1931 = %scan3A_697 to %scan3A_699 step %scan3A_700  : i32 {
      %broadcast_in_dim3A = arith.constant 0.000000e+00 : f32
      %broadcast_in_dim3A_1932 = vector.broadcast %broadcast_in_dim3A : f32 to vector<16xf32>
      %swap3A = arith.index_cast %scan3A_1931 : i32 to index
      %swap3A_1933 = arith.constant 0 : index
      %swap3A_1934 = tpu.vector_load %arg10[%swap3A, %swap3A_1933] {strides = array<i32>} : memref<125x80xf32, #tpu.memory_space<vmem>>, vector<1x16xf32>,
      %swap3A_1935 = vector.shape_cast %swap3A_1934 : vector<1x16xf32> to vector<16xf32>
      %swap3A_1936 = vector.shape_cast %broadcast_in_dim3A_1932 : vector<16xf32> to vector<1x16xf32>
      tpu.vector_store %arg10[%swap3A, %swap3A_1933], %swap3A_1936 {strides = array<i32>} : memref<125x80xf32, #tpu.memory_space<vmem>>, vector<1x16xf32>,
      %broadcast_in_dim3A_1937 = arith.constant 0.000000e+00 : f32
      %broadcast_in_dim3A_1938 = vector.broadcast %broadcast_in_dim3A_1937 : f32 to vector<16xf32>
      %swap3A_1939 = arith.index_cast %scan3A_1931 : i32 to index
      %swap3A_1940 = arith.constant 16 : index
      %swap3A_1941 = tpu.vector_load %arg10[%swap3A_1939, %swap3A_1940] {strides = array<i32>} : memref<125x80xf32, #tpu.memory_space<vmem>>, vector<1x16xf32>,
      %swap3A_1942 = vector.shape_cast %swap3A_1941 : vector<1x16xf32> to vector<16xf32>
      %swap3A_1943 = vector.shape_cast %broadcast_in_dim3A_1938 : vector<16xf32> to vector<1x16xf32>
      tpu.vector_store %arg10[%swap3A_1939, %swap3A_1940], %swap3A_1943 {strides = array<i32>} : memref<125x80xf32, #tpu.memory_space<vmem>>, vector<1x16xf32>,
      %broadcast_in_dim3A_1944 = arith.constant 0.000000e+00 : f32
      %broadcast_in_dim3A_1945 = vector.broadcast %broadcast_in_dim3A_1944 : f32 to vector<16xf32>
      %swap3A_1946 = arith.index_cast %scan3A_1931 : i32 to index
      %swap3A_1947 = arith.constant 32 : index
      %swap3A_1948 = tpu.vector_load %arg10[%swap3A_1946, %swap3A_1947] {strides = array<i32>} : memref<125x80xf32, #tpu.memory_space<vmem>>, vector<1x16xf32>,
      %swap3A_1949 = vector.shape_cast %swap3A_1948 : vector<1x16xf32> to vector<16xf32>
      %swap3A_1950 = vector.shape_cast %broadcast_in_dim3A_1945 : vector<16xf32> to vector<1x16xf32>
      tpu.vector_store %arg10[%swap3A_1946, %swap3A_1947], %swap3A_1950 {strides = array<i32>} : memref<125x80xf32, #tpu.memory_space<vmem>>, vector<1x16xf32>,
      %broadcast_in_dim3A_1951 = arith.constant 0.000000e+00 : f32
      %broadcast_in_dim3A_1952 = vector.broadcast %broadcast_in_dim3A_1951 : f32 to vector<16xf32>
      %swap3A_1953 = arith.index_cast %scan3A_1931 : i32 to index
      %swap3A_1954 = arith.constant 48 : index
      %swap3A_1955 = tpu.vector_load %arg10[%swap3A_1953, %swap3A_1954] {strides = array<i32>} : memref<125x80xf32, #tpu.memory_space<vmem>>, vector<1x16xf32>,
      %swap3A_1956 = vector.shape_cast %swap3A_1955 : vector<1x16xf32> to vector<16xf32>
      %swap3A_1957 = vector.shape_cast %broadcast_in_dim3A_1952 : vector<16xf32> to vector<1x16xf32>
      tpu.vector_store %arg10[%swap3A_1953, %swap3A_1954], %swap3A_1957 {strides = array<i32>} : memref<125x80xf32, #tpu.memory_space<vmem>>, vector<1x16xf32>,
      %broadcast_in_dim3A_1958 = arith.constant 0.000000e+00 : f32
      %broadcast_in_dim3A_1959 = vector.broadcast %broadcast_in_dim3A_1958 : f32 to vector<16xf32>
      %swap3A_1960 = arith.index_cast %scan3A_1931 : i32 to index
      %swap3A_1961 = arith.constant 64 : index
      %swap3A_1962 = tpu.vector_load %arg10[%swap3A_1960, %swap3A_1961] {strides = array<i32>} : memref<125x80xf32, #tpu.memory_space<vmem>>, vector<1x16xf32>,
      %swap3A_1963 = vector.shape_cast %swap3A_1962 : vector<1x16xf32> to vector<16xf32>
      %swap3A_1964 = vector.shape_cast %broadcast_in_dim3A_1959 : vector<16xf32> to vector<1x16xf32>
      tpu.vector_store %arg10[%swap3A_1960, %swap3A_1961], %swap3A_1964 {strides = array<i32>} : memref<125x80xf32, #tpu.memory_space<vmem>>, vector<1x16xf32>,
    }
    %scan3A_701 = arith.constant 125 : i32
    %add3A_702 = arith.constant 0 : i32
    %add3A_703 = arith.addi %mul3A_0, %add3A_702 : i32
    "tpu.region"() ({
      %run_scoped3A = tpu.sem_alloc : memref<!tpu.dma_semaphore, #tpu.memory_space<semaphore_mem>>
      %dma_start3A_1931 = arith.constant 0 : i32
      %dma_start3A_1932 = tpu.memref_slice %arg11[%add3A_703, %dma_start3A_1931] : memref<10000x80xf32, #tpu.memory_space<vmem_shared>> -> memref<125x80xf32, #tpu.memory_space<vmem_shared>>
      %dma_start3A_1933 = arith.constant 0 : i32
      %dma_start3A_1934 = tpu.memref_slice %arg11[%add3A_703, %dma_start3A_1933] : memref<10000x80xf32, #tpu.memory_space<vmem_shared>> -> memref<125x80xf32, #tpu.memory_space<vmem_shared>>
      tpu.enqueue_dma source(%arg10 : memref<125x80xf32, #tpu.memory_space<vmem>>) target(%dma_start3A_1934 : memref<125x80xf32, #tpu.memory_space<vmem_shared>>) target_semaphore(%run_scoped3A : memref<!tpu.dma_semaphore, #tpu.memory_space<semaphore_mem>>)
      %dma_wait3A_1935 = arith.constant 0 : i32
      %dma_wait3A_1936 = tpu.memref_slice %arg11[%add3A_703, %dma_wait3A_1935] : memref<10000x80xf32, #tpu.memory_space<vmem_shared>> -> memref<125x80xf32, #tpu.memory_space<vmem_shared>>
      %dma_wait3A_1937 = arith.constant 0 : i32
      %dma_wait3A_1938 = tpu.memref_slice %arg11[%add3A_703, %dma_wait3A_1937] : memref<10000x80xf32, #tpu.memory_space<vmem_shared>> -> memref<125x80xf32, #tpu.memory_space<vmem_shared>>
      tpu.wait_dma2 semaphore(%run_scoped3A : memref<!tpu.dma_semaphore, #tpu.memory_space<semaphore_mem>>) src(%arg10 : memref<125x80xf32, #tpu.memory_space<vmem>>) dst(%dma_wait3A_1938 : memref<125x80xf32, #tpu.memory_space<vmem_shared>>)
      tpu.yield
    }) : () -> ()
    %add3A_704 = arith.constant 125 : i32
    %add3A_705 = arith.addi %mul3A_0, %add3A_704 : i32
    "tpu.region"() ({
      %run_scoped3A = tpu.sem_alloc : memref<!tpu.dma_semaphore, #tpu.memory_space<semaphore_mem>>
      %dma_start3A_1931 = arith.constant 0 : i32
      %dma_start3A_1932 = tpu.memref_slice %arg11[%add3A_705, %dma_start3A_1931] : memref<10000x80xf32, #tpu.memory_space<vmem_shared>> -> memref<125x80xf32, #tpu.memory_space<vmem_shared>>
      %dma_start3A_1933 = arith.constant 0 : i32
      %dma_start3A_1934 = tpu.memref_slice %arg11[%add3A_705, %dma_start3A_1933] : memref<10000x80xf32, #tpu.memory_space<vmem_shared>> -> memref<125x80xf32, #tpu.memory_space<vmem_shared>>
      tpu.enqueue_dma source(%arg10 : memref<125x80xf32, #tpu.memory_space<vmem>>) target(%dma_start3A_1934 : memref<125x80xf32, #tpu.memory_space<vmem_shared>>) target_semaphore(%run_scoped3A : memref<!tpu.dma_semaphore, #tpu.memory_space<semaphore_mem>>)
      %dma_wait3A_1935 = arith.constant 0 : i32
      %dma_wait3A_1936 = tpu.memref_slice %arg11[%add3A_705, %dma_wait3A_1935] : memref<10000x80xf32, #tpu.memory_space<vmem_shared>> -> memref<125x80xf32, #tpu.memory_space<vmem_shared>>
      %dma_wait3A_1937 = arith.constant 0 : i32
      %dma_wait3A_1938 = tpu.memref_slice %arg11[%add3A_705, %dma_wait3A_1937] : memref<10000x80xf32, #tpu.memory_space<vmem_shared>> -> memref<125x80xf32, #tpu.memory_space<vmem_shared>>
      tpu.wait_dma2 semaphore(%run_scoped3A : memref<!tpu.dma_semaphore, #tpu.memory_space<semaphore_mem>>) src(%arg10 : memref<125x80xf32, #tpu.memory_space<vmem>>) dst(%dma_wait3A_1938 : memref<125x80xf32, #tpu.memory_space<vmem_shared>>)
      tpu.yield
    }) : () -> ()
    %add3A_706 = arith.constant 250 : i32
    %add3A_707 = arith.addi %mul3A_0, %add3A_706 : i32
    "tpu.region"() ({
      %run_scoped3A = tpu.sem_alloc : memref<!tpu.dma_semaphore, #tpu.memory_space<semaphore_mem>>
      %dma_start3A_1931 = arith.constant 0 : i32
      %dma_start3A_1932 = tpu.memref_slice %arg11[%add3A_707, %dma_start3A_1931] : memref<10000x80xf32, #tpu.memory_space<vmem_shared>> -> memref<125x80xf32, #tpu.memory_space<vmem_shared>>
      %dma_start3A_1933 = arith.constant 0 : i32
      %dma_start3A_1934 = tpu.memref_slice %arg11[%add3A_707, %dma_start3A_1933] : memref<10000x80xf32, #tpu.memory_space<vmem_shared>> -> memref<125x80xf32, #tpu.memory_space<vmem_shared>>
      tpu.enqueue_dma source(%arg10 : memref<125x80xf32, #tpu.memory_space<vmem>>) target(%dma_start3A_1934 : memref<125x80xf32, #tpu.memory_space<vmem_shared>>) target_semaphore(%run_scoped3A : memref<!tpu.dma_semaphore, #tpu.memory_space<semaphore_mem>>)
      %dma_wait3A_1935 = arith.constant 0 : i32
      %dma_wait3A_1936 = tpu.memref_slice %arg11[%add3A_707, %dma_wait3A_1935] : memref<10000x80xf32, #tpu.memory_space<vmem_shared>> -> memref<125x80xf32, #tpu.memory_space<vmem_shared>>
      %dma_wait3A_1937 = arith.constant 0 : i32
      %dma_wait3A_1938 = tpu.memref_slice %arg11[%add3A_707, %dma_wait3A_1937] : memref<10000x80xf32, #tpu.memory_space<vmem_shared>> -> memref<125x80xf32, #tpu.memory_space<vmem_shared>>
      tpu.wait_dma2 semaphore(%run_scoped3A : memref<!tpu.dma_semaphore, #tpu.memory_space<semaphore_mem>>) src(%arg10 : memref<125x80xf32, #tpu.memory_space<vmem>>) dst(%dma_wait3A_1938 : memref<125x80xf32, #tpu.memory_space<vmem_shared>>)
      tpu.yield
    }) : () -> ()
    %add3A_708 = arith.constant 375 : i32
    %add3A_709 = arith.addi %mul3A_0, %add3A_708 : i32
    "tpu.region"() ({
      %run_scoped3A = tpu.sem_alloc : memref<!tpu.dma_semaphore, #tpu.memory_space<semaphore_mem>>
      %dma_start3A_1931 = arith.constant 0 : i32
      %dma_start3A_1932 = tpu.memref_slice %arg11[%add3A_709, %dma_start3A_1931] : memref<10000x80xf32, #tpu.memory_space<vmem_shared>> -> memref<125x80xf32, #tpu.memory_space<vmem_shared>>
      %dma_start3A_1933 = arith.constant 0 : i32
      %dma_start3A_1934 = tpu.memref_slice %arg11[%add3A_709, %dma_start3A_1933] : memref<10000x80xf32, #tpu.memory_space<vmem_shared>> -> memref<125x80xf32, #tpu.memory_space<vmem_shared>>
      tpu.enqueue_dma source(%arg10 : memref<125x80xf32, #tpu.memory_space<vmem>>) target(%dma_start3A_1934 : memref<125x80xf32, #tpu.memory_space<vmem_shared>>) target_semaphore(%run_scoped3A : memref<!tpu.dma_semaphore, #tpu.memory_space<semaphore_mem>>)
      %dma_wait3A_1935 = arith.constant 0 : i32
      %dma_wait3A_1936 = tpu.memref_slice %arg11[%add3A_709, %dma_wait3A_1935] : memref<10000x80xf32, #tpu.memory_space<vmem_shared>> -> memref<125x80xf32, #tpu.memory_space<vmem_shared>>
      %dma_wait3A_1937 = arith.constant 0 : i32
      %dma_wait3A_1938 = tpu.memref_slice %arg11[%add3A_709, %dma_wait3A_1937] : memref<10000x80xf32, #tpu.memory_space<vmem_shared>> -> memref<125x80xf32, #tpu.memory_space<vmem_shared>>
      tpu.wait_dma2 semaphore(%run_scoped3A : memref<!tpu.dma_semaphore, #tpu.memory_space<semaphore_mem>>) src(%arg10 : memref<125x80xf32, #tpu.memory_space<vmem>>) dst(%dma_wait3A_1938 : memref<125x80xf32, #tpu.memory_space<vmem_shared>>)
      tpu.yield
    }) : () -> ()
    %add3A_710 = arith.constant 500 : i32
    %add3A_711 = arith.addi %mul3A_0, %add3A_710 : i32
    "tpu.region"() ({
      %run_scoped3A = tpu.sem_alloc : memref<!tpu.dma_semaphore, #tpu.memory_space<semaphore_mem>>
      %dma_start3A_1931 = arith.constant 0 : i32
      %dma_start3A_1932 = tpu.memref_slice %arg11[%add3A_711, %dma_start3A_1931] : memref<10000x80xf32, #tpu.memory_space<vmem_shared>> -> memref<125x80xf32, #tpu.memory_space<vmem_shared>>
      %dma_start3A_1933 = arith.constant 0 : i32
      %dma_start3A_1934 = tpu.memref_slice %arg11[%add3A_711, %dma_start3A_1933] : memref<10000x80xf32, #tpu.memory_space<vmem_shared>> -> memref<125x80xf32, #tpu.memory_space<vmem_shared>>
      tpu.enqueue_dma source(%arg10 : memref<125x80xf32, #tpu.memory_space<vmem>>) target(%dma_start3A_1934 : memref<125x80xf32, #tpu.memory_space<vmem_shared>>) target_semaphore(%run_scoped3A : memref<!tpu.dma_semaphore, #tpu.memory_space<semaphore_mem>>)
      %dma_wait3A_1935 = arith.constant 0 : i32
      %dma_wait3A_1936 = tpu.memref_slice %arg11[%add3A_711, %dma_wait3A_1935] : memref<10000x80xf32, #tpu.memory_space<vmem_shared>> -> memref<125x80xf32, #tpu.memory_space<vmem_shared>>
      %dma_wait3A_1937 = arith.constant 0 : i32
      %dma_wait3A_1938 = tpu.memref_slice %arg11[%add3A_711, %dma_wait3A_1937] : memref<10000x80xf32, #tpu.memory_space<vmem_shared>> -> memref<125x80xf32, #tpu.memory_space<vmem_shared>>
      tpu.wait_dma2 semaphore(%run_scoped3A : memref<!tpu.dma_semaphore, #tpu.memory_space<semaphore_mem>>) src(%arg10 : memref<125x80xf32, #tpu.memory_space<vmem>>) dst(%dma_wait3A_1938 : memref<125x80xf32, #tpu.memory_space<vmem_shared>>)
      tpu.yield
    }) : () -> ()
    %dma_start3A_712 = arith.constant 0 : i32
    %dma_start3A_713 = arith.constant 0 : i32
    %dma_start3A_714 = arith.constant 0 : i32
    %dma_start3A_715 = arith.constant 0 : i32
    %dma_start3A_716 = arith.constant 0 : i32
    %dma_start3A_717 = tpu.memref_slice %arg7[%dma_start3A_713, %dma_start3A_715, %dma_start3A_716] : memref<6x4x100xi32, #tpu.memory_space<vmem>> -> memref<1x4x100xi32, #tpu.memory_space<vmem>>
    %dma_start3A_718 = tpu.memref_squeeze %dma_start3A_717 : memref<1x4x100xi32, #tpu.memory_space<vmem>> -> memref<4x100xi32, #tpu.memory_space<vmem>>
    %dma_start3A_719 = arith.constant 0 : i32
    %dma_start3A_720 = arith.constant 0 : i32
    %dma_start3A_721 = tpu.memref_slice %arg3[%arg1, %dma_start3A_712, %dma_start3A_719, %dma_start3A_720] : memref<16x50x4x100xi32, #tpu.memory_space<hbm>> -> memref<1x1x4x100xi32, #tpu.memory_space<hbm>>
    %dma_start3A_722 = tpu.memref_squeeze %dma_start3A_721 : memref<1x1x4x100xi32, #tpu.memory_space<hbm>> -> memref<4x100xi32, #tpu.memory_space<hbm>>
    %dma_start3A_723 = tpu.memref_slice %arg14[%dma_start3A_714] : memref<6x!tpu.dma_semaphore, #tpu.memory_space<semaphore_mem>> -> memref<1x!tpu.dma_semaphore, #tpu.memory_space<semaphore_mem>>
    %dma_start3A_724 = tpu.memref_squeeze %dma_start3A_723 : memref<1x!tpu.dma_semaphore, #tpu.memory_space<semaphore_mem>> -> memref<!tpu.dma_semaphore, #tpu.memory_space<semaphore_mem>>
    %dma_start3A_725 = arith.constant 0 : i32
    %dma_start3A_726 = arith.constant 0 : i32
    %dma_start3A_727 = tpu.memref_slice %arg7[%dma_start3A_713, %dma_start3A_725, %dma_start3A_726] : memref<6x4x100xi32, #tpu.memory_space<vmem>> -> memref<1x4x100xi32, #tpu.memory_space<vmem>>
    %dma_start3A_728 = tpu.memref_squeeze %dma_start3A_727 : memref<1x4x100xi32, #tpu.memory_space<vmem>> -> memref<4x100xi32, #tpu.memory_space<vmem>>
    %dma_start3A_729 = arith.constant 0 : i32
    %dma_start3A_730 = arith.constant 0 : i32
    %dma_start3A_731 = tpu.memref_slice %arg3[%arg1, %dma_start3A_712, %dma_start3A_729, %dma_start3A_730] : memref<16x50x4x100xi32, #tpu.memory_space<hbm>> -> memref<1x1x4x100xi32, #tpu.memory_space<hbm>>
    %dma_start3A_732 = tpu.memref_squeeze %dma_start3A_731 : memref<1x1x4x100xi32, #tpu.memory_space<hbm>> -> memref<4x100xi32, #tpu.memory_space<hbm>>
    tpu.enqueue_dma source(%dma_start3A_732 : memref<4x100xi32, #tpu.memory_space<hbm>>) target(%dma_start3A_728 : memref<4x100xi32, #tpu.memory_space<vmem>>) target_semaphore(%dma_start3A_724 : memref<!tpu.dma_semaphore, #tpu.memory_space<semaphore_mem>>)
    %dma_start3A_733 = arith.constant 0 : i32
    %dma_start3A_734 = arith.constant 0 : i32
    %dma_start3A_735 = arith.constant 0 : i32
    %dma_start3A_736 = arith.constant 0 : i32
    %dma_start3A_737 = arith.constant 0 : i32
    %dma_start3A_738 = tpu.memref_slice %arg8[%dma_start3A_734, %dma_start3A_736, %dma_start3A_737] : memref<6x4x100xi32, #tpu.memory_space<vmem>> -> memref<1x4x100xi32, #tpu.memory_space<vmem>>
    %dma_start3A_739 = tpu.memref_squeeze %dma_start3A_738 : memref<1x4x100xi32, #tpu.memory_space<vmem>> -> memref<4x100xi32, #tpu.memory_space<vmem>>
    %dma_start3A_740 = arith.constant 0 : i32
    %dma_start3A_741 = arith.constant 0 : i32
    %dma_start3A_742 = tpu.memref_slice %arg4[%arg1, %dma_start3A_733, %dma_start3A_740, %dma_start3A_741] : memref<16x50x4x100xi32, #tpu.memory_space<hbm>> -> memref<1x1x4x100xi32, #tpu.memory_space<hbm>>
    %dma_start3A_743 = tpu.memref_squeeze %dma_start3A_742 : memref<1x1x4x100xi32, #tpu.memory_space<hbm>> -> memref<4x100xi32, #tpu.memory_space<hbm>>
    %dma_start3A_744 = tpu.memref_slice %arg14[%dma_start3A_735] : memref<6x!tpu.dma_semaphore, #tpu.memory_space<semaphore_mem>> -> memref<1x!tpu.dma_semaphore, #tpu.memory_space<semaphore_mem>>
    %dma_start3A_745 = tpu.memref_squeeze %dma_start3A_744 : memref<1x!tpu.dma_semaphore, #tpu.memory_space<semaphore_mem>> -> memref<!tpu.dma_semaphore, #tpu.memory_space<semaphore_mem>>
    %dma_start3A_746 = arith.constant 0 : i32
    %dma_start3A_747 = arith.constant 0 : i32
    %dma_start3A_748 = tpu.memref_slice %arg8[%dma_start3A_734, %dma_start3A_746, %dma_start3A_747] : memref<6x4x100xi32, #tpu.memory_space<vmem>> -> memref<1x4x100xi32, #tpu.memory_space<vmem>>
    %dma_start3A_749 = tpu.memref_squeeze %dma_start3A_748 : memref<1x4x100xi32, #tpu.memory_space<vmem>> -> memref<4x100xi32, #tpu.memory_space<vmem>>
    %dma_start3A_750 = arith.constant 0 : i32
    %dma_start3A_751 = arith.constant 0 : i32
    %dma_start3A_752 = tpu.memref_slice %arg4[%arg1, %dma_start3A_733, %dma_start3A_750, %dma_start3A_751] : memref<16x50x4x100xi32, #tpu.memory_space<hbm>> -> memref<1x1x4x100xi32, #tpu.memory_space<hbm>>
    %dma_start3A_753 = tpu.memref_squeeze %dma_start3A_752 : memref<1x1x4x100xi32, #tpu.memory_space<hbm>> -> memref<4x100xi32, #tpu.memory_space<hbm>>
    tpu.enqueue_dma source(%dma_start3A_753 : memref<4x100xi32, #tpu.memory_space<hbm>>) target(%dma_start3A_749 : memref<4x100xi32, #tpu.memory_space<vmem>>) target_semaphore(%dma_start3A_745 : memref<!tpu.dma_semaphore, #tpu.memory_space<semaphore_mem>>)
    %dma_start3A_754 = arith.constant 1 : i32
    %dma_start3A_755 = arith.constant 1 : i32
    %dma_start3A_756 = arith.constant 1 : i32
    %dma_start3A_757 = arith.constant 0 : i32
    %dma_start3A_758 = arith.constant 0 : i32
    %dma_start3A_759 = tpu.memref_slice %arg7[%dma_start3A_755, %dma_start3A_757, %dma_start3A_758] : memref<6x4x100xi32, #tpu.memory_space<vmem>> -> memref<1x4x100xi32, #tpu.memory_space<vmem>>
    %dma_start3A_760 = tpu.memref_squeeze %dma_start3A_759 : memref<1x4x100xi32, #tpu.memory_space<vmem>> -> memref<4x100xi32, #tpu.memory_space<vmem>>
    %dma_start3A_761 = arith.constant 0 : i32
    %dma_start3A_762 = arith.constant 0 : i32
    %dma_start3A_763 = tpu.memref_slice %arg3[%arg1, %dma_start3A_754, %dma_start3A_761, %dma_start3A_762] : memref<16x50x4x100xi32, #tpu.memory_space<hbm>> -> memref<1x1x4x100xi32, #tpu.memory_space<hbm>>
    %dma_start3A_764 = tpu.memref_squeeze %dma_start3A_763 : memref<1x1x4x100xi32, #tpu.memory_space<hbm>> -> memref<4x100xi32, #tpu.memory_space<hbm>>
    %dma_start3A_765 = tpu.memref_slice %arg14[%dma_start3A_756] : memref<6x!tpu.dma_semaphore, #tpu.memory_space<semaphore_mem>> -> memref<1x!tpu.dma_semaphore, #tpu.memory_space<semaphore_mem>>
    %dma_start3A_766 = tpu.memref_squeeze %dma_start3A_765 : memref<1x!tpu.dma_semaphore, #tpu.memory_space<semaphore_mem>> -> memref<!tpu.dma_semaphore, #tpu.memory_space<semaphore_mem>>
    %dma_start3A_767 = arith.constant 0 : i32
    %dma_start3A_768 = arith.constant 0 : i32
    %dma_start3A_769 = tpu.memref_slice %arg7[%dma_start3A_755, %dma_start3A_767, %dma_start3A_768] : memref<6x4x100xi32, #tpu.memory_space<vmem>> -> memref<1x4x100xi32, #tpu.memory_space<vmem>>
    %dma_start3A_770 = tpu.memref_squeeze %dma_start3A_769 : memref<1x4x100xi32, #tpu.memory_space<vmem>> -> memref<4x100xi32, #tpu.memory_space<vmem>>
    %dma_start3A_771 = arith.constant 0 : i32
    %dma_start3A_772 = arith.constant 0 : i32
    %dma_start3A_773 = tpu.memref_slice %arg3[%arg1, %dma_start3A_754, %dma_start3A_771, %dma_start3A_772] : memref<16x50x4x100xi32, #tpu.memory_space<hbm>> -> memref<1x1x4x100xi32, #tpu.memory_space<hbm>>
    %dma_start3A_774 = tpu.memref_squeeze %dma_start3A_773 : memref<1x1x4x100xi32, #tpu.memory_space<hbm>> -> memref<4x100xi32, #tpu.memory_space<hbm>>
    tpu.enqueue_dma source(%dma_start3A_774 : memref<4x100xi32, #tpu.memory_space<hbm>>) target(%dma_start3A_770 : memref<4x100xi32, #tpu.memory_space<vmem>>) target_semaphore(%dma_start3A_766 : memref<!tpu.dma_semaphore, #tpu.memory_space<semaphore_mem>>)
    %dma_start3A_775 = arith.constant 1 : i32
    %dma_start3A_776 = arith.constant 1 : i32
    %dma_start3A_777 = arith.constant 1 : i32
    %dma_start3A_778 = arith.constant 0 : i32
    %dma_start3A_779 = arith.constant 0 : i32
    %dma_start3A_780 = tpu.memref_slice %arg8[%dma_start3A_776, %dma_start3A_778, %dma_start3A_779] : memref<6x4x100xi32, #tpu.memory_space<vmem>> -> memref<1x4x100xi32, #tpu.memory_space<vmem>>
    %dma_start3A_781 = tpu.memref_squeeze %dma_start3A_780 : memref<1x4x100xi32, #tpu.memory_space<vmem>> -> memref<4x100xi32, #tpu.memory_space<vmem>>
    %dma_start3A_782 = arith.constant 0 : i32
    %dma_start3A_783 = arith.constant 0 : i32
    %dma_start3A_784 = tpu.memref_slice %arg4[%arg1, %dma_start3A_775, %dma_start3A_782, %dma_start3A_783] : memref<16x50x4x100xi32, #tpu.memory_space<hbm>> -> memref<1x1x4x100xi32, #tpu.memory_space<hbm>>
    %dma_start3A_785 = tpu.memref_squeeze %dma_start3A_784 : memref<1x1x4x100xi32, #tpu.memory_space<hbm>> -> memref<4x100xi32, #tpu.memory_space<hbm>>
    %dma_start3A_786 = tpu.memref_slice %arg14[%dma_start3A_777] : memref<6x!tpu.dma_semaphore, #tpu.memory_space<semaphore_mem>> -> memref<1x!tpu.dma_semaphore, #tpu.memory_space<semaphore_mem>>
    %dma_start3A_787 = tpu.memref_squeeze %dma_start3A_786 : memref<1x!tpu.dma_semaphore, #tpu.memory_space<semaphore_mem>> -> memref<!tpu.dma_semaphore, #tpu.memory_space<semaphore_mem>>
    %dma_start3A_788 = arith.constant 0 : i32
    %dma_start3A_789 = arith.constant 0 : i32
    %dma_start3A_790 = tpu.memref_slice %arg8[%dma_start3A_776, %dma_start3A_788, %dma_start3A_789] : memref<6x4x100xi32, #tpu.memory_space<vmem>> -> memref<1x4x100xi32, #tpu.memory_space<vmem>>
    %dma_start3A_791 = tpu.memref_squeeze %dma_start3A_790 : memref<1x4x100xi32, #tpu.memory_space<vmem>> -> memref<4x100xi32, #tpu.memory_space<vmem>>
    %dma_start3A_792 = arith.constant 0 : i32
    %dma_start3A_793 = arith.constant 0 : i32
    %dma_start3A_794 = tpu.memref_slice %arg4[%arg1, %dma_start3A_775, %dma_start3A_792, %dma_start3A_793] : memref<16x50x4x100xi32, #tpu.memory_space<hbm>> -> memref<1x1x4x100xi32, #tpu.memory_space<hbm>>
    %dma_start3A_795 = tpu.memref_squeeze %dma_start3A_794 : memref<1x1x4x100xi32, #tpu.memory_space<hbm>> -> memref<4x100xi32, #tpu.memory_space<hbm>>
    tpu.enqueue_dma source(%dma_start3A_795 : memref<4x100xi32, #tpu.memory_space<hbm>>) target(%dma_start3A_791 : memref<4x100xi32, #tpu.memory_space<vmem>>) target_semaphore(%dma_start3A_787 : memref<!tpu.dma_semaphore, #tpu.memory_space<semaphore_mem>>)
    %dma_start3A_796 = arith.constant 2 : i32
    %dma_start3A_797 = arith.constant 2 : i32
    %dma_start3A_798 = arith.constant 2 : i32
    %dma_start3A_799 = arith.constant 0 : i32
    %dma_start3A_800 = arith.constant 0 : i32
    %dma_start3A_801 = tpu.memref_slice %arg7[%dma_start3A_797, %dma_start3A_799, %dma_start3A_800] : memref<6x4x100xi32, #tpu.memory_space<vmem>> -> memref<1x4x100xi32, #tpu.memory_space<vmem>>
    %dma_start3A_802 = tpu.memref_squeeze %dma_start3A_801 : memref<1x4x100xi32, #tpu.memory_space<vmem>> -> memref<4x100xi32, #tpu.memory_space<vmem>>
    %dma_start3A_803 = arith.constant 0 : i32
    %dma_start3A_804 = arith.constant 0 : i32
    %dma_start3A_805 = tpu.memref_slice %arg3[%arg1, %dma_start3A_796, %dma_start3A_803, %dma_start3A_804] : memref<16x50x4x100xi32, #tpu.memory_space<hbm>> -> memref<1x1x4x100xi32, #tpu.memory_space<hbm>>
    %dma_start3A_806 = tpu.memref_squeeze %dma_start3A_805 : memref<1x1x4x100xi32, #tpu.memory_space<hbm>> -> memref<4x100xi32, #tpu.memory_space<hbm>>
    %dma_start3A_807 = tpu.memref_slice %arg14[%dma_start3A_798] : memref<6x!tpu.dma_semaphore, #tpu.memory_space<semaphore_mem>> -> memref<1x!tpu.dma_semaphore, #tpu.memory_space<semaphore_mem>>
    %dma_start3A_808 = tpu.memref_squeeze %dma_start3A_807 : memref<1x!tpu.dma_semaphore, #tpu.memory_space<semaphore_mem>> -> memref<!tpu.dma_semaphore, #tpu.memory_space<semaphore_mem>>
    %dma_start3A_809 = arith.constant 0 : i32
    %dma_start3A_810 = arith.constant 0 : i32
    %dma_start3A_811 = tpu.memref_slice %arg7[%dma_start3A_797, %dma_start3A_809, %dma_start3A_810] : memref<6x4x100xi32, #tpu.memory_space<vmem>> -> memref<1x4x100xi32, #tpu.memory_space<vmem>>
    %dma_start3A_812 = tpu.memref_squeeze %dma_start3A_811 : memref<1x4x100xi32, #tpu.memory_space<vmem>> -> memref<4x100xi32, #tpu.memory_space<vmem>>
    %dma_start3A_813 = arith.constant 0 : i32
    %dma_start3A_814 = arith.constant 0 : i32
    %dma_start3A_815 = tpu.memref_slice %arg3[%arg1, %dma_start3A_796, %dma_start3A_813, %dma_start3A_814] : memref<16x50x4x100xi32, #tpu.memory_space<hbm>> -> memref<1x1x4x100xi32, #tpu.memory_space<hbm>>
    %dma_start3A_816 = tpu.memref_squeeze %dma_start3A_815 : memref<1x1x4x100xi32, #tpu.memory_space<hbm>> -> memref<4x100xi32, #tpu.memory_space<hbm>>
    tpu.enqueue_dma source(%dma_start3A_816 : memref<4x100xi32, #tpu.memory_space<hbm>>) target(%dma_start3A_812 : memref<4x100xi32, #tpu.memory_space<vmem>>) target_semaphore(%dma_start3A_808 : memref<!tpu.dma_semaphore, #tpu.memory_space<semaphore_mem>>)
    %dma_start3A_817 = arith.constant 2 : i32
    %dma_start3A_818 = arith.constant 2 : i32
    %dma_start3A_819 = arith.constant 2 : i32
    %dma_start3A_820 = arith.constant 0 : i32
    %dma_start3A_821 = arith.constant 0 : i32
    %dma_start3A_822 = tpu.memref_slice %arg8[%dma_start3A_818, %dma_start3A_820, %dma_start3A_821] : memref<6x4x100xi32, #tpu.memory_space<vmem>> -> memref<1x4x100xi32, #tpu.memory_space<vmem>>
    %dma_start3A_823 = tpu.memref_squeeze %dma_start3A_822 : memref<1x4x100xi32, #tpu.memory_space<vmem>> -> memref<4x100xi32, #tpu.memory_space<vmem>>
    %dma_start3A_824 = arith.constant 0 : i32
    %dma_start3A_825 = arith.constant 0 : i32
    %dma_start3A_826 = tpu.memref_slice %arg4[%arg1, %dma_start3A_817, %dma_start3A_824, %dma_start3A_825] : memref<16x50x4x100xi32, #tpu.memory_space<hbm>> -> memref<1x1x4x100xi32, #tpu.memory_space<hbm>>
    %dma_start3A_827 = tpu.memref_squeeze %dma_start3A_826 : memref<1x1x4x100xi32, #tpu.memory_space<hbm>> -> memref<4x100xi32, #tpu.memory_space<hbm>>
    %dma_start3A_828 = tpu.memref_slice %arg14[%dma_start3A_819] : memref<6x!tpu.dma_semaphore, #tpu.memory_space<semaphore_mem>> -> memref<1x!tpu.dma_semaphore, #tpu.memory_space<semaphore_mem>>
    %dma_start3A_829 = tpu.memref_squeeze %dma_start3A_828 : memref<1x!tpu.dma_semaphore, #tpu.memory_space<semaphore_mem>> -> memref<!tpu.dma_semaphore, #tpu.memory_space<semaphore_mem>>
    %dma_start3A_830 = arith.constant 0 : i32
    %dma_start3A_831 = arith.constant 0 : i32
    %dma_start3A_832 = tpu.memref_slice %arg8[%dma_start3A_818, %dma_start3A_830, %dma_start3A_831] : memref<6x4x100xi32, #tpu.memory_space<vmem>> -> memref<1x4x100xi32, #tpu.memory_space<vmem>>
    %dma_start3A_833 = tpu.memref_squeeze %dma_start3A_832 : memref<1x4x100xi32, #tpu.memory_space<vmem>> -> memref<4x100xi32, #tpu.memory_space<vmem>>
    %dma_start3A_834 = arith.constant 0 : i32
    %dma_start3A_835 = arith.constant 0 : i32
    %dma_start3A_836 = tpu.memref_slice %arg4[%arg1, %dma_start3A_817, %dma_start3A_834, %dma_start3A_835] : memref<16x50x4x100xi32, #tpu.memory_space<hbm>> -> memref<1x1x4x100xi32, #tpu.memory_space<hbm>>
    %dma_start3A_837 = tpu.memref_squeeze %dma_start3A_836 : memref<1x1x4x100xi32, #tpu.memory_space<hbm>> -> memref<4x100xi32, #tpu.memory_space<hbm>>
    tpu.enqueue_dma source(%dma_start3A_837 : memref<4x100xi32, #tpu.memory_space<hbm>>) target(%dma_start3A_833 : memref<4x100xi32, #tpu.memory_space<vmem>>) target_semaphore(%dma_start3A_829 : memref<!tpu.dma_semaphore, #tpu.memory_space<semaphore_mem>>)
    %dma_start3A_838 = arith.constant 3 : i32
    %dma_start3A_839 = arith.constant 3 : i32
    %dma_start3A_840 = arith.constant 3 : i32
    %dma_start3A_841 = arith.constant 0 : i32
    %dma_start3A_842 = arith.constant 0 : i32
    %dma_start3A_843 = tpu.memref_slice %arg7[%dma_start3A_839, %dma_start3A_841, %dma_start3A_842] : memref<6x4x100xi32, #tpu.memory_space<vmem>> -> memref<1x4x100xi32, #tpu.memory_space<vmem>>
    %dma_start3A_844 = tpu.memref_squeeze %dma_start3A_843 : memref<1x4x100xi32, #tpu.memory_space<vmem>> -> memref<4x100xi32, #tpu.memory_space<vmem>>
    %dma_start3A_845 = arith.constant 0 : i32
    %dma_start3A_846 = arith.constant 0 : i32
    %dma_start3A_847 = tpu.memref_slice %arg3[%arg1, %dma_start3A_838, %dma_start3A_845, %dma_start3A_846] : memref<16x50x4x100xi32, #tpu.memory_space<hbm>> -> memref<1x1x4x100xi32, #tpu.memory_space<hbm>>
    %dma_start3A_848 = tpu.memref_squeeze %dma_start3A_847 : memref<1x1x4x100xi32, #tpu.memory_space<hbm>> -> memref<4x100xi32, #tpu.memory_space<hbm>>
    %dma_start3A_849 = tpu.memref_slice %arg14[%dma_start3A_840] : memref<6x!tpu.dma_semaphore, #tpu.memory_space<semaphore_mem>> -> memref<1x!tpu.dma_semaphore, #tpu.memory_space<semaphore_mem>>
    %dma_start3A_850 = tpu.memref_squeeze %dma_start3A_849 : memref<1x!tpu.dma_semaphore, #tpu.memory_space<semaphore_mem>> -> memref<!tpu.dma_semaphore, #tpu.memory_space<semaphore_mem>>
    %dma_start3A_851 = arith.constant 0 : i32
    %dma_start3A_852 = arith.constant 0 : i32
    %dma_start3A_853 = tpu.memref_slice %arg7[%dma_start3A_839, %dma_start3A_851, %dma_start3A_852] : memref<6x4x100xi32, #tpu.memory_space<vmem>> -> memref<1x4x100xi32, #tpu.memory_space<vmem>>
    %dma_start3A_854 = tpu.memref_squeeze %dma_start3A_853 : memref<1x4x100xi32, #tpu.memory_space<vmem>> -> memref<4x100xi32, #tpu.memory_space<vmem>>
    %dma_start3A_855 = arith.constant 0 : i32
    %dma_start3A_856 = arith.constant 0 : i32
    %dma_start3A_857 = tpu.memref_slice %arg3[%arg1, %dma_start3A_838, %dma_start3A_855, %dma_start3A_856] : memref<16x50x4x100xi32, #tpu.memory_space<hbm>> -> memref<1x1x4x100xi32, #tpu.memory_space<hbm>>
    %dma_start3A_858 = tpu.memref_squeeze %dma_start3A_857 : memref<1x1x4x100xi32, #tpu.memory_space<hbm>> -> memref<4x100xi32, #tpu.memory_space<hbm>>
    tpu.enqueue_dma source(%dma_start3A_858 : memref<4x100xi32, #tpu.memory_space<hbm>>) target(%dma_start3A_854 : memref<4x100xi32, #tpu.memory_space<vmem>>) target_semaphore(%dma_start3A_850 : memref<!tpu.dma_semaphore, #tpu.memory_space<semaphore_mem>>)
    %dma_start3A_859 = arith.constant 3 : i32
    %dma_start3A_860 = arith.constant 3 : i32
    %dma_start3A_861 = arith.constant 3 : i32
    %dma_start3A_862 = arith.constant 0 : i32
    %dma_start3A_863 = arith.constant 0 : i32
    %dma_start3A_864 = tpu.memref_slice %arg8[%dma_start3A_860, %dma_start3A_862, %dma_start3A_863] : memref<6x4x100xi32, #tpu.memory_space<vmem>> -> memref<1x4x100xi32, #tpu.memory_space<vmem>>
    %dma_start3A_865 = tpu.memref_squeeze %dma_start3A_864 : memref<1x4x100xi32, #tpu.memory_space<vmem>> -> memref<4x100xi32, #tpu.memory_space<vmem>>
    %dma_start3A_866 = arith.constant 0 : i32
    %dma_start3A_867 = arith.constant 0 : i32
    %dma_start3A_868 = tpu.memref_slice %arg4[%arg1, %dma_start3A_859, %dma_start3A_866, %dma_start3A_867] : memref<16x50x4x100xi32, #tpu.memory_space<hbm>> -> memref<1x1x4x100xi32, #tpu.memory_space<hbm>>
    %dma_start3A_869 = tpu.memref_squeeze %dma_start3A_868 : memref<1x1x4x100xi32, #tpu.memory_space<hbm>> -> memref<4x100xi32, #tpu.memory_space<hbm>>
    %dma_start3A_870 = tpu.memref_slice %arg14[%dma_start3A_861] : memref<6x!tpu.dma_semaphore, #tpu.memory_space<semaphore_mem>> -> memref<1x!tpu.dma_semaphore, #tpu.memory_space<semaphore_mem>>
    %dma_start3A_871 = tpu.memref_squeeze %dma_start3A_870 : memref<1x!tpu.dma_semaphore, #tpu.memory_space<semaphore_mem>> -> memref<!tpu.dma_semaphore, #tpu.memory_space<semaphore_mem>>
    %dma_start3A_872 = arith.constant 0 : i32
    %dma_start3A_873 = arith.constant 0 : i32
    %dma_start3A_874 = tpu.memref_slice %arg8[%dma_start3A_860, %dma_start3A_872, %dma_start3A_873] : memref<6x4x100xi32, #tpu.memory_space<vmem>> -> memref<1x4x100xi32, #tpu.memory_space<vmem>>
    %dma_start3A_875 = tpu.memref_squeeze %dma_start3A_874 : memref<1x4x100xi32, #tpu.memory_space<vmem>> -> memref<4x100xi32, #tpu.memory_space<vmem>>
    %dma_start3A_876 = arith.constant 0 : i32
    %dma_start3A_877 = arith.constant 0 : i32
    %dma_start3A_878 = tpu.memref_slice %arg4[%arg1, %dma_start3A_859, %dma_start3A_876, %dma_start3A_877] : memref<16x50x4x100xi32, #tpu.memory_space<hbm>> -> memref<1x1x4x100xi32, #tpu.memory_space<hbm>>
    %dma_start3A_879 = tpu.memref_squeeze %dma_start3A_878 : memref<1x1x4x100xi32, #tpu.memory_space<hbm>> -> memref<4x100xi32, #tpu.memory_space<hbm>>
    tpu.enqueue_dma source(%dma_start3A_879 : memref<4x100xi32, #tpu.memory_space<hbm>>) target(%dma_start3A_875 : memref<4x100xi32, #tpu.memory_space<vmem>>) target_semaphore(%dma_start3A_871 : memref<!tpu.dma_semaphore, #tpu.memory_space<semaphore_mem>>)
    %dma_start3A_880 = arith.constant 4 : i32
    %dma_start3A_881 = arith.constant 4 : i32
    %dma_start3A_882 = arith.constant 4 : i32
    %dma_start3A_883 = arith.constant 0 : i32
    %dma_start3A_884 = arith.constant 0 : i32
    %dma_start3A_885 = tpu.memref_slice %arg7[%dma_start3A_881, %dma_start3A_883, %dma_start3A_884] : memref<6x4x100xi32, #tpu.memory_space<vmem>> -> memref<1x4x100xi32, #tpu.memory_space<vmem>>
    %dma_start3A_886 = tpu.memref_squeeze %dma_start3A_885 : memref<1x4x100xi32, #tpu.memory_space<vmem>> -> memref<4x100xi32, #tpu.memory_space<vmem>>
    %dma_start3A_887 = arith.constant 0 : i32
    %dma_start3A_888 = arith.constant 0 : i32
    %dma_start3A_889 = tpu.memref_slice %arg3[%arg1, %dma_start3A_880, %dma_start3A_887, %dma_start3A_888] : memref<16x50x4x100xi32, #tpu.memory_space<hbm>> -> memref<1x1x4x100xi32, #tpu.memory_space<hbm>>
    %dma_start3A_890 = tpu.memref_squeeze %dma_start3A_889 : memref<1x1x4x100xi32, #tpu.memory_space<hbm>> -> memref<4x100xi32, #tpu.memory_space<hbm>>
    %dma_start3A_891 = tpu.memref_slice %arg14[%dma_start3A_882] : memref<6x!tpu.dma_semaphore, #tpu.memory_space<semaphore_mem>> -> memref<1x!tpu.dma_semaphore, #tpu.memory_space<semaphore_mem>>
    %dma_start3A_892 = tpu.memref_squeeze %dma_start3A_891 : memref<1x!tpu.dma_semaphore, #tpu.memory_space<semaphore_mem>> -> memref<!tpu.dma_semaphore, #tpu.memory_space<semaphore_mem>>
    %dma_start3A_893 = arith.constant 0 : i32
    %dma_start3A_894 = arith.constant 0 : i32
    %dma_start3A_895 = tpu.memref_slice %arg7[%dma_start3A_881, %dma_start3A_893, %dma_start3A_894] : memref<6x4x100xi32, #tpu.memory_space<vmem>> -> memref<1x4x100xi32, #tpu.memory_space<vmem>>
    %dma_start3A_896 = tpu.memref_squeeze %dma_start3A_895 : memref<1x4x100xi32, #tpu.memory_space<vmem>> -> memref<4x100xi32, #tpu.memory_space<vmem>>
    %dma_start3A_897 = arith.constant 0 : i32
    %dma_start3A_898 = arith.constant 0 : i32
    %dma_start3A_899 = tpu.memref_slice %arg3[%arg1, %dma_start3A_880, %dma_start3A_897, %dma_start3A_898] : memref<16x50x4x100xi32, #tpu.memory_space<hbm>> -> memref<1x1x4x100xi32, #tpu.memory_space<hbm>>
    %dma_start3A_900 = tpu.memref_squeeze %dma_start3A_899 : memref<1x1x4x100xi32, #tpu.memory_space<hbm>> -> memref<4x100xi32, #tpu.memory_space<hbm>>
    tpu.enqueue_dma source(%dma_start3A_900 : memref<4x100xi32, #tpu.memory_space<hbm>>) target(%dma_start3A_896 : memref<4x100xi32, #tpu.memory_space<vmem>>) target_semaphore(%dma_start3A_892 : memref<!tpu.dma_semaphore, #tpu.memory_space<semaphore_mem>>)
    %dma_start3A_901 = arith.constant 4 : i32
    %dma_start3A_902 = arith.constant 4 : i32
    %dma_start3A_903 = arith.constant 4 : i32
    %dma_start3A_904 = arith.constant 0 : i32
    %dma_start3A_905 = arith.constant 0 : i32
    %dma_start3A_906 = tpu.memref_slice %arg8[%dma_start3A_902, %dma_start3A_904, %dma_start3A_905] : memref<6x4x100xi32, #tpu.memory_space<vmem>> -> memref<1x4x100xi32, #tpu.memory_space<vmem>>
    %dma_start3A_907 = tpu.memref_squeeze %dma_start3A_906 : memref<1x4x100xi32, #tpu.memory_space<vmem>> -> memref<4x100xi32, #tpu.memory_space<vmem>>
    %dma_start3A_908 = arith.constant 0 : i32
    %dma_start3A_909 = arith.constant 0 : i32
    %dma_start3A_910 = tpu.memref_slice %arg4[%arg1, %dma_start3A_901, %dma_start3A_908, %dma_start3A_909] : memref<16x50x4x100xi32, #tpu.memory_space<hbm>> -> memref<1x1x4x100xi32, #tpu.memory_space<hbm>>
    %dma_start3A_911 = tpu.memref_squeeze %dma_start3A_910 : memref<1x1x4x100xi32, #tpu.memory_space<hbm>> -> memref<4x100xi32, #tpu.memory_space<hbm>>
    %dma_start3A_912 = tpu.memref_slice %arg14[%dma_start3A_903] : memref<6x!tpu.dma_semaphore, #tpu.memory_space<semaphore_mem>> -> memref<1x!tpu.dma_semaphore, #tpu.memory_space<semaphore_mem>>
    %dma_start3A_913 = tpu.memref_squeeze %dma_start3A_912 : memref<1x!tpu.dma_semaphore, #tpu.memory_space<semaphore_mem>> -> memref<!tpu.dma_semaphore, #tpu.memory_space<semaphore_mem>>
    %dma_start3A_914 = arith.constant 0 : i32
    %dma_start3A_915 = arith.constant 0 : i32
    %dma_start3A_916 = tpu.memref_slice %arg8[%dma_start3A_902, %dma_start3A_914, %dma_start3A_915] : memref<6x4x100xi32, #tpu.memory_space<vmem>> -> memref<1x4x100xi32, #tpu.memory_space<vmem>>
    %dma_start3A_917 = tpu.memref_squeeze %dma_start3A_916 : memref<1x4x100xi32, #tpu.memory_space<vmem>> -> memref<4x100xi32, #tpu.memory_space<vmem>>
    %dma_start3A_918 = arith.constant 0 : i32
    %dma_start3A_919 = arith.constant 0 : i32
    %dma_start3A_920 = tpu.memref_slice %arg4[%arg1, %dma_start3A_901, %dma_start3A_918, %dma_start3A_919] : memref<16x50x4x100xi32, #tpu.memory_space<hbm>> -> memref<1x1x4x100xi32, #tpu.memory_space<hbm>>
    %dma_start3A_921 = tpu.memref_squeeze %dma_start3A_920 : memref<1x1x4x100xi32, #tpu.memory_space<hbm>> -> memref<4x100xi32, #tpu.memory_space<hbm>>
    tpu.enqueue_dma source(%dma_start3A_921 : memref<4x100xi32, #tpu.memory_space<hbm>>) target(%dma_start3A_917 : memref<4x100xi32, #tpu.memory_space<vmem>>) target_semaphore(%dma_start3A_913 : memref<!tpu.dma_semaphore, #tpu.memory_space<semaphore_mem>>)
    %dma_start3A_922 = arith.constant 5 : i32
    %dma_start3A_923 = arith.constant 5 : i32
    %dma_start3A_924 = arith.constant 5 : i32
    %dma_start3A_925 = arith.constant 0 : i32
    %dma_start3A_926 = arith.constant 0 : i32
    %dma_start3A_927 = tpu.memref_slice %arg7[%dma_start3A_923, %dma_start3A_925, %dma_start3A_926] : memref<6x4x100xi32, #tpu.memory_space<vmem>> -> memref<1x4x100xi32, #tpu.memory_space<vmem>>
    %dma_start3A_928 = tpu.memref_squeeze %dma_start3A_927 : memref<1x4x100xi32, #tpu.memory_space<vmem>> -> memref<4x100xi32, #tpu.memory_space<vmem>>
    %dma_start3A_929 = arith.constant 0 : i32
    %dma_start3A_930 = arith.constant 0 : i32
    %dma_start3A_931 = tpu.memref_slice %arg3[%arg1, %dma_start3A_922, %dma_start3A_929, %dma_start3A_930] : memref<16x50x4x100xi32, #tpu.memory_space<hbm>> -> memref<1x1x4x100xi32, #tpu.memory_space<hbm>>
    %dma_start3A_932 = tpu.memref_squeeze %dma_start3A_931 : memref<1x1x4x100xi32, #tpu.memory_space<hbm>> -> memref<4x100xi32, #tpu.memory_space<hbm>>
    %dma_start3A_933 = tpu.memref_slice %arg14[%dma_start3A_924] : memref<6x!tpu.dma_semaphore, #tpu.memory_space<semaphore_mem>> -> memref<1x!tpu.dma_semaphore, #tpu.memory_space<semaphore_mem>>
    %dma_start3A_934 = tpu.memref_squeeze %dma_start3A_933 : memref<1x!tpu.dma_semaphore, #tpu.memory_space<semaphore_mem>> -> memref<!tpu.dma_semaphore, #tpu.memory_space<semaphore_mem>>
    %dma_start3A_935 = arith.constant 0 : i32
    %dma_start3A_936 = arith.constant 0 : i32
    %dma_start3A_937 = tpu.memref_slice %arg7[%dma_start3A_923, %dma_start3A_935, %dma_start3A_936] : memref<6x4x100xi32, #tpu.memory_space<vmem>> -> memref<1x4x100xi32, #tpu.memory_space<vmem>>
    %dma_start3A_938 = tpu.memref_squeeze %dma_start3A_937 : memref<1x4x100xi32, #tpu.memory_space<vmem>> -> memref<4x100xi32, #tpu.memory_space<vmem>>
    %dma_start3A_939 = arith.constant 0 : i32
    %dma_start3A_940 = arith.constant 0 : i32
    %dma_start3A_941 = tpu.memref_slice %arg3[%arg1, %dma_start3A_922, %dma_start3A_939, %dma_start3A_940] : memref<16x50x4x100xi32, #tpu.memory_space<hbm>> -> memref<1x1x4x100xi32, #tpu.memory_space<hbm>>
    %dma_start3A_942 = tpu.memref_squeeze %dma_start3A_941 : memref<1x1x4x100xi32, #tpu.memory_space<hbm>> -> memref<4x100xi32, #tpu.memory_space<hbm>>
    tpu.enqueue_dma source(%dma_start3A_942 : memref<4x100xi32, #tpu.memory_space<hbm>>) target(%dma_start3A_938 : memref<4x100xi32, #tpu.memory_space<vmem>>) target_semaphore(%dma_start3A_934 : memref<!tpu.dma_semaphore, #tpu.memory_space<semaphore_mem>>)
    %dma_start3A_943 = arith.constant 5 : i32
    %dma_start3A_944 = arith.constant 5 : i32
    %dma_start3A_945 = arith.constant 5 : i32
    %dma_start3A_946 = arith.constant 0 : i32
    %dma_start3A_947 = arith.constant 0 : i32
    %dma_start3A_948 = tpu.memref_slice %arg8[%dma_start3A_944, %dma_start3A_946, %dma_start3A_947] : memref<6x4x100xi32, #tpu.memory_space<vmem>> -> memref<1x4x100xi32, #tpu.memory_space<vmem>>
    %dma_start3A_949 = tpu.memref_squeeze %dma_start3A_948 : memref<1x4x100xi32, #tpu.memory_space<vmem>> -> memref<4x100xi32, #tpu.memory_space<vmem>>
    %dma_start3A_950 = arith.constant 0 : i32
    %dma_start3A_951 = arith.constant 0 : i32
    %dma_start3A_952 = tpu.memref_slice %arg4[%arg1, %dma_start3A_943, %dma_start3A_950, %dma_start3A_951] : memref<16x50x4x100xi32, #tpu.memory_space<hbm>> -> memref<1x1x4x100xi32, #tpu.memory_space<hbm>>
    %dma_start3A_953 = tpu.memref_squeeze %dma_start3A_952 : memref<1x1x4x100xi32, #tpu.memory_space<hbm>> -> memref<4x100xi32, #tpu.memory_space<hbm>>
    %dma_start3A_954 = tpu.memref_slice %arg14[%dma_start3A_945] : memref<6x!tpu.dma_semaphore, #tpu.memory_space<semaphore_mem>> -> memref<1x!tpu.dma_semaphore, #tpu.memory_space<semaphore_mem>>
    %dma_start3A_955 = tpu.memref_squeeze %dma_start3A_954 : memref<1x!tpu.dma_semaphore, #tpu.memory_space<semaphore_mem>> -> memref<!tpu.dma_semaphore, #tpu.memory_space<semaphore_mem>>
    %dma_start3A_956 = arith.constant 0 : i32
    %dma_start3A_957 = arith.constant 0 : i32
    %dma_start3A_958 = tpu.memref_slice %arg8[%dma_start3A_944, %dma_start3A_956, %dma_start3A_957] : memref<6x4x100xi32, #tpu.memory_space<vmem>> -> memref<1x4x100xi32, #tpu.memory_space<vmem>>
    %dma_start3A_959 = tpu.memref_squeeze %dma_start3A_958 : memref<1x4x100xi32, #tpu.memory_space<vmem>> -> memref<4x100xi32, #tpu.memory_space<vmem>>
    %dma_start3A_960 = arith.constant 0 : i32
    %dma_start3A_961 = arith.constant 0 : i32
    %dma_start3A_962 = tpu.memref_slice %arg4[%arg1, %dma_start3A_943, %dma_start3A_960, %dma_start3A_961] : memref<16x50x4x100xi32, #tpu.memory_space<hbm>> -> memref<1x1x4x100xi32, #tpu.memory_space<hbm>>
    %dma_start3A_963 = tpu.memref_squeeze %dma_start3A_962 : memref<1x1x4x100xi32, #tpu.memory_space<hbm>> -> memref<4x100xi32, #tpu.memory_space<hbm>>
    tpu.enqueue_dma source(%dma_start3A_963 : memref<4x100xi32, #tpu.memory_space<hbm>>) target(%dma_start3A_959 : memref<4x100xi32, #tpu.memory_space<vmem>>) target_semaphore(%dma_start3A_955 : memref<!tpu.dma_semaphore, #tpu.memory_space<semaphore_mem>>)
    %dma_wait3A_964 = arith.constant 0 : i32
    %dma_wait3A_965 = arith.constant 0 : i32
    %dma_wait3A_966 = arith.constant 0 : i32
    %dma_wait3A_967 = arith.constant 0 : i32
    %dma_wait3A_968 = arith.constant 0 : i32
    %dma_wait3A_969 = tpu.memref_slice %arg7[%dma_wait3A_965, %dma_wait3A_967, %dma_wait3A_968] : memref<6x4x100xi32, #tpu.memory_space<vmem>> -> memref<1x4x100xi32, #tpu.memory_space<vmem>>
    %dma_wait3A_970 = tpu.memref_squeeze %dma_wait3A_969 : memref<1x4x100xi32, #tpu.memory_space<vmem>> -> memref<4x100xi32, #tpu.memory_space<vmem>>
    %dma_wait3A_971 = arith.constant 0 : i32
    %dma_wait3A_972 = arith.constant 0 : i32
    %dma_wait3A_973 = tpu.memref_slice %arg3[%arg1, %dma_wait3A_964, %dma_wait3A_971, %dma_wait3A_972] : memref<16x50x4x100xi32, #tpu.memory_space<hbm>> -> memref<1x1x4x100xi32, #tpu.memory_space<hbm>>
    %dma_wait3A_974 = tpu.memref_squeeze %dma_wait3A_973 : memref<1x1x4x100xi32, #tpu.memory_space<hbm>> -> memref<4x100xi32, #tpu.memory_space<hbm>>
    %dma_wait3A_975 = tpu.memref_slice %arg14[%dma_wait3A_966] : memref<6x!tpu.dma_semaphore, #tpu.memory_space<semaphore_mem>> -> memref<1x!tpu.dma_semaphore, #tpu.memory_space<semaphore_mem>>
    %dma_wait3A_976 = tpu.memref_squeeze %dma_wait3A_975 : memref<1x!tpu.dma_semaphore, #tpu.memory_space<semaphore_mem>> -> memref<!tpu.dma_semaphore, #tpu.memory_space<semaphore_mem>>
    %dma_wait3A_977 = arith.constant 0 : i32
    %dma_wait3A_978 = arith.constant 0 : i32
    %dma_wait3A_979 = tpu.memref_slice %arg7[%dma_wait3A_965, %dma_wait3A_977, %dma_wait3A_978] : memref<6x4x100xi32, #tpu.memory_space<vmem>> -> memref<1x4x100xi32, #tpu.memory_space<vmem>>
    %dma_wait3A_980 = tpu.memref_squeeze %dma_wait3A_979 : memref<1x4x100xi32, #tpu.memory_space<vmem>> -> memref<4x100xi32, #tpu.memory_space<vmem>>
    %dma_wait3A_981 = arith.constant 0 : i32
    %dma_wait3A_982 = arith.constant 0 : i32
    %dma_wait3A_983 = tpu.memref_slice %arg3[%arg1, %dma_wait3A_964, %dma_wait3A_981, %dma_wait3A_982] : memref<16x50x4x100xi32, #tpu.memory_space<hbm>> -> memref<1x1x4x100xi32, #tpu.memory_space<hbm>>
    %dma_wait3A_984 = tpu.memref_squeeze %dma_wait3A_983 : memref<1x1x4x100xi32, #tpu.memory_space<hbm>> -> memref<4x100xi32, #tpu.memory_space<hbm>>
    tpu.wait_dma2 semaphore(%dma_wait3A_976 : memref<!tpu.dma_semaphore, #tpu.memory_space<semaphore_mem>>) src(%dma_wait3A_984 : memref<4x100xi32, #tpu.memory_space<hbm>>) dst(%dma_wait3A_980 : memref<4x100xi32, #tpu.memory_space<vmem>>)
    %dma_wait3A_985 = arith.constant 0 : i32
    %dma_wait3A_986 = arith.constant 0 : i32
    %dma_wait3A_987 = arith.constant 0 : i32
    %dma_wait3A_988 = arith.constant 0 : i32
    %dma_wait3A_989 = arith.constant 0 : i32
    %dma_wait3A_990 = tpu.memref_slice %arg8[%dma_wait3A_986, %dma_wait3A_988, %dma_wait3A_989] : memref<6x4x100xi32, #tpu.memory_space<vmem>> -> memref<1x4x100xi32, #tpu.memory_space<vmem>>
    %dma_wait3A_991 = tpu.memref_squeeze %dma_wait3A_990 : memref<1x4x100xi32, #tpu.memory_space<vmem>> -> memref<4x100xi32, #tpu.memory_space<vmem>>
    %dma_wait3A_992 = arith.constant 0 : i32
    %dma_wait3A_993 = arith.constant 0 : i32
    %dma_wait3A_994 = tpu.memref_slice %arg4[%arg1, %dma_wait3A_985, %dma_wait3A_992, %dma_wait3A_993] : memref<16x50x4x100xi32, #tpu.memory_space<hbm>> -> memref<1x1x4x100xi32, #tpu.memory_space<hbm>>
    %dma_wait3A_995 = tpu.memref_squeeze %dma_wait3A_994 : memref<1x1x4x100xi32, #tpu.memory_space<hbm>> -> memref<4x100xi32, #tpu.memory_space<hbm>>
    %dma_wait3A_996 = tpu.memref_slice %arg14[%dma_wait3A_987] : memref<6x!tpu.dma_semaphore, #tpu.memory_space<semaphore_mem>> -> memref<1x!tpu.dma_semaphore, #tpu.memory_space<semaphore_mem>>
    %dma_wait3A_997 = tpu.memref_squeeze %dma_wait3A_996 : memref<1x!tpu.dma_semaphore, #tpu.memory_space<semaphore_mem>> -> memref<!tpu.dma_semaphore, #tpu.memory_space<semaphore_mem>>
    %dma_wait3A_998 = arith.constant 0 : i32
    %dma_wait3A_999 = arith.constant 0 : i32
    %dma_wait3A_1000 = tpu.memref_slice %arg8[%dma_wait3A_986, %dma_wait3A_998, %dma_wait3A_999] : memref<6x4x100xi32, #tpu.memory_space<vmem>> -> memref<1x4x100xi32, #tpu.memory_space<vmem>>
    %dma_wait3A_1001 = tpu.memref_squeeze %dma_wait3A_1000 : memref<1x4x100xi32, #tpu.memory_space<vmem>> -> memref<4x100xi32, #tpu.memory_space<vmem>>
    %dma_wait3A_1002 = arith.constant 0 : i32
    %dma_wait3A_1003 = arith.constant 0 : i32
    %dma_wait3A_1004 = tpu.memref_slice %arg4[%arg1, %dma_wait3A_985, %dma_wait3A_1002, %dma_wait3A_1003] : memref<16x50x4x100xi32, #tpu.memory_space<hbm>> -> memref<1x1x4x100xi32, #tpu.memory_space<hbm>>
    %dma_wait3A_1005 = tpu.memref_squeeze %dma_wait3A_1004 : memref<1x1x4x100xi32, #tpu.memory_space<hbm>> -> memref<4x100xi32, #tpu.memory_space<hbm>>
    tpu.wait_dma2 semaphore(%dma_wait3A_997 : memref<!tpu.dma_semaphore, #tpu.memory_space<semaphore_mem>>) src(%dma_wait3A_1005 : memref<4x100xi32, #tpu.memory_space<hbm>>) dst(%dma_wait3A_1001 : memref<4x100xi32, #tpu.memory_space<vmem>>)
    %dma_wait3A_1006 = arith.constant 0 : i32
    %dma_wait3A_1007 = arith.constant 1 : i32
    %dma_wait3A_1008 = arith.constant 1 : i32
    %dma_wait3A_1009 = arith.constant 0 : i32
    %dma_wait3A_1010 = arith.constant 0 : i32
    %dma_wait3A_1011 = tpu.memref_slice %arg7[%dma_wait3A_1007, %dma_wait3A_1009, %dma_wait3A_1010] : memref<6x4x100xi32, #tpu.memory_space<vmem>> -> memref<1x4x100xi32, #tpu.memory_space<vmem>>
    %dma_wait3A_1012 = tpu.memref_squeeze %dma_wait3A_1011 : memref<1x4x100xi32, #tpu.memory_space<vmem>> -> memref<4x100xi32, #tpu.memory_space<vmem>>
    %dma_wait3A_1013 = arith.constant 0 : i32
    %dma_wait3A_1014 = arith.constant 0 : i32
    %dma_wait3A_1015 = tpu.memref_slice %arg3[%arg1, %dma_wait3A_1006, %dma_wait3A_1013, %dma_wait3A_1014] : memref<16x50x4x100xi32, #tpu.memory_space<hbm>> -> memref<1x1x4x100xi32, #tpu.memory_space<hbm>>
    %dma_wait3A_1016 = tpu.memref_squeeze %dma_wait3A_1015 : memref<1x1x4x100xi32, #tpu.memory_space<hbm>> -> memref<4x100xi32, #tpu.memory_space<hbm>>
    %dma_wait3A_1017 = tpu.memref_slice %arg14[%dma_wait3A_1008] : memref<6x!tpu.dma_semaphore, #tpu.memory_space<semaphore_mem>> -> memref<1x!tpu.dma_semaphore, #tpu.memory_space<semaphore_mem>>
    %dma_wait3A_1018 = tpu.memref_squeeze %dma_wait3A_1017 : memref<1x!tpu.dma_semaphore, #tpu.memory_space<semaphore_mem>> -> memref<!tpu.dma_semaphore, #tpu.memory_space<semaphore_mem>>
    %dma_wait3A_1019 = arith.constant 0 : i32
    %dma_wait3A_1020 = arith.constant 0 : i32
    %dma_wait3A_1021 = tpu.memref_slice %arg7[%dma_wait3A_1007, %dma_wait3A_1019, %dma_wait3A_1020] : memref<6x4x100xi32, #tpu.memory_space<vmem>> -> memref<1x4x100xi32, #tpu.memory_space<vmem>>
    %dma_wait3A_1022 = tpu.memref_squeeze %dma_wait3A_1021 : memref<1x4x100xi32, #tpu.memory_space<vmem>> -> memref<4x100xi32, #tpu.memory_space<vmem>>
    %dma_wait3A_1023 = arith.constant 0 : i32
    %dma_wait3A_1024 = arith.constant 0 : i32
    %dma_wait3A_1025 = tpu.memref_slice %arg3[%arg1, %dma_wait3A_1006, %dma_wait3A_1023, %dma_wait3A_1024] : memref<16x50x4x100xi32, #tpu.memory_space<hbm>> -> memref<1x1x4x100xi32, #tpu.memory_space<hbm>>
    %dma_wait3A_1026 = tpu.memref_squeeze %dma_wait3A_1025 : memref<1x1x4x100xi32, #tpu.memory_space<hbm>> -> memref<4x100xi32, #tpu.memory_space<hbm>>
    tpu.wait_dma2 semaphore(%dma_wait3A_1018 : memref<!tpu.dma_semaphore, #tpu.memory_space<semaphore_mem>>) src(%dma_wait3A_1026 : memref<4x100xi32, #tpu.memory_space<hbm>>) dst(%dma_wait3A_1022 : memref<4x100xi32, #tpu.memory_space<vmem>>)
    %dma_wait3A_1027 = arith.constant 0 : i32
    %dma_wait3A_1028 = arith.constant 1 : i32
    %dma_wait3A_1029 = arith.constant 1 : i32
    %dma_wait3A_1030 = arith.constant 0 : i32
    %dma_wait3A_1031 = arith.constant 0 : i32
    %dma_wait3A_1032 = tpu.memref_slice %arg8[%dma_wait3A_1028, %dma_wait3A_1030, %dma_wait3A_1031] : memref<6x4x100xi32, #tpu.memory_space<vmem>> -> memref<1x4x100xi32, #tpu.memory_space<vmem>>
    %dma_wait3A_1033 = tpu.memref_squeeze %dma_wait3A_1032 : memref<1x4x100xi32, #tpu.memory_space<vmem>> -> memref<4x100xi32, #tpu.memory_space<vmem>>
    %dma_wait3A_1034 = arith.constant 0 : i32
    %dma_wait3A_1035 = arith.constant 0 : i32
    %dma_wait3A_1036 = tpu.memref_slice %arg4[%arg1, %dma_wait3A_1027, %dma_wait3A_1034, %dma_wait3A_1035] : memref<16x50x4x100xi32, #tpu.memory_space<hbm>> -> memref<1x1x4x100xi32, #tpu.memory_space<hbm>>
    %dma_wait3A_1037 = tpu.memref_squeeze %dma_wait3A_1036 : memref<1x1x4x100xi32, #tpu.memory_space<hbm>> -> memref<4x100xi32, #tpu.memory_space<hbm>>
    %dma_wait3A_1038 = tpu.memref_slice %arg14[%dma_wait3A_1029] : memref<6x!tpu.dma_semaphore, #tpu.memory_space<semaphore_mem>> -> memref<1x!tpu.dma_semaphore, #tpu.memory_space<semaphore_mem>>
    %dma_wait3A_1039 = tpu.memref_squeeze %dma_wait3A_1038 : memref<1x!tpu.dma_semaphore, #tpu.memory_space<semaphore_mem>> -> memref<!tpu.dma_semaphore, #tpu.memory_space<semaphore_mem>>
    %dma_wait3A_1040 = arith.constant 0 : i32
    %dma_wait3A_1041 = arith.constant 0 : i32
    %dma_wait3A_1042 = tpu.memref_slice %arg8[%dma_wait3A_1028, %dma_wait3A_1040, %dma_wait3A_1041] : memref<6x4x100xi32, #tpu.memory_space<vmem>> -> memref<1x4x100xi32, #tpu.memory_space<vmem>>
    %dma_wait3A_1043 = tpu.memref_squeeze %dma_wait3A_1042 : memref<1x4x100xi32, #tpu.memory_space<vmem>> -> memref<4x100xi32, #tpu.memory_space<vmem>>
    %dma_wait3A_1044 = arith.constant 0 : i32
    %dma_wait3A_1045 = arith.constant 0 : i32
    %dma_wait3A_1046 = tpu.memref_slice %arg4[%arg1, %dma_wait3A_1027, %dma_wait3A_1044, %dma_wait3A_1045] : memref<16x50x4x100xi32, #tpu.memory_space<hbm>> -> memref<1x1x4x100xi32, #tpu.memory_space<hbm>>
    %dma_wait3A_1047 = tpu.memref_squeeze %dma_wait3A_1046 : memref<1x1x4x100xi32, #tpu.memory_space<hbm>> -> memref<4x100xi32, #tpu.memory_space<hbm>>
    tpu.wait_dma2 semaphore(%dma_wait3A_1039 : memref<!tpu.dma_semaphore, #tpu.memory_space<semaphore_mem>>) src(%dma_wait3A_1047 : memref<4x100xi32, #tpu.memory_space<hbm>>) dst(%dma_wait3A_1043 : memref<4x100xi32, #tpu.memory_space<vmem>>)
    %barrier3A = arith.constant 0 : index
    tpu.barrier barrier_id(%barrier3A)
    %dma_start3A_1048 = arith.constant 0 : i32
    %dma_start3A_1049 = arith.constant 0 : i32
    %dma_start3A_1050 = arith.constant 0 : i32
    %dma_start3A_1051 = arith.constant 0 : i32
    %dma_start3A_1052 = arith.constant 0 : i32
    %dma_start3A_1053 = arith.constant 0 : i32
    %dma_start3A_1054 = tpu.memref_slice %arg9[%dma_start3A_1050, %dma_start3A_1052, %dma_start3A_1053] : memref<8x100x80xf32, #tpu.memory_space<vmem>> -> memref<1x100x80xf32, #tpu.memory_space<vmem>>
    %dma_start3A_1055 = tpu.memref_squeeze %dma_start3A_1054 : memref<1x100x80xf32, #tpu.memory_space<vmem>> -> memref<100x80xf32, #tpu.memory_space<vmem>>
    %dma_start3A_1056 = arith.constant 0 : i32
    %dma_start3A_1057 = tpu.memref_slice %arg7[%dma_start3A_1048, %dma_start3A_1049, %dma_start3A_1056] : memref<6x4x100xi32, #tpu.memory_space<vmem>> -> memref<1x1x100xi32, #tpu.memory_space<vmem>>
    %dma_start3A_1058 = tpu.memref_squeeze %dma_start3A_1057 : memref<1x1x100xi32, #tpu.memory_space<vmem>> -> memref<100xi32, #tpu.memory_space<vmem>>
    %dma_start3A_1059 = arith.constant 0 : i32
    %dma_start3A_1060 = tpu.memref_slice %arg6[%mul3A_2, %dma_start3A_1059] : memref<20000x80xf32, #tpu.memory_space<hbm>> -> memref<10000x80xf32, #tpu.memory_space<hbm>>
    %dma_start3A_1061 = arith.constant 0 : i32
    %dma_start3A_1062 = arith.constant 0 : i32
    %dma_start3A_1063 = tpu.memref_slice %dma_start3A_1060[%dma_start3A_1061, %dma_start3A_1062] : memref<10000x80xf32, #tpu.memory_space<hbm>> -> memref<10000x80xf32, #tpu.memory_space<hbm>>
    %dma_start3A_1064 = tpu.memref_slice %arg12[%dma_start3A_1051] : memref<8x!tpu.dma_semaphore, #tpu.memory_space<semaphore_mem>> -> memref<1x!tpu.dma_semaphore, #tpu.memory_space<semaphore_mem>>
    %dma_start3A_1065 = tpu.memref_squeeze %dma_start3A_1064 : memref<1x!tpu.dma_semaphore, #tpu.memory_space<semaphore_mem>> -> memref<!tpu.dma_semaphore, #tpu.memory_space<semaphore_mem>>
    tpu.enqueue_indirect_dma source(%dma_start3A_1063 : memref<10000x80xf32, #tpu.memory_space<hbm>>) target(%dma_start3A_1055 : memref<100x80xf32, #tpu.memory_space<vmem>>) offsets(%dma_start3A_1058 : memref<100xi32, #tpu.memory_space<vmem>>) semaphore(%dma_start3A_1065 : memref<!tpu.dma_semaphore, #tpu.memory_space<semaphore_mem>>)
    %dma_start3A_1066 = arith.constant 0 : i32
    %dma_start3A_1067 = arith.constant 1 : i32
    %dma_start3A_1068 = arith.constant 1 : i32
    %dma_start3A_1069 = arith.constant 1 : i32
    %dma_start3A_1070 = arith.constant 0 : i32
    %dma_start3A_1071 = arith.constant 0 : i32
    %dma_start3A_1072 = tpu.memref_slice %arg9[%dma_start3A_1068, %dma_start3A_1070, %dma_start3A_1071] : memref<8x100x80xf32, #tpu.memory_space<vmem>> -> memref<1x100x80xf32, #tpu.memory_space<vmem>>
    %dma_start3A_1073 = tpu.memref_squeeze %dma_start3A_1072 : memref<1x100x80xf32, #tpu.memory_space<vmem>> -> memref<100x80xf32, #tpu.memory_space<vmem>>
    %dma_start3A_1074 = arith.constant 0 : i32
    %dma_start3A_1075 = tpu.memref_slice %arg7[%dma_start3A_1066, %dma_start3A_1067, %dma_start3A_1074] : memref<6x4x100xi32, #tpu.memory_space<vmem>> -> memref<1x1x100xi32, #tpu.memory_space<vmem>>
    %dma_start3A_1076 = tpu.memref_squeeze %dma_start3A_1075 : memref<1x1x100xi32, #tpu.memory_space<vmem>> -> memref<100xi32, #tpu.memory_space<vmem>>
    %dma_start3A_1077 = arith.constant 0 : i32
    %dma_start3A_1078 = tpu.memref_slice %arg6[%mul3A_2, %dma_start3A_1077] : memref<20000x80xf32, #tpu.memory_space<hbm>> -> memref<10000x80xf32, #tpu.memory_space<hbm>>
    %dma_start3A_1079 = arith.constant 0 : i32
    %dma_start3A_1080 = arith.constant 0 : i32
    %dma_start3A_1081 = tpu.memref_slice %dma_start3A_1078[%dma_start3A_1079, %dma_start3A_1080] : memref<10000x80xf32, #tpu.memory_space<hbm>> -> memref<10000x80xf32, #tpu.memory_space<hbm>>
    %dma_start3A_1082 = tpu.memref_slice %arg12[%dma_start3A_1069] : memref<8x!tpu.dma_semaphore, #tpu.memory_space<semaphore_mem>> -> memref<1x!tpu.dma_semaphore, #tpu.memory_space<semaphore_mem>>
    %dma_start3A_1083 = tpu.memref_squeeze %dma_start3A_1082 : memref<1x!tpu.dma_semaphore, #tpu.memory_space<semaphore_mem>> -> memref<!tpu.dma_semaphore, #tpu.memory_space<semaphore_mem>>
    tpu.enqueue_indirect_dma source(%dma_start3A_1081 : memref<10000x80xf32, #tpu.memory_space<hbm>>) target(%dma_start3A_1073 : memref<100x80xf32, #tpu.memory_space<vmem>>) offsets(%dma_start3A_1076 : memref<100xi32, #tpu.memory_space<vmem>>) semaphore(%dma_start3A_1083 : memref<!tpu.dma_semaphore, #tpu.memory_space<semaphore_mem>>)
    %dma_start3A_1084 = arith.constant 0 : i32
    %dma_start3A_1085 = arith.constant 2 : i32
    %dma_start3A_1086 = arith.constant 2 : i32
    %dma_start3A_1087 = arith.constant 2 : i32
    %dma_start3A_1088 = arith.constant 0 : i32
    %dma_start3A_1089 = arith.constant 0 : i32
    %dma_start3A_1090 = tpu.memref_slice %arg9[%dma_start3A_1086, %dma_start3A_1088, %dma_start3A_1089] : memref<8x100x80xf32, #tpu.memory_space<vmem>> -> memref<1x100x80xf32, #tpu.memory_space<vmem>>
    %dma_start3A_1091 = tpu.memref_squeeze %dma_start3A_1090 : memref<1x100x80xf32, #tpu.memory_space<vmem>> -> memref<100x80xf32, #tpu.memory_space<vmem>>
    %dma_start3A_1092 = arith.constant 0 : i32
    %dma_start3A_1093 = tpu.memref_slice %arg7[%dma_start3A_1084, %dma_start3A_1085, %dma_start3A_1092] : memref<6x4x100xi32, #tpu.memory_space<vmem>> -> memref<1x1x100xi32, #tpu.memory_space<vmem>>
    %dma_start3A_1094 = tpu.memref_squeeze %dma_start3A_1093 : memref<1x1x100xi32, #tpu.memory_space<vmem>> -> memref<100xi32, #tpu.memory_space<vmem>>
    %dma_start3A_1095 = arith.constant 0 : i32
    %dma_start3A_1096 = tpu.memref_slice %arg6[%mul3A_2, %dma_start3A_1095] : memref<20000x80xf32, #tpu.memory_space<hbm>> -> memref<10000x80xf32, #tpu.memory_space<hbm>>
    %dma_start3A_1097 = arith.constant 0 : i32
    %dma_start3A_1098 = arith.constant 0 : i32
    %dma_start3A_1099 = tpu.memref_slice %dma_start3A_1096[%dma_start3A_1097, %dma_start3A_1098] : memref<10000x80xf32, #tpu.memory_space<hbm>> -> memref<10000x80xf32, #tpu.memory_space<hbm>>
    %dma_start3A_1100 = tpu.memref_slice %arg12[%dma_start3A_1087] : memref<8x!tpu.dma_semaphore, #tpu.memory_space<semaphore_mem>> -> memref<1x!tpu.dma_semaphore, #tpu.memory_space<semaphore_mem>>
    %dma_start3A_1101 = tpu.memref_squeeze %dma_start3A_1100 : memref<1x!tpu.dma_semaphore, #tpu.memory_space<semaphore_mem>> -> memref<!tpu.dma_semaphore, #tpu.memory_space<semaphore_mem>>
    tpu.enqueue_indirect_dma source(%dma_start3A_1099 : memref<10000x80xf32, #tpu.memory_space<hbm>>) target(%dma_start3A_1091 : memref<100x80xf32, #tpu.memory_space<vmem>>) offsets(%dma_start3A_1094 : memref<100xi32, #tpu.memory_space<vmem>>) semaphore(%dma_start3A_1101 : memref<!tpu.dma_semaphore, #tpu.memory_space<semaphore_mem>>)
    %dma_start3A_1102 = arith.constant 0 : i32
    %dma_start3A_1103 = arith.constant 3 : i32
    %dma_start3A_1104 = arith.constant 3 : i32
    %dma_start3A_1105 = arith.constant 3 : i32
    %dma_start3A_1106 = arith.constant 0 : i32
    %dma_start3A_1107 = arith.constant 0 : i32
    %dma_start3A_1108 = tpu.memref_slice %arg9[%dma_start3A_1104, %dma_start3A_1106, %dma_start3A_1107] : memref<8x100x80xf32, #tpu.memory_space<vmem>> -> memref<1x100x80xf32, #tpu.memory_space<vmem>>
    %dma_start3A_1109 = tpu.memref_squeeze %dma_start3A_1108 : memref<1x100x80xf32, #tpu.memory_space<vmem>> -> memref<100x80xf32, #tpu.memory_space<vmem>>
    %dma_start3A_1110 = arith.constant 0 : i32
    %dma_start3A_1111 = tpu.memref_slice %arg7[%dma_start3A_1102, %dma_start3A_1103, %dma_start3A_1110] : memref<6x4x100xi32, #tpu.memory_space<vmem>> -> memref<1x1x100xi32, #tpu.memory_space<vmem>>
    %dma_start3A_1112 = tpu.memref_squeeze %dma_start3A_1111 : memref<1x1x100xi32, #tpu.memory_space<vmem>> -> memref<100xi32, #tpu.memory_space<vmem>>
    %dma_start3A_1113 = arith.constant 0 : i32
    %dma_start3A_1114 = tpu.memref_slice %arg6[%mul3A_2, %dma_start3A_1113] : memref<20000x80xf32, #tpu.memory_space<hbm>> -> memref<10000x80xf32, #tpu.memory_space<hbm>>
    %dma_start3A_1115 = arith.constant 0 : i32
    %dma_start3A_1116 = arith.constant 0 : i32
    %dma_start3A_1117 = tpu.memref_slice %dma_start3A_1114[%dma_start3A_1115, %dma_start3A_1116] : memref<10000x80xf32, #tpu.memory_space<hbm>> -> memref<10000x80xf32, #tpu.memory_space<hbm>>
    %dma_start3A_1118 = tpu.memref_slice %arg12[%dma_start3A_1105] : memref<8x!tpu.dma_semaphore, #tpu.memory_space<semaphore_mem>> -> memref<1x!tpu.dma_semaphore, #tpu.memory_space<semaphore_mem>>
    %dma_start3A_1119 = tpu.memref_squeeze %dma_start3A_1118 : memref<1x!tpu.dma_semaphore, #tpu.memory_space<semaphore_mem>> -> memref<!tpu.dma_semaphore, #tpu.memory_space<semaphore_mem>>
    tpu.enqueue_indirect_dma source(%dma_start3A_1117 : memref<10000x80xf32, #tpu.memory_space<hbm>>) target(%dma_start3A_1109 : memref<100x80xf32, #tpu.memory_space<vmem>>) offsets(%dma_start3A_1112 : memref<100xi32, #tpu.memory_space<vmem>>) semaphore(%dma_start3A_1119 : memref<!tpu.dma_semaphore, #tpu.memory_space<semaphore_mem>>)
    %dma_start3A_1120 = arith.constant 1 : i32
    %dma_start3A_1121 = arith.constant 0 : i32
    %dma_start3A_1122 = arith.constant 4 : i32
    %dma_start3A_1123 = arith.constant 4 : i32
    %dma_start3A_1124 = arith.constant 0 : i32
    %dma_start3A_1125 = arith.constant 0 : i32
    %dma_start3A_1126 = tpu.memref_slice %arg9[%dma_start3A_1122, %dma_start3A_1124, %dma_start3A_1125] : memref<8x100x80xf32, #tpu.memory_space<vmem>> -> memref<1x100x80xf32, #tpu.memory_space<vmem>>
    %dma_start3A_1127 = tpu.memref_squeeze %dma_start3A_1126 : memref<1x100x80xf32, #tpu.memory_space<vmem>> -> memref<100x80xf32, #tpu.memory_space<vmem>>
    %dma_start3A_1128 = arith.constant 0 : i32
    %dma_start3A_1129 = tpu.memref_slice %arg7[%dma_start3A_1120, %dma_start3A_1121, %dma_start3A_1128] : memref<6x4x100xi32, #tpu.memory_space<vmem>> -> memref<1x1x100xi32, #tpu.memory_space<vmem>>
    %dma_start3A_1130 = tpu.memref_squeeze %dma_start3A_1129 : memref<1x1x100xi32, #tpu.memory_space<vmem>> -> memref<100xi32, #tpu.memory_space<vmem>>
    %dma_start3A_1131 = arith.constant 0 : i32
    %dma_start3A_1132 = tpu.memref_slice %arg6[%mul3A_2, %dma_start3A_1131] : memref<20000x80xf32, #tpu.memory_space<hbm>> -> memref<10000x80xf32, #tpu.memory_space<hbm>>
    %dma_start3A_1133 = arith.constant 0 : i32
    %dma_start3A_1134 = arith.constant 0 : i32
    %dma_start3A_1135 = tpu.memref_slice %dma_start3A_1132[%dma_start3A_1133, %dma_start3A_1134] : memref<10000x80xf32, #tpu.memory_space<hbm>> -> memref<10000x80xf32, #tpu.memory_space<hbm>>
    %dma_start3A_1136 = tpu.memref_slice %arg12[%dma_start3A_1123] : memref<8x!tpu.dma_semaphore, #tpu.memory_space<semaphore_mem>> -> memref<1x!tpu.dma_semaphore, #tpu.memory_space<semaphore_mem>>
    %dma_start3A_1137 = tpu.memref_squeeze %dma_start3A_1136 : memref<1x!tpu.dma_semaphore, #tpu.memory_space<semaphore_mem>> -> memref<!tpu.dma_semaphore, #tpu.memory_space<semaphore_mem>>
    tpu.enqueue_indirect_dma source(%dma_start3A_1135 : memref<10000x80xf32, #tpu.memory_space<hbm>>) target(%dma_start3A_1127 : memref<100x80xf32, #tpu.memory_space<vmem>>) offsets(%dma_start3A_1130 : memref<100xi32, #tpu.memory_space<vmem>>) semaphore(%dma_start3A_1137 : memref<!tpu.dma_semaphore, #tpu.memory_space<semaphore_mem>>)
    %dma_start3A_1138 = arith.constant 1 : i32
    %dma_start3A_1139 = arith.constant 1 : i32
    %dma_start3A_1140 = arith.constant 5 : i32
    %dma_start3A_1141 = arith.constant 5 : i32
    %dma_start3A_1142 = arith.constant 0 : i32
    %dma_start3A_1143 = arith.constant 0 : i32
    %dma_start3A_1144 = tpu.memref_slice %arg9[%dma_start3A_1140, %dma_start3A_1142, %dma_start3A_1143] : memref<8x100x80xf32, #tpu.memory_space<vmem>> -> memref<1x100x80xf32, #tpu.memory_space<vmem>>
    %dma_start3A_1145 = tpu.memref_squeeze %dma_start3A_1144 : memref<1x100x80xf32, #tpu.memory_space<vmem>> -> memref<100x80xf32, #tpu.memory_space<vmem>>
    %dma_start3A_1146 = arith.constant 0 : i32
    %dma_start3A_1147 = tpu.memref_slice %arg7[%dma_start3A_1138, %dma_start3A_1139, %dma_start3A_1146] : memref<6x4x100xi32, #tpu.memory_space<vmem>> -> memref<1x1x100xi32, #tpu.memory_space<vmem>>
    %dma_start3A_1148 = tpu.memref_squeeze %dma_start3A_1147 : memref<1x1x100xi32, #tpu.memory_space<vmem>> -> memref<100xi32, #tpu.memory_space<vmem>>
    %dma_start3A_1149 = arith.constant 0 : i32
    %dma_start3A_1150 = tpu.memref_slice %arg6[%mul3A_2, %dma_start3A_1149] : memref<20000x80xf32, #tpu.memory_space<hbm>> -> memref<10000x80xf32, #tpu.memory_space<hbm>>
    %dma_start3A_1151 = arith.constant 0 : i32
    %dma_start3A_1152 = arith.constant 0 : i32
    %dma_start3A_1153 = tpu.memref_slice %dma_start3A_1150[%dma_start3A_1151, %dma_start3A_1152] : memref<10000x80xf32, #tpu.memory_space<hbm>> -> memref<10000x80xf32, #tpu.memory_space<hbm>>
    %dma_start3A_1154 = tpu.memref_slice %arg12[%dma_start3A_1141] : memref<8x!tpu.dma_semaphore, #tpu.memory_space<semaphore_mem>> -> memref<1x!tpu.dma_semaphore, #tpu.memory_space<semaphore_mem>>
    %dma_start3A_1155 = tpu.memref_squeeze %dma_start3A_1154 : memref<1x!tpu.dma_semaphore, #tpu.memory_space<semaphore_mem>> -> memref<!tpu.dma_semaphore, #tpu.memory_space<semaphore_mem>>
    tpu.enqueue_indirect_dma source(%dma_start3A_1153 : memref<10000x80xf32, #tpu.memory_space<hbm>>) target(%dma_start3A_1145 : memref<100x80xf32, #tpu.memory_space<vmem>>) offsets(%dma_start3A_1148 : memref<100xi32, #tpu.memory_space<vmem>>) semaphore(%dma_start3A_1155 : memref<!tpu.dma_semaphore, #tpu.memory_space<semaphore_mem>>)
    %dma_wait3A_1156 = arith.constant 0 : i32
    %dma_wait3A_1157 = arith.constant 0 : i32
    %dma_wait3A_1158 = arith.constant 0 : i32
    %dma_wait3A_1159 = arith.constant 0 : i32
    %dma_wait3A_1160 = arith.constant 0 : i32
    %dma_wait3A_1161 = arith.constant 0 : i32
    %dma_wait3A_1162 = tpu.memref_slice %arg9[%dma_wait3A_1158, %dma_wait3A_1160, %dma_wait3A_1161] : memref<8x100x80xf32, #tpu.memory_space<vmem>> -> memref<1x100x80xf32, #tpu.memory_space<vmem>>
    %dma_wait3A_1163 = tpu.memref_squeeze %dma_wait3A_1162 : memref<1x100x80xf32, #tpu.memory_space<vmem>> -> memref<100x80xf32, #tpu.memory_space<vmem>>
    %dma_wait3A_1164 = arith.constant 0 : i32
    %dma_wait3A_1165 = tpu.memref_slice %arg7[%dma_wait3A_1156, %dma_wait3A_1157, %dma_wait3A_1164] : memref<6x4x100xi32, #tpu.memory_space<vmem>> -> memref<1x1x100xi32, #tpu.memory_space<vmem>>
    %dma_wait3A_1166 = tpu.memref_squeeze %dma_wait3A_1165 : memref<1x1x100xi32, #tpu.memory_space<vmem>> -> memref<100xi32, #tpu.memory_space<vmem>>
    %dma_wait3A_1167 = arith.constant 0 : i32
    %dma_wait3A_1168 = tpu.memref_slice %arg6[%mul3A_2, %dma_wait3A_1167] : memref<20000x80xf32, #tpu.memory_space<hbm>> -> memref<10000x80xf32, #tpu.memory_space<hbm>>
    %dma_wait3A_1169 = arith.constant 0 : i32
    %dma_wait3A_1170 = arith.constant 0 : i32
    %dma_wait3A_1171 = tpu.memref_slice %dma_wait3A_1168[%dma_wait3A_1169, %dma_wait3A_1170] : memref<10000x80xf32, #tpu.memory_space<hbm>> -> memref<10000x80xf32, #tpu.memory_space<hbm>>
    %dma_wait3A_1172 = tpu.memref_slice %arg12[%dma_wait3A_1159] : memref<8x!tpu.dma_semaphore, #tpu.memory_space<semaphore_mem>> -> memref<1x!tpu.dma_semaphore, #tpu.memory_space<semaphore_mem>>
    %dma_wait3A_1173 = tpu.memref_squeeze %dma_wait3A_1172 : memref<1x!tpu.dma_semaphore, #tpu.memory_space<semaphore_mem>> -> memref<!tpu.dma_semaphore, #tpu.memory_space<semaphore_mem>>
    tpu.wait_indirect_dma semaphore(%dma_wait3A_1173 : memref<!tpu.dma_semaphore, #tpu.memory_space<semaphore_mem>>) src(%dma_wait3A_1171 : memref<10000x80xf32, #tpu.memory_space<hbm>>) dst(%dma_wait3A_1163 : memref<100x80xf32, #tpu.memory_space<vmem>>)
    %dma_start3A_1174 = arith.constant 0 : i32
    %dma_start3A_1175 = arith.constant 0 : i32
    %dma_start3A_1176 = arith.constant 0 : i32
    %dma_start3A_1177 = arith.constant 0 : i32
    %dma_start3A_1178 = arith.constant 0 : i32
    %dma_start3A_1179 = arith.constant 0 : i32
    %dma_start3A_1180 = tpu.memref_slice %arg9[%dma_start3A_1174, %dma_start3A_1178, %dma_start3A_1179] : memref<8x100x80xf32, #tpu.memory_space<vmem>> -> memref<1x100x80xf32, #tpu.memory_space<vmem>>
    %dma_start3A_1181 = tpu.memref_squeeze %dma_start3A_1180 : memref<1x100x80xf32, #tpu.memory_space<vmem>> -> memref<100x80xf32, #tpu.memory_space<vmem>>
    %dma_start3A_1182 = arith.constant 0 : i32
    %dma_start3A_1183 = tpu.memref_slice %arg8[%dma_start3A_1175, %dma_start3A_1176, %dma_start3A_1182] : memref<6x4x100xi32, #tpu.memory_space<vmem>> -> memref<1x1x100xi32, #tpu.memory_space<vmem>>
    %dma_start3A_1184 = tpu.memref_squeeze %dma_start3A_1183 : memref<1x1x100xi32, #tpu.memory_space<vmem>> -> memref<100xi32, #tpu.memory_space<vmem>>
    %dma_start3A_1185 = arith.constant 0 : i32
    %dma_start3A_1186 = arith.constant 0 : i32
    %dma_start3A_1187 = tpu.memref_slice %arg11[%dma_start3A_1185, %dma_start3A_1186] : memref<10000x80xf32, #tpu.memory_space<vmem_shared>> -> memref<10000x80xf32, #tpu.memory_space<vmem_shared>>
    %dma_start3A_1188 = tpu.memref_slice %arg13[%dma_start3A_1177] : memref<8x!tpu.dma_semaphore, #tpu.memory_space<semaphore_mem>> -> memref<1x!tpu.dma_semaphore, #tpu.memory_space<semaphore_mem>>
    %dma_start3A_1189 = tpu.memref_squeeze %dma_start3A_1188 : memref<1x!tpu.dma_semaphore, #tpu.memory_space<semaphore_mem>> -> memref<!tpu.dma_semaphore, #tpu.memory_space<semaphore_mem>>
    tpu.enqueue_indirect_dma source(%dma_start3A_1181 : memref<100x80xf32, #tpu.memory_space<vmem>>) target(%dma_start3A_1187 : memref<10000x80xf32, #tpu.memory_space<vmem_shared>>) offsets(%dma_start3A_1184 : memref<100xi32, #tpu.memory_space<vmem>>) semaphore(%dma_start3A_1189 : memref<!tpu.dma_semaphore, #tpu.memory_space<semaphore_mem>>) {add = true}
    %dma_start3A_1190 = arith.constant 1 : i32
    %dma_start3A_1191 = arith.constant 2 : i32
    %dma_start3A_1192 = arith.constant 6 : i32
    %dma_start3A_1193 = arith.constant 6 : i32
    %dma_start3A_1194 = arith.constant 0 : i32
    %dma_start3A_1195 = arith.constant 0 : i32
    %dma_start3A_1196 = tpu.memref_slice %arg9[%dma_start3A_1192, %dma_start3A_1194, %dma_start3A_1195] : memref<8x100x80xf32, #tpu.memory_space<vmem>> -> memref<1x100x80xf32, #tpu.memory_space<vmem>>
    %dma_start3A_1197 = tpu.memref_squeeze %dma_start3A_1196 : memref<1x100x80xf32, #tpu.memory_space<vmem>> -> memref<100x80xf32, #tpu.memory_space<vmem>>
    %dma_start3A_1198 = arith.constant 0 : i32
    %dma_start3A_1199 = tpu.memref_slice %arg7[%dma_start3A_1190, %dma_start3A_1191, %dma_start3A_1198] : memref<6x4x100xi32, #tpu.memory_space<vmem>> -> memref<1x1x100xi32, #tpu.memory_space<vmem>>
    %dma_start3A_1200 = tpu.memref_squeeze %dma_start3A_1199 : memref<1x1x100xi32, #tpu.memory_space<vmem>> -> memref<100xi32, #tpu.memory_space<vmem>>
    %dma_start3A_1201 = arith.constant 0 : i32
    %dma_start3A_1202 = tpu.memref_slice %arg6[%mul3A_2, %dma_start3A_1201] : memref<20000x80xf32, #tpu.memory_space<hbm>> -> memref<10000x80xf32, #tpu.memory_space<hbm>>
    %dma_start3A_1203 = arith.constant 0 : i32
    %dma_start3A_1204 = arith.constant 0 : i32
    %dma_start3A_1205 = tpu.memref_slice %dma_start3A_1202[%dma_start3A_1203, %dma_start3A_1204] : memref<10000x80xf32, #tpu.memory_space<hbm>> -> memref<10000x80xf32, #tpu.memory_space<hbm>>
    %dma_start3A_1206 = tpu.memref_slice %arg12[%dma_start3A_1193] : memref<8x!tpu.dma_semaphore, #tpu.memory_space<semaphore_mem>> -> memref<1x!tpu.dma_semaphore, #tpu.memory_space<semaphore_mem>>
    %dma_start3A_1207 = tpu.memref_squeeze %dma_start3A_1206 : memref<1x!tpu.dma_semaphore, #tpu.memory_space<semaphore_mem>> -> memref<!tpu.dma_semaphore, #tpu.memory_space<semaphore_mem>>
    tpu.enqueue_indirect_dma source(%dma_start3A_1205 : memref<10000x80xf32, #tpu.memory_space<hbm>>) target(%dma_start3A_1197 : memref<100x80xf32, #tpu.memory_space<vmem>>) offsets(%dma_start3A_1200 : memref<100xi32, #tpu.memory_space<vmem>>) semaphore(%dma_start3A_1207 : memref<!tpu.dma_semaphore, #tpu.memory_space<semaphore_mem>>)
    %dma_wait3A_1208 = arith.constant 0 : i32
    %dma_wait3A_1209 = arith.constant 0 : i32
    %dma_wait3A_1210 = arith.constant 1 : i32
    %dma_wait3A_1211 = arith.constant 1 : i32
    %dma_wait3A_1212 = arith.constant 0 : i32
    %dma_wait3A_1213 = arith.constant 0 : i32
    %dma_wait3A_1214 = tpu.memref_slice %arg9[%dma_wait3A_1210, %dma_wait3A_1212, %dma_wait3A_1213] : memref<8x100x80xf32, #tpu.memory_space<vmem>> -> memref<1x100x80xf32, #tpu.memory_space<vmem>>
    %dma_wait3A_1215 = tpu.memref_squeeze %dma_wait3A_1214 : memref<1x100x80xf32, #tpu.memory_space<vmem>> -> memref<100x80xf32, #tpu.memory_space<vmem>>
    %dma_wait3A_1216 = arith.constant 0 : i32
    %dma_wait3A_1217 = tpu.memref_slice %arg7[%dma_wait3A_1208, %dma_wait3A_1209, %dma_wait3A_1216] : memref<6x4x100xi32, #tpu.memory_space<vmem>> -> memref<1x1x100xi32, #tpu.memory_space<vmem>>
    %dma_wait3A_1218 = tpu.memref_squeeze %dma_wait3A_1217 : memref<1x1x100xi32, #tpu.memory_space<vmem>> -> memref<100xi32, #tpu.memory_space<vmem>>
    %dma_wait3A_1219 = arith.constant 0 : i32
    %dma_wait3A_1220 = tpu.memref_slice %arg6[%mul3A_2, %dma_wait3A_1219] : memref<20000x80xf32, #tpu.memory_space<hbm>> -> memref<10000x80xf32, #tpu.memory_space<hbm>>
    %dma_wait3A_1221 = arith.constant 0 : i32
    %dma_wait3A_1222 = arith.constant 0 : i32
    %dma_wait3A_1223 = tpu.memref_slice %dma_wait3A_1220[%dma_wait3A_1221, %dma_wait3A_1222] : memref<10000x80xf32, #tpu.memory_space<hbm>> -> memref<10000x80xf32, #tpu.memory_space<hbm>>
    %dma_wait3A_1224 = tpu.memref_slice %arg12[%dma_wait3A_1211] : memref<8x!tpu.dma_semaphore, #tpu.memory_space<semaphore_mem>> -> memref<1x!tpu.dma_semaphore, #tpu.memory_space<semaphore_mem>>
    %dma_wait3A_1225 = tpu.memref_squeeze %dma_wait3A_1224 : memref<1x!tpu.dma_semaphore, #tpu.memory_space<semaphore_mem>> -> memref<!tpu.dma_semaphore, #tpu.memory_space<semaphore_mem>>
    tpu.wait_indirect_dma semaphore(%dma_wait3A_1225 : memref<!tpu.dma_semaphore, #tpu.memory_space<semaphore_mem>>) src(%dma_wait3A_1223 : memref<10000x80xf32, #tpu.memory_space<hbm>>) dst(%dma_wait3A_1215 : memref<100x80xf32, #tpu.memory_space<vmem>>)
    %dma_start3A_1226 = arith.constant 1 : i32
    %dma_start3A_1227 = arith.constant 0 : i32
    %dma_start3A_1228 = arith.constant 1 : i32
    %dma_start3A_1229 = arith.constant 1 : i32
    %dma_start3A_1230 = arith.constant 0 : i32
    %dma_start3A_1231 = arith.constant 0 : i32
    %dma_start3A_1232 = tpu.memref_slice %arg9[%dma_start3A_1226, %dma_start3A_1230, %dma_start3A_1231] : memref<8x100x80xf32, #tpu.memory_space<vmem>> -> memref<1x100x80xf32, #tpu.memory_space<vmem>>
    %dma_start3A_1233 = tpu.memref_squeeze %dma_start3A_1232 : memref<1x100x80xf32, #tpu.memory_space<vmem>> -> memref<100x80xf32, #tpu.memory_space<vmem>>
    %dma_start3A_1234 = arith.constant 0 : i32
    %dma_start3A_1235 = tpu.memref_slice %arg8[%dma_start3A_1227, %dma_start3A_1228, %dma_start3A_1234] : memref<6x4x100xi32, #tpu.memory_space<vmem>> -> memref<1x1x100xi32, #tpu.memory_space<vmem>>
    %dma_start3A_1236 = tpu.memref_squeeze %dma_start3A_1235 : memref<1x1x100xi32, #tpu.memory_space<vmem>> -> memref<100xi32, #tpu.memory_space<vmem>>
    %dma_start3A_1237 = arith.constant 0 : i32
    %dma_start3A_1238 = arith.constant 0 : i32
    %dma_start3A_1239 = tpu.memref_slice %arg11[%dma_start3A_1237, %dma_start3A_1238] : memref<10000x80xf32, #tpu.memory_space<vmem_shared>> -> memref<10000x80xf32, #tpu.memory_space<vmem_shared>>
    %dma_start3A_1240 = tpu.memref_slice %arg13[%dma_start3A_1229] : memref<8x!tpu.dma_semaphore, #tpu.memory_space<semaphore_mem>> -> memref<1x!tpu.dma_semaphore, #tpu.memory_space<semaphore_mem>>
    %dma_start3A_1241 = tpu.memref_squeeze %dma_start3A_1240 : memref<1x!tpu.dma_semaphore, #tpu.memory_space<semaphore_mem>> -> memref<!tpu.dma_semaphore, #tpu.memory_space<semaphore_mem>>
    tpu.enqueue_indirect_dma source(%dma_start3A_1233 : memref<100x80xf32, #tpu.memory_space<vmem>>) target(%dma_start3A_1239 : memref<10000x80xf32, #tpu.memory_space<vmem_shared>>) offsets(%dma_start3A_1236 : memref<100xi32, #tpu.memory_space<vmem>>) semaphore(%dma_start3A_1241 : memref<!tpu.dma_semaphore, #tpu.memory_space<semaphore_mem>>) {add = true}
    %dma_start3A_1242 = arith.constant 1 : i32
    %dma_start3A_1243 = arith.constant 3 : i32
    %dma_start3A_1244 = arith.constant 7 : i32
    %dma_start3A_1245 = arith.constant 7 : i32
    %dma_start3A_1246 = arith.constant 0 : i32
    %dma_start3A_1247 = arith.constant 0 : i32
    %dma_start3A_1248 = tpu.memref_slice %arg9[%dma_start3A_1244, %dma_start3A_1246, %dma_start3A_1247] : memref<8x100x80xf32, #tpu.memory_space<vmem>> -> memref<1x100x80xf32, #tpu.memory_space<vmem>>
    %dma_start3A_1249 = tpu.memref_squeeze %dma_start3A_1248 : memref<1x100x80xf32, #tpu.memory_space<vmem>> -> memref<100x80xf32, #tpu.memory_space<vmem>>
    %dma_start3A_1250 = arith.constant 0 : i32
    %dma_start3A_1251 = tpu.memref_slice %arg7[%dma_start3A_1242, %dma_start3A_1243, %dma_start3A_1250] : memref<6x4x100xi32, #tpu.memory_space<vmem>> -> memref<1x1x100xi32, #tpu.memory_space<vmem>>
    %dma_start3A_1252 = tpu.memref_squeeze %dma_start3A_1251 : memref<1x1x100xi32, #tpu.memory_space<vmem>> -> memref<100xi32, #tpu.memory_space<vmem>>
    %dma_start3A_1253 = arith.constant 0 : i32
    %dma_start3A_1254 = tpu.memref_slice %arg6[%mul3A_2, %dma_start3A_1253] : memref<20000x80xf32, #tpu.memory_space<hbm>> -> memref<10000x80xf32, #tpu.memory_space<hbm>>
    %dma_start3A_1255 = arith.constant 0 : i32
    %dma_start3A_1256 = arith.constant 0 : i32
    %dma_start3A_1257 = tpu.memref_slice %dma_start3A_1254[%dma_start3A_1255, %dma_start3A_1256] : memref<10000x80xf32, #tpu.memory_space<hbm>> -> memref<10000x80xf32, #tpu.memory_space<hbm>>
    %dma_start3A_1258 = tpu.memref_slice %arg12[%dma_start3A_1245] : memref<8x!tpu.dma_semaphore, #tpu.memory_space<semaphore_mem>> -> memref<1x!tpu.dma_semaphore, #tpu.memory_space<semaphore_mem>>
    %dma_start3A_1259 = tpu.memref_squeeze %dma_start3A_1258 : memref<1x!tpu.dma_semaphore, #tpu.memory_space<semaphore_mem>> -> memref<!tpu.dma_semaphore, #tpu.memory_space<semaphore_mem>>
    tpu.enqueue_indirect_dma source(%dma_start3A_1257 : memref<10000x80xf32, #tpu.memory_space<hbm>>) target(%dma_start3A_1249 : memref<100x80xf32, #tpu.memory_space<vmem>>) offsets(%dma_start3A_1252 : memref<100xi32, #tpu.memory_space<vmem>>) semaphore(%dma_start3A_1259 : memref<!tpu.dma_semaphore, #tpu.memory_space<semaphore_mem>>)
    %dma_wait3A_1260 = arith.constant 0 : i32
    %dma_wait3A_1261 = arith.constant 2 : i32
    %dma_wait3A_1262 = arith.constant 2 : i32
    %dma_wait3A_1263 = arith.constant 0 : i32
    %dma_wait3A_1264 = arith.constant 0 : i32
    %dma_wait3A_1265 = tpu.memref_slice %arg7[%dma_wait3A_1261, %dma_wait3A_1263, %dma_wait3A_1264] : memref<6x4x100xi32, #tpu.memory_space<vmem>> -> memref<1x4x100xi32, #tpu.memory_space<vmem>>
    %dma_wait3A_1266 = tpu.memref_squeeze %dma_wait3A_1265 : memref<1x4x100xi32, #tpu.memory_space<vmem>> -> memref<4x100xi32, #tpu.memory_space<vmem>>
    %dma_wait3A_1267 = arith.constant 0 : i32
    %dma_wait3A_1268 = arith.constant 0 : i32
    %dma_wait3A_1269 = tpu.memref_slice %arg3[%arg1, %dma_wait3A_1260, %dma_wait3A_1267, %dma_wait3A_1268] : memref<16x50x4x100xi32, #tpu.memory_space<hbm>> -> memref<1x1x4x100xi32, #tpu.memory_space<hbm>>
    %dma_wait3A_1270 = tpu.memref_squeeze %dma_wait3A_1269 : memref<1x1x4x100xi32, #tpu.memory_space<hbm>> -> memref<4x100xi32, #tpu.memory_space<hbm>>
    %dma_wait3A_1271 = tpu.memref_slice %arg14[%dma_wait3A_1262] : memref<6x!tpu.dma_semaphore, #tpu.memory_space<semaphore_mem>> -> memref<1x!tpu.dma_semaphore, #tpu.memory_space<semaphore_mem>>
    %dma_wait3A_1272 = tpu.memref_squeeze %dma_wait3A_1271 : memref<1x!tpu.dma_semaphore, #tpu.memory_space<semaphore_mem>> -> memref<!tpu.dma_semaphore, #tpu.memory_space<semaphore_mem>>
    %dma_wait3A_1273 = arith.constant 0 : i32
    %dma_wait3A_1274 = arith.constant 0 : i32
    %dma_wait3A_1275 = tpu.memref_slice %arg7[%dma_wait3A_1261, %dma_wait3A_1273, %dma_wait3A_1274] : memref<6x4x100xi32, #tpu.memory_space<vmem>> -> memref<1x4x100xi32, #tpu.memory_space<vmem>>
    %dma_wait3A_1276 = tpu.memref_squeeze %dma_wait3A_1275 : memref<1x4x100xi32, #tpu.memory_space<vmem>> -> memref<4x100xi32, #tpu.memory_space<vmem>>
    %dma_wait3A_1277 = arith.constant 0 : i32
    %dma_wait3A_1278 = arith.constant 0 : i32
    %dma_wait3A_1279 = tpu.memref_slice %arg3[%arg1, %dma_wait3A_1260, %dma_wait3A_1277, %dma_wait3A_1278] : memref<16x50x4x100xi32, #tpu.memory_space<hbm>> -> memref<1x1x4x100xi32, #tpu.memory_space<hbm>>
    %dma_wait3A_1280 = tpu.memref_squeeze %dma_wait3A_1279 : memref<1x1x4x100xi32, #tpu.memory_space<hbm>> -> memref<4x100xi32, #tpu.memory_space<hbm>>
    tpu.wait_dma2 semaphore(%dma_wait3A_1272 : memref<!tpu.dma_semaphore, #tpu.memory_space<semaphore_mem>>) src(%dma_wait3A_1280 : memref<4x100xi32, #tpu.memory_space<hbm>>) dst(%dma_wait3A_1276 : memref<4x100xi32, #tpu.memory_space<vmem>>)
    %dma_wait3A_1281 = arith.constant 0 : i32
    %dma_wait3A_1282 = arith.constant 2 : i32
    %dma_wait3A_1283 = arith.constant 2 : i32
    %dma_wait3A_1284 = arith.constant 0 : i32
    %dma_wait3A_1285 = arith.constant 0 : i32
    %dma_wait3A_1286 = tpu.memref_slice %arg8[%dma_wait3A_1282, %dma_wait3A_1284, %dma_wait3A_1285] : memref<6x4x100xi32, #tpu.memory_space<vmem>> -> memref<1x4x100xi32, #tpu.memory_space<vmem>>
    %dma_wait3A_1287 = tpu.memref_squeeze %dma_wait3A_1286 : memref<1x4x100xi32, #tpu.memory_space<vmem>> -> memref<4x100xi32, #tpu.memory_space<vmem>>
    %dma_wait3A_1288 = arith.constant 0 : i32
    %dma_wait3A_1289 = arith.constant 0 : i32
    %dma_wait3A_1290 = tpu.memref_slice %arg4[%arg1, %dma_wait3A_1281, %dma_wait3A_1288, %dma_wait3A_1289] : memref<16x50x4x100xi32, #tpu.memory_space<hbm>> -> memref<1x1x4x100xi32, #tpu.memory_space<hbm>>
    %dma_wait3A_1291 = tpu.memref_squeeze %dma_wait3A_1290 : memref<1x1x4x100xi32, #tpu.memory_space<hbm>> -> memref<4x100xi32, #tpu.memory_space<hbm>>
    %dma_wait3A_1292 = tpu.memref_slice %arg14[%dma_wait3A_1283] : memref<6x!tpu.dma_semaphore, #tpu.memory_space<semaphore_mem>> -> memref<1x!tpu.dma_semaphore, #tpu.memory_space<semaphore_mem>>
    %dma_wait3A_1293 = tpu.memref_squeeze %dma_wait3A_1292 : memref<1x!tpu.dma_semaphore, #tpu.memory_space<semaphore_mem>> -> memref<!tpu.dma_semaphore, #tpu.memory_space<semaphore_mem>>
    %dma_wait3A_1294 = arith.constant 0 : i32
    %dma_wait3A_1295 = arith.constant 0 : i32
    %dma_wait3A_1296 = tpu.memref_slice %arg8[%dma_wait3A_1282, %dma_wait3A_1294, %dma_wait3A_1295] : memref<6x4x100xi32, #tpu.memory_space<vmem>> -> memref<1x4x100xi32, #tpu.memory_space<vmem>>
    %dma_wait3A_1297 = tpu.memref_squeeze %dma_wait3A_1296 : memref<1x4x100xi32, #tpu.memory_space<vmem>> -> memref<4x100xi32, #tpu.memory_space<vmem>>
    %dma_wait3A_1298 = arith.constant 0 : i32
    %dma_wait3A_1299 = arith.constant 0 : i32
    %dma_wait3A_1300 = tpu.memref_slice %arg4[%arg1, %dma_wait3A_1281, %dma_wait3A_1298, %dma_wait3A_1299] : memref<16x50x4x100xi32, #tpu.memory_space<hbm>> -> memref<1x1x4x100xi32, #tpu.memory_space<hbm>>
    %dma_wait3A_1301 = tpu.memref_squeeze %dma_wait3A_1300 : memref<1x1x4x100xi32, #tpu.memory_space<hbm>> -> memref<4x100xi32, #tpu.memory_space<hbm>>
    tpu.wait_dma2 semaphore(%dma_wait3A_1293 : memref<!tpu.dma_semaphore, #tpu.memory_space<semaphore_mem>>) src(%dma_wait3A_1301 : memref<4x100xi32, #tpu.memory_space<hbm>>) dst(%dma_wait3A_1297 : memref<4x100xi32, #tpu.memory_space<vmem>>)
    %dma_wait3A_1302 = arith.constant 0 : i32
    %dma_wait3A_1303 = arith.constant 0 : i32
    %dma_wait3A_1304 = arith.constant 2 : i32
    %dma_wait3A_1305 = arith.constant 2 : i32
    %dma_wait3A_1306 = arith.constant 0 : i32
    %dma_wait3A_1307 = arith.constant 0 : i32
    %dma_wait3A_1308 = tpu.memref_slice %arg9[%dma_wait3A_1304, %dma_wait3A_1306, %dma_wait3A_1307] : memref<8x100x80xf32, #tpu.memory_space<vmem>> -> memref<1x100x80xf32, #tpu.memory_space<vmem>>
    %dma_wait3A_1309 = tpu.memref_squeeze %dma_wait3A_1308 : memref<1x100x80xf32, #tpu.memory_space<vmem>> -> memref<100x80xf32, #tpu.memory_space<vmem>>
    %dma_wait3A_1310 = arith.constant 0 : i32
    %dma_wait3A_1311 = tpu.memref_slice %arg7[%dma_wait3A_1302, %dma_wait3A_1303, %dma_wait3A_1310] : memref<6x4x100xi32, #tpu.memory_space<vmem>> -> memref<1x1x100xi32, #tpu.memory_space<vmem>>
    %dma_wait3A_1312 = tpu.memref_squeeze %dma_wait3A_1311 : memref<1x1x100xi32, #tpu.memory_space<vmem>> -> memref<100xi32, #tpu.memory_space<vmem>>
    %dma_wait3A_1313 = arith.constant 0 : i32
    %dma_wait3A_1314 = tpu.memref_slice %arg6[%mul3A_2, %dma_wait3A_1313] : memref<20000x80xf32, #tpu.memory_space<hbm>> -> memref<10000x80xf32, #tpu.memory_space<hbm>>
    %dma_wait3A_1315 = arith.constant 0 : i32
    %dma_wait3A_1316 = arith.constant 0 : i32
    %dma_wait3A_1317 = tpu.memref_slice %dma_wait3A_1314[%dma_wait3A_1315, %dma_wait3A_1316] : memref<10000x80xf32, #tpu.memory_space<hbm>> -> memref<10000x80xf32, #tpu.memory_space<hbm>>
    %dma_wait3A_1318 = tpu.memref_slice %arg12[%dma_wait3A_1305] : memref<8x!tpu.dma_semaphore, #tpu.memory_space<semaphore_mem>> -> memref<1x!tpu.dma_semaphore, #tpu.memory_space<semaphore_mem>>
    %dma_wait3A_1319 = tpu.memref_squeeze %dma_wait3A_1318 : memref<1x!tpu.dma_semaphore, #tpu.memory_space<semaphore_mem>> -> memref<!tpu.dma_semaphore, #tpu.memory_space<semaphore_mem>>
    tpu.wait_indirect_dma semaphore(%dma_wait3A_1319 : memref<!tpu.dma_semaphore, #tpu.memory_space<semaphore_mem>>) src(%dma_wait3A_1317 : memref<10000x80xf32, #tpu.memory_space<hbm>>) dst(%dma_wait3A_1309 : memref<100x80xf32, #tpu.memory_space<vmem>>)
    %dma_start3A_1320 = arith.constant 2 : i32
    %dma_start3A_1321 = arith.constant 0 : i32
    %dma_start3A_1322 = arith.constant 2 : i32
    %dma_start3A_1323 = arith.constant 2 : i32
    %dma_start3A_1324 = arith.constant 0 : i32
    %dma_start3A_1325 = arith.constant 0 : i32
    %dma_start3A_1326 = tpu.memref_slice %arg9[%dma_start3A_1320, %dma_start3A_1324, %dma_start3A_1325] : memref<8x100x80xf32, #tpu.memory_space<vmem>> -> memref<1x100x80xf32, #tpu.memory_space<vmem>>
    %dma_start3A_1327 = tpu.memref_squeeze %dma_start3A_1326 : memref<1x100x80xf32, #tpu.memory_space<vmem>> -> memref<100x80xf32, #tpu.memory_space<vmem>>
    %dma_start3A_1328 = arith.constant 0 : i32
    %dma_start3A_1329 = tpu.memref_slice %arg8[%dma_start3A_1321, %dma_start3A_1322, %dma_start3A_1328] : memref<6x4x100xi32, #tpu.memory_space<vmem>> -> memref<1x1x100xi32, #tpu.memory_space<vmem>>
    %dma_start3A_1330 = tpu.memref_squeeze %dma_start3A_1329 : memref<1x1x100xi32, #tpu.memory_space<vmem>> -> memref<100xi32, #tpu.memory_space<vmem>>
    %dma_start3A_1331 = arith.constant 0 : i32
    %dma_start3A_1332 = arith.constant 0 : i32
    %dma_start3A_1333 = tpu.memref_slice %arg11[%dma_start3A_1331, %dma_start3A_1332] : memref<10000x80xf32, #tpu.memory_space<vmem_shared>> -> memref<10000x80xf32, #tpu.memory_space<vmem_shared>>
    %dma_start3A_1334 = tpu.memref_slice %arg13[%dma_start3A_1323] : memref<8x!tpu.dma_semaphore, #tpu.memory_space<semaphore_mem>> -> memref<1x!tpu.dma_semaphore, #tpu.memory_space<semaphore_mem>>
    %dma_start3A_1335 = tpu.memref_squeeze %dma_start3A_1334 : memref<1x!tpu.dma_semaphore, #tpu.memory_space<semaphore_mem>> -> memref<!tpu.dma_semaphore, #tpu.memory_space<semaphore_mem>>
    tpu.enqueue_indirect_dma source(%dma_start3A_1327 : memref<100x80xf32, #tpu.memory_space<vmem>>) target(%dma_start3A_1333 : memref<10000x80xf32, #tpu.memory_space<vmem_shared>>) offsets(%dma_start3A_1330 : memref<100xi32, #tpu.memory_space<vmem>>) semaphore(%dma_start3A_1335 : memref<!tpu.dma_semaphore, #tpu.memory_space<semaphore_mem>>) {add = true}
    %dma_wait3A_1336 = arith.constant 0 : i32
    %dma_wait3A_1337 = arith.constant 0 : i32
    %dma_wait3A_1338 = arith.constant 0 : i32
    %dma_wait3A_1339 = arith.constant 0 : i32
    %dma_wait3A_1340 = arith.constant 0 : i32
    %dma_wait3A_1341 = arith.constant 0 : i32
    %dma_wait3A_1342 = tpu.memref_slice %arg9[%dma_wait3A_1336, %dma_wait3A_1340, %dma_wait3A_1341] : memref<8x100x80xf32, #tpu.memory_space<vmem>> -> memref<1x100x80xf32, #tpu.memory_space<vmem>>
    %dma_wait3A_1343 = tpu.memref_squeeze %dma_wait3A_1342 : memref<1x100x80xf32, #tpu.memory_space<vmem>> -> memref<100x80xf32, #tpu.memory_space<vmem>>
    %dma_wait3A_1344 = arith.constant 0 : i32
    %dma_wait3A_1345 = tpu.memref_slice %arg8[%dma_wait3A_1337, %dma_wait3A_1338, %dma_wait3A_1344] : memref<6x4x100xi32, #tpu.memory_space<vmem>> -> memref<1x1x100xi32, #tpu.memory_space<vmem>>
    %dma_wait3A_1346 = tpu.memref_squeeze %dma_wait3A_1345 : memref<1x1x100xi32, #tpu.memory_space<vmem>> -> memref<100xi32, #tpu.memory_space<vmem>>
    %dma_wait3A_1347 = arith.constant 0 : i32
    %dma_wait3A_1348 = arith.constant 0 : i32
    %dma_wait3A_1349 = tpu.memref_slice %arg11[%dma_wait3A_1347, %dma_wait3A_1348] : memref<10000x80xf32, #tpu.memory_space<vmem_shared>> -> memref<10000x80xf32, #tpu.memory_space<vmem_shared>>
    %dma_wait3A_1350 = tpu.memref_slice %arg13[%dma_wait3A_1339] : memref<8x!tpu.dma_semaphore, #tpu.memory_space<semaphore_mem>> -> memref<1x!tpu.dma_semaphore, #tpu.memory_space<semaphore_mem>>
    %dma_wait3A_1351 = tpu.memref_squeeze %dma_wait3A_1350 : memref<1x!tpu.dma_semaphore, #tpu.memory_space<semaphore_mem>> -> memref<!tpu.dma_semaphore, #tpu.memory_space<semaphore_mem>>
    tpu.wait_indirect_dma semaphore(%dma_wait3A_1351 : memref<!tpu.dma_semaphore, #tpu.memory_space<semaphore_mem>>) src(%dma_wait3A_1343 : memref<100x80xf32, #tpu.memory_space<vmem>>) dst(%dma_wait3A_1349 : memref<10000x80xf32, #tpu.memory_space<vmem_shared>>)
    %dma_start3A_1352 = arith.constant 2 : i32
    %dma_start3A_1353 = arith.constant 0 : i32
    %dma_start3A_1354 = arith.constant 0 : i32
    %dma_start3A_1355 = arith.constant 0 : i32
    %dma_start3A_1356 = arith.constant 0 : i32
    %dma_start3A_1357 = arith.constant 0 : i32
    %dma_start3A_1358 = tpu.memref_slice %arg9[%dma_start3A_1354, %dma_start3A_1356, %dma_start3A_1357] : memref<8x100x80xf32, #tpu.memory_space<vmem>> -> memref<1x100x80xf32, #tpu.memory_space<vmem>>
    %dma_start3A_1359 = tpu.memref_squeeze %dma_start3A_1358 : memref<1x100x80xf32, #tpu.memory_space<vmem>> -> memref<100x80xf32, #tpu.memory_space<vmem>>
    %dma_start3A_1360 = arith.constant 0 : i32
    %dma_start3A_1361 = tpu.memref_slice %arg7[%dma_start3A_1352, %dma_start3A_1353, %dma_start3A_1360] : memref<6x4x100xi32, #tpu.memory_space<vmem>> -> memref<1x1x100xi32, #tpu.memory_space<vmem>>
    %dma_start3A_1362 = tpu.memref_squeeze %dma_start3A_1361 : memref<1x1x100xi32, #tpu.memory_space<vmem>> -> memref<100xi32, #tpu.memory_space<vmem>>
    %dma_start3A_1363 = arith.constant 0 : i32
    %dma_start3A_1364 = tpu.memref_slice %arg6[%mul3A_2, %dma_start3A_1363] : memref<20000x80xf32, #tpu.memory_space<hbm>> -> memref<10000x80xf32, #tpu.memory_space<hbm>>
    %dma_start3A_1365 = arith.constant 0 : i32
    %dma_start3A_1366 = arith.constant 0 : i32
    %dma_start3A_1367 = tpu.memref_slice %dma_start3A_1364[%dma_start3A_1365, %dma_start3A_1366] : memref<10000x80xf32, #tpu.memory_space<hbm>> -> memref<10000x80xf32, #tpu.memory_space<hbm>>
    %dma_start3A_1368 = tpu.memref_slice %arg12[%dma_start3A_1355] : memref<8x!tpu.dma_semaphore, #tpu.memory_space<semaphore_mem>> -> memref<1x!tpu.dma_semaphore, #tpu.memory_space<semaphore_mem>>
    %dma_start3A_1369 = tpu.memref_squeeze %dma_start3A_1368 : memref<1x!tpu.dma_semaphore, #tpu.memory_space<semaphore_mem>> -> memref<!tpu.dma_semaphore, #tpu.memory_space<semaphore_mem>>
    tpu.enqueue_indirect_dma source(%dma_start3A_1367 : memref<10000x80xf32, #tpu.memory_space<hbm>>) target(%dma_start3A_1359 : memref<100x80xf32, #tpu.memory_space<vmem>>) offsets(%dma_start3A_1362 : memref<100xi32, #tpu.memory_space<vmem>>) semaphore(%dma_start3A_1369 : memref<!tpu.dma_semaphore, #tpu.memory_space<semaphore_mem>>)
    %dma_wait3A_1370 = arith.constant 0 : i32
    %dma_wait3A_1371 = arith.constant 0 : i32
    %dma_wait3A_1372 = arith.constant 3 : i32
    %dma_wait3A_1373 = arith.constant 3 : i32
    %dma_wait3A_1374 = arith.constant 0 : i32
    %dma_wait3A_1375 = arith.constant 0 : i32
    %dma_wait3A_1376 = tpu.memref_slice %arg9[%dma_wait3A_1372, %dma_wait3A_1374, %dma_wait3A_1375] : memref<8x100x80xf32, #tpu.memory_space<vmem>> -> memref<1x100x80xf32, #tpu.memory_space<vmem>>
    %dma_wait3A_1377 = tpu.memref_squeeze %dma_wait3A_1376 : memref<1x100x80xf32, #tpu.memory_space<vmem>> -> memref<100x80xf32, #tpu.memory_space<vmem>>
    %dma_wait3A_1378 = arith.constant 0 : i32
    %dma_wait3A_1379 = tpu.memref_slice %arg7[%dma_wait3A_1370, %dma_wait3A_1371, %dma_wait3A_1378] : memref<6x4x100xi32, #tpu.memory_space<vmem>> -> memref<1x1x100xi32, #tpu.memory_space<vmem>>
    %dma_wait3A_1380 = tpu.memref_squeeze %dma_wait3A_1379 : memref<1x1x100xi32, #tpu.memory_space<vmem>> -> memref<100xi32, #tpu.memory_space<vmem>>
    %dma_wait3A_1381 = arith.constant 0 : i32
    %dma_wait3A_1382 = tpu.memref_slice %arg6[%mul3A_2, %dma_wait3A_1381] : memref<20000x80xf32, #tpu.memory_space<hbm>> -> memref<10000x80xf32, #tpu.memory_space<hbm>>
    %dma_wait3A_1383 = arith.constant 0 : i32
    %dma_wait3A_1384 = arith.constant 0 : i32
    %dma_wait3A_1385 = tpu.memref_slice %dma_wait3A_1382[%dma_wait3A_1383, %dma_wait3A_1384] : memref<10000x80xf32, #tpu.memory_space<hbm>> -> memref<10000x80xf32, #tpu.memory_space<hbm>>
    %dma_wait3A_1386 = tpu.memref_slice %arg12[%dma_wait3A_1373] : memref<8x!tpu.dma_semaphore, #tpu.memory_space<semaphore_mem>> -> memref<1x!tpu.dma_semaphore, #tpu.memory_space<semaphore_mem>>
    %dma_wait3A_1387 = tpu.memref_squeeze %dma_wait3A_1386 : memref<1x!tpu.dma_semaphore, #tpu.memory_space<semaphore_mem>> -> memref<!tpu.dma_semaphore, #tpu.memory_space<semaphore_mem>>
    tpu.wait_indirect_dma semaphore(%dma_wait3A_1387 : memref<!tpu.dma_semaphore, #tpu.memory_space<semaphore_mem>>) src(%dma_wait3A_1385 : memref<10000x80xf32, #tpu.memory_space<hbm>>) dst(%dma_wait3A_1377 : memref<100x80xf32, #tpu.memory_space<vmem>>)
    %dma_start3A_1388 = arith.constant 3 : i32
    %dma_start3A_1389 = arith.constant 0 : i32
    %dma_start3A_1390 = arith.constant 3 : i32
    %dma_start3A_1391 = arith.constant 3 : i32
    %dma_start3A_1392 = arith.constant 0 : i32
    %dma_start3A_1393 = arith.constant 0 : i32
    %dma_start3A_1394 = tpu.memref_slice %arg9[%dma_start3A_1388, %dma_start3A_1392, %dma_start3A_1393] : memref<8x100x80xf32, #tpu.memory_space<vmem>> -> memref<1x100x80xf32, #tpu.memory_space<vmem>>
    %dma_start3A_1395 = tpu.memref_squeeze %dma_start3A_1394 : memref<1x100x80xf32, #tpu.memory_space<vmem>> -> memref<100x80xf32, #tpu.memory_space<vmem>>
    %dma_start3A_1396 = arith.constant 0 : i32
    %dma_start3A_1397 = tpu.memref_slice %arg8[%dma_start3A_1389, %dma_start3A_1390, %dma_start3A_1396] : memref<6x4x100xi32, #tpu.memory_space<vmem>> -> memref<1x1x100xi32, #tpu.memory_space<vmem>>
    %dma_start3A_1398 = tpu.memref_squeeze %dma_start3A_1397 : memref<1x1x100xi32, #tpu.memory_space<vmem>> -> memref<100xi32, #tpu.memory_space<vmem>>
    %dma_start3A_1399 = arith.constant 0 : i32
    %dma_start3A_1400 = arith.constant 0 : i32
    %dma_start3A_1401 = tpu.memref_slice %arg11[%dma_start3A_1399, %dma_start3A_1400] : memref<10000x80xf32, #tpu.memory_space<vmem_shared>> -> memref<10000x80xf32, #tpu.memory_space<vmem_shared>>
    %dma_start3A_1402 = tpu.memref_slice %arg13[%dma_start3A_1391] : memref<8x!tpu.dma_semaphore, #tpu.memory_space<semaphore_mem>> -> memref<1x!tpu.dma_semaphore, #tpu.memory_space<semaphore_mem>>
    %dma_start3A_1403 = tpu.memref_squeeze %dma_start3A_1402 : memref<1x!tpu.dma_semaphore, #tpu.memory_space<semaphore_mem>> -> memref<!tpu.dma_semaphore, #tpu.memory_space<semaphore_mem>>
    tpu.enqueue_indirect_dma source(%dma_start3A_1395 : memref<100x80xf32, #tpu.memory_space<vmem>>) target(%dma_start3A_1401 : memref<10000x80xf32, #tpu.memory_space<vmem_shared>>) offsets(%dma_start3A_1398 : memref<100xi32, #tpu.memory_space<vmem>>) semaphore(%dma_start3A_1403 : memref<!tpu.dma_semaphore, #tpu.memory_space<semaphore_mem>>) {add = true}
    %dma_wait3A_1404 = arith.constant 1 : i32
    %dma_wait3A_1405 = arith.constant 0 : i32
    %dma_wait3A_1406 = arith.constant 0 : i32
    %dma_wait3A_1407 = arith.constant 1 : i32
    %dma_wait3A_1408 = arith.constant 0 : i32
    %dma_wait3A_1409 = arith.constant 0 : i32
    %dma_wait3A_1410 = tpu.memref_slice %arg9[%dma_wait3A_1404, %dma_wait3A_1408, %dma_wait3A_1409] : memref<8x100x80xf32, #tpu.memory_space<vmem>> -> memref<1x100x80xf32, #tpu.memory_space<vmem>>
    %dma_wait3A_1411 = tpu.memref_squeeze %dma_wait3A_1410 : memref<1x100x80xf32, #tpu.memory_space<vmem>> -> memref<100x80xf32, #tpu.memory_space<vmem>>
    %dma_wait3A_1412 = arith.constant 0 : i32
    %dma_wait3A_1413 = tpu.memref_slice %arg8[%dma_wait3A_1405, %dma_wait3A_1406, %dma_wait3A_1412] : memref<6x4x100xi32, #tpu.memory_space<vmem>> -> memref<1x1x100xi32, #tpu.memory_space<vmem>>
    %dma_wait3A_1414 = tpu.memref_squeeze %dma_wait3A_1413 : memref<1x1x100xi32, #tpu.memory_space<vmem>> -> memref<100xi32, #tpu.memory_space<vmem>>
    %dma_wait3A_1415 = arith.constant 0 : i32
    %dma_wait3A_1416 = arith.constant 0 : i32
    %dma_wait3A_1417 = tpu.memref_slice %arg11[%dma_wait3A_1415, %dma_wait3A_1416] : memref<10000x80xf32, #tpu.memory_space<vmem_shared>> -> memref<10000x80xf32, #tpu.memory_space<vmem_shared>>
    %dma_wait3A_1418 = tpu.memref_slice %arg13[%dma_wait3A_1407] : memref<8x!tpu.dma_semaphore, #tpu.memory_space<semaphore_mem>> -> memref<1x!tpu.dma_semaphore, #tpu.memory_space<semaphore_mem>>
    %dma_wait3A_1419 = tpu.memref_squeeze %dma_wait3A_1418 : memref<1x!tpu.dma_semaphore, #tpu.memory_space<semaphore_mem>> -> memref<!tpu.dma_semaphore, #tpu.memory_space<semaphore_mem>>
    tpu.wait_indirect_dma semaphore(%dma_wait3A_1419 : memref<!tpu.dma_semaphore, #tpu.memory_space<semaphore_mem>>) src(%dma_wait3A_1411 : memref<100x80xf32, #tpu.memory_space<vmem>>) dst(%dma_wait3A_1417 : memref<10000x80xf32, #tpu.memory_space<vmem_shared>>)
    %dma_start3A_1420 = arith.constant 2 : i32
    %dma_start3A_1421 = arith.constant 1 : i32
    %dma_start3A_1422 = arith.constant 1 : i32
    %dma_start3A_1423 = arith.constant 1 : i32
    %dma_start3A_1424 = arith.constant 0 : i32
    %dma_start3A_1425 = arith.constant 0 : i32
    %dma_start3A_1426 = tpu.memref_slice %arg9[%dma_start3A_1422, %dma_start3A_1424, %dma_start3A_1425] : memref<8x100x80xf32, #tpu.memory_space<vmem>> -> memref<1x100x80xf32, #tpu.memory_space<vmem>>
    %dma_start3A_1427 = tpu.memref_squeeze %dma_start3A_1426 : memref<1x100x80xf32, #tpu.memory_space<vmem>> -> memref<100x80xf32, #tpu.memory_space<vmem>>
    %dma_start3A_1428 = arith.constant 0 : i32
    %dma_start3A_1429 = tpu.memref_slice %arg7[%dma_start3A_1420, %dma_start3A_1421, %dma_start3A_1428] : memref<6x4x100xi32, #tpu.memory_space<vmem>> -> memref<1x1x100xi32, #tpu.memory_space<vmem>>
    %dma_start3A_1430 = tpu.memref_squeeze %dma_start3A_1429 : memref<1x1x100xi32, #tpu.memory_space<vmem>> -> memref<100xi32, #tpu.memory_space<vmem>>
    %dma_start3A_1431 = arith.constant 0 : i32
    %dma_start3A_1432 = tpu.memref_slice %arg6[%mul3A_2, %dma_start3A_1431] : memref<20000x80xf32, #tpu.memory_space<hbm>> -> memref<10000x80xf32, #tpu.memory_space<hbm>>
    %dma_start3A_1433 = arith.constant 0 : i32
    %dma_start3A_1434 = arith.constant 0 : i32
    %dma_start3A_1435 = tpu.memref_slice %dma_start3A_1432[%dma_start3A_1433, %dma_start3A_1434] : memref<10000x80xf32, #tpu.memory_space<hbm>> -> memref<10000x80xf32, #tpu.memory_space<hbm>>
    %dma_start3A_1436 = tpu.memref_slice %arg12[%dma_start3A_1423] : memref<8x!tpu.dma_semaphore, #tpu.memory_space<semaphore_mem>> -> memref<1x!tpu.dma_semaphore, #tpu.memory_space<semaphore_mem>>
    %dma_start3A_1437 = tpu.memref_squeeze %dma_start3A_1436 : memref<1x!tpu.dma_semaphore, #tpu.memory_space<semaphore_mem>> -> memref<!tpu.dma_semaphore, #tpu.memory_space<semaphore_mem>>
    tpu.enqueue_indirect_dma source(%dma_start3A_1435 : memref<10000x80xf32, #tpu.memory_space<hbm>>) target(%dma_start3A_1427 : memref<100x80xf32, #tpu.memory_space<vmem>>) offsets(%dma_start3A_1430 : memref<100xi32, #tpu.memory_space<vmem>>) semaphore(%dma_start3A_1437 : memref<!tpu.dma_semaphore, #tpu.memory_space<semaphore_mem>>)
    %dma_wait3A_1438 = arith.constant 0 : i32
    %dma_wait3A_1439 = arith.constant 0 : i32
    %dma_wait3A_1440 = arith.constant 4 : i32
    %dma_wait3A_1441 = arith.constant 4 : i32
    %dma_wait3A_1442 = arith.constant 0 : i32
    %dma_wait3A_1443 = arith.constant 0 : i32
    %dma_wait3A_1444 = tpu.memref_slice %arg9[%dma_wait3A_1440, %dma_wait3A_1442, %dma_wait3A_1443] : memref<8x100x80xf32, #tpu.memory_space<vmem>> -> memref<1x100x80xf32, #tpu.memory_space<vmem>>
    %dma_wait3A_1445 = tpu.memref_squeeze %dma_wait3A_1444 : memref<1x100x80xf32, #tpu.memory_space<vmem>> -> memref<100x80xf32, #tpu.memory_space<vmem>>
    %dma_wait3A_1446 = arith.constant 0 : i32
    %dma_wait3A_1447 = tpu.memref_slice %arg7[%dma_wait3A_1438, %dma_wait3A_1439, %dma_wait3A_1446] : memref<6x4x100xi32, #tpu.memory_space<vmem>> -> memref<1x1x100xi32, #tpu.memory_space<vmem>>
    %dma_wait3A_1448 = tpu.memref_squeeze %dma_wait3A_1447 : memref<1x1x100xi32, #tpu.memory_space<vmem>> -> memref<100xi32, #tpu.memory_space<vmem>>
    %dma_wait3A_1449 = arith.constant 0 : i32
    %dma_wait3A_1450 = tpu.memref_slice %arg6[%mul3A_2, %dma_wait3A_1449] : memref<20000x80xf32, #tpu.memory_space<hbm>> -> memref<10000x80xf32, #tpu.memory_space<hbm>>
    %dma_wait3A_1451 = arith.constant 0 : i32
    %dma_wait3A_1452 = arith.constant 0 : i32
    %dma_wait3A_1453 = tpu.memref_slice %dma_wait3A_1450[%dma_wait3A_1451, %dma_wait3A_1452] : memref<10000x80xf32, #tpu.memory_space<hbm>> -> memref<10000x80xf32, #tpu.memory_space<hbm>>
    %dma_wait3A_1454 = tpu.memref_slice %arg12[%dma_wait3A_1441] : memref<8x!tpu.dma_semaphore, #tpu.memory_space<semaphore_mem>> -> memref<1x!tpu.dma_semaphore, #tpu.memory_space<semaphore_mem>>
    %dma_wait3A_1455 = tpu.memref_squeeze %dma_wait3A_1454 : memref<1x!tpu.dma_semaphore, #tpu.memory_space<semaphore_mem>> -> memref<!tpu.dma_semaphore, #tpu.memory_space<semaphore_mem>>
    tpu.wait_indirect_dma semaphore(%dma_wait3A_1455 : memref<!tpu.dma_semaphore, #tpu.memory_space<semaphore_mem>>) src(%dma_wait3A_1453 : memref<10000x80xf32, #tpu.memory_space<hbm>>) dst(%dma_wait3A_1445 : memref<100x80xf32, #tpu.memory_space<vmem>>)
    %dma_start3A_1456 = arith.constant 4 : i32
    %dma_start3A_1457 = arith.constant 1 : i32
    %dma_start3A_1458 = arith.constant 0 : i32
    %dma_start3A_1459 = arith.constant 4 : i32
    %dma_start3A_1460 = arith.constant 0 : i32
    %dma_start3A_1461 = arith.constant 0 : i32
    %dma_start3A_1462 = tpu.memref_slice %arg9[%dma_start3A_1456, %dma_start3A_1460, %dma_start3A_1461] : memref<8x100x80xf32, #tpu.memory_space<vmem>> -> memref<1x100x80xf32, #tpu.memory_space<vmem>>
    %dma_start3A_1463 = tpu.memref_squeeze %dma_start3A_1462 : memref<1x100x80xf32, #tpu.memory_space<vmem>> -> memref<100x80xf32, #tpu.memory_space<vmem>>
    %dma_start3A_1464 = arith.constant 0 : i32
    %dma_start3A_1465 = tpu.memref_slice %arg8[%dma_start3A_1457, %dma_start3A_1458, %dma_start3A_1464] : memref<6x4x100xi32, #tpu.memory_space<vmem>> -> memref<1x1x100xi32, #tpu.memory_space<vmem>>
    %dma_start3A_1466 = tpu.memref_squeeze %dma_start3A_1465 : memref<1x1x100xi32, #tpu.memory_space<vmem>> -> memref<100xi32, #tpu.memory_space<vmem>>
    %dma_start3A_1467 = arith.constant 0 : i32
    %dma_start3A_1468 = arith.constant 0 : i32
    %dma_start3A_1469 = tpu.memref_slice %arg11[%dma_start3A_1467, %dma_start3A_1468] : memref<10000x80xf32, #tpu.memory_space<vmem_shared>> -> memref<10000x80xf32, #tpu.memory_space<vmem_shared>>
    %dma_start3A_1470 = tpu.memref_slice %arg13[%dma_start3A_1459] : memref<8x!tpu.dma_semaphore, #tpu.memory_space<semaphore_mem>> -> memref<1x!tpu.dma_semaphore, #tpu.memory_space<semaphore_mem>>
    %dma_start3A_1471 = tpu.memref_squeeze %dma_start3A_1470 : memref<1x!tpu.dma_semaphore, #tpu.memory_space<semaphore_mem>> -> memref<!tpu.dma_semaphore, #tpu.memory_space<semaphore_mem>>
    tpu.enqueue_indirect_dma source(%dma_start3A_1463 : memref<100x80xf32, #tpu.memory_space<vmem>>) target(%dma_start3A_1469 : memref<10000x80xf32, #tpu.memory_space<vmem_shared>>) offsets(%dma_start3A_1466 : memref<100xi32, #tpu.memory_space<vmem>>) semaphore(%dma_start3A_1471 : memref<!tpu.dma_semaphore, #tpu.memory_space<semaphore_mem>>) {add = true}
    %dma_wait3A_1472 = arith.constant 2 : i32
    %dma_wait3A_1473 = arith.constant 0 : i32
    %dma_wait3A_1474 = arith.constant 0 : i32
    %dma_wait3A_1475 = arith.constant 2 : i32
    %dma_wait3A_1476 = arith.constant 0 : i32
    %dma_wait3A_1477 = arith.constant 0 : i32
    %dma_wait3A_1478 = tpu.memref_slice %arg9[%dma_wait3A_1472, %dma_wait3A_1476, %dma_wait3A_1477] : memref<8x100x80xf32, #tpu.memory_space<vmem>> -> memref<1x100x80xf32, #tpu.memory_space<vmem>>
    %dma_wait3A_1479 = tpu.memref_squeeze %dma_wait3A_1478 : memref<1x100x80xf32, #tpu.memory_space<vmem>> -> memref<100x80xf32, #tpu.memory_space<vmem>>
    %dma_wait3A_1480 = arith.constant 0 : i32
    %dma_wait3A_1481 = tpu.memref_slice %arg8[%dma_wait3A_1473, %dma_wait3A_1474, %dma_wait3A_1480] : memref<6x4x100xi32, #tpu.memory_space<vmem>> -> memref<1x1x100xi32, #tpu.memory_space<vmem>>
    %dma_wait3A_1482 = tpu.memref_squeeze %dma_wait3A_1481 : memref<1x1x100xi32, #tpu.memory_space<vmem>> -> memref<100xi32, #tpu.memory_space<vmem>>
    %dma_wait3A_1483 = arith.constant 0 : i32
    %dma_wait3A_1484 = arith.constant 0 : i32
    %dma_wait3A_1485 = tpu.memref_slice %arg11[%dma_wait3A_1483, %dma_wait3A_1484] : memref<10000x80xf32, #tpu.memory_space<vmem_shared>> -> memref<10000x80xf32, #tpu.memory_space<vmem_shared>>
    %dma_wait3A_1486 = tpu.memref_slice %arg13[%dma_wait3A_1475] : memref<8x!tpu.dma_semaphore, #tpu.memory_space<semaphore_mem>> -> memref<1x!tpu.dma_semaphore, #tpu.memory_space<semaphore_mem>>
    %dma_wait3A_1487 = tpu.memref_squeeze %dma_wait3A_1486 : memref<1x!tpu.dma_semaphore, #tpu.memory_space<semaphore_mem>> -> memref<!tpu.dma_semaphore, #tpu.memory_space<semaphore_mem>>
    tpu.wait_indirect_dma semaphore(%dma_wait3A_1487 : memref<!tpu.dma_semaphore, #tpu.memory_space<semaphore_mem>>) src(%dma_wait3A_1479 : memref<100x80xf32, #tpu.memory_space<vmem>>) dst(%dma_wait3A_1485 : memref<10000x80xf32, #tpu.memory_space<vmem_shared>>)
    %dma_start3A_1488 = arith.constant 2 : i32
    %dma_start3A_1489 = arith.constant 2 : i32
    %dma_start3A_1490 = arith.constant 2 : i32
    %dma_start3A_1491 = arith.constant 2 : i32
    %dma_start3A_1492 = arith.constant 0 : i32
    %dma_start3A_1493 = arith.constant 0 : i32
    %dma_start3A_1494 = tpu.memref_slice %arg9[%dma_start3A_1490, %dma_start3A_1492, %dma_start3A_1493] : memref<8x100x80xf32, #tpu.memory_space<vmem>> -> memref<1x100x80xf32, #tpu.memory_space<vmem>>
    %dma_start3A_1495 = tpu.memref_squeeze %dma_start3A_1494 : memref<1x100x80xf32, #tpu.memory_space<vmem>> -> memref<100x80xf32, #tpu.memory_space<vmem>>
    %dma_start3A_1496 = arith.constant 0 : i32
    %dma_start3A_1497 = tpu.memref_slice %arg7[%dma_start3A_1488, %dma_start3A_1489, %dma_start3A_1496] : memref<6x4x100xi32, #tpu.memory_space<vmem>> -> memref<1x1x100xi32, #tpu.memory_space<vmem>>
    %dma_start3A_1498 = tpu.memref_squeeze %dma_start3A_1497 : memref<1x1x100xi32, #tpu.memory_space<vmem>> -> memref<100xi32, #tpu.memory_space<vmem>>
    %dma_start3A_1499 = arith.constant 0 : i32
    %dma_start3A_1500 = tpu.memref_slice %arg6[%mul3A_2, %dma_start3A_1499] : memref<20000x80xf32, #tpu.memory_space<hbm>> -> memref<10000x80xf32, #tpu.memory_space<hbm>>
    %dma_start3A_1501 = arith.constant 0 : i32
    %dma_start3A_1502 = arith.constant 0 : i32
    %dma_start3A_1503 = tpu.memref_slice %dma_start3A_1500[%dma_start3A_1501, %dma_start3A_1502] : memref<10000x80xf32, #tpu.memory_space<hbm>> -> memref<10000x80xf32, #tpu.memory_space<hbm>>
    %dma_start3A_1504 = tpu.memref_slice %arg12[%dma_start3A_1491] : memref<8x!tpu.dma_semaphore, #tpu.memory_space<semaphore_mem>> -> memref<1x!tpu.dma_semaphore, #tpu.memory_space<semaphore_mem>>
    %dma_start3A_1505 = tpu.memref_squeeze %dma_start3A_1504 : memref<1x!tpu.dma_semaphore, #tpu.memory_space<semaphore_mem>> -> memref<!tpu.dma_semaphore, #tpu.memory_space<semaphore_mem>>
    tpu.enqueue_indirect_dma source(%dma_start3A_1503 : memref<10000x80xf32, #tpu.memory_space<hbm>>) target(%dma_start3A_1495 : memref<100x80xf32, #tpu.memory_space<vmem>>) offsets(%dma_start3A_1498 : memref<100xi32, #tpu.memory_space<vmem>>) semaphore(%dma_start3A_1505 : memref<!tpu.dma_semaphore, #tpu.memory_space<semaphore_mem>>)
    %dma_wait3A_1506 = arith.constant 0 : i32
    %dma_wait3A_1507 = arith.constant 0 : i32
    %dma_wait3A_1508 = arith.constant 5 : i32
    %dma_wait3A_1509 = arith.constant 5 : i32
    %dma_wait3A_1510 = arith.constant 0 : i32
    %dma_wait3A_1511 = arith.constant 0 : i32
    %dma_wait3A_1512 = tpu.memref_slice %arg9[%dma_wait3A_1508, %dma_wait3A_1510, %dma_wait3A_1511] : memref<8x100x80xf32, #tpu.memory_space<vmem>> -> memref<1x100x80xf32, #tpu.memory_space<vmem>>
    %dma_wait3A_1513 = tpu.memref_squeeze %dma_wait3A_1512 : memref<1x100x80xf32, #tpu.memory_space<vmem>> -> memref<100x80xf32, #tpu.memory_space<vmem>>
    %dma_wait3A_1514 = arith.constant 0 : i32
    %dma_wait3A_1515 = tpu.memref_slice %arg7[%dma_wait3A_1506, %dma_wait3A_1507, %dma_wait3A_1514] : memref<6x4x100xi32, #tpu.memory_space<vmem>> -> memref<1x1x100xi32, #tpu.memory_space<vmem>>
    %dma_wait3A_1516 = tpu.memref_squeeze %dma_wait3A_1515 : memref<1x1x100xi32, #tpu.memory_space<vmem>> -> memref<100xi32, #tpu.memory_space<vmem>>
    %dma_wait3A_1517 = arith.constant 0 : i32
    %dma_wait3A_1518 = tpu.memref_slice %arg6[%mul3A_2, %dma_wait3A_1517] : memref<20000x80xf32, #tpu.memory_space<hbm>> -> memref<10000x80xf32, #tpu.memory_space<hbm>>
    %dma_wait3A_1519 = arith.constant 0 : i32
    %dma_wait3A_1520 = arith.constant 0 : i32
    %dma_wait3A_1521 = tpu.memref_slice %dma_wait3A_1518[%dma_wait3A_1519, %dma_wait3A_1520] : memref<10000x80xf32, #tpu.memory_space<hbm>> -> memref<10000x80xf32, #tpu.memory_space<hbm>>
    %dma_wait3A_1522 = tpu.memref_slice %arg12[%dma_wait3A_1509] : memref<8x!tpu.dma_semaphore, #tpu.memory_space<semaphore_mem>> -> memref<1x!tpu.dma_semaphore, #tpu.memory_space<semaphore_mem>>
    %dma_wait3A_1523 = tpu.memref_squeeze %dma_wait3A_1522 : memref<1x!tpu.dma_semaphore, #tpu.memory_space<semaphore_mem>> -> memref<!tpu.dma_semaphore, #tpu.memory_space<semaphore_mem>>
    tpu.wait_indirect_dma semaphore(%dma_wait3A_1523 : memref<!tpu.dma_semaphore, #tpu.memory_space<semaphore_mem>>) src(%dma_wait3A_1521 : memref<10000x80xf32, #tpu.memory_space<hbm>>) dst(%dma_wait3A_1513 : memref<100x80xf32, #tpu.memory_space<vmem>>)
    %dma_start3A_1524 = arith.constant 5 : i32
    %dma_start3A_1525 = arith.constant 1 : i32
    %dma_start3A_1526 = arith.constant 1 : i32
    %dma_start3A_1527 = arith.constant 5 : i32
    %dma_start3A_1528 = arith.constant 0 : i32
    %dma_start3A_1529 = arith.constant 0 : i32
    %dma_start3A_1530 = tpu.memref_slice %arg9[%dma_start3A_1524, %dma_start3A_1528, %dma_start3A_1529] : memref<8x100x80xf32, #tpu.memory_space<vmem>> -> memref<1x100x80xf32, #tpu.memory_space<vmem>>
    %dma_start3A_1531 = tpu.memref_squeeze %dma_start3A_1530 : memref<1x100x80xf32, #tpu.memory_space<vmem>> -> memref<100x80xf32, #tpu.memory_space<vmem>>
    %dma_start3A_1532 = arith.constant 0 : i32
    %dma_start3A_1533 = tpu.memref_slice %arg8[%dma_start3A_1525, %dma_start3A_1526, %dma_start3A_1532] : memref<6x4x100xi32, #tpu.memory_space<vmem>> -> memref<1x1x100xi32, #tpu.memory_space<vmem>>
    %dma_start3A_1534 = tpu.memref_squeeze %dma_start3A_1533 : memref<1x1x100xi32, #tpu.memory_space<vmem>> -> memref<100xi32, #tpu.memory_space<vmem>>
    %dma_start3A_1535 = arith.constant 0 : i32
    %dma_start3A_1536 = arith.constant 0 : i32
    %dma_start3A_1537 = tpu.memref_slice %arg11[%dma_start3A_1535, %dma_start3A_1536] : memref<10000x80xf32, #tpu.memory_space<vmem_shared>> -> memref<10000x80xf32, #tpu.memory_space<vmem_shared>>
    %dma_start3A_1538 = tpu.memref_slice %arg13[%dma_start3A_1527] : memref<8x!tpu.dma_semaphore, #tpu.memory_space<semaphore_mem>> -> memref<1x!tpu.dma_semaphore, #tpu.memory_space<semaphore_mem>>
    %dma_start3A_1539 = tpu.memref_squeeze %dma_start3A_1538 : memref<1x!tpu.dma_semaphore, #tpu.memory_space<semaphore_mem>> -> memref<!tpu.dma_semaphore, #tpu.memory_space<semaphore_mem>>
    tpu.enqueue_indirect_dma source(%dma_start3A_1531 : memref<100x80xf32, #tpu.memory_space<vmem>>) target(%dma_start3A_1537 : memref<10000x80xf32, #tpu.memory_space<vmem_shared>>) offsets(%dma_start3A_1534 : memref<100xi32, #tpu.memory_space<vmem>>) semaphore(%dma_start3A_1539 : memref<!tpu.dma_semaphore, #tpu.memory_space<semaphore_mem>>) {add = true}
    %dma_wait3A_1540 = arith.constant 3 : i32
    %dma_wait3A_1541 = arith.constant 0 : i32
    %dma_wait3A_1542 = arith.constant 0 : i32
    %dma_wait3A_1543 = arith.constant 3 : i32
    %dma_wait3A_1544 = arith.constant 0 : i32
    %dma_wait3A_1545 = arith.constant 0 : i32
    %dma_wait3A_1546 = tpu.memref_slice %arg9[%dma_wait3A_1540, %dma_wait3A_1544, %dma_wait3A_1545] : memref<8x100x80xf32, #tpu.memory_space<vmem>> -> memref<1x100x80xf32, #tpu.memory_space<vmem>>
    %dma_wait3A_1547 = tpu.memref_squeeze %dma_wait3A_1546 : memref<1x100x80xf32, #tpu.memory_space<vmem>> -> memref<100x80xf32, #tpu.memory_space<vmem>>
    %dma_wait3A_1548 = arith.constant 0 : i32
    %dma_wait3A_1549 = tpu.memref_slice %arg8[%dma_wait3A_1541, %dma_wait3A_1542, %dma_wait3A_1548] : memref<6x4x100xi32, #tpu.memory_space<vmem>> -> memref<1x1x100xi32, #tpu.memory_space<vmem>>
    %dma_wait3A_1550 = tpu.memref_squeeze %dma_wait3A_1549 : memref<1x1x100xi32, #tpu.memory_space<vmem>> -> memref<100xi32, #tpu.memory_space<vmem>>
    %dma_wait3A_1551 = arith.constant 0 : i32
    %dma_wait3A_1552 = arith.constant 0 : i32
    %dma_wait3A_1553 = tpu.memref_slice %arg11[%dma_wait3A_1551, %dma_wait3A_1552] : memref<10000x80xf32, #tpu.memory_space<vmem_shared>> -> memref<10000x80xf32, #tpu.memory_space<vmem_shared>>
    %dma_wait3A_1554 = tpu.memref_slice %arg13[%dma_wait3A_1543] : memref<8x!tpu.dma_semaphore, #tpu.memory_space<semaphore_mem>> -> memref<1x!tpu.dma_semaphore, #tpu.memory_space<semaphore_mem>>
    %dma_wait3A_1555 = tpu.memref_squeeze %dma_wait3A_1554 : memref<1x!tpu.dma_semaphore, #tpu.memory_space<semaphore_mem>> -> memref<!tpu.dma_semaphore, #tpu.memory_space<semaphore_mem>>
    tpu.wait_indirect_dma semaphore(%dma_wait3A_1555 : memref<!tpu.dma_semaphore, #tpu.memory_space<semaphore_mem>>) src(%dma_wait3A_1547 : memref<100x80xf32, #tpu.memory_space<vmem>>) dst(%dma_wait3A_1553 : memref<10000x80xf32, #tpu.memory_space<vmem_shared>>)
    %dma_start3A_1556 = arith.constant 2 : i32
    %dma_start3A_1557 = arith.constant 3 : i32
    %dma_start3A_1558 = arith.constant 3 : i32
    %dma_start3A_1559 = arith.constant 3 : i32
    %dma_start3A_1560 = arith.constant 0 : i32
    %dma_start3A_1561 = arith.constant 0 : i32
    %dma_start3A_1562 = tpu.memref_slice %arg9[%dma_start3A_1558, %dma_start3A_1560, %dma_start3A_1561] : memref<8x100x80xf32, #tpu.memory_space<vmem>> -> memref<1x100x80xf32, #tpu.memory_space<vmem>>
    %dma_start3A_1563 = tpu.memref_squeeze %dma_start3A_1562 : memref<1x100x80xf32, #tpu.memory_space<vmem>> -> memref<100x80xf32, #tpu.memory_space<vmem>>
    %dma_start3A_1564 = arith.constant 0 : i32
    %dma_start3A_1565 = tpu.memref_slice %arg7[%dma_start3A_1556, %dma_start3A_1557, %dma_start3A_1564] : memref<6x4x100xi32, #tpu.memory_space<vmem>> -> memref<1x1x100xi32, #tpu.memory_space<vmem>>
    %dma_start3A_1566 = tpu.memref_squeeze %dma_start3A_1565 : memref<1x1x100xi32, #tpu.memory_space<vmem>> -> memref<100xi32, #tpu.memory_space<vmem>>
    %dma_start3A_1567 = arith.constant 0 : i32
    %dma_start3A_1568 = tpu.memref_slice %arg6[%mul3A_2, %dma_start3A_1567] : memref<20000x80xf32, #tpu.memory_space<hbm>> -> memref<10000x80xf32, #tpu.memory_space<hbm>>
    %dma_start3A_1569 = arith.constant 0 : i32
    %dma_start3A_1570 = arith.constant 0 : i32
    %dma_start3A_1571 = tpu.memref_slice %dma_start3A_1568[%dma_start3A_1569, %dma_start3A_1570] : memref<10000x80xf32, #tpu.memory_space<hbm>> -> memref<10000x80xf32, #tpu.memory_space<hbm>>
    %dma_start3A_1572 = tpu.memref_slice %arg12[%dma_start3A_1559] : memref<8x!tpu.dma_semaphore, #tpu.memory_space<semaphore_mem>> -> memref<1x!tpu.dma_semaphore, #tpu.memory_space<semaphore_mem>>
    %dma_start3A_1573 = tpu.memref_squeeze %dma_start3A_1572 : memref<1x!tpu.dma_semaphore, #tpu.memory_space<semaphore_mem>> -> memref<!tpu.dma_semaphore, #tpu.memory_space<semaphore_mem>>
    tpu.enqueue_indirect_dma source(%dma_start3A_1571 : memref<10000x80xf32, #tpu.memory_space<hbm>>) target(%dma_start3A_1563 : memref<100x80xf32, #tpu.memory_space<vmem>>) offsets(%dma_start3A_1566 : memref<100xi32, #tpu.memory_space<vmem>>) semaphore(%dma_start3A_1573 : memref<!tpu.dma_semaphore, #tpu.memory_space<semaphore_mem>>)
    %dma_wait3A_1574 = arith.constant 0 : i32
    %dma_wait3A_1575 = arith.constant 3 : i32
    %dma_wait3A_1576 = arith.constant 3 : i32
    %dma_wait3A_1577 = arith.constant 0 : i32
    %dma_wait3A_1578 = arith.constant 0 : i32
    %dma_wait3A_1579 = tpu.memref_slice %arg7[%dma_wait3A_1575, %dma_wait3A_1577, %dma_wait3A_1578] : memref<6x4x100xi32, #tpu.memory_space<vmem>> -> memref<1x4x100xi32, #tpu.memory_space<vmem>>
    %dma_wait3A_1580 = tpu.memref_squeeze %dma_wait3A_1579 : memref<1x4x100xi32, #tpu.memory_space<vmem>> -> memref<4x100xi32, #tpu.memory_space<vmem>>
    %dma_wait3A_1581 = arith.constant 0 : i32
    %dma_wait3A_1582 = arith.constant 0 : i32
    %dma_wait3A_1583 = tpu.memref_slice %arg3[%arg1, %dma_wait3A_1574, %dma_wait3A_1581, %dma_wait3A_1582] : memref<16x50x4x100xi32, #tpu.memory_space<hbm>> -> memref<1x1x4x100xi32, #tpu.memory_space<hbm>>
    %dma_wait3A_1584 = tpu.memref_squeeze %dma_wait3A_1583 : memref<1x1x4x100xi32, #tpu.memory_space<hbm>> -> memref<4x100xi32, #tpu.memory_space<hbm>>
    %dma_wait3A_1585 = tpu.memref_slice %arg14[%dma_wait3A_1576] : memref<6x!tpu.dma_semaphore, #tpu.memory_space<semaphore_mem>> -> memref<1x!tpu.dma_semaphore, #tpu.memory_space<semaphore_mem>>
    %dma_wait3A_1586 = tpu.memref_squeeze %dma_wait3A_1585 : memref<1x!tpu.dma_semaphore, #tpu.memory_space<semaphore_mem>> -> memref<!tpu.dma_semaphore, #tpu.memory_space<semaphore_mem>>
    %dma_wait3A_1587 = arith.constant 0 : i32
    %dma_wait3A_1588 = arith.constant 0 : i32
    %dma_wait3A_1589 = tpu.memref_slice %arg7[%dma_wait3A_1575, %dma_wait3A_1587, %dma_wait3A_1588] : memref<6x4x100xi32, #tpu.memory_space<vmem>> -> memref<1x4x100xi32, #tpu.memory_space<vmem>>
    %dma_wait3A_1590 = tpu.memref_squeeze %dma_wait3A_1589 : memref<1x4x100xi32, #tpu.memory_space<vmem>> -> memref<4x100xi32, #tpu.memory_space<vmem>>
    %dma_wait3A_1591 = arith.constant 0 : i32
    %dma_wait3A_1592 = arith.constant 0 : i32
    %dma_wait3A_1593 = tpu.memref_slice %arg3[%arg1, %dma_wait3A_1574, %dma_wait3A_1591, %dma_wait3A_1592] : memref<16x50x4x100xi32, #tpu.memory_space<hbm>> -> memref<1x1x4x100xi32, #tpu.memory_space<hbm>>
    %dma_wait3A_1594 = tpu.memref_squeeze %dma_wait3A_1593 : memref<1x1x4x100xi32, #tpu.memory_space<hbm>> -> memref<4x100xi32, #tpu.memory_space<hbm>>
    tpu.wait_dma2 semaphore(%dma_wait3A_1586 : memref<!tpu.dma_semaphore, #tpu.memory_space<semaphore_mem>>) src(%dma_wait3A_1594 : memref<4x100xi32, #tpu.memory_space<hbm>>) dst(%dma_wait3A_1590 : memref<4x100xi32, #tpu.memory_space<vmem>>)
    %dma_wait3A_1595 = arith.constant 0 : i32
    %dma_wait3A_1596 = arith.constant 3 : i32
    %dma_wait3A_1597 = arith.constant 3 : i32
    %dma_wait3A_1598 = arith.constant 0 : i32
    %dma_wait3A_1599 = arith.constant 0 : i32
    %dma_wait3A_1600 = tpu.memref_slice %arg8[%dma_wait3A_1596, %dma_wait3A_1598, %dma_wait3A_1599] : memref<6x4x100xi32, #tpu.memory_space<vmem>> -> memref<1x4x100xi32, #tpu.memory_space<vmem>>
    %dma_wait3A_1601 = tpu.memref_squeeze %dma_wait3A_1600 : memref<1x4x100xi32, #tpu.memory_space<vmem>> -> memref<4x100xi32, #tpu.memory_space<vmem>>
    %dma_wait3A_1602 = arith.constant 0 : i32
    %dma_wait3A_1603 = arith.constant 0 : i32
    %dma_wait3A_1604 = tpu.memref_slice %arg4[%arg1, %dma_wait3A_1595, %dma_wait3A_1602, %dma_wait3A_1603] : memref<16x50x4x100xi32, #tpu.memory_space<hbm>> -> memref<1x1x4x100xi32, #tpu.memory_space<hbm>>
    %dma_wait3A_1605 = tpu.memref_squeeze %dma_wait3A_1604 : memref<1x1x4x100xi32, #tpu.memory_space<hbm>> -> memref<4x100xi32, #tpu.memory_space<hbm>>
    %dma_wait3A_1606 = tpu.memref_slice %arg14[%dma_wait3A_1597] : memref<6x!tpu.dma_semaphore, #tpu.memory_space<semaphore_mem>> -> memref<1x!tpu.dma_semaphore, #tpu.memory_space<semaphore_mem>>
    %dma_wait3A_1607 = tpu.memref_squeeze %dma_wait3A_1606 : memref<1x!tpu.dma_semaphore, #tpu.memory_space<semaphore_mem>> -> memref<!tpu.dma_semaphore, #tpu.memory_space<semaphore_mem>>
    %dma_wait3A_1608 = arith.constant 0 : i32
    %dma_wait3A_1609 = arith.constant 0 : i32
    %dma_wait3A_1610 = tpu.memref_slice %arg8[%dma_wait3A_1596, %dma_wait3A_1608, %dma_wait3A_1609] : memref<6x4x100xi32, #tpu.memory_space<vmem>> -> memref<1x4x100xi32, #tpu.memory_space<vmem>>
    %dma_wait3A_1611 = tpu.memref_squeeze %dma_wait3A_1610 : memref<1x4x100xi32, #tpu.memory_space<vmem>> -> memref<4x100xi32, #tpu.memory_space<vmem>>
    %dma_wait3A_1612 = arith.constant 0 : i32
    %dma_wait3A_1613 = arith.constant 0 : i32
    %dma_wait3A_1614 = tpu.memref_slice %arg4[%arg1, %dma_wait3A_1595, %dma_wait3A_1612, %dma_wait3A_1613] : memref<16x50x4x100xi32, #tpu.memory_space<hbm>> -> memref<1x1x4x100xi32, #tpu.memory_space<hbm>>
    %dma_wait3A_1615 = tpu.memref_squeeze %dma_wait3A_1614 : memref<1x1x4x100xi32, #tpu.memory_space<hbm>> -> memref<4x100xi32, #tpu.memory_space<hbm>>
    tpu.wait_dma2 semaphore(%dma_wait3A_1607 : memref<!tpu.dma_semaphore, #tpu.memory_space<semaphore_mem>>) src(%dma_wait3A_1615 : memref<4x100xi32, #tpu.memory_space<hbm>>) dst(%dma_wait3A_1611 : memref<4x100xi32, #tpu.memory_space<vmem>>)
    %dma_wait3A_1616 = arith.constant 0 : i32
    %dma_wait3A_1617 = arith.constant 0 : i32
    %dma_wait3A_1618 = arith.constant 6 : i32
    %dma_wait3A_1619 = arith.constant 6 : i32
    %dma_wait3A_1620 = arith.constant 0 : i32
    %dma_wait3A_1621 = arith.constant 0 : i32
    %dma_wait3A_1622 = tpu.memref_slice %arg9[%dma_wait3A_1618, %dma_wait3A_1620, %dma_wait3A_1621] : memref<8x100x80xf32, #tpu.memory_space<vmem>> -> memref<1x100x80xf32, #tpu.memory_space<vmem>>
    %dma_wait3A_1623 = tpu.memref_squeeze %dma_wait3A_1622 : memref<1x100x80xf32, #tpu.memory_space<vmem>> -> memref<100x80xf32, #tpu.memory_space<vmem>>
    %dma_wait3A_1624 = arith.constant 0 : i32
    %dma_wait3A_1625 = tpu.memref_slice %arg7[%dma_wait3A_1616, %dma_wait3A_1617, %dma_wait3A_1624] : memref<6x4x100xi32, #tpu.memory_space<vmem>> -> memref<1x1x100xi32, #tpu.memory_space<vmem>>
    %dma_wait3A_1626 = tpu.memref_squeeze %dma_wait3A_1625 : memref<1x1x100xi32, #tpu.memory_space<vmem>> -> memref<100xi32, #tpu.memory_space<vmem>>
    %dma_wait3A_1627 = arith.constant 0 : i32
    %dma_wait3A_1628 = tpu.memref_slice %arg6[%mul3A_2, %dma_wait3A_1627] : memref<20000x80xf32, #tpu.memory_space<hbm>> -> memref<10000x80xf32, #tpu.memory_space<hbm>>
    %dma_wait3A_1629 = arith.constant 0 : i32
    %dma_wait3A_1630 = arith.constant 0 : i32
    %dma_wait3A_1631 = tpu.memref_slice %dma_wait3A_1628[%dma_wait3A_1629, %dma_wait3A_1630] : memref<10000x80xf32, #tpu.memory_space<hbm>> -> memref<10000x80xf32, #tpu.memory_space<hbm>>
    %dma_wait3A_1632 = tpu.memref_slice %arg12[%dma_wait3A_1619] : memref<8x!tpu.dma_semaphore, #tpu.memory_space<semaphore_mem>> -> memref<1x!tpu.dma_semaphore, #tpu.memory_space<semaphore_mem>>
    %dma_wait3A_1633 = tpu.memref_squeeze %dma_wait3A_1632 : memref<1x!tpu.dma_semaphore, #tpu.memory_space<semaphore_mem>> -> memref<!tpu.dma_semaphore, #tpu.memory_space<semaphore_mem>>
    tpu.wait_indirect_dma semaphore(%dma_wait3A_1633 : memref<!tpu.dma_semaphore, #tpu.memory_space<semaphore_mem>>) src(%dma_wait3A_1631 : memref<10000x80xf32, #tpu.memory_space<hbm>>) dst(%dma_wait3A_1623 : memref<100x80xf32, #tpu.memory_space<vmem>>)
    %dma_start3A_1634 = arith.constant 6 : i32
    %dma_start3A_1635 = arith.constant 1 : i32
    %dma_start3A_1636 = arith.constant 2 : i32
    %dma_start3A_1637 = arith.constant 6 : i32
    %dma_start3A_1638 = arith.constant 0 : i32
    %dma_start3A_1639 = arith.constant 0 : i32
    %dma_start3A_1640 = tpu.memref_slice %arg9[%dma_start3A_1634, %dma_start3A_1638, %dma_start3A_1639] : memref<8x100x80xf32, #tpu.memory_space<vmem>> -> memref<1x100x80xf32, #tpu.memory_space<vmem>>
    %dma_start3A_1641 = tpu.memref_squeeze %dma_start3A_1640 : memref<1x100x80xf32, #tpu.memory_space<vmem>> -> memref<100x80xf32, #tpu.memory_space<vmem>>
    %dma_start3A_1642 = arith.constant 0 : i32
    %dma_start3A_1643 = tpu.memref_slice %arg8[%dma_start3A_1635, %dma_start3A_1636, %dma_start3A_1642] : memref<6x4x100xi32, #tpu.memory_space<vmem>> -> memref<1x1x100xi32, #tpu.memory_space<vmem>>
    %dma_start3A_1644 = tpu.memref_squeeze %dma_start3A_1643 : memref<1x1x100xi32, #tpu.memory_space<vmem>> -> memref<100xi32, #tpu.memory_space<vmem>>
    %dma_start3A_1645 = arith.constant 0 : i32
    %dma_start3A_1646 = arith.constant 0 : i32
    %dma_start3A_1647 = tpu.memref_slice %arg11[%dma_start3A_1645, %dma_start3A_1646] : memref<10000x80xf32, #tpu.memory_space<vmem_shared>> -> memref<10000x80xf32, #tpu.memory_space<vmem_shared>>
    %dma_start3A_1648 = tpu.memref_slice %arg13[%dma_start3A_1637] : memref<8x!tpu.dma_semaphore, #tpu.memory_space<semaphore_mem>> -> memref<1x!tpu.dma_semaphore, #tpu.memory_space<semaphore_mem>>
    %dma_start3A_1649 = tpu.memref_squeeze %dma_start3A_1648 : memref<1x!tpu.dma_semaphore, #tpu.memory_space<semaphore_mem>> -> memref<!tpu.dma_semaphore, #tpu.memory_space<semaphore_mem>>
    tpu.enqueue_indirect_dma source(%dma_start3A_1641 : memref<100x80xf32, #tpu.memory_space<vmem>>) target(%dma_start3A_1647 : memref<10000x80xf32, #tpu.memory_space<vmem_shared>>) offsets(%dma_start3A_1644 : memref<100xi32, #tpu.memory_space<vmem>>) semaphore(%dma_start3A_1649 : memref<!tpu.dma_semaphore, #tpu.memory_space<semaphore_mem>>) {add = true}
    %dma_wait3A_1650 = arith.constant 4 : i32
    %dma_wait3A_1651 = arith.constant 0 : i32
    %dma_wait3A_1652 = arith.constant 0 : i32
    %dma_wait3A_1653 = arith.constant 4 : i32
    %dma_wait3A_1654 = arith.constant 0 : i32
    %dma_wait3A_1655 = arith.constant 0 : i32
    %dma_wait3A_1656 = tpu.memref_slice %arg9[%dma_wait3A_1650, %dma_wait3A_1654, %dma_wait3A_1655] : memref<8x100x80xf32, #tpu.memory_space<vmem>> -> memref<1x100x80xf32, #tpu.memory_space<vmem>>
    %dma_wait3A_1657 = tpu.memref_squeeze %dma_wait3A_1656 : memref<1x100x80xf32, #tpu.memory_space<vmem>> -> memref<100x80xf32, #tpu.memory_space<vmem>>
    %dma_wait3A_1658 = arith.constant 0 : i32
    %dma_wait3A_1659 = tpu.memref_slice %arg8[%dma_wait3A_1651, %dma_wait3A_1652, %dma_wait3A_1658] : memref<6x4x100xi32, #tpu.memory_space<vmem>> -> memref<1x1x100xi32, #tpu.memory_space<vmem>>
    %dma_wait3A_1660 = tpu.memref_squeeze %dma_wait3A_1659 : memref<1x1x100xi32, #tpu.memory_space<vmem>> -> memref<100xi32, #tpu.memory_space<vmem>>
    %dma_wait3A_1661 = arith.constant 0 : i32
    %dma_wait3A_1662 = arith.constant 0 : i32
    %dma_wait3A_1663 = tpu.memref_slice %arg11[%dma_wait3A_1661, %dma_wait3A_1662] : memref<10000x80xf32, #tpu.memory_space<vmem_shared>> -> memref<10000x80xf32, #tpu.memory_space<vmem_shared>>
    %dma_wait3A_1664 = tpu.memref_slice %arg13[%dma_wait3A_1653] : memref<8x!tpu.dma_semaphore, #tpu.memory_space<semaphore_mem>> -> memref<1x!tpu.dma_semaphore, #tpu.memory_space<semaphore_mem>>
    %dma_wait3A_1665 = tpu.memref_squeeze %dma_wait3A_1664 : memref<1x!tpu.dma_semaphore, #tpu.memory_space<semaphore_mem>> -> memref<!tpu.dma_semaphore, #tpu.memory_space<semaphore_mem>>
    tpu.wait_indirect_dma semaphore(%dma_wait3A_1665 : memref<!tpu.dma_semaphore, #tpu.memory_space<semaphore_mem>>) src(%dma_wait3A_1657 : memref<100x80xf32, #tpu.memory_space<vmem>>) dst(%dma_wait3A_1663 : memref<10000x80xf32, #tpu.memory_space<vmem_shared>>)
    %dma_start3A_1666 = arith.constant 3 : i32
    %dma_start3A_1667 = arith.constant 0 : i32
    %dma_start3A_1668 = arith.constant 4 : i32
    %dma_start3A_1669 = arith.constant 4 : i32
    %dma_start3A_1670 = arith.constant 0 : i32
    %dma_start3A_1671 = arith.constant 0 : i32
    %dma_start3A_1672 = tpu.memref_slice %arg9[%dma_start3A_1668, %dma_start3A_1670, %dma_start3A_1671] : memref<8x100x80xf32, #tpu.memory_space<vmem>> -> memref<1x100x80xf32, #tpu.memory_space<vmem>>
    %dma_start3A_1673 = tpu.memref_squeeze %dma_start3A_1672 : memref<1x100x80xf32, #tpu.memory_space<vmem>> -> memref<100x80xf32, #tpu.memory_space<vmem>>
    %dma_start3A_1674 = arith.constant 0 : i32
    %dma_start3A_1675 = tpu.memref_slice %arg7[%dma_start3A_1666, %dma_start3A_1667, %dma_start3A_1674] : memref<6x4x100xi32, #tpu.memory_space<vmem>> -> memref<1x1x100xi32, #tpu.memory_space<vmem>>
    %dma_start3A_1676 = tpu.memref_squeeze %dma_start3A_1675 : memref<1x1x100xi32, #tpu.memory_space<vmem>> -> memref<100xi32, #tpu.memory_space<vmem>>
    %dma_start3A_1677 = arith.constant 0 : i32
    %dma_start3A_1678 = tpu.memref_slice %arg6[%mul3A_2, %dma_start3A_1677] : memref<20000x80xf32, #tpu.memory_space<hbm>> -> memref<10000x80xf32, #tpu.memory_space<hbm>>
    %dma_start3A_1679 = arith.constant 0 : i32
    %dma_start3A_1680 = arith.constant 0 : i32
    %dma_start3A_1681 = tpu.memref_slice %dma_start3A_1678[%dma_start3A_1679, %dma_start3A_1680] : memref<10000x80xf32, #tpu.memory_space<hbm>> -> memref<10000x80xf32, #tpu.memory_space<hbm>>
    %dma_start3A_1682 = tpu.memref_slice %arg12[%dma_start3A_1669] : memref<8x!tpu.dma_semaphore, #tpu.memory_space<semaphore_mem>> -> memref<1x!tpu.dma_semaphore, #tpu.memory_space<semaphore_mem>>
    %dma_start3A_1683 = tpu.memref_squeeze %dma_start3A_1682 : memref<1x!tpu.dma_semaphore, #tpu.memory_space<semaphore_mem>> -> memref<!tpu.dma_semaphore, #tpu.memory_space<semaphore_mem>>
    tpu.enqueue_indirect_dma source(%dma_start3A_1681 : memref<10000x80xf32, #tpu.memory_space<hbm>>) target(%dma_start3A_1673 : memref<100x80xf32, #tpu.memory_space<vmem>>) offsets(%dma_start3A_1676 : memref<100xi32, #tpu.memory_space<vmem>>) semaphore(%dma_start3A_1683 : memref<!tpu.dma_semaphore, #tpu.memory_space<semaphore_mem>>)
    %dma_wait3A_1684 = arith.constant 0 : i32
    %dma_wait3A_1685 = arith.constant 0 : i32
    %dma_wait3A_1686 = arith.constant 7 : i32
    %dma_wait3A_1687 = arith.constant 7 : i32
    %dma_wait3A_1688 = arith.constant 0 : i32
    %dma_wait3A_1689 = arith.constant 0 : i32
    %dma_wait3A_1690 = tpu.memref_slice %arg9[%dma_wait3A_1686, %dma_wait3A_1688, %dma_wait3A_1689] : memref<8x100x80xf32, #tpu.memory_space<vmem>> -> memref<1x100x80xf32, #tpu.memory_space<vmem>>
    %dma_wait3A_1691 = tpu.memref_squeeze %dma_wait3A_1690 : memref<1x100x80xf32, #tpu.memory_space<vmem>> -> memref<100x80xf32, #tpu.memory_space<vmem>>
    %dma_wait3A_1692 = arith.constant 0 : i32
    %dma_wait3A_1693 = tpu.memref_slice %arg7[%dma_wait3A_1684, %dma_wait3A_1685, %dma_wait3A_1692] : memref<6x4x100xi32, #tpu.memory_space<vmem>> -> memref<1x1x100xi32, #tpu.memory_space<vmem>>
    %dma_wait3A_1694 = tpu.memref_squeeze %dma_wait3A_1693 : memref<1x1x100xi32, #tpu.memory_space<vmem>> -> memref<100xi32, #tpu.memory_space<vmem>>
    %dma_wait3A_1695 = arith.constant 0 : i32
    %dma_wait3A_1696 = tpu.memref_slice %arg6[%mul3A_2, %dma_wait3A_1695] : memref<20000x80xf32, #tpu.memory_space<hbm>> -> memref<10000x80xf32, #tpu.memory_space<hbm>>
    %dma_wait3A_1697 = arith.constant 0 : i32
    %dma_wait3A_1698 = arith.constant 0 : i32
    %dma_wait3A_1699 = tpu.memref_slice %dma_wait3A_1696[%dma_wait3A_1697, %dma_wait3A_1698] : memref<10000x80xf32, #tpu.memory_space<hbm>> -> memref<10000x80xf32, #tpu.memory_space<hbm>>
    %dma_wait3A_1700 = tpu.memref_slice %arg12[%dma_wait3A_1687] : memref<8x!tpu.dma_semaphore, #tpu.memory_space<semaphore_mem>> -> memref<1x!tpu.dma_semaphore, #tpu.memory_space<semaphore_mem>>
    %dma_wait3A_1701 = tpu.memref_squeeze %dma_wait3A_1700 : memref<1x!tpu.dma_semaphore, #tpu.memory_space<semaphore_mem>> -> memref<!tpu.dma_semaphore, #tpu.memory_space<semaphore_mem>>
    tpu.wait_indirect_dma semaphore(%dma_wait3A_1701 : memref<!tpu.dma_semaphore, #tpu.memory_space<semaphore_mem>>) src(%dma_wait3A_1699 : memref<10000x80xf32, #tpu.memory_space<hbm>>) dst(%dma_wait3A_1691 : memref<100x80xf32, #tpu.memory_space<vmem>>)
    %dma_start3A_1702 = arith.constant 7 : i32
    %dma_start3A_1703 = arith.constant 1 : i32
    %dma_start3A_1704 = arith.constant 3 : i32
    %dma_start3A_1705 = arith.constant 7 : i32
    %dma_start3A_1706 = arith.constant 0 : i32
    %dma_start3A_1707 = arith.constant 0 : i32
    %dma_start3A_1708 = tpu.memref_slice %arg9[%dma_start3A_1702, %dma_start3A_1706, %dma_start3A_1707] : memref<8x100x80xf32, #tpu.memory_space<vmem>> -> memref<1x100x80xf32, #tpu.memory_space<vmem>>
    %dma_start3A_1709 = tpu.memref_squeeze %dma_start3A_1708 : memref<1x100x80xf32, #tpu.memory_space<vmem>> -> memref<100x80xf32, #tpu.memory_space<vmem>>
    %dma_start3A_1710 = arith.constant 0 : i32
    %dma_start3A_1711 = tpu.memref_slice %arg8[%dma_start3A_1703, %dma_start3A_1704, %dma_start3A_1710] : memref<6x4x100xi32, #tpu.memory_space<vmem>> -> memref<1x1x100xi32, #tpu.memory_space<vmem>>
    %dma_start3A_1712 = tpu.memref_squeeze %dma_start3A_1711 : memref<1x1x100xi32, #tpu.memory_space<vmem>> -> memref<100xi32, #tpu.memory_space<vmem>>
    %dma_start3A_1713 = arith.constant 0 : i32
    %dma_start3A_1714 = arith.constant 0 : i32
    %dma_start3A_1715 = tpu.memref_slice %arg11[%dma_start3A_1713, %dma_start3A_1714] : memref<10000x80xf32, #tpu.memory_space<vmem_shared>> -> memref<10000x80xf32, #tpu.memory_space<vmem_shared>>
    %dma_start3A_1716 = tpu.memref_slice %arg13[%dma_start3A_1705] : memref<8x!tpu.dma_semaphore, #tpu.memory_space<semaphore_mem>> -> memref<1x!tpu.dma_semaphore, #tpu.memory_space<semaphore_mem>>
    %dma_start3A_1717 = tpu.memref_squeeze %dma_start3A_1716 : memref<1x!tpu.dma_semaphore, #tpu.memory_space<semaphore_mem>> -> memref<!tpu.dma_semaphore, #tpu.memory_space<semaphore_mem>>
    tpu.enqueue_indirect_dma source(%dma_start3A_1709 : memref<100x80xf32, #tpu.memory_space<vmem>>) target(%dma_start3A_1715 : memref<10000x80xf32, #tpu.memory_space<vmem_shared>>) offsets(%dma_start3A_1712 : memref<100xi32, #tpu.memory_space<vmem>>) semaphore(%dma_start3A_1717 : memref<!tpu.dma_semaphore, #tpu.memory_space<semaphore_mem>>) {add = true}
    %dma_wait3A_1718 = arith.constant 5 : i32
    %dma_wait3A_1719 = arith.constant 0 : i32
    %dma_wait3A_1720 = arith.constant 0 : i32
    %dma_wait3A_1721 = arith.constant 5 : i32
    %dma_wait3A_1722 = arith.constant 0 : i32
    %dma_wait3A_1723 = arith.constant 0 : i32
    %dma_wait3A_1724 = tpu.memref_slice %arg9[%dma_wait3A_1718, %dma_wait3A_1722, %dma_wait3A_1723] : memref<8x100x80xf32, #tpu.memory_space<vmem>> -> memref<1x100x80xf32, #tpu.memory_space<vmem>>
    %dma_wait3A_1725 = tpu.memref_squeeze %dma_wait3A_1724 : memref<1x100x80xf32, #tpu.memory_space<vmem>> -> memref<100x80xf32, #tpu.memory_space<vmem>>
    %dma_wait3A_1726 = arith.constant 0 : i32
    %dma_wait3A_1727 = tpu.memref_slice %arg8[%dma_wait3A_1719, %dma_wait3A_1720, %dma_wait3A_1726] : memref<6x4x100xi32, #tpu.memory_space<vmem>> -> memref<1x1x100xi32, #tpu.memory_space<vmem>>
    %dma_wait3A_1728 = tpu.memref_squeeze %dma_wait3A_1727 : memref<1x1x100xi32, #tpu.memory_space<vmem>> -> memref<100xi32, #tpu.memory_space<vmem>>
    %dma_wait3A_1729 = arith.constant 0 : i32
    %dma_wait3A_1730 = arith.constant 0 : i32
    %dma_wait3A_1731 = tpu.memref_slice %arg11[%dma_wait3A_1729, %dma_wait3A_1730] : memref<10000x80xf32, #tpu.memory_space<vmem_shared>> -> memref<10000x80xf32, #tpu.memory_space<vmem_shared>>
    %dma_wait3A_1732 = tpu.memref_slice %arg13[%dma_wait3A_1721] : memref<8x!tpu.dma_semaphore, #tpu.memory_space<semaphore_mem>> -> memref<1x!tpu.dma_semaphore, #tpu.memory_space<semaphore_mem>>
    %dma_wait3A_1733 = tpu.memref_squeeze %dma_wait3A_1732 : memref<1x!tpu.dma_semaphore, #tpu.memory_space<semaphore_mem>> -> memref<!tpu.dma_semaphore, #tpu.memory_space<semaphore_mem>>
    tpu.wait_indirect_dma semaphore(%dma_wait3A_1733 : memref<!tpu.dma_semaphore, #tpu.memory_space<semaphore_mem>>) src(%dma_wait3A_1725 : memref<100x80xf32, #tpu.memory_space<vmem>>) dst(%dma_wait3A_1731 : memref<10000x80xf32, #tpu.memory_space<vmem_shared>>)
    %dma_start3A_1734 = arith.constant 3 : i32
    %dma_start3A_1735 = arith.constant 1 : i32
    %dma_start3A_1736 = arith.constant 5 : i32
    %dma_start3A_1737 = arith.constant 5 : i32
    %dma_start3A_1738 = arith.constant 0 : i32
    %dma_start3A_1739 = arith.constant 0 : i32
    %dma_start3A_1740 = tpu.memref_slice %arg9[%dma_start3A_1736, %dma_start3A_1738, %dma_start3A_1739] : memref<8x100x80xf32, #tpu.memory_space<vmem>> -> memref<1x100x80xf32, #tpu.memory_space<vmem>>
    %dma_start3A_1741 = tpu.memref_squeeze %dma_start3A_1740 : memref<1x100x80xf32, #tpu.memory_space<vmem>> -> memref<100x80xf32, #tpu.memory_space<vmem>>
    %dma_start3A_1742 = arith.constant 0 : i32
    %dma_start3A_1743 = tpu.memref_slice %arg7[%dma_start3A_1734, %dma_start3A_1735, %dma_start3A_1742] : memref<6x4x100xi32, #tpu.memory_space<vmem>> -> memref<1x1x100xi32, #tpu.memory_space<vmem>>
    %dma_start3A_1744 = tpu.memref_squeeze %dma_start3A_1743 : memref<1x1x100xi32, #tpu.memory_space<vmem>> -> memref<100xi32, #tpu.memory_space<vmem>>
    %dma_start3A_1745 = arith.constant 0 : i32
    %dma_start3A_1746 = tpu.memref_slice %arg6[%mul3A_2, %dma_start3A_1745] : memref<20000x80xf32, #tpu.memory_space<hbm>> -> memref<10000x80xf32, #tpu.memory_space<hbm>>
    %dma_start3A_1747 = arith.constant 0 : i32
    %dma_start3A_1748 = arith.constant 0 : i32
    %dma_start3A_1749 = tpu.memref_slice %dma_start3A_1746[%dma_start3A_1747, %dma_start3A_1748] : memref<10000x80xf32, #tpu.memory_space<hbm>> -> memref<10000x80xf32, #tpu.memory_space<hbm>>
    %dma_start3A_1750 = tpu.memref_slice %arg12[%dma_start3A_1737] : memref<8x!tpu.dma_semaphore, #tpu.memory_space<semaphore_mem>> -> memref<1x!tpu.dma_semaphore, #tpu.memory_space<semaphore_mem>>
    %dma_start3A_1751 = tpu.memref_squeeze %dma_start3A_1750 : memref<1x!tpu.dma_semaphore, #tpu.memory_space<semaphore_mem>> -> memref<!tpu.dma_semaphore, #tpu.memory_space<semaphore_mem>>
    tpu.enqueue_indirect_dma source(%dma_start3A_1749 : memref<10000x80xf32, #tpu.memory_space<hbm>>) target(%dma_start3A_1741 : memref<100x80xf32, #tpu.memory_space<vmem>>) offsets(%dma_start3A_1744 : memref<100xi32, #tpu.memory_space<vmem>>) semaphore(%dma_start3A_1751 : memref<!tpu.dma_semaphore, #tpu.memory_space<semaphore_mem>>)
    %scan3A_1752 = arith.constant 0 : i32
    %scan3A_1753 = arith.constant 24 : i32
    %scan3A_1754 = arith.addi %scan3A_1752, %scan3A_1753 : i32
    %scan3A_1755 = arith.constant 1 : i32
    scf.for %scan3A_1931 = %scan3A_1752 to %scan3A_1754 step %scan3A_1755  : i32 {
      %mul3A_1932 = arith.constant 8 : i32
      %mul3A_1933 = arith.muli %scan3A_1931, %mul3A_1932 : i32
      %add3A_1934 = arith.constant 8 : i32
      %add3A_1935 = arith.addi %add3A_1934, %mul3A_1933 : i32
      %jit3A = arith.constant 4 : i32
      %div3A = arith.divsi %add3A_1935, %jit3A : i32
      %sign3A = arith.constant 0 : i32
      %sign3A_1936 = arith.cmpi sgt, %add3A_1935, %sign3A : i32
      %sign3A_1937 = arith.extui %sign3A_1936 : i1 to i32
      %sign3A_1938 = arith.constant 0 : i32
      %sign3A_1939 = arith.cmpi slt, %add3A_1935, %sign3A_1938 : i32
      %sign3A_1940 = arith.extui %sign3A_1939 : i1 to i32
      %sign3A_1941 = arith.subi %sign3A_1937, %sign3A_1940 : i32
      %sign3A_1942 = arith.constant 0 : i32
      %sign3A_1943 = arith.cmpi sgt, %jit3A, %sign3A_1942 : i32
      %sign3A_1944 = arith.extui %sign3A_1943 : i1 to i32
      %sign3A_1945 = arith.constant 0 : i32
      %sign3A_1946 = arith.cmpi slt, %jit3A, %sign3A_1945 : i32
      %sign3A_1947 = arith.extui %sign3A_1946 : i1 to i32
      %sign3A_1948 = arith.subi %sign3A_1944, %sign3A_1947 : i32
      %ne3A = arith.cmpi ne, %sign3A_1941, %sign3A_1948 : i32
      %rem3A = arith.remsi %add3A_1935, %jit3A : i32
      %ne3A_1949 = arith.constant 0 : i32
      %ne3A_1950 = arith.cmpi ne, %rem3A, %ne3A_1949 : i32
      %and3A = arith.andi %ne3A, %ne3A_1950 : i1
      %sub3A = arith.constant 1 : i32
      %sub3A_1951 = arith.subi %div3A, %sub3A : i32
      %select_n3A = arith.select %and3A, %sub3A_1951, %div3A : i32
      %add3A_1952 = arith.constant 4 : i32
      %add3A_1953 = arith.addi %select_n3A, %add3A_1952 : i32
      %lt3A = arith.constant 50 : i32
      %lt3A_1954 = arith.cmpi slt, %add3A_1953, %lt3A : i32
      %convert_element_type3A = arith.extui %lt3A_1954 : i1 to i32
      %cond3A = arith.constant 0 : i32
      %cond3A_1955 = arith.cmpi ne, %convert_element_type3A, %cond3A : i32
      scf.if %cond3A_1955 {
        %add3A_2632 = arith.constant 4 : i32
        %add3A_2633 = arith.addi %select_n3A, %add3A_2632 : i32
        %jit3A_2634 = arith.constant 6 : i32
        %eq3A_2635 = arith.constant 0 : i32
        %eq3A_2636 = arith.cmpi eq, %jit3A_2634, %eq3A_2635 : i32
        %jit3A_2637 = arith.constant 1 : i32
        %select_n3A_2638 = arith.select %eq3A_2636, %jit3A_2637, %jit3A_2634 : i32
        %rem3A_2639 = arith.remsi %add3A_2633, %select_n3A_2638 : i32
        %ne3A_2640 = arith.constant 0 : i32
        %ne3A_2641 = arith.cmpi ne, %rem3A_2639, %ne3A_2640 : i32
        %lt3A_2642 = arith.constant 0 : i32
        %lt3A_2643 = arith.cmpi slt, %rem3A_2639, %lt3A_2642 : i32
        %lt3A_2644 = arith.constant 0 : i32
        %lt3A_2645 = arith.cmpi slt, %select_n3A_2638, %lt3A_2644 : i32
        %ne3A_2646 = arith.xori %lt3A_2643, %lt3A_2645 : i1
        %and3A_2647 = arith.andi %ne3A_2646, %ne3A_2641 : i1
        %add3A_2648 = arith.addi %rem3A_2639, %select_n3A_2638 : i32
        %select_n3A_2649 = arith.select %and3A_2647, %add3A_2648, %rem3A_2639 : i32
        %dma_start3A_2650 = arith.constant 0 : i32
        %dma_start3A_2651 = arith.constant 0 : i32
        %dma_start3A_2652 = tpu.memref_slice %arg7[%select_n3A_2649, %dma_start3A_2650, %dma_start3A_2651] : memref<6x4x100xi32, #tpu.memory_space<vmem>> -> memref<1x4x100xi32, #tpu.memory_space<vmem>>
        %dma_start3A_2653 = tpu.memref_squeeze %dma_start3A_2652 : memref<1x4x100xi32, #tpu.memory_space<vmem>> -> memref<4x100xi32, #tpu.memory_space<vmem>>
        %dma_start3A_2654 = arith.constant 0 : i32
        %dma_start3A_2655 = arith.constant 0 : i32
        %dma_start3A_2656 = tpu.memref_slice %arg3[%arg1, %add3A_2633, %dma_start3A_2654, %dma_start3A_2655] : memref<16x50x4x100xi32, #tpu.memory_space<hbm>> -> memref<1x1x4x100xi32, #tpu.memory_space<hbm>>
        %dma_start3A_2657 = tpu.memref_squeeze %dma_start3A_2656 : memref<1x1x4x100xi32, #tpu.memory_space<hbm>> -> memref<4x100xi32, #tpu.memory_space<hbm>>
        %dma_start3A_2658 = tpu.memref_slice %arg14[%select_n3A_2649] : memref<6x!tpu.dma_semaphore, #tpu.memory_space<semaphore_mem>> -> memref<1x!tpu.dma_semaphore, #tpu.memory_space<semaphore_mem>>
        %dma_start3A_2659 = tpu.memref_squeeze %dma_start3A_2658 : memref<1x!tpu.dma_semaphore, #tpu.memory_space<semaphore_mem>> -> memref<!tpu.dma_semaphore, #tpu.memory_space<semaphore_mem>>
        %dma_start3A_2660 = arith.constant 0 : i32
        %dma_start3A_2661 = arith.constant 0 : i32
        %dma_start3A_2662 = tpu.memref_slice %arg7[%select_n3A_2649, %dma_start3A_2660, %dma_start3A_2661] : memref<6x4x100xi32, #tpu.memory_space<vmem>> -> memref<1x4x100xi32, #tpu.memory_space<vmem>>
        %dma_start3A_2663 = tpu.memref_squeeze %dma_start3A_2662 : memref<1x4x100xi32, #tpu.memory_space<vmem>> -> memref<4x100xi32, #tpu.memory_space<vmem>>
        %dma_start3A_2664 = arith.constant 0 : i32
        %dma_start3A_2665 = arith.constant 0 : i32
        %dma_start3A_2666 = tpu.memref_slice %arg3[%arg1, %add3A_2633, %dma_start3A_2664, %dma_start3A_2665] : memref<16x50x4x100xi32, #tpu.memory_space<hbm>> -> memref<1x1x4x100xi32, #tpu.memory_space<hbm>>
        %dma_start3A_2667 = tpu.memref_squeeze %dma_start3A_2666 : memref<1x1x4x100xi32, #tpu.memory_space<hbm>> -> memref<4x100xi32, #tpu.memory_space<hbm>>
        tpu.enqueue_dma source(%dma_start3A_2667 : memref<4x100xi32, #tpu.memory_space<hbm>>) target(%dma_start3A_2663 : memref<4x100xi32, #tpu.memory_space<vmem>>) target_semaphore(%dma_start3A_2659 : memref<!tpu.dma_semaphore, #tpu.memory_space<semaphore_mem>>)
        %dma_start3A_2668 = arith.constant 0 : i32
        %dma_start3A_2669 = arith.constant 0 : i32
        %dma_start3A_2670 = tpu.memref_slice %arg8[%select_n3A_2649, %dma_start3A_2668, %dma_start3A_2669] : memref<6x4x100xi32, #tpu.memory_space<vmem>> -> memref<1x4x100xi32, #tpu.memory_space<vmem>>
        %dma_start3A_2671 = tpu.memref_squeeze %dma_start3A_2670 : memref<1x4x100xi32, #tpu.memory_space<vmem>> -> memref<4x100xi32, #tpu.memory_space<vmem>>
        %dma_start3A_2672 = arith.constant 0 : i32
        %dma_start3A_2673 = arith.constant 0 : i32
        %dma_start3A_2674 = tpu.memref_slice %arg4[%arg1, %add3A_2633, %dma_start3A_2672, %dma_start3A_2673] : memref<16x50x4x100xi32, #tpu.memory_space<hbm>> -> memref<1x1x4x100xi32, #tpu.memory_space<hbm>>
        %dma_start3A_2675 = tpu.memref_squeeze %dma_start3A_2674 : memref<1x1x4x100xi32, #tpu.memory_space<hbm>> -> memref<4x100xi32, #tpu.memory_space<hbm>>
        %dma_start3A_2676 = tpu.memref_slice %arg14[%select_n3A_2649] : memref<6x!tpu.dma_semaphore, #tpu.memory_space<semaphore_mem>> -> memref<1x!tpu.dma_semaphore, #tpu.memory_space<semaphore_mem>>
        %dma_start3A_2677 = tpu.memref_squeeze %dma_start3A_2676 : memref<1x!tpu.dma_semaphore, #tpu.memory_space<semaphore_mem>> -> memref<!tpu.dma_semaphore, #tpu.memory_space<semaphore_mem>>
        %dma_start3A_2678 = arith.constant 0 : i32
        %dma_start3A_2679 = arith.constant 0 : i32
        %dma_start3A_2680 = tpu.memref_slice %arg8[%select_n3A_2649, %dma_start3A_2678, %dma_start3A_2679] : memref<6x4x100xi32, #tpu.memory_space<vmem>> -> memref<1x4x100xi32, #tpu.memory_space<vmem>>
        %dma_start3A_2681 = tpu.memref_squeeze %dma_start3A_2680 : memref<1x4x100xi32, #tpu.memory_space<vmem>> -> memref<4x100xi32, #tpu.memory_space<vmem>>
        %dma_start3A_2682 = arith.constant 0 : i32
        %dma_start3A_2683 = arith.constant 0 : i32
        %dma_start3A_2684 = tpu.memref_slice %arg4[%arg1, %add3A_2633, %dma_start3A_2682, %dma_start3A_2683] : memref<16x50x4x100xi32, #tpu.memory_space<hbm>> -> memref<1x1x4x100xi32, #tpu.memory_space<hbm>>
        %dma_start3A_2685 = tpu.memref_squeeze %dma_start3A_2684 : memref<1x1x4x100xi32, #tpu.memory_space<hbm>> -> memref<4x100xi32, #tpu.memory_space<hbm>>
        tpu.enqueue_dma source(%dma_start3A_2685 : memref<4x100xi32, #tpu.memory_space<hbm>>) target(%dma_start3A_2681 : memref<4x100xi32, #tpu.memory_space<vmem>>) target_semaphore(%dma_start3A_2677 : memref<!tpu.dma_semaphore, #tpu.memory_space<semaphore_mem>>)
      } else {
      }
      %add3A_1956 = arith.constant 0 : i32
      %add3A_1957 = arith.addi %add3A_1935, %add3A_1956 : i32
      %dma_wait3A_1958 = arith.constant 0 : i32
      %dma_wait3A_1959 = arith.constant 0 : i32
      %dma_wait3A_1960 = arith.constant 0 : i32
      %dma_wait3A_1961 = arith.constant 0 : i32
      %dma_wait3A_1962 = arith.constant 0 : i32
      %dma_wait3A_1963 = arith.constant 0 : i32
      %dma_wait3A_1964 = tpu.memref_slice %arg9[%dma_wait3A_1960, %dma_wait3A_1962, %dma_wait3A_1963] : memref<8x100x80xf32, #tpu.memory_space<vmem>> -> memref<1x100x80xf32, #tpu.memory_space<vmem>>
      %dma_wait3A_1965 = tpu.memref_squeeze %dma_wait3A_1964 : memref<1x100x80xf32, #tpu.memory_space<vmem>> -> memref<100x80xf32, #tpu.memory_space<vmem>>
      %dma_wait3A_1966 = arith.constant 0 : i32
      %dma_wait3A_1967 = tpu.memref_slice %arg7[%dma_wait3A_1958, %dma_wait3A_1959, %dma_wait3A_1966] : memref<6x4x100xi32, #tpu.memory_space<vmem>> -> memref<1x1x100xi32, #tpu.memory_space<vmem>>
      %dma_wait3A_1968 = tpu.memref_squeeze %dma_wait3A_1967 : memref<1x1x100xi32, #tpu.memory_space<vmem>> -> memref<100xi32, #tpu.memory_space<vmem>>
      %dma_wait3A_1969 = arith.constant 0 : i32
      %dma_wait3A_1970 = tpu.memref_slice %arg6[%mul3A_2, %dma_wait3A_1969] : memref<20000x80xf32, #tpu.memory_space<hbm>> -> memref<10000x80xf32, #tpu.memory_space<hbm>>
      %dma_wait3A_1971 = arith.constant 0 : i32
      %dma_wait3A_1972 = arith.constant 0 : i32
      %dma_wait3A_1973 = tpu.memref_slice %dma_wait3A_1970[%dma_wait3A_1971, %dma_wait3A_1972] : memref<10000x80xf32, #tpu.memory_space<hbm>> -> memref<10000x80xf32, #tpu.memory_space<hbm>>
      %dma_wait3A_1974 = tpu.memref_slice %arg12[%dma_wait3A_1961] : memref<8x!tpu.dma_semaphore, #tpu.memory_space<semaphore_mem>> -> memref<1x!tpu.dma_semaphore, #tpu.memory_space<semaphore_mem>>
      %dma_wait3A_1975 = tpu.memref_squeeze %dma_wait3A_1974 : memref<1x!tpu.dma_semaphore, #tpu.memory_space<semaphore_mem>> -> memref<!tpu.dma_semaphore, #tpu.memory_space<semaphore_mem>>
      tpu.wait_indirect_dma semaphore(%dma_wait3A_1975 : memref<!tpu.dma_semaphore, #tpu.memory_space<semaphore_mem>>) src(%dma_wait3A_1973 : memref<10000x80xf32, #tpu.memory_space<hbm>>) dst(%dma_wait3A_1965 : memref<100x80xf32, #tpu.memory_space<vmem>>)
      %jit3A_1976 = arith.constant 4 : i32
      %div3A_1977 = arith.divsi %add3A_1957, %jit3A_1976 : i32
      %sign3A_1978 = arith.constant 0 : i32
      %sign3A_1979 = arith.cmpi sgt, %add3A_1957, %sign3A_1978 : i32
      %sign3A_1980 = arith.extui %sign3A_1979 : i1 to i32
      %sign3A_1981 = arith.constant 0 : i32
      %sign3A_1982 = arith.cmpi slt, %add3A_1957, %sign3A_1981 : i32
      %sign3A_1983 = arith.extui %sign3A_1982 : i1 to i32
      %sign3A_1984 = arith.subi %sign3A_1980, %sign3A_1983 : i32
      %sign3A_1985 = arith.constant 0 : i32
      %sign3A_1986 = arith.cmpi sgt, %jit3A_1976, %sign3A_1985 : i32
      %sign3A_1987 = arith.extui %sign3A_1986 : i1 to i32
      %sign3A_1988 = arith.constant 0 : i32
      %sign3A_1989 = arith.cmpi slt, %jit3A_1976, %sign3A_1988 : i32
      %sign3A_1990 = arith.extui %sign3A_1989 : i1 to i32
      %sign3A_1991 = arith.subi %sign3A_1987, %sign3A_1990 : i32
      %ne3A_1992 = arith.cmpi ne, %sign3A_1984, %sign3A_1991 : i32
      %rem3A_1993 = arith.remsi %add3A_1957, %jit3A_1976 : i32
      %ne3A_1994 = arith.constant 0 : i32
      %ne3A_1995 = arith.cmpi ne, %rem3A_1993, %ne3A_1994 : i32
      %and3A_1996 = arith.andi %ne3A_1992, %ne3A_1995 : i1
      %sub3A_1997 = arith.constant 1 : i32
      %sub3A_1998 = arith.subi %div3A_1977, %sub3A_1997 : i32
      %select_n3A_1999 = arith.select %and3A_1996, %sub3A_1998, %div3A_1977 : i32
      %jit3A_2000 = arith.constant 6 : i32
      %eq3A = arith.constant 0 : i32
      %eq3A_2001 = arith.cmpi eq, %jit3A_2000, %eq3A : i32
      %jit3A_2002 = arith.constant 1 : i32
      %select_n3A_2003 = arith.select %eq3A_2001, %jit3A_2002, %jit3A_2000 : i32
      %rem3A_2004 = arith.remsi %select_n3A_1999, %select_n3A_2003 : i32
      %ne3A_2005 = arith.constant 0 : i32
      %ne3A_2006 = arith.cmpi ne, %rem3A_2004, %ne3A_2005 : i32
      %lt3A_2007 = arith.constant 0 : i32
      %lt3A_2008 = arith.cmpi slt, %rem3A_2004, %lt3A_2007 : i32
      %lt3A_2009 = arith.constant 0 : i32
      %lt3A_2010 = arith.cmpi slt, %select_n3A_2003, %lt3A_2009 : i32
      %ne3A_2011 = arith.xori %lt3A_2008, %lt3A_2010 : i1
      %and3A_2012 = arith.andi %ne3A_2011, %ne3A_2006 : i1
      %add3A_2013 = arith.addi %rem3A_2004, %select_n3A_2003 : i32
      %select_n3A_2014 = arith.select %and3A_2012, %add3A_2013, %rem3A_2004 : i32
      %dma_start3A_2015 = arith.constant 0 : i32
      %dma_start3A_2016 = arith.constant 0 : i32
      %dma_start3A_2017 = arith.constant 0 : i32
      %dma_start3A_2018 = arith.constant 0 : i32
      %dma_start3A_2019 = arith.constant 0 : i32
      %dma_start3A_2020 = tpu.memref_slice %arg9[%dma_start3A_2015, %dma_start3A_2018, %dma_start3A_2019] : memref<8x100x80xf32, #tpu.memory_space<vmem>> -> memref<1x100x80xf32, #tpu.memory_space<vmem>>
      %dma_start3A_2021 = tpu.memref_squeeze %dma_start3A_2020 : memref<1x100x80xf32, #tpu.memory_space<vmem>> -> memref<100x80xf32, #tpu.memory_space<vmem>>
      %dma_start3A_2022 = arith.constant 0 : i32
      %dma_start3A_2023 = tpu.memref_slice %arg8[%select_n3A_2014, %dma_start3A_2016, %dma_start3A_2022] : memref<6x4x100xi32, #tpu.memory_space<vmem>> -> memref<1x1x100xi32, #tpu.memory_space<vmem>>
      %dma_start3A_2024 = tpu.memref_squeeze %dma_start3A_2023 : memref<1x1x100xi32, #tpu.memory_space<vmem>> -> memref<100xi32, #tpu.memory_space<vmem>>
      %dma_start3A_2025 = arith.constant 0 : i32
      %dma_start3A_2026 = arith.constant 0 : i32
      %dma_start3A_2027 = tpu.memref_slice %arg11[%dma_start3A_2025, %dma_start3A_2026] : memref<10000x80xf32, #tpu.memory_space<vmem_shared>> -> memref<10000x80xf32, #tpu.memory_space<vmem_shared>>
      %dma_start3A_2028 = tpu.memref_slice %arg13[%dma_start3A_2017] : memref<8x!tpu.dma_semaphore, #tpu.memory_space<semaphore_mem>> -> memref<1x!tpu.dma_semaphore, #tpu.memory_space<semaphore_mem>>
      %dma_start3A_2029 = tpu.memref_squeeze %dma_start3A_2028 : memref<1x!tpu.dma_semaphore, #tpu.memory_space<semaphore_mem>> -> memref<!tpu.dma_semaphore, #tpu.memory_space<semaphore_mem>>
      tpu.enqueue_indirect_dma source(%dma_start3A_2021 : memref<100x80xf32, #tpu.memory_space<vmem>>) target(%dma_start3A_2027 : memref<10000x80xf32, #tpu.memory_space<vmem_shared>>) offsets(%dma_start3A_2024 : memref<100xi32, #tpu.memory_space<vmem>>) semaphore(%dma_start3A_2029 : memref<!tpu.dma_semaphore, #tpu.memory_space<semaphore_mem>>) {add = true}
      %add3A_2030 = arith.constant 6 : i32
      %add3A_2031 = arith.addi %add3A_1957, %add3A_2030 : i32
      %lt3A_2032 = arith.constant 200 : i32
      %lt3A_2033 = arith.cmpi slt, %add3A_2031, %lt3A_2032 : i32
      %convert_element_type3A_2034 = arith.extui %lt3A_2033 : i1 to i32
      %cond3A_2035 = arith.constant 0 : i32
      %cond3A_2036 = arith.cmpi ne, %convert_element_type3A_2034, %cond3A_2035 : i32
      scf.if %cond3A_2036 {
        %dma_wait3A_2632 = arith.constant 6 : i32
        %dma_wait3A_2633 = arith.constant 0 : i32
        %dma_wait3A_2634 = arith.constant 0 : i32
        %dma_wait3A_2635 = arith.constant 6 : i32
        %dma_wait3A_2636 = arith.constant 0 : i32
        %dma_wait3A_2637 = arith.constant 0 : i32
        %dma_wait3A_2638 = tpu.memref_slice %arg9[%dma_wait3A_2632, %dma_wait3A_2636, %dma_wait3A_2637] : memref<8x100x80xf32, #tpu.memory_space<vmem>> -> memref<1x100x80xf32, #tpu.memory_space<vmem>>
        %dma_wait3A_2639 = tpu.memref_squeeze %dma_wait3A_2638 : memref<1x100x80xf32, #tpu.memory_space<vmem>> -> memref<100x80xf32, #tpu.memory_space<vmem>>
        %dma_wait3A_2640 = arith.constant 0 : i32
        %dma_wait3A_2641 = tpu.memref_slice %arg8[%dma_wait3A_2633, %dma_wait3A_2634, %dma_wait3A_2640] : memref<6x4x100xi32, #tpu.memory_space<vmem>> -> memref<1x1x100xi32, #tpu.memory_space<vmem>>
        %dma_wait3A_2642 = tpu.memref_squeeze %dma_wait3A_2641 : memref<1x1x100xi32, #tpu.memory_space<vmem>> -> memref<100xi32, #tpu.memory_space<vmem>>
        %dma_wait3A_2643 = arith.constant 0 : i32
        %dma_wait3A_2644 = arith.constant 0 : i32
        %dma_wait3A_2645 = tpu.memref_slice %arg11[%dma_wait3A_2643, %dma_wait3A_2644] : memref<10000x80xf32, #tpu.memory_space<vmem_shared>> -> memref<10000x80xf32, #tpu.memory_space<vmem_shared>>
        %dma_wait3A_2646 = tpu.memref_slice %arg13[%dma_wait3A_2635] : memref<8x!tpu.dma_semaphore, #tpu.memory_space<semaphore_mem>> -> memref<1x!tpu.dma_semaphore, #tpu.memory_space<semaphore_mem>>
        %dma_wait3A_2647 = tpu.memref_squeeze %dma_wait3A_2646 : memref<1x!tpu.dma_semaphore, #tpu.memory_space<semaphore_mem>> -> memref<!tpu.dma_semaphore, #tpu.memory_space<semaphore_mem>>
        tpu.wait_indirect_dma semaphore(%dma_wait3A_2647 : memref<!tpu.dma_semaphore, #tpu.memory_space<semaphore_mem>>) src(%dma_wait3A_2639 : memref<100x80xf32, #tpu.memory_space<vmem>>) dst(%dma_wait3A_2645 : memref<10000x80xf32, #tpu.memory_space<vmem_shared>>)
        %jit3A_2648 = arith.constant 4 : i32
        %div3A_2649 = arith.divsi %add3A_2031, %jit3A_2648 : i32
        %sign3A_2650 = arith.constant 0 : i32
        %sign3A_2651 = arith.cmpi sgt, %add3A_2031, %sign3A_2650 : i32
        %sign3A_2652 = arith.extui %sign3A_2651 : i1 to i32
        %sign3A_2653 = arith.constant 0 : i32
        %sign3A_2654 = arith.cmpi slt, %add3A_2031, %sign3A_2653 : i32
        %sign3A_2655 = arith.extui %sign3A_2654 : i1 to i32
        %sign3A_2656 = arith.subi %sign3A_2652, %sign3A_2655 : i32
        %sign3A_2657 = arith.constant 0 : i32
        %sign3A_2658 = arith.cmpi sgt, %jit3A_2648, %sign3A_2657 : i32
        %sign3A_2659 = arith.extui %sign3A_2658 : i1 to i32
        %sign3A_2660 = arith.constant 0 : i32
        %sign3A_2661 = arith.cmpi slt, %jit3A_2648, %sign3A_2660 : i32
        %sign3A_2662 = arith.extui %sign3A_2661 : i1 to i32
        %sign3A_2663 = arith.subi %sign3A_2659, %sign3A_2662 : i32
        %ne3A_2664 = arith.cmpi ne, %sign3A_2656, %sign3A_2663 : i32
        %rem3A_2665 = arith.remsi %add3A_2031, %jit3A_2648 : i32
        %ne3A_2666 = arith.constant 0 : i32
        %ne3A_2667 = arith.cmpi ne, %rem3A_2665, %ne3A_2666 : i32
        %and3A_2668 = arith.andi %ne3A_2664, %ne3A_2667 : i1
        %sub3A_2669 = arith.constant 1 : i32
        %sub3A_2670 = arith.subi %div3A_2649, %sub3A_2669 : i32
        %select_n3A_2671 = arith.select %and3A_2668, %sub3A_2670, %div3A_2649 : i32
        %jit3A_2672 = arith.constant 6 : i32
        %eq3A_2673 = arith.constant 0 : i32
        %eq3A_2674 = arith.cmpi eq, %jit3A_2672, %eq3A_2673 : i32
        %jit3A_2675 = arith.constant 1 : i32
        %select_n3A_2676 = arith.select %eq3A_2674, %jit3A_2675, %jit3A_2672 : i32
        %rem3A_2677 = arith.remsi %select_n3A_2671, %select_n3A_2676 : i32
        %ne3A_2678 = arith.constant 0 : i32
        %ne3A_2679 = arith.cmpi ne, %rem3A_2677, %ne3A_2678 : i32
        %lt3A_2680 = arith.constant 0 : i32
        %lt3A_2681 = arith.cmpi slt, %rem3A_2677, %lt3A_2680 : i32
        %lt3A_2682 = arith.constant 0 : i32
        %lt3A_2683 = arith.cmpi slt, %select_n3A_2676, %lt3A_2682 : i32
        %ne3A_2684 = arith.xori %lt3A_2681, %lt3A_2683 : i1
        %and3A_2685 = arith.andi %ne3A_2684, %ne3A_2679 : i1
        %add3A_2686 = arith.addi %rem3A_2677, %select_n3A_2676 : i32
        %select_n3A_2687 = arith.select %and3A_2685, %add3A_2686, %rem3A_2677 : i32
        %dma_start3A_2688 = arith.constant 2 : i32
        %dma_start3A_2689 = arith.constant 6 : i32
        %dma_start3A_2690 = arith.constant 6 : i32
        %dma_start3A_2691 = arith.constant 0 : i32
        %dma_start3A_2692 = arith.constant 0 : i32
        %dma_start3A_2693 = tpu.memref_slice %arg9[%dma_start3A_2689, %dma_start3A_2691, %dma_start3A_2692] : memref<8x100x80xf32, #tpu.memory_space<vmem>> -> memref<1x100x80xf32, #tpu.memory_space<vmem>>
        %dma_start3A_2694 = tpu.memref_squeeze %dma_start3A_2693 : memref<1x100x80xf32, #tpu.memory_space<vmem>> -> memref<100x80xf32, #tpu.memory_space<vmem>>
        %dma_start3A_2695 = arith.constant 0 : i32
        %dma_start3A_2696 = tpu.memref_slice %arg7[%select_n3A_2687, %dma_start3A_2688, %dma_start3A_2695] : memref<6x4x100xi32, #tpu.memory_space<vmem>> -> memref<1x1x100xi32, #tpu.memory_space<vmem>>
        %dma_start3A_2697 = tpu.memref_squeeze %dma_start3A_2696 : memref<1x1x100xi32, #tpu.memory_space<vmem>> -> memref<100xi32, #tpu.memory_space<vmem>>
        %dma_start3A_2698 = arith.constant 0 : i32
        %dma_start3A_2699 = tpu.memref_slice %arg6[%mul3A_2, %dma_start3A_2698] : memref<20000x80xf32, #tpu.memory_space<hbm>> -> memref<10000x80xf32, #tpu.memory_space<hbm>>
        %dma_start3A_2700 = arith.constant 0 : i32
        %dma_start3A_2701 = arith.constant 0 : i32
        %dma_start3A_2702 = tpu.memref_slice %dma_start3A_2699[%dma_start3A_2700, %dma_start3A_2701] : memref<10000x80xf32, #tpu.memory_space<hbm>> -> memref<10000x80xf32, #tpu.memory_space<hbm>>
        %dma_start3A_2703 = tpu.memref_slice %arg12[%dma_start3A_2690] : memref<8x!tpu.dma_semaphore, #tpu.memory_space<semaphore_mem>> -> memref<1x!tpu.dma_semaphore, #tpu.memory_space<semaphore_mem>>
        %dma_start3A_2704 = tpu.memref_squeeze %dma_start3A_2703 : memref<1x!tpu.dma_semaphore, #tpu.memory_space<semaphore_mem>> -> memref<!tpu.dma_semaphore, #tpu.memory_space<semaphore_mem>>
        tpu.enqueue_indirect_dma source(%dma_start3A_2702 : memref<10000x80xf32, #tpu.memory_space<hbm>>) target(%dma_start3A_2694 : memref<100x80xf32, #tpu.memory_space<vmem>>) offsets(%dma_start3A_2697 : memref<100xi32, #tpu.memory_space<vmem>>) semaphore(%dma_start3A_2704 : memref<!tpu.dma_semaphore, #tpu.memory_space<semaphore_mem>>)
      } else {
      }
      %add3A_2037 = arith.constant 1 : i32
      %add3A_2038 = arith.addi %add3A_1935, %add3A_2037 : i32
      %dma_wait3A_2039 = arith.constant 0 : i32
      %dma_wait3A_2040 = arith.constant 0 : i32
      %dma_wait3A_2041 = arith.constant 1 : i32
      %dma_wait3A_2042 = arith.constant 1 : i32
      %dma_wait3A_2043 = arith.constant 0 : i32
      %dma_wait3A_2044 = arith.constant 0 : i32
      %dma_wait3A_2045 = tpu.memref_slice %arg9[%dma_wait3A_2041, %dma_wait3A_2043, %dma_wait3A_2044] : memref<8x100x80xf32, #tpu.memory_space<vmem>> -> memref<1x100x80xf32, #tpu.memory_space<vmem>>
      %dma_wait3A_2046 = tpu.memref_squeeze %dma_wait3A_2045 : memref<1x100x80xf32, #tpu.memory_space<vmem>> -> memref<100x80xf32, #tpu.memory_space<vmem>>
      %dma_wait3A_2047 = arith.constant 0 : i32
      %dma_wait3A_2048 = tpu.memref_slice %arg7[%dma_wait3A_2039, %dma_wait3A_2040, %dma_wait3A_2047] : memref<6x4x100xi32, #tpu.memory_space<vmem>> -> memref<1x1x100xi32, #tpu.memory_space<vmem>>
      %dma_wait3A_2049 = tpu.memref_squeeze %dma_wait3A_2048 : memref<1x1x100xi32, #tpu.memory_space<vmem>> -> memref<100xi32, #tpu.memory_space<vmem>>
      %dma_wait3A_2050 = arith.constant 0 : i32
      %dma_wait3A_2051 = tpu.memref_slice %arg6[%mul3A_2, %dma_wait3A_2050] : memref<20000x80xf32, #tpu.memory_space<hbm>> -> memref<10000x80xf32, #tpu.memory_space<hbm>>
      %dma_wait3A_2052 = arith.constant 0 : i32
      %dma_wait3A_2053 = arith.constant 0 : i32
      %dma_wait3A_2054 = tpu.memref_slice %dma_wait3A_2051[%dma_wait3A_2052, %dma_wait3A_2053] : memref<10000x80xf32, #tpu.memory_space<hbm>> -> memref<10000x80xf32, #tpu.memory_space<hbm>>
      %dma_wait3A_2055 = tpu.memref_slice %arg12[%dma_wait3A_2042] : memref<8x!tpu.dma_semaphore, #tpu.memory_space<semaphore_mem>> -> memref<1x!tpu.dma_semaphore, #tpu.memory_space<semaphore_mem>>
      %dma_wait3A_2056 = tpu.memref_squeeze %dma_wait3A_2055 : memref<1x!tpu.dma_semaphore, #tpu.memory_space<semaphore_mem>> -> memref<!tpu.dma_semaphore, #tpu.memory_space<semaphore_mem>>
      tpu.wait_indirect_dma semaphore(%dma_wait3A_2056 : memref<!tpu.dma_semaphore, #tpu.memory_space<semaphore_mem>>) src(%dma_wait3A_2054 : memref<10000x80xf32, #tpu.memory_space<hbm>>) dst(%dma_wait3A_2046 : memref<100x80xf32, #tpu.memory_space<vmem>>)
      %jit3A_2057 = arith.constant 4 : i32
      %div3A_2058 = arith.divsi %add3A_2038, %jit3A_2057 : i32
      %sign3A_2059 = arith.constant 0 : i32
      %sign3A_2060 = arith.cmpi sgt, %add3A_2038, %sign3A_2059 : i32
      %sign3A_2061 = arith.extui %sign3A_2060 : i1 to i32
      %sign3A_2062 = arith.constant 0 : i32
      %sign3A_2063 = arith.cmpi slt, %add3A_2038, %sign3A_2062 : i32
      %sign3A_2064 = arith.extui %sign3A_2063 : i1 to i32
      %sign3A_2065 = arith.subi %sign3A_2061, %sign3A_2064 : i32
      %sign3A_2066 = arith.constant 0 : i32
      %sign3A_2067 = arith.cmpi sgt, %jit3A_2057, %sign3A_2066 : i32
      %sign3A_2068 = arith.extui %sign3A_2067 : i1 to i32
      %sign3A_2069 = arith.constant 0 : i32
      %sign3A_2070 = arith.cmpi slt, %jit3A_2057, %sign3A_2069 : i32
      %sign3A_2071 = arith.extui %sign3A_2070 : i1 to i32
      %sign3A_2072 = arith.subi %sign3A_2068, %sign3A_2071 : i32
      %ne3A_2073 = arith.cmpi ne, %sign3A_2065, %sign3A_2072 : i32
      %rem3A_2074 = arith.remsi %add3A_2038, %jit3A_2057 : i32
      %ne3A_2075 = arith.constant 0 : i32
      %ne3A_2076 = arith.cmpi ne, %rem3A_2074, %ne3A_2075 : i32
      %and3A_2077 = arith.andi %ne3A_2073, %ne3A_2076 : i1
      %sub3A_2078 = arith.constant 1 : i32
      %sub3A_2079 = arith.subi %div3A_2058, %sub3A_2078 : i32
      %select_n3A_2080 = arith.select %and3A_2077, %sub3A_2079, %div3A_2058 : i32
      %jit3A_2081 = arith.constant 6 : i32
      %eq3A_2082 = arith.constant 0 : i32
      %eq3A_2083 = arith.cmpi eq, %jit3A_2081, %eq3A_2082 : i32
      %jit3A_2084 = arith.constant 1 : i32
      %select_n3A_2085 = arith.select %eq3A_2083, %jit3A_2084, %jit3A_2081 : i32
      %rem3A_2086 = arith.remsi %select_n3A_2080, %select_n3A_2085 : i32
      %ne3A_2087 = arith.constant 0 : i32
      %ne3A_2088 = arith.cmpi ne, %rem3A_2086, %ne3A_2087 : i32
      %lt3A_2089 = arith.constant 0 : i32
      %lt3A_2090 = arith.cmpi slt, %rem3A_2086, %lt3A_2089 : i32
      %lt3A_2091 = arith.constant 0 : i32
      %lt3A_2092 = arith.cmpi slt, %select_n3A_2085, %lt3A_2091 : i32
      %ne3A_2093 = arith.xori %lt3A_2090, %lt3A_2092 : i1
      %and3A_2094 = arith.andi %ne3A_2093, %ne3A_2088 : i1
      %add3A_2095 = arith.addi %rem3A_2086, %select_n3A_2085 : i32
      %select_n3A_2096 = arith.select %and3A_2094, %add3A_2095, %rem3A_2086 : i32
      %dma_start3A_2097 = arith.constant 1 : i32
      %dma_start3A_2098 = arith.constant 1 : i32
      %dma_start3A_2099 = arith.constant 1 : i32
      %dma_start3A_2100 = arith.constant 0 : i32
      %dma_start3A_2101 = arith.constant 0 : i32
      %dma_start3A_2102 = tpu.memref_slice %arg9[%dma_start3A_2097, %dma_start3A_2100, %dma_start3A_2101] : memref<8x100x80xf32, #tpu.memory_space<vmem>> -> memref<1x100x80xf32, #tpu.memory_space<vmem>>
      %dma_start3A_2103 = tpu.memref_squeeze %dma_start3A_2102 : memref<1x100x80xf32, #tpu.memory_space<vmem>> -> memref<100x80xf32, #tpu.memory_space<vmem>>
      %dma_start3A_2104 = arith.constant 0 : i32
      %dma_start3A_2105 = tpu.memref_slice %arg8[%select_n3A_2096, %dma_start3A_2098, %dma_start3A_2104] : memref<6x4x100xi32, #tpu.memory_space<vmem>> -> memref<1x1x100xi32, #tpu.memory_space<vmem>>
      %dma_start3A_2106 = tpu.memref_squeeze %dma_start3A_2105 : memref<1x1x100xi32, #tpu.memory_space<vmem>> -> memref<100xi32, #tpu.memory_space<vmem>>
      %dma_start3A_2107 = arith.constant 0 : i32
      %dma_start3A_2108 = arith.constant 0 : i32
      %dma_start3A_2109 = tpu.memref_slice %arg11[%dma_start3A_2107, %dma_start3A_2108] : memref<10000x80xf32, #tpu.memory_space<vmem_shared>> -> memref<10000x80xf32, #tpu.memory_space<vmem_shared>>
      %dma_start3A_2110 = tpu.memref_slice %arg13[%dma_start3A_2099] : memref<8x!tpu.dma_semaphore, #tpu.memory_space<semaphore_mem>> -> memref<1x!tpu.dma_semaphore, #tpu.memory_space<semaphore_mem>>
      %dma_start3A_2111 = tpu.memref_squeeze %dma_start3A_2110 : memref<1x!tpu.dma_semaphore, #tpu.memory_space<semaphore_mem>> -> memref<!tpu.dma_semaphore, #tpu.memory_space<semaphore_mem>>
      tpu.enqueue_indirect_dma source(%dma_start3A_2103 : memref<100x80xf32, #tpu.memory_space<vmem>>) target(%dma_start3A_2109 : memref<10000x80xf32, #tpu.memory_space<vmem_shared>>) offsets(%dma_start3A_2106 : memref<100xi32, #tpu.memory_space<vmem>>) semaphore(%dma_start3A_2111 : memref<!tpu.dma_semaphore, #tpu.memory_space<semaphore_mem>>) {add = true}
      %add3A_2112 = arith.constant 6 : i32
      %add3A_2113 = arith.addi %add3A_2038, %add3A_2112 : i32
      %lt3A_2114 = arith.constant 200 : i32
      %lt3A_2115 = arith.cmpi slt, %add3A_2113, %lt3A_2114 : i32
      %convert_element_type3A_2116 = arith.extui %lt3A_2115 : i1 to i32
      %cond3A_2117 = arith.constant 0 : i32
      %cond3A_2118 = arith.cmpi ne, %convert_element_type3A_2116, %cond3A_2117 : i32
      scf.if %cond3A_2118 {
        %dma_wait3A_2632 = arith.constant 7 : i32
        %dma_wait3A_2633 = arith.constant 0 : i32
        %dma_wait3A_2634 = arith.constant 0 : i32
        %dma_wait3A_2635 = arith.constant 7 : i32
        %dma_wait3A_2636 = arith.constant 0 : i32
        %dma_wait3A_2637 = arith.constant 0 : i32
        %dma_wait3A_2638 = tpu.memref_slice %arg9[%dma_wait3A_2632, %dma_wait3A_2636, %dma_wait3A_2637] : memref<8x100x80xf32, #tpu.memory_space<vmem>> -> memref<1x100x80xf32, #tpu.memory_space<vmem>>
        %dma_wait3A_2639 = tpu.memref_squeeze %dma_wait3A_2638 : memref<1x100x80xf32, #tpu.memory_space<vmem>> -> memref<100x80xf32, #tpu.memory_space<vmem>>
        %dma_wait3A_2640 = arith.constant 0 : i32
        %dma_wait3A_2641 = tpu.memref_slice %arg8[%dma_wait3A_2633, %dma_wait3A_2634, %dma_wait3A_2640] : memref<6x4x100xi32, #tpu.memory_space<vmem>> -> memref<1x1x100xi32, #tpu.memory_space<vmem>>
        %dma_wait3A_2642 = tpu.memref_squeeze %dma_wait3A_2641 : memref<1x1x100xi32, #tpu.memory_space<vmem>> -> memref<100xi32, #tpu.memory_space<vmem>>
        %dma_wait3A_2643 = arith.constant 0 : i32
        %dma_wait3A_2644 = arith.constant 0 : i32
        %dma_wait3A_2645 = tpu.memref_slice %arg11[%dma_wait3A_2643, %dma_wait3A_2644] : memref<10000x80xf32, #tpu.memory_space<vmem_shared>> -> memref<10000x80xf32, #tpu.memory_space<vmem_shared>>
        %dma_wait3A_2646 = tpu.memref_slice %arg13[%dma_wait3A_2635] : memref<8x!tpu.dma_semaphore, #tpu.memory_space<semaphore_mem>> -> memref<1x!tpu.dma_semaphore, #tpu.memory_space<semaphore_mem>>
        %dma_wait3A_2647 = tpu.memref_squeeze %dma_wait3A_2646 : memref<1x!tpu.dma_semaphore, #tpu.memory_space<semaphore_mem>> -> memref<!tpu.dma_semaphore, #tpu.memory_space<semaphore_mem>>
        tpu.wait_indirect_dma semaphore(%dma_wait3A_2647 : memref<!tpu.dma_semaphore, #tpu.memory_space<semaphore_mem>>) src(%dma_wait3A_2639 : memref<100x80xf32, #tpu.memory_space<vmem>>) dst(%dma_wait3A_2645 : memref<10000x80xf32, #tpu.memory_space<vmem_shared>>)
        %jit3A_2648 = arith.constant 4 : i32
        %div3A_2649 = arith.divsi %add3A_2113, %jit3A_2648 : i32
        %sign3A_2650 = arith.constant 0 : i32
        %sign3A_2651 = arith.cmpi sgt, %add3A_2113, %sign3A_2650 : i32
        %sign3A_2652 = arith.extui %sign3A_2651 : i1 to i32
        %sign3A_2653 = arith.constant 0 : i32
        %sign3A_2654 = arith.cmpi slt, %add3A_2113, %sign3A_2653 : i32
        %sign3A_2655 = arith.extui %sign3A_2654 : i1 to i32
        %sign3A_2656 = arith.subi %sign3A_2652, %sign3A_2655 : i32
        %sign3A_2657 = arith.constant 0 : i32
        %sign3A_2658 = arith.cmpi sgt, %jit3A_2648, %sign3A_2657 : i32
        %sign3A_2659 = arith.extui %sign3A_2658 : i1 to i32
        %sign3A_2660 = arith.constant 0 : i32
        %sign3A_2661 = arith.cmpi slt, %jit3A_2648, %sign3A_2660 : i32
        %sign3A_2662 = arith.extui %sign3A_2661 : i1 to i32
        %sign3A_2663 = arith.subi %sign3A_2659, %sign3A_2662 : i32
        %ne3A_2664 = arith.cmpi ne, %sign3A_2656, %sign3A_2663 : i32
        %rem3A_2665 = arith.remsi %add3A_2113, %jit3A_2648 : i32
        %ne3A_2666 = arith.constant 0 : i32
        %ne3A_2667 = arith.cmpi ne, %rem3A_2665, %ne3A_2666 : i32
        %and3A_2668 = arith.andi %ne3A_2664, %ne3A_2667 : i1
        %sub3A_2669 = arith.constant 1 : i32
        %sub3A_2670 = arith.subi %div3A_2649, %sub3A_2669 : i32
        %select_n3A_2671 = arith.select %and3A_2668, %sub3A_2670, %div3A_2649 : i32
        %jit3A_2672 = arith.constant 6 : i32
        %eq3A_2673 = arith.constant 0 : i32
        %eq3A_2674 = arith.cmpi eq, %jit3A_2672, %eq3A_2673 : i32
        %jit3A_2675 = arith.constant 1 : i32
        %select_n3A_2676 = arith.select %eq3A_2674, %jit3A_2675, %jit3A_2672 : i32
        %rem3A_2677 = arith.remsi %select_n3A_2671, %select_n3A_2676 : i32
        %ne3A_2678 = arith.constant 0 : i32
        %ne3A_2679 = arith.cmpi ne, %rem3A_2677, %ne3A_2678 : i32
        %lt3A_2680 = arith.constant 0 : i32
        %lt3A_2681 = arith.cmpi slt, %rem3A_2677, %lt3A_2680 : i32
        %lt3A_2682 = arith.constant 0 : i32
        %lt3A_2683 = arith.cmpi slt, %select_n3A_2676, %lt3A_2682 : i32
        %ne3A_2684 = arith.xori %lt3A_2681, %lt3A_2683 : i1
        %and3A_2685 = arith.andi %ne3A_2684, %ne3A_2679 : i1
        %add3A_2686 = arith.addi %rem3A_2677, %select_n3A_2676 : i32
        %select_n3A_2687 = arith.select %and3A_2685, %add3A_2686, %rem3A_2677 : i32
        %dma_start3A_2688 = arith.constant 3 : i32
        %dma_start3A_2689 = arith.constant 7 : i32
        %dma_start3A_2690 = arith.constant 7 : i32
        %dma_start3A_2691 = arith.constant 0 : i32
        %dma_start3A_2692 = arith.constant 0 : i32
        %dma_start3A_2693 = tpu.memref_slice %arg9[%dma_start3A_2689, %dma_start3A_2691, %dma_start3A_2692] : memref<8x100x80xf32, #tpu.memory_space<vmem>> -> memref<1x100x80xf32, #tpu.memory_space<vmem>>
        %dma_start3A_2694 = tpu.memref_squeeze %dma_start3A_2693 : memref<1x100x80xf32, #tpu.memory_space<vmem>> -> memref<100x80xf32, #tpu.memory_space<vmem>>
        %dma_start3A_2695 = arith.constant 0 : i32
        %dma_start3A_2696 = tpu.memref_slice %arg7[%select_n3A_2687, %dma_start3A_2688, %dma_start3A_2695] : memref<6x4x100xi32, #tpu.memory_space<vmem>> -> memref<1x1x100xi32, #tpu.memory_space<vmem>>
        %dma_start3A_2697 = tpu.memref_squeeze %dma_start3A_2696 : memref<1x1x100xi32, #tpu.memory_space<vmem>> -> memref<100xi32, #tpu.memory_space<vmem>>
        %dma_start3A_2698 = arith.constant 0 : i32
        %dma_start3A_2699 = tpu.memref_slice %arg6[%mul3A_2, %dma_start3A_2698] : memref<20000x80xf32, #tpu.memory_space<hbm>> -> memref<10000x80xf32, #tpu.memory_space<hbm>>
        %dma_start3A_2700 = arith.constant 0 : i32
        %dma_start3A_2701 = arith.constant 0 : i32
        %dma_start3A_2702 = tpu.memref_slice %dma_start3A_2699[%dma_start3A_2700, %dma_start3A_2701] : memref<10000x80xf32, #tpu.memory_space<hbm>> -> memref<10000x80xf32, #tpu.memory_space<hbm>>
        %dma_start3A_2703 = tpu.memref_slice %arg12[%dma_start3A_2690] : memref<8x!tpu.dma_semaphore, #tpu.memory_space<semaphore_mem>> -> memref<1x!tpu.dma_semaphore, #tpu.memory_space<semaphore_mem>>
        %dma_start3A_2704 = tpu.memref_squeeze %dma_start3A_2703 : memref<1x!tpu.dma_semaphore, #tpu.memory_space<semaphore_mem>> -> memref<!tpu.dma_semaphore, #tpu.memory_space<semaphore_mem>>
        tpu.enqueue_indirect_dma source(%dma_start3A_2702 : memref<10000x80xf32, #tpu.memory_space<hbm>>) target(%dma_start3A_2694 : memref<100x80xf32, #tpu.memory_space<vmem>>) offsets(%dma_start3A_2697 : memref<100xi32, #tpu.memory_space<vmem>>) semaphore(%dma_start3A_2704 : memref<!tpu.dma_semaphore, #tpu.memory_space<semaphore_mem>>)
      } else {
      }
      %add3A_2119 = arith.constant 5 : i32
      %add3A_2120 = arith.addi %select_n3A, %add3A_2119 : i32
      %lt3A_2121 = arith.constant 50 : i32
      %lt3A_2122 = arith.cmpi slt, %add3A_2120, %lt3A_2121 : i32
      %convert_element_type3A_2123 = arith.extui %lt3A_2122 : i1 to i32
      %cond3A_2124 = arith.constant 0 : i32
      %cond3A_2125 = arith.cmpi ne, %convert_element_type3A_2123, %cond3A_2124 : i32
      scf.if %cond3A_2125 {
        %add3A_2632 = arith.constant 5 : i32
        %add3A_2633 = arith.addi %select_n3A, %add3A_2632 : i32
        %jit3A_2634 = arith.constant 6 : i32
        %eq3A_2635 = arith.constant 0 : i32
        %eq3A_2636 = arith.cmpi eq, %jit3A_2634, %eq3A_2635 : i32
        %jit3A_2637 = arith.constant 1 : i32
        %select_n3A_2638 = arith.select %eq3A_2636, %jit3A_2637, %jit3A_2634 : i32
        %rem3A_2639 = arith.remsi %add3A_2633, %select_n3A_2638 : i32
        %ne3A_2640 = arith.constant 0 : i32
        %ne3A_2641 = arith.cmpi ne, %rem3A_2639, %ne3A_2640 : i32
        %lt3A_2642 = arith.constant 0 : i32
        %lt3A_2643 = arith.cmpi slt, %rem3A_2639, %lt3A_2642 : i32
        %lt3A_2644 = arith.constant 0 : i32
        %lt3A_2645 = arith.cmpi slt, %select_n3A_2638, %lt3A_2644 : i32
        %ne3A_2646 = arith.xori %lt3A_2643, %lt3A_2645 : i1
        %and3A_2647 = arith.andi %ne3A_2646, %ne3A_2641 : i1
        %add3A_2648 = arith.addi %rem3A_2639, %select_n3A_2638 : i32
        %select_n3A_2649 = arith.select %and3A_2647, %add3A_2648, %rem3A_2639 : i32
        %dma_start3A_2650 = arith.constant 0 : i32
        %dma_start3A_2651 = arith.constant 0 : i32
        %dma_start3A_2652 = tpu.memref_slice %arg7[%select_n3A_2649, %dma_start3A_2650, %dma_start3A_2651] : memref<6x4x100xi32, #tpu.memory_space<vmem>> -> memref<1x4x100xi32, #tpu.memory_space<vmem>>
        %dma_start3A_2653 = tpu.memref_squeeze %dma_start3A_2652 : memref<1x4x100xi32, #tpu.memory_space<vmem>> -> memref<4x100xi32, #tpu.memory_space<vmem>>
        %dma_start3A_2654 = arith.constant 0 : i32
        %dma_start3A_2655 = arith.constant 0 : i32
        %dma_start3A_2656 = tpu.memref_slice %arg3[%arg1, %add3A_2633, %dma_start3A_2654, %dma_start3A_2655] : memref<16x50x4x100xi32, #tpu.memory_space<hbm>> -> memref<1x1x4x100xi32, #tpu.memory_space<hbm>>
        %dma_start3A_2657 = tpu.memref_squeeze %dma_start3A_2656 : memref<1x1x4x100xi32, #tpu.memory_space<hbm>> -> memref<4x100xi32, #tpu.memory_space<hbm>>
        %dma_start3A_2658 = tpu.memref_slice %arg14[%select_n3A_2649] : memref<6x!tpu.dma_semaphore, #tpu.memory_space<semaphore_mem>> -> memref<1x!tpu.dma_semaphore, #tpu.memory_space<semaphore_mem>>
        %dma_start3A_2659 = tpu.memref_squeeze %dma_start3A_2658 : memref<1x!tpu.dma_semaphore, #tpu.memory_space<semaphore_mem>> -> memref<!tpu.dma_semaphore, #tpu.memory_space<semaphore_mem>>
        %dma_start3A_2660 = arith.constant 0 : i32
        %dma_start3A_2661 = arith.constant 0 : i32
        %dma_start3A_2662 = tpu.memref_slice %arg7[%select_n3A_2649, %dma_start3A_2660, %dma_start3A_2661] : memref<6x4x100xi32, #tpu.memory_space<vmem>> -> memref<1x4x100xi32, #tpu.memory_space<vmem>>
        %dma_start3A_2663 = tpu.memref_squeeze %dma_start3A_2662 : memref<1x4x100xi32, #tpu.memory_space<vmem>> -> memref<4x100xi32, #tpu.memory_space<vmem>>
        %dma_start3A_2664 = arith.constant 0 : i32
        %dma_start3A_2665 = arith.constant 0 : i32
        %dma_start3A_2666 = tpu.memref_slice %arg3[%arg1, %add3A_2633, %dma_start3A_2664, %dma_start3A_2665] : memref<16x50x4x100xi32, #tpu.memory_space<hbm>> -> memref<1x1x4x100xi32, #tpu.memory_space<hbm>>
        %dma_start3A_2667 = tpu.memref_squeeze %dma_start3A_2666 : memref<1x1x4x100xi32, #tpu.memory_space<hbm>> -> memref<4x100xi32, #tpu.memory_space<hbm>>
        tpu.enqueue_dma source(%dma_start3A_2667 : memref<4x100xi32, #tpu.memory_space<hbm>>) target(%dma_start3A_2663 : memref<4x100xi32, #tpu.memory_space<vmem>>) target_semaphore(%dma_start3A_2659 : memref<!tpu.dma_semaphore, #tpu.memory_space<semaphore_mem>>)
        %dma_start3A_2668 = arith.constant 0 : i32
        %dma_start3A_2669 = arith.constant 0 : i32
        %dma_start3A_2670 = tpu.memref_slice %arg8[%select_n3A_2649, %dma_start3A_2668, %dma_start3A_2669] : memref<6x4x100xi32, #tpu.memory_space<vmem>> -> memref<1x4x100xi32, #tpu.memory_space<vmem>>
        %dma_start3A_2671 = tpu.memref_squeeze %dma_start3A_2670 : memref<1x4x100xi32, #tpu.memory_space<vmem>> -> memref<4x100xi32, #tpu.memory_space<vmem>>
        %dma_start3A_2672 = arith.constant 0 : i32
        %dma_start3A_2673 = arith.constant 0 : i32
        %dma_start3A_2674 = tpu.memref_slice %arg4[%arg1, %add3A_2633, %dma_start3A_2672, %dma_start3A_2673] : memref<16x50x4x100xi32, #tpu.memory_space<hbm>> -> memref<1x1x4x100xi32, #tpu.memory_space<hbm>>
        %dma_start3A_2675 = tpu.memref_squeeze %dma_start3A_2674 : memref<1x1x4x100xi32, #tpu.memory_space<hbm>> -> memref<4x100xi32, #tpu.memory_space<hbm>>
        %dma_start3A_2676 = tpu.memref_slice %arg14[%select_n3A_2649] : memref<6x!tpu.dma_semaphore, #tpu.memory_space<semaphore_mem>> -> memref<1x!tpu.dma_semaphore, #tpu.memory_space<semaphore_mem>>
        %dma_start3A_2677 = tpu.memref_squeeze %dma_start3A_2676 : memref<1x!tpu.dma_semaphore, #tpu.memory_space<semaphore_mem>> -> memref<!tpu.dma_semaphore, #tpu.memory_space<semaphore_mem>>
        %dma_start3A_2678 = arith.constant 0 : i32
        %dma_start3A_2679 = arith.constant 0 : i32
        %dma_start3A_2680 = tpu.memref_slice %arg8[%select_n3A_2649, %dma_start3A_2678, %dma_start3A_2679] : memref<6x4x100xi32, #tpu.memory_space<vmem>> -> memref<1x4x100xi32, #tpu.memory_space<vmem>>
        %dma_start3A_2681 = tpu.memref_squeeze %dma_start3A_2680 : memref<1x4x100xi32, #tpu.memory_space<vmem>> -> memref<4x100xi32, #tpu.memory_space<vmem>>
        %dma_start3A_2682 = arith.constant 0 : i32
        %dma_start3A_2683 = arith.constant 0 : i32
        %dma_start3A_2684 = tpu.memref_slice %arg4[%arg1, %add3A_2633, %dma_start3A_2682, %dma_start3A_2683] : memref<16x50x4x100xi32, #tpu.memory_space<hbm>> -> memref<1x1x4x100xi32, #tpu.memory_space<hbm>>
        %dma_start3A_2685 = tpu.memref_squeeze %dma_start3A_2684 : memref<1x1x4x100xi32, #tpu.memory_space<hbm>> -> memref<4x100xi32, #tpu.memory_space<hbm>>
        tpu.enqueue_dma source(%dma_start3A_2685 : memref<4x100xi32, #tpu.memory_space<hbm>>) target(%dma_start3A_2681 : memref<4x100xi32, #tpu.memory_space<vmem>>) target_semaphore(%dma_start3A_2677 : memref<!tpu.dma_semaphore, #tpu.memory_space<semaphore_mem>>)
      } else {
      }
      %add3A_2126 = arith.constant 2 : i32
      %add3A_2127 = arith.addi %add3A_1935, %add3A_2126 : i32
      %add3A_2128 = arith.constant 2 : i32
      %add3A_2129 = arith.addi %select_n3A, %add3A_2128 : i32
      %lt3A_2130 = arith.constant 50 : i32
      %lt3A_2131 = arith.cmpi slt, %add3A_2129, %lt3A_2130 : i32
      %convert_element_type3A_2132 = arith.extui %lt3A_2131 : i1 to i32
      %cond3A_2133 = arith.constant 0 : i32
      %cond3A_2134 = arith.cmpi ne, %convert_element_type3A_2132, %cond3A_2133 : i32
      scf.if %cond3A_2134 {
        %add3A_2632 = arith.constant 2 : i32
        %add3A_2633 = arith.addi %select_n3A, %add3A_2632 : i32
        %jit3A_2634 = arith.constant 6 : i32
        %eq3A_2635 = arith.constant 0 : i32
        %eq3A_2636 = arith.cmpi eq, %jit3A_2634, %eq3A_2635 : i32
        %jit3A_2637 = arith.constant 1 : i32
        %select_n3A_2638 = arith.select %eq3A_2636, %jit3A_2637, %jit3A_2634 : i32
        %rem3A_2639 = arith.remsi %add3A_2633, %select_n3A_2638 : i32
        %ne3A_2640 = arith.constant 0 : i32
        %ne3A_2641 = arith.cmpi ne, %rem3A_2639, %ne3A_2640 : i32
        %lt3A_2642 = arith.constant 0 : i32
        %lt3A_2643 = arith.cmpi slt, %rem3A_2639, %lt3A_2642 : i32
        %lt3A_2644 = arith.constant 0 : i32
        %lt3A_2645 = arith.cmpi slt, %select_n3A_2638, %lt3A_2644 : i32
        %ne3A_2646 = arith.xori %lt3A_2643, %lt3A_2645 : i1
        %and3A_2647 = arith.andi %ne3A_2646, %ne3A_2641 : i1
        %add3A_2648 = arith.addi %rem3A_2639, %select_n3A_2638 : i32
        %select_n3A_2649 = arith.select %and3A_2647, %add3A_2648, %rem3A_2639 : i32
        %dma_wait3A_2650 = arith.constant 0 : i32
        %dma_wait3A_2651 = arith.constant 0 : i32
        %dma_wait3A_2652 = arith.constant 0 : i32
        %dma_wait3A_2653 = tpu.memref_slice %arg7[%select_n3A_2649, %dma_wait3A_2651, %dma_wait3A_2652] : memref<6x4x100xi32, #tpu.memory_space<vmem>> -> memref<1x4x100xi32, #tpu.memory_space<vmem>>
        %dma_wait3A_2654 = tpu.memref_squeeze %dma_wait3A_2653 : memref<1x4x100xi32, #tpu.memory_space<vmem>> -> memref<4x100xi32, #tpu.memory_space<vmem>>
        %dma_wait3A_2655 = arith.constant 0 : i32
        %dma_wait3A_2656 = arith.constant 0 : i32
        %dma_wait3A_2657 = tpu.memref_slice %arg3[%arg1, %dma_wait3A_2650, %dma_wait3A_2655, %dma_wait3A_2656] : memref<16x50x4x100xi32, #tpu.memory_space<hbm>> -> memref<1x1x4x100xi32, #tpu.memory_space<hbm>>
        %dma_wait3A_2658 = tpu.memref_squeeze %dma_wait3A_2657 : memref<1x1x4x100xi32, #tpu.memory_space<hbm>> -> memref<4x100xi32, #tpu.memory_space<hbm>>
        %dma_wait3A_2659 = tpu.memref_slice %arg14[%select_n3A_2649] : memref<6x!tpu.dma_semaphore, #tpu.memory_space<semaphore_mem>> -> memref<1x!tpu.dma_semaphore, #tpu.memory_space<semaphore_mem>>
        %dma_wait3A_2660 = tpu.memref_squeeze %dma_wait3A_2659 : memref<1x!tpu.dma_semaphore, #tpu.memory_space<semaphore_mem>> -> memref<!tpu.dma_semaphore, #tpu.memory_space<semaphore_mem>>
        %dma_wait3A_2661 = arith.constant 0 : i32
        %dma_wait3A_2662 = arith.constant 0 : i32
        %dma_wait3A_2663 = tpu.memref_slice %arg7[%select_n3A_2649, %dma_wait3A_2661, %dma_wait3A_2662] : memref<6x4x100xi32, #tpu.memory_space<vmem>> -> memref<1x4x100xi32, #tpu.memory_space<vmem>>
        %dma_wait3A_2664 = tpu.memref_squeeze %dma_wait3A_2663 : memref<1x4x100xi32, #tpu.memory_space<vmem>> -> memref<4x100xi32, #tpu.memory_space<vmem>>
        %dma_wait3A_2665 = arith.constant 0 : i32
        %dma_wait3A_2666 = arith.constant 0 : i32
        %dma_wait3A_2667 = tpu.memref_slice %arg3[%arg1, %dma_wait3A_2650, %dma_wait3A_2665, %dma_wait3A_2666] : memref<16x50x4x100xi32, #tpu.memory_space<hbm>> -> memref<1x1x4x100xi32, #tpu.memory_space<hbm>>
        %dma_wait3A_2668 = tpu.memref_squeeze %dma_wait3A_2667 : memref<1x1x4x100xi32, #tpu.memory_space<hbm>> -> memref<4x100xi32, #tpu.memory_space<hbm>>
        tpu.wait_dma2 semaphore(%dma_wait3A_2660 : memref<!tpu.dma_semaphore, #tpu.memory_space<semaphore_mem>>) src(%dma_wait3A_2668 : memref<4x100xi32, #tpu.memory_space<hbm>>) dst(%dma_wait3A_2664 : memref<4x100xi32, #tpu.memory_space<vmem>>)
        %dma_wait3A_2669 = arith.constant 0 : i32
        %dma_wait3A_2670 = arith.constant 0 : i32
        %dma_wait3A_2671 = arith.constant 0 : i32
        %dma_wait3A_2672 = tpu.memref_slice %arg8[%select_n3A_2649, %dma_wait3A_2670, %dma_wait3A_2671] : memref<6x4x100xi32, #tpu.memory_space<vmem>> -> memref<1x4x100xi32, #tpu.memory_space<vmem>>
        %dma_wait3A_2673 = tpu.memref_squeeze %dma_wait3A_2672 : memref<1x4x100xi32, #tpu.memory_space<vmem>> -> memref<4x100xi32, #tpu.memory_space<vmem>>
        %dma_wait3A_2674 = arith.constant 0 : i32
        %dma_wait3A_2675 = arith.constant 0 : i32
        %dma_wait3A_2676 = tpu.memref_slice %arg4[%arg1, %dma_wait3A_2669, %dma_wait3A_2674, %dma_wait3A_2675] : memref<16x50x4x100xi32, #tpu.memory_space<hbm>> -> memref<1x1x4x100xi32, #tpu.memory_space<hbm>>
        %dma_wait3A_2677 = tpu.memref_squeeze %dma_wait3A_2676 : memref<1x1x4x100xi32, #tpu.memory_space<hbm>> -> memref<4x100xi32, #tpu.memory_space<hbm>>
        %dma_wait3A_2678 = tpu.memref_slice %arg14[%select_n3A_2649] : memref<6x!tpu.dma_semaphore, #tpu.memory_space<semaphore_mem>> -> memref<1x!tpu.dma_semaphore, #tpu.memory_space<semaphore_mem>>
        %dma_wait3A_2679 = tpu.memref_squeeze %dma_wait3A_2678 : memref<1x!tpu.dma_semaphore, #tpu.memory_space<semaphore_mem>> -> memref<!tpu.dma_semaphore, #tpu.memory_space<semaphore_mem>>
        %dma_wait3A_2680 = arith.constant 0 : i32
        %dma_wait3A_2681 = arith.constant 0 : i32
        %dma_wait3A_2682 = tpu.memref_slice %arg8[%select_n3A_2649, %dma_wait3A_2680, %dma_wait3A_2681] : memref<6x4x100xi32, #tpu.memory_space<vmem>> -> memref<1x4x100xi32, #tpu.memory_space<vmem>>
        %dma_wait3A_2683 = tpu.memref_squeeze %dma_wait3A_2682 : memref<1x4x100xi32, #tpu.memory_space<vmem>> -> memref<4x100xi32, #tpu.memory_space<vmem>>
        %dma_wait3A_2684 = arith.constant 0 : i32
        %dma_wait3A_2685 = arith.constant 0 : i32
        %dma_wait3A_2686 = tpu.memref_slice %arg4[%arg1, %dma_wait3A_2669, %dma_wait3A_2684, %dma_wait3A_2685] : memref<16x50x4x100xi32, #tpu.memory_space<hbm>> -> memref<1x1x4x100xi32, #tpu.memory_space<hbm>>
        %dma_wait3A_2687 = tpu.memref_squeeze %dma_wait3A_2686 : memref<1x1x4x100xi32, #tpu.memory_space<hbm>> -> memref<4x100xi32, #tpu.memory_space<hbm>>
        tpu.wait_dma2 semaphore(%dma_wait3A_2679 : memref<!tpu.dma_semaphore, #tpu.memory_space<semaphore_mem>>) src(%dma_wait3A_2687 : memref<4x100xi32, #tpu.memory_space<hbm>>) dst(%dma_wait3A_2683 : memref<4x100xi32, #tpu.memory_space<vmem>>)
      } else {
      }
      %dma_wait3A_2135 = arith.constant 0 : i32
      %dma_wait3A_2136 = arith.constant 0 : i32
      %dma_wait3A_2137 = arith.constant 2 : i32
      %dma_wait3A_2138 = arith.constant 2 : i32
      %dma_wait3A_2139 = arith.constant 0 : i32
      %dma_wait3A_2140 = arith.constant 0 : i32
      %dma_wait3A_2141 = tpu.memref_slice %arg9[%dma_wait3A_2137, %dma_wait3A_2139, %dma_wait3A_2140] : memref<8x100x80xf32, #tpu.memory_space<vmem>> -> memref<1x100x80xf32, #tpu.memory_space<vmem>>
      %dma_wait3A_2142 = tpu.memref_squeeze %dma_wait3A_2141 : memref<1x100x80xf32, #tpu.memory_space<vmem>> -> memref<100x80xf32, #tpu.memory_space<vmem>>
      %dma_wait3A_2143 = arith.constant 0 : i32
      %dma_wait3A_2144 = tpu.memref_slice %arg7[%dma_wait3A_2135, %dma_wait3A_2136, %dma_wait3A_2143] : memref<6x4x100xi32, #tpu.memory_space<vmem>> -> memref<1x1x100xi32, #tpu.memory_space<vmem>>
      %dma_wait3A_2145 = tpu.memref_squeeze %dma_wait3A_2144 : memref<1x1x100xi32, #tpu.memory_space<vmem>> -> memref<100xi32, #tpu.memory_space<vmem>>
      %dma_wait3A_2146 = arith.constant 0 : i32
      %dma_wait3A_2147 = tpu.memref_slice %arg6[%mul3A_2, %dma_wait3A_2146] : memref<20000x80xf32, #tpu.memory_space<hbm>> -> memref<10000x80xf32, #tpu.memory_space<hbm>>
      %dma_wait3A_2148 = arith.constant 0 : i32
      %dma_wait3A_2149 = arith.constant 0 : i32
      %dma_wait3A_2150 = tpu.memref_slice %dma_wait3A_2147[%dma_wait3A_2148, %dma_wait3A_2149] : memref<10000x80xf32, #tpu.memory_space<hbm>> -> memref<10000x80xf32, #tpu.memory_space<hbm>>
      %dma_wait3A_2151 = tpu.memref_slice %arg12[%dma_wait3A_2138] : memref<8x!tpu.dma_semaphore, #tpu.memory_space<semaphore_mem>> -> memref<1x!tpu.dma_semaphore, #tpu.memory_space<semaphore_mem>>
      %dma_wait3A_2152 = tpu.memref_squeeze %dma_wait3A_2151 : memref<1x!tpu.dma_semaphore, #tpu.memory_space<semaphore_mem>> -> memref<!tpu.dma_semaphore, #tpu.memory_space<semaphore_mem>>
      tpu.wait_indirect_dma semaphore(%dma_wait3A_2152 : memref<!tpu.dma_semaphore, #tpu.memory_space<semaphore_mem>>) src(%dma_wait3A_2150 : memref<10000x80xf32, #tpu.memory_space<hbm>>) dst(%dma_wait3A_2142 : memref<100x80xf32, #tpu.memory_space<vmem>>)
      %jit3A_2153 = arith.constant 4 : i32
      %div3A_2154 = arith.divsi %add3A_2127, %jit3A_2153 : i32
      %sign3A_2155 = arith.constant 0 : i32
      %sign3A_2156 = arith.cmpi sgt, %add3A_2127, %sign3A_2155 : i32
      %sign3A_2157 = arith.extui %sign3A_2156 : i1 to i32
      %sign3A_2158 = arith.constant 0 : i32
      %sign3A_2159 = arith.cmpi slt, %add3A_2127, %sign3A_2158 : i32
      %sign3A_2160 = arith.extui %sign3A_2159 : i1 to i32
      %sign3A_2161 = arith.subi %sign3A_2157, %sign3A_2160 : i32
      %sign3A_2162 = arith.constant 0 : i32
      %sign3A_2163 = arith.cmpi sgt, %jit3A_2153, %sign3A_2162 : i32
      %sign3A_2164 = arith.extui %sign3A_2163 : i1 to i32
      %sign3A_2165 = arith.constant 0 : i32
      %sign3A_2166 = arith.cmpi slt, %jit3A_2153, %sign3A_2165 : i32
      %sign3A_2167 = arith.extui %sign3A_2166 : i1 to i32
      %sign3A_2168 = arith.subi %sign3A_2164, %sign3A_2167 : i32
      %ne3A_2169 = arith.cmpi ne, %sign3A_2161, %sign3A_2168 : i32
      %rem3A_2170 = arith.remsi %add3A_2127, %jit3A_2153 : i32
      %ne3A_2171 = arith.constant 0 : i32
      %ne3A_2172 = arith.cmpi ne, %rem3A_2170, %ne3A_2171 : i32
      %and3A_2173 = arith.andi %ne3A_2169, %ne3A_2172 : i1
      %sub3A_2174 = arith.constant 1 : i32
      %sub3A_2175 = arith.subi %div3A_2154, %sub3A_2174 : i32
      %select_n3A_2176 = arith.select %and3A_2173, %sub3A_2175, %div3A_2154 : i32
      %jit3A_2177 = arith.constant 6 : i32
      %eq3A_2178 = arith.constant 0 : i32
      %eq3A_2179 = arith.cmpi eq, %jit3A_2177, %eq3A_2178 : i32
      %jit3A_2180 = arith.constant 1 : i32
      %select_n3A_2181 = arith.select %eq3A_2179, %jit3A_2180, %jit3A_2177 : i32
      %rem3A_2182 = arith.remsi %select_n3A_2176, %select_n3A_2181 : i32
      %ne3A_2183 = arith.constant 0 : i32
      %ne3A_2184 = arith.cmpi ne, %rem3A_2182, %ne3A_2183 : i32
      %lt3A_2185 = arith.constant 0 : i32
      %lt3A_2186 = arith.cmpi slt, %rem3A_2182, %lt3A_2185 : i32
      %lt3A_2187 = arith.constant 0 : i32
      %lt3A_2188 = arith.cmpi slt, %select_n3A_2181, %lt3A_2187 : i32
      %ne3A_2189 = arith.xori %lt3A_2186, %lt3A_2188 : i1
      %and3A_2190 = arith.andi %ne3A_2189, %ne3A_2184 : i1
      %add3A_2191 = arith.addi %rem3A_2182, %select_n3A_2181 : i32
      %select_n3A_2192 = arith.select %and3A_2190, %add3A_2191, %rem3A_2182 : i32
      %dma_start3A_2193 = arith.constant 2 : i32
      %dma_start3A_2194 = arith.constant 2 : i32
      %dma_start3A_2195 = arith.constant 2 : i32
      %dma_start3A_2196 = arith.constant 0 : i32
      %dma_start3A_2197 = arith.constant 0 : i32
      %dma_start3A_2198 = tpu.memref_slice %arg9[%dma_start3A_2193, %dma_start3A_2196, %dma_start3A_2197] : memref<8x100x80xf32, #tpu.memory_space<vmem>> -> memref<1x100x80xf32, #tpu.memory_space<vmem>>
      %dma_start3A_2199 = tpu.memref_squeeze %dma_start3A_2198 : memref<1x100x80xf32, #tpu.memory_space<vmem>> -> memref<100x80xf32, #tpu.memory_space<vmem>>
      %dma_start3A_2200 = arith.constant 0 : i32
      %dma_start3A_2201 = tpu.memref_slice %arg8[%select_n3A_2192, %dma_start3A_2194, %dma_start3A_2200] : memref<6x4x100xi32, #tpu.memory_space<vmem>> -> memref<1x1x100xi32, #tpu.memory_space<vmem>>
      %dma_start3A_2202 = tpu.memref_squeeze %dma_start3A_2201 : memref<1x1x100xi32, #tpu.memory_space<vmem>> -> memref<100xi32, #tpu.memory_space<vmem>>
      %dma_start3A_2203 = arith.constant 0 : i32
      %dma_start3A_2204 = arith.constant 0 : i32
      %dma_start3A_2205 = tpu.memref_slice %arg11[%dma_start3A_2203, %dma_start3A_2204] : memref<10000x80xf32, #tpu.memory_space<vmem_shared>> -> memref<10000x80xf32, #tpu.memory_space<vmem_shared>>
      %dma_start3A_2206 = tpu.memref_slice %arg13[%dma_start3A_2195] : memref<8x!tpu.dma_semaphore, #tpu.memory_space<semaphore_mem>> -> memref<1x!tpu.dma_semaphore, #tpu.memory_space<semaphore_mem>>
      %dma_start3A_2207 = tpu.memref_squeeze %dma_start3A_2206 : memref<1x!tpu.dma_semaphore, #tpu.memory_space<semaphore_mem>> -> memref<!tpu.dma_semaphore, #tpu.memory_space<semaphore_mem>>
      tpu.enqueue_indirect_dma source(%dma_start3A_2199 : memref<100x80xf32, #tpu.memory_space<vmem>>) target(%dma_start3A_2205 : memref<10000x80xf32, #tpu.memory_space<vmem_shared>>) offsets(%dma_start3A_2202 : memref<100xi32, #tpu.memory_space<vmem>>) semaphore(%dma_start3A_2207 : memref<!tpu.dma_semaphore, #tpu.memory_space<semaphore_mem>>) {add = true}
      %add3A_2208 = arith.constant 6 : i32
      %add3A_2209 = arith.addi %add3A_2127, %add3A_2208 : i32
      %lt3A_2210 = arith.constant 200 : i32
      %lt3A_2211 = arith.cmpi slt, %add3A_2209, %lt3A_2210 : i32
      %convert_element_type3A_2212 = arith.extui %lt3A_2211 : i1 to i32
      %cond3A_2213 = arith.constant 0 : i32
      %cond3A_2214 = arith.cmpi ne, %convert_element_type3A_2212, %cond3A_2213 : i32
      scf.if %cond3A_2214 {
        %dma_wait3A_2632 = arith.constant 0 : i32
        %dma_wait3A_2633 = arith.constant 0 : i32
        %dma_wait3A_2634 = arith.constant 0 : i32
        %dma_wait3A_2635 = arith.constant 0 : i32
        %dma_wait3A_2636 = arith.constant 0 : i32
        %dma_wait3A_2637 = arith.constant 0 : i32
        %dma_wait3A_2638 = tpu.memref_slice %arg9[%dma_wait3A_2632, %dma_wait3A_2636, %dma_wait3A_2637] : memref<8x100x80xf32, #tpu.memory_space<vmem>> -> memref<1x100x80xf32, #tpu.memory_space<vmem>>
        %dma_wait3A_2639 = tpu.memref_squeeze %dma_wait3A_2638 : memref<1x100x80xf32, #tpu.memory_space<vmem>> -> memref<100x80xf32, #tpu.memory_space<vmem>>
        %dma_wait3A_2640 = arith.constant 0 : i32
        %dma_wait3A_2641 = tpu.memref_slice %arg8[%dma_wait3A_2633, %dma_wait3A_2634, %dma_wait3A_2640] : memref<6x4x100xi32, #tpu.memory_space<vmem>> -> memref<1x1x100xi32, #tpu.memory_space<vmem>>
        %dma_wait3A_2642 = tpu.memref_squeeze %dma_wait3A_2641 : memref<1x1x100xi32, #tpu.memory_space<vmem>> -> memref<100xi32, #tpu.memory_space<vmem>>
        %dma_wait3A_2643 = arith.constant 0 : i32
        %dma_wait3A_2644 = arith.constant 0 : i32
        %dma_wait3A_2645 = tpu.memref_slice %arg11[%dma_wait3A_2643, %dma_wait3A_2644] : memref<10000x80xf32, #tpu.memory_space<vmem_shared>> -> memref<10000x80xf32, #tpu.memory_space<vmem_shared>>
        %dma_wait3A_2646 = tpu.memref_slice %arg13[%dma_wait3A_2635] : memref<8x!tpu.dma_semaphore, #tpu.memory_space<semaphore_mem>> -> memref<1x!tpu.dma_semaphore, #tpu.memory_space<semaphore_mem>>
        %dma_wait3A_2647 = tpu.memref_squeeze %dma_wait3A_2646 : memref<1x!tpu.dma_semaphore, #tpu.memory_space<semaphore_mem>> -> memref<!tpu.dma_semaphore, #tpu.memory_space<semaphore_mem>>
        tpu.wait_indirect_dma semaphore(%dma_wait3A_2647 : memref<!tpu.dma_semaphore, #tpu.memory_space<semaphore_mem>>) src(%dma_wait3A_2639 : memref<100x80xf32, #tpu.memory_space<vmem>>) dst(%dma_wait3A_2645 : memref<10000x80xf32, #tpu.memory_space<vmem_shared>>)
        %jit3A_2648 = arith.constant 4 : i32
        %div3A_2649 = arith.divsi %add3A_2209, %jit3A_2648 : i32
        %sign3A_2650 = arith.constant 0 : i32
        %sign3A_2651 = arith.cmpi sgt, %add3A_2209, %sign3A_2650 : i32
        %sign3A_2652 = arith.extui %sign3A_2651 : i1 to i32
        %sign3A_2653 = arith.constant 0 : i32
        %sign3A_2654 = arith.cmpi slt, %add3A_2209, %sign3A_2653 : i32
        %sign3A_2655 = arith.extui %sign3A_2654 : i1 to i32
        %sign3A_2656 = arith.subi %sign3A_2652, %sign3A_2655 : i32
        %sign3A_2657 = arith.constant 0 : i32
        %sign3A_2658 = arith.cmpi sgt, %jit3A_2648, %sign3A_2657 : i32
        %sign3A_2659 = arith.extui %sign3A_2658 : i1 to i32
        %sign3A_2660 = arith.constant 0 : i32
        %sign3A_2661 = arith.cmpi slt, %jit3A_2648, %sign3A_2660 : i32
        %sign3A_2662 = arith.extui %sign3A_2661 : i1 to i32
        %sign3A_2663 = arith.subi %sign3A_2659, %sign3A_2662 : i32
        %ne3A_2664 = arith.cmpi ne, %sign3A_2656, %sign3A_2663 : i32
        %rem3A_2665 = arith.remsi %add3A_2209, %jit3A_2648 : i32
        %ne3A_2666 = arith.constant 0 : i32
        %ne3A_2667 = arith.cmpi ne, %rem3A_2665, %ne3A_2666 : i32
        %and3A_2668 = arith.andi %ne3A_2664, %ne3A_2667 : i1
        %sub3A_2669 = arith.constant 1 : i32
        %sub3A_2670 = arith.subi %div3A_2649, %sub3A_2669 : i32
        %select_n3A_2671 = arith.select %and3A_2668, %sub3A_2670, %div3A_2649 : i32
        %jit3A_2672 = arith.constant 6 : i32
        %eq3A_2673 = arith.constant 0 : i32
        %eq3A_2674 = arith.cmpi eq, %jit3A_2672, %eq3A_2673 : i32
        %jit3A_2675 = arith.constant 1 : i32
        %select_n3A_2676 = arith.select %eq3A_2674, %jit3A_2675, %jit3A_2672 : i32
        %rem3A_2677 = arith.remsi %select_n3A_2671, %select_n3A_2676 : i32
        %ne3A_2678 = arith.constant 0 : i32
        %ne3A_2679 = arith.cmpi ne, %rem3A_2677, %ne3A_2678 : i32
        %lt3A_2680 = arith.constant 0 : i32
        %lt3A_2681 = arith.cmpi slt, %rem3A_2677, %lt3A_2680 : i32
        %lt3A_2682 = arith.constant 0 : i32
        %lt3A_2683 = arith.cmpi slt, %select_n3A_2676, %lt3A_2682 : i32
        %ne3A_2684 = arith.xori %lt3A_2681, %lt3A_2683 : i1
        %and3A_2685 = arith.andi %ne3A_2684, %ne3A_2679 : i1
        %add3A_2686 = arith.addi %rem3A_2677, %select_n3A_2676 : i32
        %select_n3A_2687 = arith.select %and3A_2685, %add3A_2686, %rem3A_2677 : i32
        %dma_start3A_2688 = arith.constant 0 : i32
        %dma_start3A_2689 = arith.constant 0 : i32
        %dma_start3A_2690 = arith.constant 0 : i32
        %dma_start3A_2691 = arith.constant 0 : i32
        %dma_start3A_2692 = arith.constant 0 : i32
        %dma_start3A_2693 = tpu.memref_slice %arg9[%dma_start3A_2689, %dma_start3A_2691, %dma_start3A_2692] : memref<8x100x80xf32, #tpu.memory_space<vmem>> -> memref<1x100x80xf32, #tpu.memory_space<vmem>>
        %dma_start3A_2694 = tpu.memref_squeeze %dma_start3A_2693 : memref<1x100x80xf32, #tpu.memory_space<vmem>> -> memref<100x80xf32, #tpu.memory_space<vmem>>
        %dma_start3A_2695 = arith.constant 0 : i32
        %dma_start3A_2696 = tpu.memref_slice %arg7[%select_n3A_2687, %dma_start3A_2688, %dma_start3A_2695] : memref<6x4x100xi32, #tpu.memory_space<vmem>> -> memref<1x1x100xi32, #tpu.memory_space<vmem>>
        %dma_start3A_2697 = tpu.memref_squeeze %dma_start3A_2696 : memref<1x1x100xi32, #tpu.memory_space<vmem>> -> memref<100xi32, #tpu.memory_space<vmem>>
        %dma_start3A_2698 = arith.constant 0 : i32
        %dma_start3A_2699 = tpu.memref_slice %arg6[%mul3A_2, %dma_start3A_2698] : memref<20000x80xf32, #tpu.memory_space<hbm>> -> memref<10000x80xf32, #tpu.memory_space<hbm>>
        %dma_start3A_2700 = arith.constant 0 : i32
        %dma_start3A_2701 = arith.constant 0 : i32
        %dma_start3A_2702 = tpu.memref_slice %dma_start3A_2699[%dma_start3A_2700, %dma_start3A_2701] : memref<10000x80xf32, #tpu.memory_space<hbm>> -> memref<10000x80xf32, #tpu.memory_space<hbm>>
        %dma_start3A_2703 = tpu.memref_slice %arg12[%dma_start3A_2690] : memref<8x!tpu.dma_semaphore, #tpu.memory_space<semaphore_mem>> -> memref<1x!tpu.dma_semaphore, #tpu.memory_space<semaphore_mem>>
        %dma_start3A_2704 = tpu.memref_squeeze %dma_start3A_2703 : memref<1x!tpu.dma_semaphore, #tpu.memory_space<semaphore_mem>> -> memref<!tpu.dma_semaphore, #tpu.memory_space<semaphore_mem>>
        tpu.enqueue_indirect_dma source(%dma_start3A_2702 : memref<10000x80xf32, #tpu.memory_space<hbm>>) target(%dma_start3A_2694 : memref<100x80xf32, #tpu.memory_space<vmem>>) offsets(%dma_start3A_2697 : memref<100xi32, #tpu.memory_space<vmem>>) semaphore(%dma_start3A_2704 : memref<!tpu.dma_semaphore, #tpu.memory_space<semaphore_mem>>)
      } else {
      }
      %add3A_2215 = arith.constant 3 : i32
      %add3A_2216 = arith.addi %add3A_1935, %add3A_2215 : i32
      %dma_wait3A_2217 = arith.constant 0 : i32
      %dma_wait3A_2218 = arith.constant 0 : i32
      %dma_wait3A_2219 = arith.constant 3 : i32
      %dma_wait3A_2220 = arith.constant 3 : i32
      %dma_wait3A_2221 = arith.constant 0 : i32
      %dma_wait3A_2222 = arith.constant 0 : i32
      %dma_wait3A_2223 = tpu.memref_slice %arg9[%dma_wait3A_2219, %dma_wait3A_2221, %dma_wait3A_2222] : memref<8x100x80xf32, #tpu.memory_space<vmem>> -> memref<1x100x80xf32, #tpu.memory_space<vmem>>
      %dma_wait3A_2224 = tpu.memref_squeeze %dma_wait3A_2223 : memref<1x100x80xf32, #tpu.memory_space<vmem>> -> memref<100x80xf32, #tpu.memory_space<vmem>>
      %dma_wait3A_2225 = arith.constant 0 : i32
      %dma_wait3A_2226 = tpu.memref_slice %arg7[%dma_wait3A_2217, %dma_wait3A_2218, %dma_wait3A_2225] : memref<6x4x100xi32, #tpu.memory_space<vmem>> -> memref<1x1x100xi32, #tpu.memory_space<vmem>>
      %dma_wait3A_2227 = tpu.memref_squeeze %dma_wait3A_2226 : memref<1x1x100xi32, #tpu.memory_space<vmem>> -> memref<100xi32, #tpu.memory_space<vmem>>
      %dma_wait3A_2228 = arith.constant 0 : i32
      %dma_wait3A_2229 = tpu.memref_slice %arg6[%mul3A_2, %dma_wait3A_2228] : memref<20000x80xf32, #tpu.memory_space<hbm>> -> memref<10000x80xf32, #tpu.memory_space<hbm>>
      %dma_wait3A_2230 = arith.constant 0 : i32
      %dma_wait3A_2231 = arith.constant 0 : i32
      %dma_wait3A_2232 = tpu.memref_slice %dma_wait3A_2229[%dma_wait3A_2230, %dma_wait3A_2231] : memref<10000x80xf32, #tpu.memory_space<hbm>> -> memref<10000x80xf32, #tpu.memory_space<hbm>>
      %dma_wait3A_2233 = tpu.memref_slice %arg12[%dma_wait3A_2220] : memref<8x!tpu.dma_semaphore, #tpu.memory_space<semaphore_mem>> -> memref<1x!tpu.dma_semaphore, #tpu.memory_space<semaphore_mem>>
      %dma_wait3A_2234 = tpu.memref_squeeze %dma_wait3A_2233 : memref<1x!tpu.dma_semaphore, #tpu.memory_space<semaphore_mem>> -> memref<!tpu.dma_semaphore, #tpu.memory_space<semaphore_mem>>
      tpu.wait_indirect_dma semaphore(%dma_wait3A_2234 : memref<!tpu.dma_semaphore, #tpu.memory_space<semaphore_mem>>) src(%dma_wait3A_2232 : memref<10000x80xf32, #tpu.memory_space<hbm>>) dst(%dma_wait3A_2224 : memref<100x80xf32, #tpu.memory_space<vmem>>)
      %jit3A_2235 = arith.constant 4 : i32
      %div3A_2236 = arith.divsi %add3A_2216, %jit3A_2235 : i32
      %sign3A_2237 = arith.constant 0 : i32
      %sign3A_2238 = arith.cmpi sgt, %add3A_2216, %sign3A_2237 : i32
      %sign3A_2239 = arith.extui %sign3A_2238 : i1 to i32
      %sign3A_2240 = arith.constant 0 : i32
      %sign3A_2241 = arith.cmpi slt, %add3A_2216, %sign3A_2240 : i32
      %sign3A_2242 = arith.extui %sign3A_2241 : i1 to i32
      %sign3A_2243 = arith.subi %sign3A_2239, %sign3A_2242 : i32
      %sign3A_2244 = arith.constant 0 : i32
      %sign3A_2245 = arith.cmpi sgt, %jit3A_2235, %sign3A_2244 : i32
      %sign3A_2246 = arith.extui %sign3A_2245 : i1 to i32
      %sign3A_2247 = arith.constant 0 : i32
      %sign3A_2248 = arith.cmpi slt, %jit3A_2235, %sign3A_2247 : i32
      %sign3A_2249 = arith.extui %sign3A_2248 : i1 to i32
      %sign3A_2250 = arith.subi %sign3A_2246, %sign3A_2249 : i32
      %ne3A_2251 = arith.cmpi ne, %sign3A_2243, %sign3A_2250 : i32
      %rem3A_2252 = arith.remsi %add3A_2216, %jit3A_2235 : i32
      %ne3A_2253 = arith.constant 0 : i32
      %ne3A_2254 = arith.cmpi ne, %rem3A_2252, %ne3A_2253 : i32
      %and3A_2255 = arith.andi %ne3A_2251, %ne3A_2254 : i1
      %sub3A_2256 = arith.constant 1 : i32
      %sub3A_2257 = arith.subi %div3A_2236, %sub3A_2256 : i32
      %select_n3A_2258 = arith.select %and3A_2255, %sub3A_2257, %div3A_2236 : i32
      %jit3A_2259 = arith.constant 6 : i32
      %eq3A_2260 = arith.constant 0 : i32
      %eq3A_2261 = arith.cmpi eq, %jit3A_2259, %eq3A_2260 : i32
      %jit3A_2262 = arith.constant 1 : i32
      %select_n3A_2263 = arith.select %eq3A_2261, %jit3A_2262, %jit3A_2259 : i32
      %rem3A_2264 = arith.remsi %select_n3A_2258, %select_n3A_2263 : i32
      %ne3A_2265 = arith.constant 0 : i32
      %ne3A_2266 = arith.cmpi ne, %rem3A_2264, %ne3A_2265 : i32
      %lt3A_2267 = arith.constant 0 : i32
      %lt3A_2268 = arith.cmpi slt, %rem3A_2264, %lt3A_2267 : i32
      %lt3A_2269 = arith.constant 0 : i32
      %lt3A_2270 = arith.cmpi slt, %select_n3A_2263, %lt3A_2269 : i32
      %ne3A_2271 = arith.xori %lt3A_2268, %lt3A_2270 : i1
      %and3A_2272 = arith.andi %ne3A_2271, %ne3A_2266 : i1
      %add3A_2273 = arith.addi %rem3A_2264, %select_n3A_2263 : i32
      %select_n3A_2274 = arith.select %and3A_2272, %add3A_2273, %rem3A_2264 : i32
      %dma_start3A_2275 = arith.constant 3 : i32
      %dma_start3A_2276 = arith.constant 3 : i32
      %dma_start3A_2277 = arith.constant 3 : i32
      %dma_start3A_2278 = arith.constant 0 : i32
      %dma_start3A_2279 = arith.constant 0 : i32
      %dma_start3A_2280 = tpu.memref_slice %arg9[%dma_start3A_2275, %dma_start3A_2278, %dma_start3A_2279] : memref<8x100x80xf32, #tpu.memory_space<vmem>> -> memref<1x100x80xf32, #tpu.memory_space<vmem>>
      %dma_start3A_2281 = tpu.memref_squeeze %dma_start3A_2280 : memref<1x100x80xf32, #tpu.memory_space<vmem>> -> memref<100x80xf32, #tpu.memory_space<vmem>>
      %dma_start3A_2282 = arith.constant 0 : i32
      %dma_start3A_2283 = tpu.memref_slice %arg8[%select_n3A_2274, %dma_start3A_2276, %dma_start3A_2282] : memref<6x4x100xi32, #tpu.memory_space<vmem>> -> memref<1x1x100xi32, #tpu.memory_space<vmem>>
      %dma_start3A_2284 = tpu.memref_squeeze %dma_start3A_2283 : memref<1x1x100xi32, #tpu.memory_space<vmem>> -> memref<100xi32, #tpu.memory_space<vmem>>
      %dma_start3A_2285 = arith.constant 0 : i32
      %dma_start3A_2286 = arith.constant 0 : i32
      %dma_start3A_2287 = tpu.memref_slice %arg11[%dma_start3A_2285, %dma_start3A_2286] : memref<10000x80xf32, #tpu.memory_space<vmem_shared>> -> memref<10000x80xf32, #tpu.memory_space<vmem_shared>>
      %dma_start3A_2288 = tpu.memref_slice %arg13[%dma_start3A_2277] : memref<8x!tpu.dma_semaphore, #tpu.memory_space<semaphore_mem>> -> memref<1x!tpu.dma_semaphore, #tpu.memory_space<semaphore_mem>>
      %dma_start3A_2289 = tpu.memref_squeeze %dma_start3A_2288 : memref<1x!tpu.dma_semaphore, #tpu.memory_space<semaphore_mem>> -> memref<!tpu.dma_semaphore, #tpu.memory_space<semaphore_mem>>
      tpu.enqueue_indirect_dma source(%dma_start3A_2281 : memref<100x80xf32, #tpu.memory_space<vmem>>) target(%dma_start3A_2287 : memref<10000x80xf32, #tpu.memory_space<vmem_shared>>) offsets(%dma_start3A_2284 : memref<100xi32, #tpu.memory_space<vmem>>) semaphore(%dma_start3A_2289 : memref<!tpu.dma_semaphore, #tpu.memory_space<semaphore_mem>>) {add = true}
      %add3A_2290 = arith.constant 6 : i32
      %add3A_2291 = arith.addi %add3A_2216, %add3A_2290 : i32
      %lt3A_2292 = arith.constant 200 : i32
      %lt3A_2293 = arith.cmpi slt, %add3A_2291, %lt3A_2292 : i32
      %convert_element_type3A_2294 = arith.extui %lt3A_2293 : i1 to i32
      %cond3A_2295 = arith.constant 0 : i32
      %cond3A_2296 = arith.cmpi ne, %convert_element_type3A_2294, %cond3A_2295 : i32
      scf.if %cond3A_2296 {
        %dma_wait3A_2632 = arith.constant 1 : i32
        %dma_wait3A_2633 = arith.constant 0 : i32
        %dma_wait3A_2634 = arith.constant 0 : i32
        %dma_wait3A_2635 = arith.constant 1 : i32
        %dma_wait3A_2636 = arith.constant 0 : i32
        %dma_wait3A_2637 = arith.constant 0 : i32
        %dma_wait3A_2638 = tpu.memref_slice %arg9[%dma_wait3A_2632, %dma_wait3A_2636, %dma_wait3A_2637] : memref<8x100x80xf32, #tpu.memory_space<vmem>> -> memref<1x100x80xf32, #tpu.memory_space<vmem>>
        %dma_wait3A_2639 = tpu.memref_squeeze %dma_wait3A_2638 : memref<1x100x80xf32, #tpu.memory_space<vmem>> -> memref<100x80xf32, #tpu.memory_space<vmem>>
        %dma_wait3A_2640 = arith.constant 0 : i32
        %dma_wait3A_2641 = tpu.memref_slice %arg8[%dma_wait3A_2633, %dma_wait3A_2634, %dma_wait3A_2640] : memref<6x4x100xi32, #tpu.memory_space<vmem>> -> memref<1x1x100xi32, #tpu.memory_space<vmem>>
        %dma_wait3A_2642 = tpu.memref_squeeze %dma_wait3A_2641 : memref<1x1x100xi32, #tpu.memory_space<vmem>> -> memref<100xi32, #tpu.memory_space<vmem>>
        %dma_wait3A_2643 = arith.constant 0 : i32
        %dma_wait3A_2644 = arith.constant 0 : i32
        %dma_wait3A_2645 = tpu.memref_slice %arg11[%dma_wait3A_2643, %dma_wait3A_2644] : memref<10000x80xf32, #tpu.memory_space<vmem_shared>> -> memref<10000x80xf32, #tpu.memory_space<vmem_shared>>
        %dma_wait3A_2646 = tpu.memref_slice %arg13[%dma_wait3A_2635] : memref<8x!tpu.dma_semaphore, #tpu.memory_space<semaphore_mem>> -> memref<1x!tpu.dma_semaphore, #tpu.memory_space<semaphore_mem>>
        %dma_wait3A_2647 = tpu.memref_squeeze %dma_wait3A_2646 : memref<1x!tpu.dma_semaphore, #tpu.memory_space<semaphore_mem>> -> memref<!tpu.dma_semaphore, #tpu.memory_space<semaphore_mem>>
        tpu.wait_indirect_dma semaphore(%dma_wait3A_2647 : memref<!tpu.dma_semaphore, #tpu.memory_space<semaphore_mem>>) src(%dma_wait3A_2639 : memref<100x80xf32, #tpu.memory_space<vmem>>) dst(%dma_wait3A_2645 : memref<10000x80xf32, #tpu.memory_space<vmem_shared>>)
        %jit3A_2648 = arith.constant 4 : i32
        %div3A_2649 = arith.divsi %add3A_2291, %jit3A_2648 : i32
        %sign3A_2650 = arith.constant 0 : i32
        %sign3A_2651 = arith.cmpi sgt, %add3A_2291, %sign3A_2650 : i32
        %sign3A_2652 = arith.extui %sign3A_2651 : i1 to i32
        %sign3A_2653 = arith.constant 0 : i32
        %sign3A_2654 = arith.cmpi slt, %add3A_2291, %sign3A_2653 : i32
        %sign3A_2655 = arith.extui %sign3A_2654 : i1 to i32
        %sign3A_2656 = arith.subi %sign3A_2652, %sign3A_2655 : i32
        %sign3A_2657 = arith.constant 0 : i32
        %sign3A_2658 = arith.cmpi sgt, %jit3A_2648, %sign3A_2657 : i32
        %sign3A_2659 = arith.extui %sign3A_2658 : i1 to i32
        %sign3A_2660 = arith.constant 0 : i32
        %sign3A_2661 = arith.cmpi slt, %jit3A_2648, %sign3A_2660 : i32
        %sign3A_2662 = arith.extui %sign3A_2661 : i1 to i32
        %sign3A_2663 = arith.subi %sign3A_2659, %sign3A_2662 : i32
        %ne3A_2664 = arith.cmpi ne, %sign3A_2656, %sign3A_2663 : i32
        %rem3A_2665 = arith.remsi %add3A_2291, %jit3A_2648 : i32
        %ne3A_2666 = arith.constant 0 : i32
        %ne3A_2667 = arith.cmpi ne, %rem3A_2665, %ne3A_2666 : i32
        %and3A_2668 = arith.andi %ne3A_2664, %ne3A_2667 : i1
        %sub3A_2669 = arith.constant 1 : i32
        %sub3A_2670 = arith.subi %div3A_2649, %sub3A_2669 : i32
        %select_n3A_2671 = arith.select %and3A_2668, %sub3A_2670, %div3A_2649 : i32
        %jit3A_2672 = arith.constant 6 : i32
        %eq3A_2673 = arith.constant 0 : i32
        %eq3A_2674 = arith.cmpi eq, %jit3A_2672, %eq3A_2673 : i32
        %jit3A_2675 = arith.constant 1 : i32
        %select_n3A_2676 = arith.select %eq3A_2674, %jit3A_2675, %jit3A_2672 : i32
        %rem3A_2677 = arith.remsi %select_n3A_2671, %select_n3A_2676 : i32
        %ne3A_2678 = arith.constant 0 : i32
        %ne3A_2679 = arith.cmpi ne, %rem3A_2677, %ne3A_2678 : i32
        %lt3A_2680 = arith.constant 0 : i32
        %lt3A_2681 = arith.cmpi slt, %rem3A_2677, %lt3A_2680 : i32
        %lt3A_2682 = arith.constant 0 : i32
        %lt3A_2683 = arith.cmpi slt, %select_n3A_2676, %lt3A_2682 : i32
        %ne3A_2684 = arith.xori %lt3A_2681, %lt3A_2683 : i1
        %and3A_2685 = arith.andi %ne3A_2684, %ne3A_2679 : i1
        %add3A_2686 = arith.addi %rem3A_2677, %select_n3A_2676 : i32
        %select_n3A_2687 = arith.select %and3A_2685, %add3A_2686, %rem3A_2677 : i32
        %dma_start3A_2688 = arith.constant 1 : i32
        %dma_start3A_2689 = arith.constant 1 : i32
        %dma_start3A_2690 = arith.constant 1 : i32
        %dma_start3A_2691 = arith.constant 0 : i32
        %dma_start3A_2692 = arith.constant 0 : i32
        %dma_start3A_2693 = tpu.memref_slice %arg9[%dma_start3A_2689, %dma_start3A_2691, %dma_start3A_2692] : memref<8x100x80xf32, #tpu.memory_space<vmem>> -> memref<1x100x80xf32, #tpu.memory_space<vmem>>
        %dma_start3A_2694 = tpu.memref_squeeze %dma_start3A_2693 : memref<1x100x80xf32, #tpu.memory_space<vmem>> -> memref<100x80xf32, #tpu.memory_space<vmem>>
        %dma_start3A_2695 = arith.constant 0 : i32
        %dma_start3A_2696 = tpu.memref_slice %arg7[%select_n3A_2687, %dma_start3A_2688, %dma_start3A_2695] : memref<6x4x100xi32, #tpu.memory_space<vmem>> -> memref<1x1x100xi32, #tpu.memory_space<vmem>>
        %dma_start3A_2697 = tpu.memref_squeeze %dma_start3A_2696 : memref<1x1x100xi32, #tpu.memory_space<vmem>> -> memref<100xi32, #tpu.memory_space<vmem>>
        %dma_start3A_2698 = arith.constant 0 : i32
        %dma_start3A_2699 = tpu.memref_slice %arg6[%mul3A_2, %dma_start3A_2698] : memref<20000x80xf32, #tpu.memory_space<hbm>> -> memref<10000x80xf32, #tpu.memory_space<hbm>>
        %dma_start3A_2700 = arith.constant 0 : i32
        %dma_start3A_2701 = arith.constant 0 : i32
        %dma_start3A_2702 = tpu.memref_slice %dma_start3A_2699[%dma_start3A_2700, %dma_start3A_2701] : memref<10000x80xf32, #tpu.memory_space<hbm>> -> memref<10000x80xf32, #tpu.memory_space<hbm>>
        %dma_start3A_2703 = tpu.memref_slice %arg12[%dma_start3A_2690] : memref<8x!tpu.dma_semaphore, #tpu.memory_space<semaphore_mem>> -> memref<1x!tpu.dma_semaphore, #tpu.memory_space<semaphore_mem>>
        %dma_start3A_2704 = tpu.memref_squeeze %dma_start3A_2703 : memref<1x!tpu.dma_semaphore, #tpu.memory_space<semaphore_mem>> -> memref<!tpu.dma_semaphore, #tpu.memory_space<semaphore_mem>>
        tpu.enqueue_indirect_dma source(%dma_start3A_2702 : memref<10000x80xf32, #tpu.memory_space<hbm>>) target(%dma_start3A_2694 : memref<100x80xf32, #tpu.memory_space<vmem>>) offsets(%dma_start3A_2697 : memref<100xi32, #tpu.memory_space<vmem>>) semaphore(%dma_start3A_2704 : memref<!tpu.dma_semaphore, #tpu.memory_space<semaphore_mem>>)
      } else {
      }
      %add3A_2297 = arith.constant 4 : i32
      %add3A_2298 = arith.addi %add3A_1935, %add3A_2297 : i32
      %dma_wait3A_2299 = arith.constant 0 : i32
      %dma_wait3A_2300 = arith.constant 0 : i32
      %dma_wait3A_2301 = arith.constant 4 : i32
      %dma_wait3A_2302 = arith.constant 4 : i32
      %dma_wait3A_2303 = arith.constant 0 : i32
      %dma_wait3A_2304 = arith.constant 0 : i32
      %dma_wait3A_2305 = tpu.memref_slice %arg9[%dma_wait3A_2301, %dma_wait3A_2303, %dma_wait3A_2304] : memref<8x100x80xf32, #tpu.memory_space<vmem>> -> memref<1x100x80xf32, #tpu.memory_space<vmem>>
      %dma_wait3A_2306 = tpu.memref_squeeze %dma_wait3A_2305 : memref<1x100x80xf32, #tpu.memory_space<vmem>> -> memref<100x80xf32, #tpu.memory_space<vmem>>
      %dma_wait3A_2307 = arith.constant 0 : i32
      %dma_wait3A_2308 = tpu.memref_slice %arg7[%dma_wait3A_2299, %dma_wait3A_2300, %dma_wait3A_2307] : memref<6x4x100xi32, #tpu.memory_space<vmem>> -> memref<1x1x100xi32, #tpu.memory_space<vmem>>
      %dma_wait3A_2309 = tpu.memref_squeeze %dma_wait3A_2308 : memref<1x1x100xi32, #tpu.memory_space<vmem>> -> memref<100xi32, #tpu.memory_space<vmem>>
      %dma_wait3A_2310 = arith.constant 0 : i32
      %dma_wait3A_2311 = tpu.memref_slice %arg6[%mul3A_2, %dma_wait3A_2310] : memref<20000x80xf32, #tpu.memory_space<hbm>> -> memref<10000x80xf32, #tpu.memory_space<hbm>>
      %dma_wait3A_2312 = arith.constant 0 : i32
      %dma_wait3A_2313 = arith.constant 0 : i32
      %dma_wait3A_2314 = tpu.memref_slice %dma_wait3A_2311[%dma_wait3A_2312, %dma_wait3A_2313] : memref<10000x80xf32, #tpu.memory_space<hbm>> -> memref<10000x80xf32, #tpu.memory_space<hbm>>
      %dma_wait3A_2315 = tpu.memref_slice %arg12[%dma_wait3A_2302] : memref<8x!tpu.dma_semaphore, #tpu.memory_space<semaphore_mem>> -> memref<1x!tpu.dma_semaphore, #tpu.memory_space<semaphore_mem>>
      %dma_wait3A_2316 = tpu.memref_squeeze %dma_wait3A_2315 : memref<1x!tpu.dma_semaphore, #tpu.memory_space<semaphore_mem>> -> memref<!tpu.dma_semaphore, #tpu.memory_space<semaphore_mem>>
      tpu.wait_indirect_dma semaphore(%dma_wait3A_2316 : memref<!tpu.dma_semaphore, #tpu.memory_space<semaphore_mem>>) src(%dma_wait3A_2314 : memref<10000x80xf32, #tpu.memory_space<hbm>>) dst(%dma_wait3A_2306 : memref<100x80xf32, #tpu.memory_space<vmem>>)
      %jit3A_2317 = arith.constant 4 : i32
      %div3A_2318 = arith.divsi %add3A_2298, %jit3A_2317 : i32
      %sign3A_2319 = arith.constant 0 : i32
      %sign3A_2320 = arith.cmpi sgt, %add3A_2298, %sign3A_2319 : i32
      %sign3A_2321 = arith.extui %sign3A_2320 : i1 to i32
      %sign3A_2322 = arith.constant 0 : i32
      %sign3A_2323 = arith.cmpi slt, %add3A_2298, %sign3A_2322 : i32
      %sign3A_2324 = arith.extui %sign3A_2323 : i1 to i32
      %sign3A_2325 = arith.subi %sign3A_2321, %sign3A_2324 : i32
      %sign3A_2326 = arith.constant 0 : i32
      %sign3A_2327 = arith.cmpi sgt, %jit3A_2317, %sign3A_2326 : i32
      %sign3A_2328 = arith.extui %sign3A_2327 : i1 to i32
      %sign3A_2329 = arith.constant 0 : i32
      %sign3A_2330 = arith.cmpi slt, %jit3A_2317, %sign3A_2329 : i32
      %sign3A_2331 = arith.extui %sign3A_2330 : i1 to i32
      %sign3A_2332 = arith.subi %sign3A_2328, %sign3A_2331 : i32
      %ne3A_2333 = arith.cmpi ne, %sign3A_2325, %sign3A_2332 : i32
      %rem3A_2334 = arith.remsi %add3A_2298, %jit3A_2317 : i32
      %ne3A_2335 = arith.constant 0 : i32
      %ne3A_2336 = arith.cmpi ne, %rem3A_2334, %ne3A_2335 : i32
      %and3A_2337 = arith.andi %ne3A_2333, %ne3A_2336 : i1
      %sub3A_2338 = arith.constant 1 : i32
      %sub3A_2339 = arith.subi %div3A_2318, %sub3A_2338 : i32
      %select_n3A_2340 = arith.select %and3A_2337, %sub3A_2339, %div3A_2318 : i32
      %jit3A_2341 = arith.constant 6 : i32
      %eq3A_2342 = arith.constant 0 : i32
      %eq3A_2343 = arith.cmpi eq, %jit3A_2341, %eq3A_2342 : i32
      %jit3A_2344 = arith.constant 1 : i32
      %select_n3A_2345 = arith.select %eq3A_2343, %jit3A_2344, %jit3A_2341 : i32
      %rem3A_2346 = arith.remsi %select_n3A_2340, %select_n3A_2345 : i32
      %ne3A_2347 = arith.constant 0 : i32
      %ne3A_2348 = arith.cmpi ne, %rem3A_2346, %ne3A_2347 : i32
      %lt3A_2349 = arith.constant 0 : i32
      %lt3A_2350 = arith.cmpi slt, %rem3A_2346, %lt3A_2349 : i32
      %lt3A_2351 = arith.constant 0 : i32
      %lt3A_2352 = arith.cmpi slt, %select_n3A_2345, %lt3A_2351 : i32
      %ne3A_2353 = arith.xori %lt3A_2350, %lt3A_2352 : i1
      %and3A_2354 = arith.andi %ne3A_2353, %ne3A_2348 : i1
      %add3A_2355 = arith.addi %rem3A_2346, %select_n3A_2345 : i32
      %select_n3A_2356 = arith.select %and3A_2354, %add3A_2355, %rem3A_2346 : i32
      %dma_start3A_2357 = arith.constant 4 : i32
      %dma_start3A_2358 = arith.constant 0 : i32
      %dma_start3A_2359 = arith.constant 4 : i32
      %dma_start3A_2360 = arith.constant 0 : i32
      %dma_start3A_2361 = arith.constant 0 : i32
      %dma_start3A_2362 = tpu.memref_slice %arg9[%dma_start3A_2357, %dma_start3A_2360, %dma_start3A_2361] : memref<8x100x80xf32, #tpu.memory_space<vmem>> -> memref<1x100x80xf32, #tpu.memory_space<vmem>>
      %dma_start3A_2363 = tpu.memref_squeeze %dma_start3A_2362 : memref<1x100x80xf32, #tpu.memory_space<vmem>> -> memref<100x80xf32, #tpu.memory_space<vmem>>
      %dma_start3A_2364 = arith.constant 0 : i32
      %dma_start3A_2365 = tpu.memref_slice %arg8[%select_n3A_2356, %dma_start3A_2358, %dma_start3A_2364] : memref<6x4x100xi32, #tpu.memory_space<vmem>> -> memref<1x1x100xi32, #tpu.memory_space<vmem>>
      %dma_start3A_2366 = tpu.memref_squeeze %dma_start3A_2365 : memref<1x1x100xi32, #tpu.memory_space<vmem>> -> memref<100xi32, #tpu.memory_space<vmem>>
      %dma_start3A_2367 = arith.constant 0 : i32
      %dma_start3A_2368 = arith.constant 0 : i32
      %dma_start3A_2369 = tpu.memref_slice %arg11[%dma_start3A_2367, %dma_start3A_2368] : memref<10000x80xf32, #tpu.memory_space<vmem_shared>> -> memref<10000x80xf32, #tpu.memory_space<vmem_shared>>
      %dma_start3A_2370 = tpu.memref_slice %arg13[%dma_start3A_2359] : memref<8x!tpu.dma_semaphore, #tpu.memory_space<semaphore_mem>> -> memref<1x!tpu.dma_semaphore, #tpu.memory_space<semaphore_mem>>
      %dma_start3A_2371 = tpu.memref_squeeze %dma_start3A_2370 : memref<1x!tpu.dma_semaphore, #tpu.memory_space<semaphore_mem>> -> memref<!tpu.dma_semaphore, #tpu.memory_space<semaphore_mem>>
      tpu.enqueue_indirect_dma source(%dma_start3A_2363 : memref<100x80xf32, #tpu.memory_space<vmem>>) target(%dma_start3A_2369 : memref<10000x80xf32, #tpu.memory_space<vmem_shared>>) offsets(%dma_start3A_2366 : memref<100xi32, #tpu.memory_space<vmem>>) semaphore(%dma_start3A_2371 : memref<!tpu.dma_semaphore, #tpu.memory_space<semaphore_mem>>) {add = true}
      %add3A_2372 = arith.constant 6 : i32
      %add3A_2373 = arith.addi %add3A_2298, %add3A_2372 : i32
      %lt3A_2374 = arith.constant 200 : i32
      %lt3A_2375 = arith.cmpi slt, %add3A_2373, %lt3A_2374 : i32
      %convert_element_type3A_2376 = arith.extui %lt3A_2375 : i1 to i32
      %cond3A_2377 = arith.constant 0 : i32
      %cond3A_2378 = arith.cmpi ne, %convert_element_type3A_2376, %cond3A_2377 : i32
      scf.if %cond3A_2378 {
        %dma_wait3A_2632 = arith.constant 2 : i32
        %dma_wait3A_2633 = arith.constant 0 : i32
        %dma_wait3A_2634 = arith.constant 0 : i32
        %dma_wait3A_2635 = arith.constant 2 : i32
        %dma_wait3A_2636 = arith.constant 0 : i32
        %dma_wait3A_2637 = arith.constant 0 : i32
        %dma_wait3A_2638 = tpu.memref_slice %arg9[%dma_wait3A_2632, %dma_wait3A_2636, %dma_wait3A_2637] : memref<8x100x80xf32, #tpu.memory_space<vmem>> -> memref<1x100x80xf32, #tpu.memory_space<vmem>>
        %dma_wait3A_2639 = tpu.memref_squeeze %dma_wait3A_2638 : memref<1x100x80xf32, #tpu.memory_space<vmem>> -> memref<100x80xf32, #tpu.memory_space<vmem>>
        %dma_wait3A_2640 = arith.constant 0 : i32
        %dma_wait3A_2641 = tpu.memref_slice %arg8[%dma_wait3A_2633, %dma_wait3A_2634, %dma_wait3A_2640] : memref<6x4x100xi32, #tpu.memory_space<vmem>> -> memref<1x1x100xi32, #tpu.memory_space<vmem>>
        %dma_wait3A_2642 = tpu.memref_squeeze %dma_wait3A_2641 : memref<1x1x100xi32, #tpu.memory_space<vmem>> -> memref<100xi32, #tpu.memory_space<vmem>>
        %dma_wait3A_2643 = arith.constant 0 : i32
        %dma_wait3A_2644 = arith.constant 0 : i32
        %dma_wait3A_2645 = tpu.memref_slice %arg11[%dma_wait3A_2643, %dma_wait3A_2644] : memref<10000x80xf32, #tpu.memory_space<vmem_shared>> -> memref<10000x80xf32, #tpu.memory_space<vmem_shared>>
        %dma_wait3A_2646 = tpu.memref_slice %arg13[%dma_wait3A_2635] : memref<8x!tpu.dma_semaphore, #tpu.memory_space<semaphore_mem>> -> memref<1x!tpu.dma_semaphore, #tpu.memory_space<semaphore_mem>>
        %dma_wait3A_2647 = tpu.memref_squeeze %dma_wait3A_2646 : memref<1x!tpu.dma_semaphore, #tpu.memory_space<semaphore_mem>> -> memref<!tpu.dma_semaphore, #tpu.memory_space<semaphore_mem>>
        tpu.wait_indirect_dma semaphore(%dma_wait3A_2647 : memref<!tpu.dma_semaphore, #tpu.memory_space<semaphore_mem>>) src(%dma_wait3A_2639 : memref<100x80xf32, #tpu.memory_space<vmem>>) dst(%dma_wait3A_2645 : memref<10000x80xf32, #tpu.memory_space<vmem_shared>>)
        %jit3A_2648 = arith.constant 4 : i32
        %div3A_2649 = arith.divsi %add3A_2373, %jit3A_2648 : i32
        %sign3A_2650 = arith.constant 0 : i32
        %sign3A_2651 = arith.cmpi sgt, %add3A_2373, %sign3A_2650 : i32
        %sign3A_2652 = arith.extui %sign3A_2651 : i1 to i32
        %sign3A_2653 = arith.constant 0 : i32
        %sign3A_2654 = arith.cmpi slt, %add3A_2373, %sign3A_2653 : i32
        %sign3A_2655 = arith.extui %sign3A_2654 : i1 to i32
        %sign3A_2656 = arith.subi %sign3A_2652, %sign3A_2655 : i32
        %sign3A_2657 = arith.constant 0 : i32
        %sign3A_2658 = arith.cmpi sgt, %jit3A_2648, %sign3A_2657 : i32
        %sign3A_2659 = arith.extui %sign3A_2658 : i1 to i32
        %sign3A_2660 = arith.constant 0 : i32
        %sign3A_2661 = arith.cmpi slt, %jit3A_2648, %sign3A_2660 : i32
        %sign3A_2662 = arith.extui %sign3A_2661 : i1 to i32
        %sign3A_2663 = arith.subi %sign3A_2659, %sign3A_2662 : i32
        %ne3A_2664 = arith.cmpi ne, %sign3A_2656, %sign3A_2663 : i32
        %rem3A_2665 = arith.remsi %add3A_2373, %jit3A_2648 : i32
        %ne3A_2666 = arith.constant 0 : i32
        %ne3A_2667 = arith.cmpi ne, %rem3A_2665, %ne3A_2666 : i32
        %and3A_2668 = arith.andi %ne3A_2664, %ne3A_2667 : i1
        %sub3A_2669 = arith.constant 1 : i32
        %sub3A_2670 = arith.subi %div3A_2649, %sub3A_2669 : i32
        %select_n3A_2671 = arith.select %and3A_2668, %sub3A_2670, %div3A_2649 : i32
        %jit3A_2672 = arith.constant 6 : i32
        %eq3A_2673 = arith.constant 0 : i32
        %eq3A_2674 = arith.cmpi eq, %jit3A_2672, %eq3A_2673 : i32
        %jit3A_2675 = arith.constant 1 : i32
        %select_n3A_2676 = arith.select %eq3A_2674, %jit3A_2675, %jit3A_2672 : i32
        %rem3A_2677 = arith.remsi %select_n3A_2671, %select_n3A_2676 : i32
        %ne3A_2678 = arith.constant 0 : i32
        %ne3A_2679 = arith.cmpi ne, %rem3A_2677, %ne3A_2678 : i32
        %lt3A_2680 = arith.constant 0 : i32
        %lt3A_2681 = arith.cmpi slt, %rem3A_2677, %lt3A_2680 : i32
        %lt3A_2682 = arith.constant 0 : i32
        %lt3A_2683 = arith.cmpi slt, %select_n3A_2676, %lt3A_2682 : i32
        %ne3A_2684 = arith.xori %lt3A_2681, %lt3A_2683 : i1
        %and3A_2685 = arith.andi %ne3A_2684, %ne3A_2679 : i1
        %add3A_2686 = arith.addi %rem3A_2677, %select_n3A_2676 : i32
        %select_n3A_2687 = arith.select %and3A_2685, %add3A_2686, %rem3A_2677 : i32
        %dma_start3A_2688 = arith.constant 2 : i32
        %dma_start3A_2689 = arith.constant 2 : i32
        %dma_start3A_2690 = arith.constant 2 : i32
        %dma_start3A_2691 = arith.constant 0 : i32
        %dma_start3A_2692 = arith.constant 0 : i32
        %dma_start3A_2693 = tpu.memref_slice %arg9[%dma_start3A_2689, %dma_start3A_2691, %dma_start3A_2692] : memref<8x100x80xf32, #tpu.memory_space<vmem>> -> memref<1x100x80xf32, #tpu.memory_space<vmem>>
        %dma_start3A_2694 = tpu.memref_squeeze %dma_start3A_2693 : memref<1x100x80xf32, #tpu.memory_space<vmem>> -> memref<100x80xf32, #tpu.memory_space<vmem>>
        %dma_start3A_2695 = arith.constant 0 : i32
        %dma_start3A_2696 = tpu.memref_slice %arg7[%select_n3A_2687, %dma_start3A_2688, %dma_start3A_2695] : memref<6x4x100xi32, #tpu.memory_space<vmem>> -> memref<1x1x100xi32, #tpu.memory_space<vmem>>
        %dma_start3A_2697 = tpu.memref_squeeze %dma_start3A_2696 : memref<1x1x100xi32, #tpu.memory_space<vmem>> -> memref<100xi32, #tpu.memory_space<vmem>>
        %dma_start3A_2698 = arith.constant 0 : i32
        %dma_start3A_2699 = tpu.memref_slice %arg6[%mul3A_2, %dma_start3A_2698] : memref<20000x80xf32, #tpu.memory_space<hbm>> -> memref<10000x80xf32, #tpu.memory_space<hbm>>
        %dma_start3A_2700 = arith.constant 0 : i32
        %dma_start3A_2701 = arith.constant 0 : i32
        %dma_start3A_2702 = tpu.memref_slice %dma_start3A_2699[%dma_start3A_2700, %dma_start3A_2701] : memref<10000x80xf32, #tpu.memory_space<hbm>> -> memref<10000x80xf32, #tpu.memory_space<hbm>>
        %dma_start3A_2703 = tpu.memref_slice %arg12[%dma_start3A_2690] : memref<8x!tpu.dma_semaphore, #tpu.memory_space<semaphore_mem>> -> memref<1x!tpu.dma_semaphore, #tpu.memory_space<semaphore_mem>>
        %dma_start3A_2704 = tpu.memref_squeeze %dma_start3A_2703 : memref<1x!tpu.dma_semaphore, #tpu.memory_space<semaphore_mem>> -> memref<!tpu.dma_semaphore, #tpu.memory_space<semaphore_mem>>
        tpu.enqueue_indirect_dma source(%dma_start3A_2702 : memref<10000x80xf32, #tpu.memory_space<hbm>>) target(%dma_start3A_2694 : memref<100x80xf32, #tpu.memory_space<vmem>>) offsets(%dma_start3A_2697 : memref<100xi32, #tpu.memory_space<vmem>>) semaphore(%dma_start3A_2704 : memref<!tpu.dma_semaphore, #tpu.memory_space<semaphore_mem>>)
      } else {
      }
      %add3A_2379 = arith.constant 5 : i32
      %add3A_2380 = arith.addi %add3A_1935, %add3A_2379 : i32
      %dma_wait3A_2381 = arith.constant 0 : i32
      %dma_wait3A_2382 = arith.constant 0 : i32
      %dma_wait3A_2383 = arith.constant 5 : i32
      %dma_wait3A_2384 = arith.constant 5 : i32
      %dma_wait3A_2385 = arith.constant 0 : i32
      %dma_wait3A_2386 = arith.constant 0 : i32
      %dma_wait3A_2387 = tpu.memref_slice %arg9[%dma_wait3A_2383, %dma_wait3A_2385, %dma_wait3A_2386] : memref<8x100x80xf32, #tpu.memory_space<vmem>> -> memref<1x100x80xf32, #tpu.memory_space<vmem>>
      %dma_wait3A_2388 = tpu.memref_squeeze %dma_wait3A_2387 : memref<1x100x80xf32, #tpu.memory_space<vmem>> -> memref<100x80xf32, #tpu.memory_space<vmem>>
      %dma_wait3A_2389 = arith.constant 0 : i32
      %dma_wait3A_2390 = tpu.memref_slice %arg7[%dma_wait3A_2381, %dma_wait3A_2382, %dma_wait3A_2389] : memref<6x4x100xi32, #tpu.memory_space<vmem>> -> memref<1x1x100xi32, #tpu.memory_space<vmem>>
      %dma_wait3A_2391 = tpu.memref_squeeze %dma_wait3A_2390 : memref<1x1x100xi32, #tpu.memory_space<vmem>> -> memref<100xi32, #tpu.memory_space<vmem>>
      %dma_wait3A_2392 = arith.constant 0 : i32
      %dma_wait3A_2393 = tpu.memref_slice %arg6[%mul3A_2, %dma_wait3A_2392] : memref<20000x80xf32, #tpu.memory_space<hbm>> -> memref<10000x80xf32, #tpu.memory_space<hbm>>
      %dma_wait3A_2394 = arith.constant 0 : i32
      %dma_wait3A_2395 = arith.constant 0 : i32
      %dma_wait3A_2396 = tpu.memref_slice %dma_wait3A_2393[%dma_wait3A_2394, %dma_wait3A_2395] : memref<10000x80xf32, #tpu.memory_space<hbm>> -> memref<10000x80xf32, #tpu.memory_space<hbm>>
      %dma_wait3A_2397 = tpu.memref_slice %arg12[%dma_wait3A_2384] : memref<8x!tpu.dma_semaphore, #tpu.memory_space<semaphore_mem>> -> memref<1x!tpu.dma_semaphore, #tpu.memory_space<semaphore_mem>>
      %dma_wait3A_2398 = tpu.memref_squeeze %dma_wait3A_2397 : memref<1x!tpu.dma_semaphore, #tpu.memory_space<semaphore_mem>> -> memref<!tpu.dma_semaphore, #tpu.memory_space<semaphore_mem>>
      tpu.wait_indirect_dma semaphore(%dma_wait3A_2398 : memref<!tpu.dma_semaphore, #tpu.memory_space<semaphore_mem>>) src(%dma_wait3A_2396 : memref<10000x80xf32, #tpu.memory_space<hbm>>) dst(%dma_wait3A_2388 : memref<100x80xf32, #tpu.memory_space<vmem>>)
      %jit3A_2399 = arith.constant 4 : i32
      %div3A_2400 = arith.divsi %add3A_2380, %jit3A_2399 : i32
      %sign3A_2401 = arith.constant 0 : i32
      %sign3A_2402 = arith.cmpi sgt, %add3A_2380, %sign3A_2401 : i32
      %sign3A_2403 = arith.extui %sign3A_2402 : i1 to i32
      %sign3A_2404 = arith.constant 0 : i32
      %sign3A_2405 = arith.cmpi slt, %add3A_2380, %sign3A_2404 : i32
      %sign3A_2406 = arith.extui %sign3A_2405 : i1 to i32
      %sign3A_2407 = arith.subi %sign3A_2403, %sign3A_2406 : i32
      %sign3A_2408 = arith.constant 0 : i32
      %sign3A_2409 = arith.cmpi sgt, %jit3A_2399, %sign3A_2408 : i32
      %sign3A_2410 = arith.extui %sign3A_2409 : i1 to i32
      %sign3A_2411 = arith.constant 0 : i32
      %sign3A_2412 = arith.cmpi slt, %jit3A_2399, %sign3A_2411 : i32
      %sign3A_2413 = arith.extui %sign3A_2412 : i1 to i32
      %sign3A_2414 = arith.subi %sign3A_2410, %sign3A_2413 : i32
      %ne3A_2415 = arith.cmpi ne, %sign3A_2407, %sign3A_2414 : i32
      %rem3A_2416 = arith.remsi %add3A_2380, %jit3A_2399 : i32
      %ne3A_2417 = arith.constant 0 : i32
      %ne3A_2418 = arith.cmpi ne, %rem3A_2416, %ne3A_2417 : i32
      %and3A_2419 = arith.andi %ne3A_2415, %ne3A_2418 : i1
      %sub3A_2420 = arith.constant 1 : i32
      %sub3A_2421 = arith.subi %div3A_2400, %sub3A_2420 : i32
      %select_n3A_2422 = arith.select %and3A_2419, %sub3A_2421, %div3A_2400 : i32
      %jit3A_2423 = arith.constant 6 : i32
      %eq3A_2424 = arith.constant 0 : i32
      %eq3A_2425 = arith.cmpi eq, %jit3A_2423, %eq3A_2424 : i32
      %jit3A_2426 = arith.constant 1 : i32
      %select_n3A_2427 = arith.select %eq3A_2425, %jit3A_2426, %jit3A_2423 : i32
      %rem3A_2428 = arith.remsi %select_n3A_2422, %select_n3A_2427 : i32
      %ne3A_2429 = arith.constant 0 : i32
      %ne3A_2430 = arith.cmpi ne, %rem3A_2428, %ne3A_2429 : i32
      %lt3A_2431 = arith.constant 0 : i32
      %lt3A_2432 = arith.cmpi slt, %rem3A_2428, %lt3A_2431 : i32
      %lt3A_2433 = arith.constant 0 : i32
      %lt3A_2434 = arith.cmpi slt, %select_n3A_2427, %lt3A_2433 : i32
      %ne3A_2435 = arith.xori %lt3A_2432, %lt3A_2434 : i1
      %and3A_2436 = arith.andi %ne3A_2435, %ne3A_2430 : i1
      %add3A_2437 = arith.addi %rem3A_2428, %select_n3A_2427 : i32
      %select_n3A_2438 = arith.select %and3A_2436, %add3A_2437, %rem3A_2428 : i32
      %dma_start3A_2439 = arith.constant 5 : i32
      %dma_start3A_2440 = arith.constant 1 : i32
      %dma_start3A_2441 = arith.constant 5 : i32
      %dma_start3A_2442 = arith.constant 0 : i32
      %dma_start3A_2443 = arith.constant 0 : i32
      %dma_start3A_2444 = tpu.memref_slice %arg9[%dma_start3A_2439, %dma_start3A_2442, %dma_start3A_2443] : memref<8x100x80xf32, #tpu.memory_space<vmem>> -> memref<1x100x80xf32, #tpu.memory_space<vmem>>
      %dma_start3A_2445 = tpu.memref_squeeze %dma_start3A_2444 : memref<1x100x80xf32, #tpu.memory_space<vmem>> -> memref<100x80xf32, #tpu.memory_space<vmem>>
      %dma_start3A_2446 = arith.constant 0 : i32
      %dma_start3A_2447 = tpu.memref_slice %arg8[%select_n3A_2438, %dma_start3A_2440, %dma_start3A_2446] : memref<6x4x100xi32, #tpu.memory_space<vmem>> -> memref<1x1x100xi32, #tpu.memory_space<vmem>>
      %dma_start3A_2448 = tpu.memref_squeeze %dma_start3A_2447 : memref<1x1x100xi32, #tpu.memory_space<vmem>> -> memref<100xi32, #tpu.memory_space<vmem>>
      %dma_start3A_2449 = arith.constant 0 : i32
      %dma_start3A_2450 = arith.constant 0 : i32
      %dma_start3A_2451 = tpu.memref_slice %arg11[%dma_start3A_2449, %dma_start3A_2450] : memref<10000x80xf32, #tpu.memory_space<vmem_shared>> -> memref<10000x80xf32, #tpu.memory_space<vmem_shared>>
      %dma_start3A_2452 = tpu.memref_slice %arg13[%dma_start3A_2441] : memref<8x!tpu.dma_semaphore, #tpu.memory_space<semaphore_mem>> -> memref<1x!tpu.dma_semaphore, #tpu.memory_space<semaphore_mem>>
      %dma_start3A_2453 = tpu.memref_squeeze %dma_start3A_2452 : memref<1x!tpu.dma_semaphore, #tpu.memory_space<semaphore_mem>> -> memref<!tpu.dma_semaphore, #tpu.memory_space<semaphore_mem>>
      tpu.enqueue_indirect_dma source(%dma_start3A_2445 : memref<100x80xf32, #tpu.memory_space<vmem>>) target(%dma_start3A_2451 : memref<10000x80xf32, #tpu.memory_space<vmem_shared>>) offsets(%dma_start3A_2448 : memref<100xi32, #tpu.memory_space<vmem>>) semaphore(%dma_start3A_2453 : memref<!tpu.dma_semaphore, #tpu.memory_space<semaphore_mem>>) {add = true}
      %add3A_2454 = arith.constant 6 : i32
      %add3A_2455 = arith.addi %add3A_2380, %add3A_2454 : i32
      %lt3A_2456 = arith.constant 200 : i32
      %lt3A_2457 = arith.cmpi slt, %add3A_2455, %lt3A_2456 : i32
      %convert_element_type3A_2458 = arith.extui %lt3A_2457 : i1 to i32
      %cond3A_2459 = arith.constant 0 : i32
      %cond3A_2460 = arith.cmpi ne, %convert_element_type3A_2458, %cond3A_2459 : i32
      scf.if %cond3A_2460 {
        %dma_wait3A_2632 = arith.constant 3 : i32
        %dma_wait3A_2633 = arith.constant 0 : i32
        %dma_wait3A_2634 = arith.constant 0 : i32
        %dma_wait3A_2635 = arith.constant 3 : i32
        %dma_wait3A_2636 = arith.constant 0 : i32
        %dma_wait3A_2637 = arith.constant 0 : i32
        %dma_wait3A_2638 = tpu.memref_slice %arg9[%dma_wait3A_2632, %dma_wait3A_2636, %dma_wait3A_2637] : memref<8x100x80xf32, #tpu.memory_space<vmem>> -> memref<1x100x80xf32, #tpu.memory_space<vmem>>
        %dma_wait3A_2639 = tpu.memref_squeeze %dma_wait3A_2638 : memref<1x100x80xf32, #tpu.memory_space<vmem>> -> memref<100x80xf32, #tpu.memory_space<vmem>>
        %dma_wait3A_2640 = arith.constant 0 : i32
        %dma_wait3A_2641 = tpu.memref_slice %arg8[%dma_wait3A_2633, %dma_wait3A_2634, %dma_wait3A_2640] : memref<6x4x100xi32, #tpu.memory_space<vmem>> -> memref<1x1x100xi32, #tpu.memory_space<vmem>>
        %dma_wait3A_2642 = tpu.memref_squeeze %dma_wait3A_2641 : memref<1x1x100xi32, #tpu.memory_space<vmem>> -> memref<100xi32, #tpu.memory_space<vmem>>
        %dma_wait3A_2643 = arith.constant 0 : i32
        %dma_wait3A_2644 = arith.constant 0 : i32
        %dma_wait3A_2645 = tpu.memref_slice %arg11[%dma_wait3A_2643, %dma_wait3A_2644] : memref<10000x80xf32, #tpu.memory_space<vmem_shared>> -> memref<10000x80xf32, #tpu.memory_space<vmem_shared>>
        %dma_wait3A_2646 = tpu.memref_slice %arg13[%dma_wait3A_2635] : memref<8x!tpu.dma_semaphore, #tpu.memory_space<semaphore_mem>> -> memref<1x!tpu.dma_semaphore, #tpu.memory_space<semaphore_mem>>
        %dma_wait3A_2647 = tpu.memref_squeeze %dma_wait3A_2646 : memref<1x!tpu.dma_semaphore, #tpu.memory_space<semaphore_mem>> -> memref<!tpu.dma_semaphore, #tpu.memory_space<semaphore_mem>>
        tpu.wait_indirect_dma semaphore(%dma_wait3A_2647 : memref<!tpu.dma_semaphore, #tpu.memory_space<semaphore_mem>>) src(%dma_wait3A_2639 : memref<100x80xf32, #tpu.memory_space<vmem>>) dst(%dma_wait3A_2645 : memref<10000x80xf32, #tpu.memory_space<vmem_shared>>)
        %jit3A_2648 = arith.constant 4 : i32
        %div3A_2649 = arith.divsi %add3A_2455, %jit3A_2648 : i32
        %sign3A_2650 = arith.constant 0 : i32
        %sign3A_2651 = arith.cmpi sgt, %add3A_2455, %sign3A_2650 : i32
        %sign3A_2652 = arith.extui %sign3A_2651 : i1 to i32
        %sign3A_2653 = arith.constant 0 : i32
        %sign3A_2654 = arith.cmpi slt, %add3A_2455, %sign3A_2653 : i32
        %sign3A_2655 = arith.extui %sign3A_2654 : i1 to i32
        %sign3A_2656 = arith.subi %sign3A_2652, %sign3A_2655 : i32
        %sign3A_2657 = arith.constant 0 : i32
        %sign3A_2658 = arith.cmpi sgt, %jit3A_2648, %sign3A_2657 : i32
        %sign3A_2659 = arith.extui %sign3A_2658 : i1 to i32
        %sign3A_2660 = arith.constant 0 : i32
        %sign3A_2661 = arith.cmpi slt, %jit3A_2648, %sign3A_2660 : i32
        %sign3A_2662 = arith.extui %sign3A_2661 : i1 to i32
        %sign3A_2663 = arith.subi %sign3A_2659, %sign3A_2662 : i32
        %ne3A_2664 = arith.cmpi ne, %sign3A_2656, %sign3A_2663 : i32
        %rem3A_2665 = arith.remsi %add3A_2455, %jit3A_2648 : i32
        %ne3A_2666 = arith.constant 0 : i32
        %ne3A_2667 = arith.cmpi ne, %rem3A_2665, %ne3A_2666 : i32
        %and3A_2668 = arith.andi %ne3A_2664, %ne3A_2667 : i1
        %sub3A_2669 = arith.constant 1 : i32
        %sub3A_2670 = arith.subi %div3A_2649, %sub3A_2669 : i32
        %select_n3A_2671 = arith.select %and3A_2668, %sub3A_2670, %div3A_2649 : i32
        %jit3A_2672 = arith.constant 6 : i32
        %eq3A_2673 = arith.constant 0 : i32
        %eq3A_2674 = arith.cmpi eq, %jit3A_2672, %eq3A_2673 : i32
        %jit3A_2675 = arith.constant 1 : i32
        %select_n3A_2676 = arith.select %eq3A_2674, %jit3A_2675, %jit3A_2672 : i32
        %rem3A_2677 = arith.remsi %select_n3A_2671, %select_n3A_2676 : i32
        %ne3A_2678 = arith.constant 0 : i32
        %ne3A_2679 = arith.cmpi ne, %rem3A_2677, %ne3A_2678 : i32
        %lt3A_2680 = arith.constant 0 : i32
        %lt3A_2681 = arith.cmpi slt, %rem3A_2677, %lt3A_2680 : i32
        %lt3A_2682 = arith.constant 0 : i32
        %lt3A_2683 = arith.cmpi slt, %select_n3A_2676, %lt3A_2682 : i32
        %ne3A_2684 = arith.xori %lt3A_2681, %lt3A_2683 : i1
        %and3A_2685 = arith.andi %ne3A_2684, %ne3A_2679 : i1
        %add3A_2686 = arith.addi %rem3A_2677, %select_n3A_2676 : i32
        %select_n3A_2687 = arith.select %and3A_2685, %add3A_2686, %rem3A_2677 : i32
        %dma_start3A_2688 = arith.constant 3 : i32
        %dma_start3A_2689 = arith.constant 3 : i32
        %dma_start3A_2690 = arith.constant 3 : i32
        %dma_start3A_2691 = arith.constant 0 : i32
        %dma_start3A_2692 = arith.constant 0 : i32
        %dma_start3A_2693 = tpu.memref_slice %arg9[%dma_start3A_2689, %dma_start3A_2691, %dma_start3A_2692] : memref<8x100x80xf32, #tpu.memory_space<vmem>> -> memref<1x100x80xf32, #tpu.memory_space<vmem>>
        %dma_start3A_2694 = tpu.memref_squeeze %dma_start3A_2693 : memref<1x100x80xf32, #tpu.memory_space<vmem>> -> memref<100x80xf32, #tpu.memory_space<vmem>>
        %dma_start3A_2695 = arith.constant 0 : i32
        %dma_start3A_2696 = tpu.memref_slice %arg7[%select_n3A_2687, %dma_start3A_2688, %dma_start3A_2695] : memref<6x4x100xi32, #tpu.memory_space<vmem>> -> memref<1x1x100xi32, #tpu.memory_space<vmem>>
        %dma_start3A_2697 = tpu.memref_squeeze %dma_start3A_2696 : memref<1x1x100xi32, #tpu.memory_space<vmem>> -> memref<100xi32, #tpu.memory_space<vmem>>
        %dma_start3A_2698 = arith.constant 0 : i32
        %dma_start3A_2699 = tpu.memref_slice %arg6[%mul3A_2, %dma_start3A_2698] : memref<20000x80xf32, #tpu.memory_space<hbm>> -> memref<10000x80xf32, #tpu.memory_space<hbm>>
        %dma_start3A_2700 = arith.constant 0 : i32
        %dma_start3A_2701 = arith.constant 0 : i32
        %dma_start3A_2702 = tpu.memref_slice %dma_start3A_2699[%dma_start3A_2700, %dma_start3A_2701] : memref<10000x80xf32, #tpu.memory_space<hbm>> -> memref<10000x80xf32, #tpu.memory_space<hbm>>
        %dma_start3A_2703 = tpu.memref_slice %arg12[%dma_start3A_2690] : memref<8x!tpu.dma_semaphore, #tpu.memory_space<semaphore_mem>> -> memref<1x!tpu.dma_semaphore, #tpu.memory_space<semaphore_mem>>
        %dma_start3A_2704 = tpu.memref_squeeze %dma_start3A_2703 : memref<1x!tpu.dma_semaphore, #tpu.memory_space<semaphore_mem>> -> memref<!tpu.dma_semaphore, #tpu.memory_space<semaphore_mem>>
        tpu.enqueue_indirect_dma source(%dma_start3A_2702 : memref<10000x80xf32, #tpu.memory_space<hbm>>) target(%dma_start3A_2694 : memref<100x80xf32, #tpu.memory_space<vmem>>) offsets(%dma_start3A_2697 : memref<100xi32, #tpu.memory_space<vmem>>) semaphore(%dma_start3A_2704 : memref<!tpu.dma_semaphore, #tpu.memory_space<semaphore_mem>>)
      } else {
      }
      %add3A_2461 = arith.constant 6 : i32
      %add3A_2462 = arith.addi %add3A_1935, %add3A_2461 : i32
      %add3A_2463 = arith.constant 3 : i32
      %add3A_2464 = arith.addi %select_n3A, %add3A_2463 : i32
      %lt3A_2465 = arith.constant 50 : i32
      %lt3A_2466 = arith.cmpi slt, %add3A_2464, %lt3A_2465 : i32
      %convert_element_type3A_2467 = arith.extui %lt3A_2466 : i1 to i32
      %cond3A_2468 = arith.constant 0 : i32
      %cond3A_2469 = arith.cmpi ne, %convert_element_type3A_2467, %cond3A_2468 : i32
      scf.if %cond3A_2469 {
        %add3A_2632 = arith.constant 3 : i32
        %add3A_2633 = arith.addi %select_n3A, %add3A_2632 : i32
        %jit3A_2634 = arith.constant 6 : i32
        %eq3A_2635 = arith.constant 0 : i32
        %eq3A_2636 = arith.cmpi eq, %jit3A_2634, %eq3A_2635 : i32
        %jit3A_2637 = arith.constant 1 : i32
        %select_n3A_2638 = arith.select %eq3A_2636, %jit3A_2637, %jit3A_2634 : i32
        %rem3A_2639 = arith.remsi %add3A_2633, %select_n3A_2638 : i32
        %ne3A_2640 = arith.constant 0 : i32
        %ne3A_2641 = arith.cmpi ne, %rem3A_2639, %ne3A_2640 : i32
        %lt3A_2642 = arith.constant 0 : i32
        %lt3A_2643 = arith.cmpi slt, %rem3A_2639, %lt3A_2642 : i32
        %lt3A_2644 = arith.constant 0 : i32
        %lt3A_2645 = arith.cmpi slt, %select_n3A_2638, %lt3A_2644 : i32
        %ne3A_2646 = arith.xori %lt3A_2643, %lt3A_2645 : i1
        %and3A_2647 = arith.andi %ne3A_2646, %ne3A_2641 : i1
        %add3A_2648 = arith.addi %rem3A_2639, %select_n3A_2638 : i32
        %select_n3A_2649 = arith.select %and3A_2647, %add3A_2648, %rem3A_2639 : i32
        %dma_wait3A_2650 = arith.constant 0 : i32
        %dma_wait3A_2651 = arith.constant 0 : i32
        %dma_wait3A_2652 = arith.constant 0 : i32
        %dma_wait3A_2653 = tpu.memref_slice %arg7[%select_n3A_2649, %dma_wait3A_2651, %dma_wait3A_2652] : memref<6x4x100xi32, #tpu.memory_space<vmem>> -> memref<1x4x100xi32, #tpu.memory_space<vmem>>
        %dma_wait3A_2654 = tpu.memref_squeeze %dma_wait3A_2653 : memref<1x4x100xi32, #tpu.memory_space<vmem>> -> memref<4x100xi32, #tpu.memory_space<vmem>>
        %dma_wait3A_2655 = arith.constant 0 : i32
        %dma_wait3A_2656 = arith.constant 0 : i32
        %dma_wait3A_2657 = tpu.memref_slice %arg3[%arg1, %dma_wait3A_2650, %dma_wait3A_2655, %dma_wait3A_2656] : memref<16x50x4x100xi32, #tpu.memory_space<hbm>> -> memref<1x1x4x100xi32, #tpu.memory_space<hbm>>
        %dma_wait3A_2658 = tpu.memref_squeeze %dma_wait3A_2657 : memref<1x1x4x100xi32, #tpu.memory_space<hbm>> -> memref<4x100xi32, #tpu.memory_space<hbm>>
        %dma_wait3A_2659 = tpu.memref_slice %arg14[%select_n3A_2649] : memref<6x!tpu.dma_semaphore, #tpu.memory_space<semaphore_mem>> -> memref<1x!tpu.dma_semaphore, #tpu.memory_space<semaphore_mem>>
        %dma_wait3A_2660 = tpu.memref_squeeze %dma_wait3A_2659 : memref<1x!tpu.dma_semaphore, #tpu.memory_space<semaphore_mem>> -> memref<!tpu.dma_semaphore, #tpu.memory_space<semaphore_mem>>
        %dma_wait3A_2661 = arith.constant 0 : i32
        %dma_wait3A_2662 = arith.constant 0 : i32
        %dma_wait3A_2663 = tpu.memref_slice %arg7[%select_n3A_2649, %dma_wait3A_2661, %dma_wait3A_2662] : memref<6x4x100xi32, #tpu.memory_space<vmem>> -> memref<1x4x100xi32, #tpu.memory_space<vmem>>
        %dma_wait3A_2664 = tpu.memref_squeeze %dma_wait3A_2663 : memref<1x4x100xi32, #tpu.memory_space<vmem>> -> memref<4x100xi32, #tpu.memory_space<vmem>>
        %dma_wait3A_2665 = arith.constant 0 : i32
        %dma_wait3A_2666 = arith.constant 0 : i32
        %dma_wait3A_2667 = tpu.memref_slice %arg3[%arg1, %dma_wait3A_2650, %dma_wait3A_2665, %dma_wait3A_2666] : memref<16x50x4x100xi32, #tpu.memory_space<hbm>> -> memref<1x1x4x100xi32, #tpu.memory_space<hbm>>
        %dma_wait3A_2668 = tpu.memref_squeeze %dma_wait3A_2667 : memref<1x1x4x100xi32, #tpu.memory_space<hbm>> -> memref<4x100xi32, #tpu.memory_space<hbm>>
        tpu.wait_dma2 semaphore(%dma_wait3A_2660 : memref<!tpu.dma_semaphore, #tpu.memory_space<semaphore_mem>>) src(%dma_wait3A_2668 : memref<4x100xi32, #tpu.memory_space<hbm>>) dst(%dma_wait3A_2664 : memref<4x100xi32, #tpu.memory_space<vmem>>)
        %dma_wait3A_2669 = arith.constant 0 : i32
        %dma_wait3A_2670 = arith.constant 0 : i32
        %dma_wait3A_2671 = arith.constant 0 : i32
        %dma_wait3A_2672 = tpu.memref_slice %arg8[%select_n3A_2649, %dma_wait3A_2670, %dma_wait3A_2671] : memref<6x4x100xi32, #tpu.memory_space<vmem>> -> memref<1x4x100xi32, #tpu.memory_space<vmem>>
        %dma_wait3A_2673 = tpu.memref_squeeze %dma_wait3A_2672 : memref<1x4x100xi32, #tpu.memory_space<vmem>> -> memref<4x100xi32, #tpu.memory_space<vmem>>
        %dma_wait3A_2674 = arith.constant 0 : i32
        %dma_wait3A_2675 = arith.constant 0 : i32
        %dma_wait3A_2676 = tpu.memref_slice %arg4[%arg1, %dma_wait3A_2669, %dma_wait3A_2674, %dma_wait3A_2675] : memref<16x50x4x100xi32, #tpu.memory_space<hbm>> -> memref<1x1x4x100xi32, #tpu.memory_space<hbm>>
        %dma_wait3A_2677 = tpu.memref_squeeze %dma_wait3A_2676 : memref<1x1x4x100xi32, #tpu.memory_space<hbm>> -> memref<4x100xi32, #tpu.memory_space<hbm>>
        %dma_wait3A_2678 = tpu.memref_slice %arg14[%select_n3A_2649] : memref<6x!tpu.dma_semaphore, #tpu.memory_space<semaphore_mem>> -> memref<1x!tpu.dma_semaphore, #tpu.memory_space<semaphore_mem>>
        %dma_wait3A_2679 = tpu.memref_squeeze %dma_wait3A_2678 : memref<1x!tpu.dma_semaphore, #tpu.memory_space<semaphore_mem>> -> memref<!tpu.dma_semaphore, #tpu.memory_space<semaphore_mem>>
        %dma_wait3A_2680 = arith.constant 0 : i32
        %dma_wait3A_2681 = arith.constant 0 : i32
        %dma_wait3A_2682 = tpu.memref_slice %arg8[%select_n3A_2649, %dma_wait3A_2680, %dma_wait3A_2681] : memref<6x4x100xi32, #tpu.memory_space<vmem>> -> memref<1x4x100xi32, #tpu.memory_space<vmem>>
        %dma_wait3A_2683 = tpu.memref_squeeze %dma_wait3A_2682 : memref<1x4x100xi32, #tpu.memory_space<vmem>> -> memref<4x100xi32, #tpu.memory_space<vmem>>
        %dma_wait3A_2684 = arith.constant 0 : i32
        %dma_wait3A_2685 = arith.constant 0 : i32
        %dma_wait3A_2686 = tpu.memref_slice %arg4[%arg1, %dma_wait3A_2669, %dma_wait3A_2684, %dma_wait3A_2685] : memref<16x50x4x100xi32, #tpu.memory_space<hbm>> -> memref<1x1x4x100xi32, #tpu.memory_space<hbm>>
        %dma_wait3A_2687 = tpu.memref_squeeze %dma_wait3A_2686 : memref<1x1x4x100xi32, #tpu.memory_space<hbm>> -> memref<4x100xi32, #tpu.memory_space<hbm>>
        tpu.wait_dma2 semaphore(%dma_wait3A_2679 : memref<!tpu.dma_semaphore, #tpu.memory_space<semaphore_mem>>) src(%dma_wait3A_2687 : memref<4x100xi32, #tpu.memory_space<hbm>>) dst(%dma_wait3A_2683 : memref<4x100xi32, #tpu.memory_space<vmem>>)
      } else {
      }
      %dma_wait3A_2470 = arith.constant 0 : i32
      %dma_wait3A_2471 = arith.constant 0 : i32
      %dma_wait3A_2472 = arith.constant 6 : i32
      %dma_wait3A_2473 = arith.constant 6 : i32
      %dma_wait3A_2474 = arith.constant 0 : i32
      %dma_wait3A_2475 = arith.constant 0 : i32
      %dma_wait3A_2476 = tpu.memref_slice %arg9[%dma_wait3A_2472, %dma_wait3A_2474, %dma_wait3A_2475] : memref<8x100x80xf32, #tpu.memory_space<vmem>> -> memref<1x100x80xf32, #tpu.memory_space<vmem>>
      %dma_wait3A_2477 = tpu.memref_squeeze %dma_wait3A_2476 : memref<1x100x80xf32, #tpu.memory_space<vmem>> -> memref<100x80xf32, #tpu.memory_space<vmem>>
      %dma_wait3A_2478 = arith.constant 0 : i32
      %dma_wait3A_2479 = tpu.memref_slice %arg7[%dma_wait3A_2470, %dma_wait3A_2471, %dma_wait3A_2478] : memref<6x4x100xi32, #tpu.memory_space<vmem>> -> memref<1x1x100xi32, #tpu.memory_space<vmem>>
      %dma_wait3A_2480 = tpu.memref_squeeze %dma_wait3A_2479 : memref<1x1x100xi32, #tpu.memory_space<vmem>> -> memref<100xi32, #tpu.memory_space<vmem>>
      %dma_wait3A_2481 = arith.constant 0 : i32
      %dma_wait3A_2482 = tpu.memref_slice %arg6[%mul3A_2, %dma_wait3A_2481] : memref<20000x80xf32, #tpu.memory_space<hbm>> -> memref<10000x80xf32, #tpu.memory_space<hbm>>
      %dma_wait3A_2483 = arith.constant 0 : i32
      %dma_wait3A_2484 = arith.constant 0 : i32
      %dma_wait3A_2485 = tpu.memref_slice %dma_wait3A_2482[%dma_wait3A_2483, %dma_wait3A_2484] : memref<10000x80xf32, #tpu.memory_space<hbm>> -> memref<10000x80xf32, #tpu.memory_space<hbm>>
      %dma_wait3A_2486 = tpu.memref_slice %arg12[%dma_wait3A_2473] : memref<8x!tpu.dma_semaphore, #tpu.memory_space<semaphore_mem>> -> memref<1x!tpu.dma_semaphore, #tpu.memory_space<semaphore_mem>>
      %dma_wait3A_2487 = tpu.memref_squeeze %dma_wait3A_2486 : memref<1x!tpu.dma_semaphore, #tpu.memory_space<semaphore_mem>> -> memref<!tpu.dma_semaphore, #tpu.memory_space<semaphore_mem>>
      tpu.wait_indirect_dma semaphore(%dma_wait3A_2487 : memref<!tpu.dma_semaphore, #tpu.memory_space<semaphore_mem>>) src(%dma_wait3A_2485 : memref<10000x80xf32, #tpu.memory_space<hbm>>) dst(%dma_wait3A_2477 : memref<100x80xf32, #tpu.memory_space<vmem>>)
      %jit3A_2488 = arith.constant 4 : i32
      %div3A_2489 = arith.divsi %add3A_2462, %jit3A_2488 : i32
      %sign3A_2490 = arith.constant 0 : i32
      %sign3A_2491 = arith.cmpi sgt, %add3A_2462, %sign3A_2490 : i32
      %sign3A_2492 = arith.extui %sign3A_2491 : i1 to i32
      %sign3A_2493 = arith.constant 0 : i32
      %sign3A_2494 = arith.cmpi slt, %add3A_2462, %sign3A_2493 : i32
      %sign3A_2495 = arith.extui %sign3A_2494 : i1 to i32
      %sign3A_2496 = arith.subi %sign3A_2492, %sign3A_2495 : i32
      %sign3A_2497 = arith.constant 0 : i32
      %sign3A_2498 = arith.cmpi sgt, %jit3A_2488, %sign3A_2497 : i32
      %sign3A_2499 = arith.extui %sign3A_2498 : i1 to i32
      %sign3A_2500 = arith.constant 0 : i32
      %sign3A_2501 = arith.cmpi slt, %jit3A_2488, %sign3A_2500 : i32
      %sign3A_2502 = arith.extui %sign3A_2501 : i1 to i32
      %sign3A_2503 = arith.subi %sign3A_2499, %sign3A_2502 : i32
      %ne3A_2504 = arith.cmpi ne, %sign3A_2496, %sign3A_2503 : i32
      %rem3A_2505 = arith.remsi %add3A_2462, %jit3A_2488 : i32
      %ne3A_2506 = arith.constant 0 : i32
      %ne3A_2507 = arith.cmpi ne, %rem3A_2505, %ne3A_2506 : i32
      %and3A_2508 = arith.andi %ne3A_2504, %ne3A_2507 : i1
      %sub3A_2509 = arith.constant 1 : i32
      %sub3A_2510 = arith.subi %div3A_2489, %sub3A_2509 : i32
      %select_n3A_2511 = arith.select %and3A_2508, %sub3A_2510, %div3A_2489 : i32
      %jit3A_2512 = arith.constant 6 : i32
      %eq3A_2513 = arith.constant 0 : i32
      %eq3A_2514 = arith.cmpi eq, %jit3A_2512, %eq3A_2513 : i32
      %jit3A_2515 = arith.constant 1 : i32
      %select_n3A_2516 = arith.select %eq3A_2514, %jit3A_2515, %jit3A_2512 : i32
      %rem3A_2517 = arith.remsi %select_n3A_2511, %select_n3A_2516 : i32
      %ne3A_2518 = arith.constant 0 : i32
      %ne3A_2519 = arith.cmpi ne, %rem3A_2517, %ne3A_2518 : i32
      %lt3A_2520 = arith.constant 0 : i32
      %lt3A_2521 = arith.cmpi slt, %rem3A_2517, %lt3A_2520 : i32
      %lt3A_2522 = arith.constant 0 : i32
      %lt3A_2523 = arith.cmpi slt, %select_n3A_2516, %lt3A_2522 : i32
      %ne3A_2524 = arith.xori %lt3A_2521, %lt3A_2523 : i1
      %and3A_2525 = arith.andi %ne3A_2524, %ne3A_2519 : i1
      %add3A_2526 = arith.addi %rem3A_2517, %select_n3A_2516 : i32
      %select_n3A_2527 = arith.select %and3A_2525, %add3A_2526, %rem3A_2517 : i32
      %dma_start3A_2528 = arith.constant 6 : i32
      %dma_start3A_2529 = arith.constant 2 : i32
      %dma_start3A_2530 = arith.constant 6 : i32
      %dma_start3A_2531 = arith.constant 0 : i32
      %dma_start3A_2532 = arith.constant 0 : i32
      %dma_start3A_2533 = tpu.memref_slice %arg9[%dma_start3A_2528, %dma_start3A_2531, %dma_start3A_2532] : memref<8x100x80xf32, #tpu.memory_space<vmem>> -> memref<1x100x80xf32, #tpu.memory_space<vmem>>
      %dma_start3A_2534 = tpu.memref_squeeze %dma_start3A_2533 : memref<1x100x80xf32, #tpu.memory_space<vmem>> -> memref<100x80xf32, #tpu.memory_space<vmem>>
      %dma_start3A_2535 = arith.constant 0 : i32
      %dma_start3A_2536 = tpu.memref_slice %arg8[%select_n3A_2527, %dma_start3A_2529, %dma_start3A_2535] : memref<6x4x100xi32, #tpu.memory_space<vmem>> -> memref<1x1x100xi32, #tpu.memory_space<vmem>>
      %dma_start3A_2537 = tpu.memref_squeeze %dma_start3A_2536 : memref<1x1x100xi32, #tpu.memory_space<vmem>> -> memref<100xi32, #tpu.memory_space<vmem>>
      %dma_start3A_2538 = arith.constant 0 : i32
      %dma_start3A_2539 = arith.constant 0 : i32
      %dma_start3A_2540 = tpu.memref_slice %arg11[%dma_start3A_2538, %dma_start3A_2539] : memref<10000x80xf32, #tpu.memory_space<vmem_shared>> -> memref<10000x80xf32, #tpu.memory_space<vmem_shared>>
      %dma_start3A_2541 = tpu.memref_slice %arg13[%dma_start3A_2530] : memref<8x!tpu.dma_semaphore, #tpu.memory_space<semaphore_mem>> -> memref<1x!tpu.dma_semaphore, #tpu.memory_space<semaphore_mem>>
      %dma_start3A_2542 = tpu.memref_squeeze %dma_start3A_2541 : memref<1x!tpu.dma_semaphore, #tpu.memory_space<semaphore_mem>> -> memref<!tpu.dma_semaphore, #tpu.memory_space<semaphore_mem>>
      tpu.enqueue_indirect_dma source(%dma_start3A_2534 : memref<100x80xf32, #tpu.memory_space<vmem>>) target(%dma_start3A_2540 : memref<10000x80xf32, #tpu.memory_space<vmem_shared>>) offsets(%dma_start3A_2537 : memref<100xi32, #tpu.memory_space<vmem>>) semaphore(%dma_start3A_2542 : memref<!tpu.dma_semaphore, #tpu.memory_space<semaphore_mem>>) {add = true}
      %add3A_2543 = arith.constant 6 : i32
      %add3A_2544 = arith.addi %add3A_2462, %add3A_2543 : i32
      %lt3A_2545 = arith.constant 200 : i32
      %lt3A_2546 = arith.cmpi slt, %add3A_2544, %lt3A_2545 : i32
      %convert_element_type3A_2547 = arith.extui %lt3A_2546 : i1 to i32
      %cond3A_2548 = arith.constant 0 : i32
      %cond3A_2549 = arith.cmpi ne, %convert_element_type3A_2547, %cond3A_2548 : i32
      scf.if %cond3A_2549 {
        %dma_wait3A_2632 = arith.constant 4 : i32
        %dma_wait3A_2633 = arith.constant 0 : i32
        %dma_wait3A_2634 = arith.constant 0 : i32
        %dma_wait3A_2635 = arith.constant 4 : i32
        %dma_wait3A_2636 = arith.constant 0 : i32
        %dma_wait3A_2637 = arith.constant 0 : i32
        %dma_wait3A_2638 = tpu.memref_slice %arg9[%dma_wait3A_2632, %dma_wait3A_2636, %dma_wait3A_2637] : memref<8x100x80xf32, #tpu.memory_space<vmem>> -> memref<1x100x80xf32, #tpu.memory_space<vmem>>
        %dma_wait3A_2639 = tpu.memref_squeeze %dma_wait3A_2638 : memref<1x100x80xf32, #tpu.memory_space<vmem>> -> memref<100x80xf32, #tpu.memory_space<vmem>>
        %dma_wait3A_2640 = arith.constant 0 : i32
        %dma_wait3A_2641 = tpu.memref_slice %arg8[%dma_wait3A_2633, %dma_wait3A_2634, %dma_wait3A_2640] : memref<6x4x100xi32, #tpu.memory_space<vmem>> -> memref<1x1x100xi32, #tpu.memory_space<vmem>>
        %dma_wait3A_2642 = tpu.memref_squeeze %dma_wait3A_2641 : memref<1x1x100xi32, #tpu.memory_space<vmem>> -> memref<100xi32, #tpu.memory_space<vmem>>
        %dma_wait3A_2643 = arith.constant 0 : i32
        %dma_wait3A_2644 = arith.constant 0 : i32
        %dma_wait3A_2645 = tpu.memref_slice %arg11[%dma_wait3A_2643, %dma_wait3A_2644] : memref<10000x80xf32, #tpu.memory_space<vmem_shared>> -> memref<10000x80xf32, #tpu.memory_space<vmem_shared>>
        %dma_wait3A_2646 = tpu.memref_slice %arg13[%dma_wait3A_2635] : memref<8x!tpu.dma_semaphore, #tpu.memory_space<semaphore_mem>> -> memref<1x!tpu.dma_semaphore, #tpu.memory_space<semaphore_mem>>
        %dma_wait3A_2647 = tpu.memref_squeeze %dma_wait3A_2646 : memref<1x!tpu.dma_semaphore, #tpu.memory_space<semaphore_mem>> -> memref<!tpu.dma_semaphore, #tpu.memory_space<semaphore_mem>>
        tpu.wait_indirect_dma semaphore(%dma_wait3A_2647 : memref<!tpu.dma_semaphore, #tpu.memory_space<semaphore_mem>>) src(%dma_wait3A_2639 : memref<100x80xf32, #tpu.memory_space<vmem>>) dst(%dma_wait3A_2645 : memref<10000x80xf32, #tpu.memory_space<vmem_shared>>)
        %jit3A_2648 = arith.constant 4 : i32
        %div3A_2649 = arith.divsi %add3A_2544, %jit3A_2648 : i32
        %sign3A_2650 = arith.constant 0 : i32
        %sign3A_2651 = arith.cmpi sgt, %add3A_2544, %sign3A_2650 : i32
        %sign3A_2652 = arith.extui %sign3A_2651 : i1 to i32
        %sign3A_2653 = arith.constant 0 : i32
        %sign3A_2654 = arith.cmpi slt, %add3A_2544, %sign3A_2653 : i32
        %sign3A_2655 = arith.extui %sign3A_2654 : i1 to i32
        %sign3A_2656 = arith.subi %sign3A_2652, %sign3A_2655 : i32
        %sign3A_2657 = arith.constant 0 : i32
        %sign3A_2658 = arith.cmpi sgt, %jit3A_2648, %sign3A_2657 : i32
        %sign3A_2659 = arith.extui %sign3A_2658 : i1 to i32
        %sign3A_2660 = arith.constant 0 : i32
        %sign3A_2661 = arith.cmpi slt, %jit3A_2648, %sign3A_2660 : i32
        %sign3A_2662 = arith.extui %sign3A_2661 : i1 to i32
        %sign3A_2663 = arith.subi %sign3A_2659, %sign3A_2662 : i32
        %ne3A_2664 = arith.cmpi ne, %sign3A_2656, %sign3A_2663 : i32
        %rem3A_2665 = arith.remsi %add3A_2544, %jit3A_2648 : i32
        %ne3A_2666 = arith.constant 0 : i32
        %ne3A_2667 = arith.cmpi ne, %rem3A_2665, %ne3A_2666 : i32
        %and3A_2668 = arith.andi %ne3A_2664, %ne3A_2667 : i1
        %sub3A_2669 = arith.constant 1 : i32
        %sub3A_2670 = arith.subi %div3A_2649, %sub3A_2669 : i32
        %select_n3A_2671 = arith.select %and3A_2668, %sub3A_2670, %div3A_2649 : i32
        %jit3A_2672 = arith.constant 6 : i32
        %eq3A_2673 = arith.constant 0 : i32
        %eq3A_2674 = arith.cmpi eq, %jit3A_2672, %eq3A_2673 : i32
        %jit3A_2675 = arith.constant 1 : i32
        %select_n3A_2676 = arith.select %eq3A_2674, %jit3A_2675, %jit3A_2672 : i32
        %rem3A_2677 = arith.remsi %select_n3A_2671, %select_n3A_2676 : i32
        %ne3A_2678 = arith.constant 0 : i32
        %ne3A_2679 = arith.cmpi ne, %rem3A_2677, %ne3A_2678 : i32
        %lt3A_2680 = arith.constant 0 : i32
        %lt3A_2681 = arith.cmpi slt, %rem3A_2677, %lt3A_2680 : i32
        %lt3A_2682 = arith.constant 0 : i32
        %lt3A_2683 = arith.cmpi slt, %select_n3A_2676, %lt3A_2682 : i32
        %ne3A_2684 = arith.xori %lt3A_2681, %lt3A_2683 : i1
        %and3A_2685 = arith.andi %ne3A_2684, %ne3A_2679 : i1
        %add3A_2686 = arith.addi %rem3A_2677, %select_n3A_2676 : i32
        %select_n3A_2687 = arith.select %and3A_2685, %add3A_2686, %rem3A_2677 : i32
        %dma_start3A_2688 = arith.constant 0 : i32
        %dma_start3A_2689 = arith.constant 4 : i32
        %dma_start3A_2690 = arith.constant 4 : i32
        %dma_start3A_2691 = arith.constant 0 : i32
        %dma_start3A_2692 = arith.constant 0 : i32
        %dma_start3A_2693 = tpu.memref_slice %arg9[%dma_start3A_2689, %dma_start3A_2691, %dma_start3A_2692] : memref<8x100x80xf32, #tpu.memory_space<vmem>> -> memref<1x100x80xf32, #tpu.memory_space<vmem>>
        %dma_start3A_2694 = tpu.memref_squeeze %dma_start3A_2693 : memref<1x100x80xf32, #tpu.memory_space<vmem>> -> memref<100x80xf32, #tpu.memory_space<vmem>>
        %dma_start3A_2695 = arith.constant 0 : i32
        %dma_start3A_2696 = tpu.memref_slice %arg7[%select_n3A_2687, %dma_start3A_2688, %dma_start3A_2695] : memref<6x4x100xi32, #tpu.memory_space<vmem>> -> memref<1x1x100xi32, #tpu.memory_space<vmem>>
        %dma_start3A_2697 = tpu.memref_squeeze %dma_start3A_2696 : memref<1x1x100xi32, #tpu.memory_space<vmem>> -> memref<100xi32, #tpu.memory_space<vmem>>
        %dma_start3A_2698 = arith.constant 0 : i32
        %dma_start3A_2699 = tpu.memref_slice %arg6[%mul3A_2, %dma_start3A_2698] : memref<20000x80xf32, #tpu.memory_space<hbm>> -> memref<10000x80xf32, #tpu.memory_space<hbm>>
        %dma_start3A_2700 = arith.constant 0 : i32
        %dma_start3A_2701 = arith.constant 0 : i32
        %dma_start3A_2702 = tpu.memref_slice %dma_start3A_2699[%dma_start3A_2700, %dma_start3A_2701] : memref<10000x80xf32, #tpu.memory_space<hbm>> -> memref<10000x80xf32, #tpu.memory_space<hbm>>
        %dma_start3A_2703 = tpu.memref_slice %arg12[%dma_start3A_2690] : memref<8x!tpu.dma_semaphore, #tpu.memory_space<semaphore_mem>> -> memref<1x!tpu.dma_semaphore, #tpu.memory_space<semaphore_mem>>
        %dma_start3A_2704 = tpu.memref_squeeze %dma_start3A_2703 : memref<1x!tpu.dma_semaphore, #tpu.memory_space<semaphore_mem>> -> memref<!tpu.dma_semaphore, #tpu.memory_space<semaphore_mem>>
        tpu.enqueue_indirect_dma source(%dma_start3A_2702 : memref<10000x80xf32, #tpu.memory_space<hbm>>) target(%dma_start3A_2694 : memref<100x80xf32, #tpu.memory_space<vmem>>) offsets(%dma_start3A_2697 : memref<100xi32, #tpu.memory_space<vmem>>) semaphore(%dma_start3A_2704 : memref<!tpu.dma_semaphore, #tpu.memory_space<semaphore_mem>>)
      } else {
      }
      %add3A_2550 = arith.constant 7 : i32
      %add3A_2551 = arith.addi %add3A_1935, %add3A_2550 : i32
      %dma_wait3A_2552 = arith.constant 0 : i32
      %dma_wait3A_2553 = arith.constant 0 : i32
      %dma_wait3A_2554 = arith.constant 7 : i32
      %dma_wait3A_2555 = arith.constant 7 : i32
      %dma_wait3A_2556 = arith.constant 0 : i32
      %dma_wait3A_2557 = arith.constant 0 : i32
      %dma_wait3A_2558 = tpu.memref_slice %arg9[%dma_wait3A_2554, %dma_wait3A_2556, %dma_wait3A_2557] : memref<8x100x80xf32, #tpu.memory_space<vmem>> -> memref<1x100x80xf32, #tpu.memory_space<vmem>>
      %dma_wait3A_2559 = tpu.memref_squeeze %dma_wait3A_2558 : memref<1x100x80xf32, #tpu.memory_space<vmem>> -> memref<100x80xf32, #tpu.memory_space<vmem>>
      %dma_wait3A_2560 = arith.constant 0 : i32
      %dma_wait3A_2561 = tpu.memref_slice %arg7[%dma_wait3A_2552, %dma_wait3A_2553, %dma_wait3A_2560] : memref<6x4x100xi32, #tpu.memory_space<vmem>> -> memref<1x1x100xi32, #tpu.memory_space<vmem>>
      %dma_wait3A_2562 = tpu.memref_squeeze %dma_wait3A_2561 : memref<1x1x100xi32, #tpu.memory_space<vmem>> -> memref<100xi32, #tpu.memory_space<vmem>>
      %dma_wait3A_2563 = arith.constant 0 : i32
      %dma_wait3A_2564 = tpu.memref_slice %arg6[%mul3A_2, %dma_wait3A_2563] : memref<20000x80xf32, #tpu.memory_space<hbm>> -> memref<10000x80xf32, #tpu.memory_space<hbm>>
      %dma_wait3A_2565 = arith.constant 0 : i32
      %dma_wait3A_2566 = arith.constant 0 : i32
      %dma_wait3A_2567 = tpu.memref_slice %dma_wait3A_2564[%dma_wait3A_2565, %dma_wait3A_2566] : memref<10000x80xf32, #tpu.memory_space<hbm>> -> memref<10000x80xf32, #tpu.memory_space<hbm>>
      %dma_wait3A_2568 = tpu.memref_slice %arg12[%dma_wait3A_2555] : memref<8x!tpu.dma_semaphore, #tpu.memory_space<semaphore_mem>> -> memref<1x!tpu.dma_semaphore, #tpu.memory_space<semaphore_mem>>
      %dma_wait3A_2569 = tpu.memref_squeeze %dma_wait3A_2568 : memref<1x!tpu.dma_semaphore, #tpu.memory_space<semaphore_mem>> -> memref<!tpu.dma_semaphore, #tpu.memory_space<semaphore_mem>>
      tpu.wait_indirect_dma semaphore(%dma_wait3A_2569 : memref<!tpu.dma_semaphore, #tpu.memory_space<semaphore_mem>>) src(%dma_wait3A_2567 : memref<10000x80xf32, #tpu.memory_space<hbm>>) dst(%dma_wait3A_2559 : memref<100x80xf32, #tpu.memory_space<vmem>>)
      %jit3A_2570 = arith.constant 4 : i32
      %div3A_2571 = arith.divsi %add3A_2551, %jit3A_2570 : i32
      %sign3A_2572 = arith.constant 0 : i32
      %sign3A_2573 = arith.cmpi sgt, %add3A_2551, %sign3A_2572 : i32
      %sign3A_2574 = arith.extui %sign3A_2573 : i1 to i32
      %sign3A_2575 = arith.constant 0 : i32
      %sign3A_2576 = arith.cmpi slt, %add3A_2551, %sign3A_2575 : i32
      %sign3A_2577 = arith.extui %sign3A_2576 : i1 to i32
      %sign3A_2578 = arith.subi %sign3A_2574, %sign3A_2577 : i32
      %sign3A_2579 = arith.constant 0 : i32
      %sign3A_2580 = arith.cmpi sgt, %jit3A_2570, %sign3A_2579 : i32
      %sign3A_2581 = arith.extui %sign3A_2580 : i1 to i32
      %sign3A_2582 = arith.constant 0 : i32
      %sign3A_2583 = arith.cmpi slt, %jit3A_2570, %sign3A_2582 : i32
      %sign3A_2584 = arith.extui %sign3A_2583 : i1 to i32
      %sign3A_2585 = arith.subi %sign3A_2581, %sign3A_2584 : i32
      %ne3A_2586 = arith.cmpi ne, %sign3A_2578, %sign3A_2585 : i32
      %rem3A_2587 = arith.remsi %add3A_2551, %jit3A_2570 : i32
      %ne3A_2588 = arith.constant 0 : i32
      %ne3A_2589 = arith.cmpi ne, %rem3A_2587, %ne3A_2588 : i32
      %and3A_2590 = arith.andi %ne3A_2586, %ne3A_2589 : i1
      %sub3A_2591 = arith.constant 1 : i32
      %sub3A_2592 = arith.subi %div3A_2571, %sub3A_2591 : i32
      %select_n3A_2593 = arith.select %and3A_2590, %sub3A_2592, %div3A_2571 : i32
      %jit3A_2594 = arith.constant 6 : i32
      %eq3A_2595 = arith.constant 0 : i32
      %eq3A_2596 = arith.cmpi eq, %jit3A_2594, %eq3A_2595 : i32
      %jit3A_2597 = arith.constant 1 : i32
      %select_n3A_2598 = arith.select %eq3A_2596, %jit3A_2597, %jit3A_2594 : i32
      %rem3A_2599 = arith.remsi %select_n3A_2593, %select_n3A_2598 : i32
      %ne3A_2600 = arith.constant 0 : i32
      %ne3A_2601 = arith.cmpi ne, %rem3A_2599, %ne3A_2600 : i32
      %lt3A_2602 = arith.constant 0 : i32
      %lt3A_2603 = arith.cmpi slt, %rem3A_2599, %lt3A_2602 : i32
      %lt3A_2604 = arith.constant 0 : i32
      %lt3A_2605 = arith.cmpi slt, %select_n3A_2598, %lt3A_2604 : i32
      %ne3A_2606 = arith.xori %lt3A_2603, %lt3A_2605 : i1
      %and3A_2607 = arith.andi %ne3A_2606, %ne3A_2601 : i1
      %add3A_2608 = arith.addi %rem3A_2599, %select_n3A_2598 : i32
      %select_n3A_2609 = arith.select %and3A_2607, %add3A_2608, %rem3A_2599 : i32
      %dma_start3A_2610 = arith.constant 7 : i32
      %dma_start3A_2611 = arith.constant 3 : i32
      %dma_start3A_2612 = arith.constant 7 : i32
      %dma_start3A_2613 = arith.constant 0 : i32
      %dma_start3A_2614 = arith.constant 0 : i32
      %dma_start3A_2615 = tpu.memref_slice %arg9[%dma_start3A_2610, %dma_start3A_2613, %dma_start3A_2614] : memref<8x100x80xf32, #tpu.memory_space<vmem>> -> memref<1x100x80xf32, #tpu.memory_space<vmem>>
      %dma_start3A_2616 = tpu.memref_squeeze %dma_start3A_2615 : memref<1x100x80xf32, #tpu.memory_space<vmem>> -> memref<100x80xf32, #tpu.memory_space<vmem>>
      %dma_start3A_2617 = arith.constant 0 : i32
      %dma_start3A_2618 = tpu.memref_slice %arg8[%select_n3A_2609, %dma_start3A_2611, %dma_start3A_2617] : memref<6x4x100xi32, #tpu.memory_space<vmem>> -> memref<1x1x100xi32, #tpu.memory_space<vmem>>
      %dma_start3A_2619 = tpu.memref_squeeze %dma_start3A_2618 : memref<1x1x100xi32, #tpu.memory_space<vmem>> -> memref<100xi32, #tpu.memory_space<vmem>>
      %dma_start3A_2620 = arith.constant 0 : i32
      %dma_start3A_2621 = arith.constant 0 : i32
      %dma_start3A_2622 = tpu.memref_slice %arg11[%dma_start3A_2620, %dma_start3A_2621] : memref<10000x80xf32, #tpu.memory_space<vmem_shared>> -> memref<10000x80xf32, #tpu.memory_space<vmem_shared>>
      %dma_start3A_2623 = tpu.memref_slice %arg13[%dma_start3A_2612] : memref<8x!tpu.dma_semaphore, #tpu.memory_space<semaphore_mem>> -> memref<1x!tpu.dma_semaphore, #tpu.memory_space<semaphore_mem>>
      %dma_start3A_2624 = tpu.memref_squeeze %dma_start3A_2623 : memref<1x!tpu.dma_semaphore, #tpu.memory_space<semaphore_mem>> -> memref<!tpu.dma_semaphore, #tpu.memory_space<semaphore_mem>>
      tpu.enqueue_indirect_dma source(%dma_start3A_2616 : memref<100x80xf32, #tpu.memory_space<vmem>>) target(%dma_start3A_2622 : memref<10000x80xf32, #tpu.memory_space<vmem_shared>>) offsets(%dma_start3A_2619 : memref<100xi32, #tpu.memory_space<vmem>>) semaphore(%dma_start3A_2624 : memref<!tpu.dma_semaphore, #tpu.memory_space<semaphore_mem>>) {add = true}
      %add3A_2625 = arith.constant 6 : i32
      %add3A_2626 = arith.addi %add3A_2551, %add3A_2625 : i32
      %lt3A_2627 = arith.constant 200 : i32
      %lt3A_2628 = arith.cmpi slt, %add3A_2626, %lt3A_2627 : i32
      %convert_element_type3A_2629 = arith.extui %lt3A_2628 : i1 to i32
      %cond3A_2630 = arith.constant 0 : i32
      %cond3A_2631 = arith.cmpi ne, %convert_element_type3A_2629, %cond3A_2630 : i32
      scf.if %cond3A_2631 {
        %dma_wait3A_2632 = arith.constant 5 : i32
        %dma_wait3A_2633 = arith.constant 0 : i32
        %dma_wait3A_2634 = arith.constant 0 : i32
        %dma_wait3A_2635 = arith.constant 5 : i32
        %dma_wait3A_2636 = arith.constant 0 : i32
        %dma_wait3A_2637 = arith.constant 0 : i32
        %dma_wait3A_2638 = tpu.memref_slice %arg9[%dma_wait3A_2632, %dma_wait3A_2636, %dma_wait3A_2637] : memref<8x100x80xf32, #tpu.memory_space<vmem>> -> memref<1x100x80xf32, #tpu.memory_space<vmem>>
        %dma_wait3A_2639 = tpu.memref_squeeze %dma_wait3A_2638 : memref<1x100x80xf32, #tpu.memory_space<vmem>> -> memref<100x80xf32, #tpu.memory_space<vmem>>
        %dma_wait3A_2640 = arith.constant 0 : i32
        %dma_wait3A_2641 = tpu.memref_slice %arg8[%dma_wait3A_2633, %dma_wait3A_2634, %dma_wait3A_2640] : memref<6x4x100xi32, #tpu.memory_space<vmem>> -> memref<1x1x100xi32, #tpu.memory_space<vmem>>
        %dma_wait3A_2642 = tpu.memref_squeeze %dma_wait3A_2641 : memref<1x1x100xi32, #tpu.memory_space<vmem>> -> memref<100xi32, #tpu.memory_space<vmem>>
        %dma_wait3A_2643 = arith.constant 0 : i32
        %dma_wait3A_2644 = arith.constant 0 : i32
        %dma_wait3A_2645 = tpu.memref_slice %arg11[%dma_wait3A_2643, %dma_wait3A_2644] : memref<10000x80xf32, #tpu.memory_space<vmem_shared>> -> memref<10000x80xf32, #tpu.memory_space<vmem_shared>>
        %dma_wait3A_2646 = tpu.memref_slice %arg13[%dma_wait3A_2635] : memref<8x!tpu.dma_semaphore, #tpu.memory_space<semaphore_mem>> -> memref<1x!tpu.dma_semaphore, #tpu.memory_space<semaphore_mem>>
        %dma_wait3A_2647 = tpu.memref_squeeze %dma_wait3A_2646 : memref<1x!tpu.dma_semaphore, #tpu.memory_space<semaphore_mem>> -> memref<!tpu.dma_semaphore, #tpu.memory_space<semaphore_mem>>
        tpu.wait_indirect_dma semaphore(%dma_wait3A_2647 : memref<!tpu.dma_semaphore, #tpu.memory_space<semaphore_mem>>) src(%dma_wait3A_2639 : memref<100x80xf32, #tpu.memory_space<vmem>>) dst(%dma_wait3A_2645 : memref<10000x80xf32, #tpu.memory_space<vmem_shared>>)
        %jit3A_2648 = arith.constant 4 : i32
        %div3A_2649 = arith.divsi %add3A_2626, %jit3A_2648 : i32
        %sign3A_2650 = arith.constant 0 : i32
        %sign3A_2651 = arith.cmpi sgt, %add3A_2626, %sign3A_2650 : i32
        %sign3A_2652 = arith.extui %sign3A_2651 : i1 to i32
        %sign3A_2653 = arith.constant 0 : i32
        %sign3A_2654 = arith.cmpi slt, %add3A_2626, %sign3A_2653 : i32
        %sign3A_2655 = arith.extui %sign3A_2654 : i1 to i32
        %sign3A_2656 = arith.subi %sign3A_2652, %sign3A_2655 : i32
        %sign3A_2657 = arith.constant 0 : i32
        %sign3A_2658 = arith.cmpi sgt, %jit3A_2648, %sign3A_2657 : i32
        %sign3A_2659 = arith.extui %sign3A_2658 : i1 to i32
        %sign3A_2660 = arith.constant 0 : i32
        %sign3A_2661 = arith.cmpi slt, %jit3A_2648, %sign3A_2660 : i32
        %sign3A_2662 = arith.extui %sign3A_2661 : i1 to i32
        %sign3A_2663 = arith.subi %sign3A_2659, %sign3A_2662 : i32
        %ne3A_2664 = arith.cmpi ne, %sign3A_2656, %sign3A_2663 : i32
        %rem3A_2665 = arith.remsi %add3A_2626, %jit3A_2648 : i32
        %ne3A_2666 = arith.constant 0 : i32
        %ne3A_2667 = arith.cmpi ne, %rem3A_2665, %ne3A_2666 : i32
        %and3A_2668 = arith.andi %ne3A_2664, %ne3A_2667 : i1
        %sub3A_2669 = arith.constant 1 : i32
        %sub3A_2670 = arith.subi %div3A_2649, %sub3A_2669 : i32
        %select_n3A_2671 = arith.select %and3A_2668, %sub3A_2670, %div3A_2649 : i32
        %jit3A_2672 = arith.constant 6 : i32
        %eq3A_2673 = arith.constant 0 : i32
        %eq3A_2674 = arith.cmpi eq, %jit3A_2672, %eq3A_2673 : i32
        %jit3A_2675 = arith.constant 1 : i32
        %select_n3A_2676 = arith.select %eq3A_2674, %jit3A_2675, %jit3A_2672 : i32
        %rem3A_2677 = arith.remsi %select_n3A_2671, %select_n3A_2676 : i32
        %ne3A_2678 = arith.constant 0 : i32
        %ne3A_2679 = arith.cmpi ne, %rem3A_2677, %ne3A_2678 : i32
        %lt3A_2680 = arith.constant 0 : i32
        %lt3A_2681 = arith.cmpi slt, %rem3A_2677, %lt3A_2680 : i32
        %lt3A_2682 = arith.constant 0 : i32
        %lt3A_2683 = arith.cmpi slt, %select_n3A_2676, %lt3A_2682 : i32
        %ne3A_2684 = arith.xori %lt3A_2681, %lt3A_2683 : i1
        %and3A_2685 = arith.andi %ne3A_2684, %ne3A_2679 : i1
        %add3A_2686 = arith.addi %rem3A_2677, %select_n3A_2676 : i32
        %select_n3A_2687 = arith.select %and3A_2685, %add3A_2686, %rem3A_2677 : i32
        %dma_start3A_2688 = arith.constant 1 : i32
        %dma_start3A_2689 = arith.constant 5 : i32
        %dma_start3A_2690 = arith.constant 5 : i32
        %dma_start3A_2691 = arith.constant 0 : i32
        %dma_start3A_2692 = arith.constant 0 : i32
        %dma_start3A_2693 = tpu.memref_slice %arg9[%dma_start3A_2689, %dma_start3A_2691, %dma_start3A_2692] : memref<8x100x80xf32, #tpu.memory_space<vmem>> -> memref<1x100x80xf32, #tpu.memory_space<vmem>>
        %dma_start3A_2694 = tpu.memref_squeeze %dma_start3A_2693 : memref<1x100x80xf32, #tpu.memory_space<vmem>> -> memref<100x80xf32, #tpu.memory_space<vmem>>
        %dma_start3A_2695 = arith.constant 0 : i32
        %dma_start3A_2696 = tpu.memref_slice %arg7[%select_n3A_2687, %dma_start3A_2688, %dma_start3A_2695] : memref<6x4x100xi32, #tpu.memory_space<vmem>> -> memref<1x1x100xi32, #tpu.memory_space<vmem>>
        %dma_start3A_2697 = tpu.memref_squeeze %dma_start3A_2696 : memref<1x1x100xi32, #tpu.memory_space<vmem>> -> memref<100xi32, #tpu.memory_space<vmem>>
        %dma_start3A_2698 = arith.constant 0 : i32
        %dma_start3A_2699 = tpu.memref_slice %arg6[%mul3A_2, %dma_start3A_2698] : memref<20000x80xf32, #tpu.memory_space<hbm>> -> memref<10000x80xf32, #tpu.memory_space<hbm>>
        %dma_start3A_2700 = arith.constant 0 : i32
        %dma_start3A_2701 = arith.constant 0 : i32
        %dma_start3A_2702 = tpu.memref_slice %dma_start3A_2699[%dma_start3A_2700, %dma_start3A_2701] : memref<10000x80xf32, #tpu.memory_space<hbm>> -> memref<10000x80xf32, #tpu.memory_space<hbm>>
        %dma_start3A_2703 = tpu.memref_slice %arg12[%dma_start3A_2690] : memref<8x!tpu.dma_semaphore, #tpu.memory_space<semaphore_mem>> -> memref<1x!tpu.dma_semaphore, #tpu.memory_space<semaphore_mem>>
        %dma_start3A_2704 = tpu.memref_squeeze %dma_start3A_2703 : memref<1x!tpu.dma_semaphore, #tpu.memory_space<semaphore_mem>> -> memref<!tpu.dma_semaphore, #tpu.memory_space<semaphore_mem>>
        tpu.enqueue_indirect_dma source(%dma_start3A_2702 : memref<10000x80xf32, #tpu.memory_space<hbm>>) target(%dma_start3A_2694 : memref<100x80xf32, #tpu.memory_space<vmem>>) offsets(%dma_start3A_2697 : memref<100xi32, #tpu.memory_space<vmem>>) semaphore(%dma_start3A_2704 : memref<!tpu.dma_semaphore, #tpu.memory_space<semaphore_mem>>)
      } else {
      }
    }
    %scan3A_1756 = arith.constant 24 : i32
    %dma_wait3A_1757 = arith.constant 0 : i32
    %dma_wait3A_1758 = arith.constant 0 : i32
    %dma_wait3A_1759 = arith.constant 0 : i32
    %dma_wait3A_1760 = arith.constant 0 : i32
    %dma_wait3A_1761 = arith.constant 0 : i32
    %dma_wait3A_1762 = arith.constant 0 : i32
    %dma_wait3A_1763 = tpu.memref_slice %arg9[%dma_wait3A_1757, %dma_wait3A_1761, %dma_wait3A_1762] : memref<8x100x80xf32, #tpu.memory_space<vmem>> -> memref<1x100x80xf32, #tpu.memory_space<vmem>>
    %dma_wait3A_1764 = tpu.memref_squeeze %dma_wait3A_1763 : memref<1x100x80xf32, #tpu.memory_space<vmem>> -> memref<100x80xf32, #tpu.memory_space<vmem>>
    %dma_wait3A_1765 = arith.constant 0 : i32
    %dma_wait3A_1766 = tpu.memref_slice %arg8[%dma_wait3A_1758, %dma_wait3A_1759, %dma_wait3A_1765] : memref<6x4x100xi32, #tpu.memory_space<vmem>> -> memref<1x1x100xi32, #tpu.memory_space<vmem>>
    %dma_wait3A_1767 = tpu.memref_squeeze %dma_wait3A_1766 : memref<1x1x100xi32, #tpu.memory_space<vmem>> -> memref<100xi32, #tpu.memory_space<vmem>>
    %dma_wait3A_1768 = arith.constant 0 : i32
    %dma_wait3A_1769 = arith.constant 0 : i32
    %dma_wait3A_1770 = tpu.memref_slice %arg11[%dma_wait3A_1768, %dma_wait3A_1769] : memref<10000x80xf32, #tpu.memory_space<vmem_shared>> -> memref<10000x80xf32, #tpu.memory_space<vmem_shared>>
    %dma_wait3A_1771 = tpu.memref_slice %arg13[%dma_wait3A_1760] : memref<8x!tpu.dma_semaphore, #tpu.memory_space<semaphore_mem>> -> memref<1x!tpu.dma_semaphore, #tpu.memory_space<semaphore_mem>>
    %dma_wait3A_1772 = tpu.memref_squeeze %dma_wait3A_1771 : memref<1x!tpu.dma_semaphore, #tpu.memory_space<semaphore_mem>> -> memref<!tpu.dma_semaphore, #tpu.memory_space<semaphore_mem>>
    tpu.wait_indirect_dma semaphore(%dma_wait3A_1772 : memref<!tpu.dma_semaphore, #tpu.memory_space<semaphore_mem>>) src(%dma_wait3A_1764 : memref<100x80xf32, #tpu.memory_space<vmem>>) dst(%dma_wait3A_1770 : memref<10000x80xf32, #tpu.memory_space<vmem_shared>>)
    %dma_wait3A_1773 = arith.constant 1 : i32
    %dma_wait3A_1774 = arith.constant 0 : i32
    %dma_wait3A_1775 = arith.constant 0 : i32
    %dma_wait3A_1776 = arith.constant 1 : i32
    %dma_wait3A_1777 = arith.constant 0 : i32
    %dma_wait3A_1778 = arith.constant 0 : i32
    %dma_wait3A_1779 = tpu.memref_slice %arg9[%dma_wait3A_1773, %dma_wait3A_1777, %dma_wait3A_1778] : memref<8x100x80xf32, #tpu.memory_space<vmem>> -> memref<1x100x80xf32, #tpu.memory_space<vmem>>
    %dma_wait3A_1780 = tpu.memref_squeeze %dma_wait3A_1779 : memref<1x100x80xf32, #tpu.memory_space<vmem>> -> memref<100x80xf32, #tpu.memory_space<vmem>>
    %dma_wait3A_1781 = arith.constant 0 : i32
    %dma_wait3A_1782 = tpu.memref_slice %arg8[%dma_wait3A_1774, %dma_wait3A_1775, %dma_wait3A_1781] : memref<6x4x100xi32, #tpu.memory_space<vmem>> -> memref<1x1x100xi32, #tpu.memory_space<vmem>>
    %dma_wait3A_1783 = tpu.memref_squeeze %dma_wait3A_1782 : memref<1x1x100xi32, #tpu.memory_space<vmem>> -> memref<100xi32, #tpu.memory_space<vmem>>
    %dma_wait3A_1784 = arith.constant 0 : i32
    %dma_wait3A_1785 = arith.constant 0 : i32
    %dma_wait3A_1786 = tpu.memref_slice %arg11[%dma_wait3A_1784, %dma_wait3A_1785] : memref<10000x80xf32, #tpu.memory_space<vmem_shared>> -> memref<10000x80xf32, #tpu.memory_space<vmem_shared>>
    %dma_wait3A_1787 = tpu.memref_slice %arg13[%dma_wait3A_1776] : memref<8x!tpu.dma_semaphore, #tpu.memory_space<semaphore_mem>> -> memref<1x!tpu.dma_semaphore, #tpu.memory_space<semaphore_mem>>
    %dma_wait3A_1788 = tpu.memref_squeeze %dma_wait3A_1787 : memref<1x!tpu.dma_semaphore, #tpu.memory_space<semaphore_mem>> -> memref<!tpu.dma_semaphore, #tpu.memory_space<semaphore_mem>>
    tpu.wait_indirect_dma semaphore(%dma_wait3A_1788 : memref<!tpu.dma_semaphore, #tpu.memory_space<semaphore_mem>>) src(%dma_wait3A_1780 : memref<100x80xf32, #tpu.memory_space<vmem>>) dst(%dma_wait3A_1786 : memref<10000x80xf32, #tpu.memory_space<vmem_shared>>)
    %dma_wait3A_1789 = arith.constant 2 : i32
    %dma_wait3A_1790 = arith.constant 0 : i32
    %dma_wait3A_1791 = arith.constant 0 : i32
    %dma_wait3A_1792 = arith.constant 2 : i32
    %dma_wait3A_1793 = arith.constant 0 : i32
    %dma_wait3A_1794 = arith.constant 0 : i32
    %dma_wait3A_1795 = tpu.memref_slice %arg9[%dma_wait3A_1789, %dma_wait3A_1793, %dma_wait3A_1794] : memref<8x100x80xf32, #tpu.memory_space<vmem>> -> memref<1x100x80xf32, #tpu.memory_space<vmem>>
    %dma_wait3A_1796 = tpu.memref_squeeze %dma_wait3A_1795 : memref<1x100x80xf32, #tpu.memory_space<vmem>> -> memref<100x80xf32, #tpu.memory_space<vmem>>
    %dma_wait3A_1797 = arith.constant 0 : i32
    %dma_wait3A_1798 = tpu.memref_slice %arg8[%dma_wait3A_1790, %dma_wait3A_1791, %dma_wait3A_1797] : memref<6x4x100xi32, #tpu.memory_space<vmem>> -> memref<1x1x100xi32, #tpu.memory_space<vmem>>
    %dma_wait3A_1799 = tpu.memref_squeeze %dma_wait3A_1798 : memref<1x1x100xi32, #tpu.memory_space<vmem>> -> memref<100xi32, #tpu.memory_space<vmem>>
    %dma_wait3A_1800 = arith.constant 0 : i32
    %dma_wait3A_1801 = arith.constant 0 : i32
    %dma_wait3A_1802 = tpu.memref_slice %arg11[%dma_wait3A_1800, %dma_wait3A_1801] : memref<10000x80xf32, #tpu.memory_space<vmem_shared>> -> memref<10000x80xf32, #tpu.memory_space<vmem_shared>>
    %dma_wait3A_1803 = tpu.memref_slice %arg13[%dma_wait3A_1792] : memref<8x!tpu.dma_semaphore, #tpu.memory_space<semaphore_mem>> -> memref<1x!tpu.dma_semaphore, #tpu.memory_space<semaphore_mem>>
    %dma_wait3A_1804 = tpu.memref_squeeze %dma_wait3A_1803 : memref<1x!tpu.dma_semaphore, #tpu.memory_space<semaphore_mem>> -> memref<!tpu.dma_semaphore, #tpu.memory_space<semaphore_mem>>
    tpu.wait_indirect_dma semaphore(%dma_wait3A_1804 : memref<!tpu.dma_semaphore, #tpu.memory_space<semaphore_mem>>) src(%dma_wait3A_1796 : memref<100x80xf32, #tpu.memory_space<vmem>>) dst(%dma_wait3A_1802 : memref<10000x80xf32, #tpu.memory_space<vmem_shared>>)
    %dma_wait3A_1805 = arith.constant 3 : i32
    %dma_wait3A_1806 = arith.constant 0 : i32
    %dma_wait3A_1807 = arith.constant 0 : i32
    %dma_wait3A_1808 = arith.constant 3 : i32
    %dma_wait3A_1809 = arith.constant 0 : i32
    %dma_wait3A_1810 = arith.constant 0 : i32
    %dma_wait3A_1811 = tpu.memref_slice %arg9[%dma_wait3A_1805, %dma_wait3A_1809, %dma_wait3A_1810] : memref<8x100x80xf32, #tpu.memory_space<vmem>> -> memref<1x100x80xf32, #tpu.memory_space<vmem>>
    %dma_wait3A_1812 = tpu.memref_squeeze %dma_wait3A_1811 : memref<1x100x80xf32, #tpu.memory_space<vmem>> -> memref<100x80xf32, #tpu.memory_space<vmem>>
    %dma_wait3A_1813 = arith.constant 0 : i32
    %dma_wait3A_1814 = tpu.memref_slice %arg8[%dma_wait3A_1806, %dma_wait3A_1807, %dma_wait3A_1813] : memref<6x4x100xi32, #tpu.memory_space<vmem>> -> memref<1x1x100xi32, #tpu.memory_space<vmem>>
    %dma_wait3A_1815 = tpu.memref_squeeze %dma_wait3A_1814 : memref<1x1x100xi32, #tpu.memory_space<vmem>> -> memref<100xi32, #tpu.memory_space<vmem>>
    %dma_wait3A_1816 = arith.constant 0 : i32
    %dma_wait3A_1817 = arith.constant 0 : i32
    %dma_wait3A_1818 = tpu.memref_slice %arg11[%dma_wait3A_1816, %dma_wait3A_1817] : memref<10000x80xf32, #tpu.memory_space<vmem_shared>> -> memref<10000x80xf32, #tpu.memory_space<vmem_shared>>
    %dma_wait3A_1819 = tpu.memref_slice %arg13[%dma_wait3A_1808] : memref<8x!tpu.dma_semaphore, #tpu.memory_space<semaphore_mem>> -> memref<1x!tpu.dma_semaphore, #tpu.memory_space<semaphore_mem>>
    %dma_wait3A_1820 = tpu.memref_squeeze %dma_wait3A_1819 : memref<1x!tpu.dma_semaphore, #tpu.memory_space<semaphore_mem>> -> memref<!tpu.dma_semaphore, #tpu.memory_space<semaphore_mem>>
    tpu.wait_indirect_dma semaphore(%dma_wait3A_1820 : memref<!tpu.dma_semaphore, #tpu.memory_space<semaphore_mem>>) src(%dma_wait3A_1812 : memref<100x80xf32, #tpu.memory_space<vmem>>) dst(%dma_wait3A_1818 : memref<10000x80xf32, #tpu.memory_space<vmem_shared>>)
    %dma_wait3A_1821 = arith.constant 4 : i32
    %dma_wait3A_1822 = arith.constant 0 : i32
    %dma_wait3A_1823 = arith.constant 0 : i32
    %dma_wait3A_1824 = arith.constant 4 : i32
    %dma_wait3A_1825 = arith.constant 0 : i32
    %dma_wait3A_1826 = arith.constant 0 : i32
    %dma_wait3A_1827 = tpu.memref_slice %arg9[%dma_wait3A_1821, %dma_wait3A_1825, %dma_wait3A_1826] : memref<8x100x80xf32, #tpu.memory_space<vmem>> -> memref<1x100x80xf32, #tpu.memory_space<vmem>>
    %dma_wait3A_1828 = tpu.memref_squeeze %dma_wait3A_1827 : memref<1x100x80xf32, #tpu.memory_space<vmem>> -> memref<100x80xf32, #tpu.memory_space<vmem>>
    %dma_wait3A_1829 = arith.constant 0 : i32
    %dma_wait3A_1830 = tpu.memref_slice %arg8[%dma_wait3A_1822, %dma_wait3A_1823, %dma_wait3A_1829] : memref<6x4x100xi32, #tpu.memory_space<vmem>> -> memref<1x1x100xi32, #tpu.memory_space<vmem>>
    %dma_wait3A_1831 = tpu.memref_squeeze %dma_wait3A_1830 : memref<1x1x100xi32, #tpu.memory_space<vmem>> -> memref<100xi32, #tpu.memory_space<vmem>>
    %dma_wait3A_1832 = arith.constant 0 : i32
    %dma_wait3A_1833 = arith.constant 0 : i32
    %dma_wait3A_1834 = tpu.memref_slice %arg11[%dma_wait3A_1832, %dma_wait3A_1833] : memref<10000x80xf32, #tpu.memory_space<vmem_shared>> -> memref<10000x80xf32, #tpu.memory_space<vmem_shared>>
    %dma_wait3A_1835 = tpu.memref_slice %arg13[%dma_wait3A_1824] : memref<8x!tpu.dma_semaphore, #tpu.memory_space<semaphore_mem>> -> memref<1x!tpu.dma_semaphore, #tpu.memory_space<semaphore_mem>>
    %dma_wait3A_1836 = tpu.memref_squeeze %dma_wait3A_1835 : memref<1x!tpu.dma_semaphore, #tpu.memory_space<semaphore_mem>> -> memref<!tpu.dma_semaphore, #tpu.memory_space<semaphore_mem>>
    tpu.wait_indirect_dma semaphore(%dma_wait3A_1836 : memref<!tpu.dma_semaphore, #tpu.memory_space<semaphore_mem>>) src(%dma_wait3A_1828 : memref<100x80xf32, #tpu.memory_space<vmem>>) dst(%dma_wait3A_1834 : memref<10000x80xf32, #tpu.memory_space<vmem_shared>>)
    %dma_wait3A_1837 = arith.constant 5 : i32
    %dma_wait3A_1838 = arith.constant 0 : i32
    %dma_wait3A_1839 = arith.constant 0 : i32
    %dma_wait3A_1840 = arith.constant 5 : i32
    %dma_wait3A_1841 = arith.constant 0 : i32
    %dma_wait3A_1842 = arith.constant 0 : i32
    %dma_wait3A_1843 = tpu.memref_slice %arg9[%dma_wait3A_1837, %dma_wait3A_1841, %dma_wait3A_1842] : memref<8x100x80xf32, #tpu.memory_space<vmem>> -> memref<1x100x80xf32, #tpu.memory_space<vmem>>
    %dma_wait3A_1844 = tpu.memref_squeeze %dma_wait3A_1843 : memref<1x100x80xf32, #tpu.memory_space<vmem>> -> memref<100x80xf32, #tpu.memory_space<vmem>>
    %dma_wait3A_1845 = arith.constant 0 : i32
    %dma_wait3A_1846 = tpu.memref_slice %arg8[%dma_wait3A_1838, %dma_wait3A_1839, %dma_wait3A_1845] : memref<6x4x100xi32, #tpu.memory_space<vmem>> -> memref<1x1x100xi32, #tpu.memory_space<vmem>>
    %dma_wait3A_1847 = tpu.memref_squeeze %dma_wait3A_1846 : memref<1x1x100xi32, #tpu.memory_space<vmem>> -> memref<100xi32, #tpu.memory_space<vmem>>
    %dma_wait3A_1848 = arith.constant 0 : i32
    %dma_wait3A_1849 = arith.constant 0 : i32
    %dma_wait3A_1850 = tpu.memref_slice %arg11[%dma_wait3A_1848, %dma_wait3A_1849] : memref<10000x80xf32, #tpu.memory_space<vmem_shared>> -> memref<10000x80xf32, #tpu.memory_space<vmem_shared>>
    %dma_wait3A_1851 = tpu.memref_slice %arg13[%dma_wait3A_1840] : memref<8x!tpu.dma_semaphore, #tpu.memory_space<semaphore_mem>> -> memref<1x!tpu.dma_semaphore, #tpu.memory_space<semaphore_mem>>
    %dma_wait3A_1852 = tpu.memref_squeeze %dma_wait3A_1851 : memref<1x!tpu.dma_semaphore, #tpu.memory_space<semaphore_mem>> -> memref<!tpu.dma_semaphore, #tpu.memory_space<semaphore_mem>>
    tpu.wait_indirect_dma semaphore(%dma_wait3A_1852 : memref<!tpu.dma_semaphore, #tpu.memory_space<semaphore_mem>>) src(%dma_wait3A_1844 : memref<100x80xf32, #tpu.memory_space<vmem>>) dst(%dma_wait3A_1850 : memref<10000x80xf32, #tpu.memory_space<vmem_shared>>)
    %dma_wait3A_1853 = arith.constant 6 : i32
    %dma_wait3A_1854 = arith.constant 0 : i32
    %dma_wait3A_1855 = arith.constant 0 : i32
    %dma_wait3A_1856 = arith.constant 6 : i32
    %dma_wait3A_1857 = arith.constant 0 : i32
    %dma_wait3A_1858 = arith.constant 0 : i32
    %dma_wait3A_1859 = tpu.memref_slice %arg9[%dma_wait3A_1853, %dma_wait3A_1857, %dma_wait3A_1858] : memref<8x100x80xf32, #tpu.memory_space<vmem>> -> memref<1x100x80xf32, #tpu.memory_space<vmem>>
    %dma_wait3A_1860 = tpu.memref_squeeze %dma_wait3A_1859 : memref<1x100x80xf32, #tpu.memory_space<vmem>> -> memref<100x80xf32, #tpu.memory_space<vmem>>
    %dma_wait3A_1861 = arith.constant 0 : i32
    %dma_wait3A_1862 = tpu.memref_slice %arg8[%dma_wait3A_1854, %dma_wait3A_1855, %dma_wait3A_1861] : memref<6x4x100xi32, #tpu.memory_space<vmem>> -> memref<1x1x100xi32, #tpu.memory_space<vmem>>
    %dma_wait3A_1863 = tpu.memref_squeeze %dma_wait3A_1862 : memref<1x1x100xi32, #tpu.memory_space<vmem>> -> memref<100xi32, #tpu.memory_space<vmem>>
    %dma_wait3A_1864 = arith.constant 0 : i32
    %dma_wait3A_1865 = arith.constant 0 : i32
    %dma_wait3A_1866 = tpu.memref_slice %arg11[%dma_wait3A_1864, %dma_wait3A_1865] : memref<10000x80xf32, #tpu.memory_space<vmem_shared>> -> memref<10000x80xf32, #tpu.memory_space<vmem_shared>>
    %dma_wait3A_1867 = tpu.memref_slice %arg13[%dma_wait3A_1856] : memref<8x!tpu.dma_semaphore, #tpu.memory_space<semaphore_mem>> -> memref<1x!tpu.dma_semaphore, #tpu.memory_space<semaphore_mem>>
    %dma_wait3A_1868 = tpu.memref_squeeze %dma_wait3A_1867 : memref<1x!tpu.dma_semaphore, #tpu.memory_space<semaphore_mem>> -> memref<!tpu.dma_semaphore, #tpu.memory_space<semaphore_mem>>
    tpu.wait_indirect_dma semaphore(%dma_wait3A_1868 : memref<!tpu.dma_semaphore, #tpu.memory_space<semaphore_mem>>) src(%dma_wait3A_1860 : memref<100x80xf32, #tpu.memory_space<vmem>>) dst(%dma_wait3A_1866 : memref<10000x80xf32, #tpu.memory_space<vmem_shared>>)
    %dma_wait3A_1869 = arith.constant 7 : i32
    %dma_wait3A_1870 = arith.constant 0 : i32
    %dma_wait3A_1871 = arith.constant 0 : i32
    %dma_wait3A_1872 = arith.constant 7 : i32
    %dma_wait3A_1873 = arith.constant 0 : i32
    %dma_wait3A_1874 = arith.constant 0 : i32
    %dma_wait3A_1875 = tpu.memref_slice %arg9[%dma_wait3A_1869, %dma_wait3A_1873, %dma_wait3A_1874] : memref<8x100x80xf32, #tpu.memory_space<vmem>> -> memref<1x100x80xf32, #tpu.memory_space<vmem>>
    %dma_wait3A_1876 = tpu.memref_squeeze %dma_wait3A_1875 : memref<1x100x80xf32, #tpu.memory_space<vmem>> -> memref<100x80xf32, #tpu.memory_space<vmem>>
    %dma_wait3A_1877 = arith.constant 0 : i32
    %dma_wait3A_1878 = tpu.memref_slice %arg8[%dma_wait3A_1870, %dma_wait3A_1871, %dma_wait3A_1877] : memref<6x4x100xi32, #tpu.memory_space<vmem>> -> memref<1x1x100xi32, #tpu.memory_space<vmem>>
    %dma_wait3A_1879 = tpu.memref_squeeze %dma_wait3A_1878 : memref<1x1x100xi32, #tpu.memory_space<vmem>> -> memref<100xi32, #tpu.memory_space<vmem>>
    %dma_wait3A_1880 = arith.constant 0 : i32
    %dma_wait3A_1881 = arith.constant 0 : i32
    %dma_wait3A_1882 = tpu.memref_slice %arg11[%dma_wait3A_1880, %dma_wait3A_1881] : memref<10000x80xf32, #tpu.memory_space<vmem_shared>> -> memref<10000x80xf32, #tpu.memory_space<vmem_shared>>
    %dma_wait3A_1883 = tpu.memref_slice %arg13[%dma_wait3A_1872] : memref<8x!tpu.dma_semaphore, #tpu.memory_space<semaphore_mem>> -> memref<1x!tpu.dma_semaphore, #tpu.memory_space<semaphore_mem>>
    %dma_wait3A_1884 = tpu.memref_squeeze %dma_wait3A_1883 : memref<1x!tpu.dma_semaphore, #tpu.memory_space<semaphore_mem>> -> memref<!tpu.dma_semaphore, #tpu.memory_space<semaphore_mem>>
    tpu.wait_indirect_dma semaphore(%dma_wait3A_1884 : memref<!tpu.dma_semaphore, #tpu.memory_space<semaphore_mem>>) src(%dma_wait3A_1876 : memref<100x80xf32, #tpu.memory_space<vmem>>) dst(%dma_wait3A_1882 : memref<10000x80xf32, #tpu.memory_space<vmem_shared>>)
    %barrier3A_1885 = arith.constant 0 : index
    tpu.barrier barrier_id(%barrier3A_1885)
    %add3A_1886 = arith.constant 0 : i32
    %add3A_1887 = arith.addi %mul3A_0, %add3A_1886 : i32
    "tpu.region"() ({
      %run_scoped3A = tpu.sem_alloc : memref<!tpu.dma_semaphore, #tpu.memory_space<semaphore_mem>>
      %dma_start3A_1931 = arith.constant 0 : i32
      %dma_start3A_1932 = tpu.memref_slice %arg11[%add3A_1887, %dma_start3A_1931] : memref<10000x80xf32, #tpu.memory_space<vmem_shared>> -> memref<125x80xf32, #tpu.memory_space<vmem_shared>>
      %dma_start3A_1933 = arith.constant 0 : i32
      %dma_start3A_1934 = tpu.memref_slice %arg11[%add3A_1887, %dma_start3A_1933] : memref<10000x80xf32, #tpu.memory_space<vmem_shared>> -> memref<125x80xf32, #tpu.memory_space<vmem_shared>>
      tpu.enqueue_dma source(%dma_start3A_1934 : memref<125x80xf32, #tpu.memory_space<vmem_shared>>) target(%arg10 : memref<125x80xf32, #tpu.memory_space<vmem>>) target_semaphore(%run_scoped3A : memref<!tpu.dma_semaphore, #tpu.memory_space<semaphore_mem>>)
      %dma_wait3A_1935 = arith.constant 0 : i32
      %dma_wait3A_1936 = tpu.memref_slice %arg11[%add3A_1887, %dma_wait3A_1935] : memref<10000x80xf32, #tpu.memory_space<vmem_shared>> -> memref<125x80xf32, #tpu.memory_space<vmem_shared>>
      %dma_wait3A_1937 = arith.constant 0 : i32
      %dma_wait3A_1938 = tpu.memref_slice %arg11[%add3A_1887, %dma_wait3A_1937] : memref<10000x80xf32, #tpu.memory_space<vmem_shared>> -> memref<125x80xf32, #tpu.memory_space<vmem_shared>>
      tpu.wait_dma2 semaphore(%run_scoped3A : memref<!tpu.dma_semaphore, #tpu.memory_space<semaphore_mem>>) src(%dma_wait3A_1938 : memref<125x80xf32, #tpu.memory_space<vmem_shared>>) dst(%arg10 : memref<125x80xf32, #tpu.memory_space<vmem>>)
      tpu.yield
    }) : () -> ()
    %scan3A_1888 = arith.constant 0 : i32
    %scan3A_1889 = arith.constant 125 : i32
    %scan3A_1890 = arith.addi %scan3A_1888, %scan3A_1889 : i32
    %scan3A_1891 = arith.constant 1 : i32
    scf.for %scan3A_1931 = %scan3A_1888 to %scan3A_1890 step %scan3A_1891  : i32 {
      %get3A = arith.index_cast %scan3A_1931 : i32 to index
      %get3A_1932 = arith.constant 64 : index
      %get3A_1933 = tpu.vector_load %arg10[%get3A, %get3A_1932] {strides = array<i32>} : memref<125x80xf32, #tpu.memory_space<vmem>>, vector<1x16xf32>,
      %get3A_1934 = vector.shape_cast %get3A_1933 : vector<1x16xf32> to vector<16xf32>
      %div3A = arith.constant 1.000000e+00 : f32
      %div3A_1935 = vector.broadcast %div3A : f32 to vector<16xf32>
      %div3A_1936 = arith.divf %div3A_1935, %get3A_1934 : vector<16xf32>
      %get3A_1937 = arith.index_cast %scan3A_1931 : i32 to index
      %get3A_1938 = arith.constant 0 : index
      %get3A_1939 = tpu.vector_load %arg10[%get3A_1937, %get3A_1938] {strides = array<i32>} : memref<125x80xf32, #tpu.memory_space<vmem>>, vector<1x16xf32>,
      %get3A_1940 = vector.shape_cast %get3A_1939 : vector<1x16xf32> to vector<16xf32>
      %mul3A_1941 = arith.mulf %get3A_1940, %div3A_1936 : vector<16xf32>
      %swap3A = arith.index_cast %scan3A_1931 : i32 to index
      %swap3A_1942 = arith.constant 0 : index
      %swap3A_1943 = tpu.vector_load %arg10[%swap3A, %swap3A_1942] {strides = array<i32>} : memref<125x80xf32, #tpu.memory_space<vmem>>, vector<1x16xf32>,
      %swap3A_1944 = vector.shape_cast %swap3A_1943 : vector<1x16xf32> to vector<16xf32>
      %swap3A_1945 = vector.shape_cast %mul3A_1941 : vector<16xf32> to vector<1x16xf32>
      tpu.vector_store %arg10[%swap3A, %swap3A_1942], %swap3A_1945 {strides = array<i32>} : memref<125x80xf32, #tpu.memory_space<vmem>>, vector<1x16xf32>,
      %get3A_1946 = arith.index_cast %scan3A_1931 : i32 to index
      %get3A_1947 = arith.constant 16 : index
      %get3A_1948 = tpu.vector_load %arg10[%get3A_1946, %get3A_1947] {strides = array<i32>} : memref<125x80xf32, #tpu.memory_space<vmem>>, vector<1x16xf32>,
      %get3A_1949 = vector.shape_cast %get3A_1948 : vector<1x16xf32> to vector<16xf32>
      %mul3A_1950 = arith.mulf %get3A_1949, %div3A_1936 : vector<16xf32>
      %swap3A_1951 = arith.index_cast %scan3A_1931 : i32 to index
      %swap3A_1952 = arith.constant 16 : index
      %swap3A_1953 = tpu.vector_load %arg10[%swap3A_1951, %swap3A_1952] {strides = array<i32>} : memref<125x80xf32, #tpu.memory_space<vmem>>, vector<1x16xf32>,
      %swap3A_1954 = vector.shape_cast %swap3A_1953 : vector<1x16xf32> to vector<16xf32>
      %swap3A_1955 = vector.shape_cast %mul3A_1950 : vector<16xf32> to vector<1x16xf32>
      tpu.vector_store %arg10[%swap3A_1951, %swap3A_1952], %swap3A_1955 {strides = array<i32>} : memref<125x80xf32, #tpu.memory_space<vmem>>, vector<1x16xf32>,
      %get3A_1956 = arith.index_cast %scan3A_1931 : i32 to index
      %get3A_1957 = arith.constant 32 : index
      %get3A_1958 = tpu.vector_load %arg10[%get3A_1956, %get3A_1957] {strides = array<i32>} : memref<125x80xf32, #tpu.memory_space<vmem>>, vector<1x16xf32>,
      %get3A_1959 = vector.shape_cast %get3A_1958 : vector<1x16xf32> to vector<16xf32>
      %mul3A_1960 = arith.mulf %get3A_1959, %div3A_1936 : vector<16xf32>
      %swap3A_1961 = arith.index_cast %scan3A_1931 : i32 to index
      %swap3A_1962 = arith.constant 32 : index
      %swap3A_1963 = tpu.vector_load %arg10[%swap3A_1961, %swap3A_1962] {strides = array<i32>} : memref<125x80xf32, #tpu.memory_space<vmem>>, vector<1x16xf32>,
      %swap3A_1964 = vector.shape_cast %swap3A_1963 : vector<1x16xf32> to vector<16xf32>
      %swap3A_1965 = vector.shape_cast %mul3A_1960 : vector<16xf32> to vector<1x16xf32>
      tpu.vector_store %arg10[%swap3A_1961, %swap3A_1962], %swap3A_1965 {strides = array<i32>} : memref<125x80xf32, #tpu.memory_space<vmem>>, vector<1x16xf32>,
      %get3A_1966 = arith.index_cast %scan3A_1931 : i32 to index
      %get3A_1967 = arith.constant 48 : index
      %get3A_1968 = tpu.vector_load %arg10[%get3A_1966, %get3A_1967] {strides = array<i32>} : memref<125x80xf32, #tpu.memory_space<vmem>>, vector<1x16xf32>,
      %get3A_1969 = vector.shape_cast %get3A_1968 : vector<1x16xf32> to vector<16xf32>
      %mul3A_1970 = arith.mulf %get3A_1969, %div3A_1936 : vector<16xf32>
      %swap3A_1971 = arith.index_cast %scan3A_1931 : i32 to index
      %swap3A_1972 = arith.constant 48 : index
      %swap3A_1973 = tpu.vector_load %arg10[%swap3A_1971, %swap3A_1972] {strides = array<i32>} : memref<125x80xf32, #tpu.memory_space<vmem>>, vector<1x16xf32>,
      %swap3A_1974 = vector.shape_cast %swap3A_1973 : vector<1x16xf32> to vector<16xf32>
      %swap3A_1975 = vector.shape_cast %mul3A_1970 : vector<16xf32> to vector<1x16xf32>
      tpu.vector_store %arg10[%swap3A_1971, %swap3A_1972], %swap3A_1975 {strides = array<i32>} : memref<125x80xf32, #tpu.memory_space<vmem>>, vector<1x16xf32>,
    }
    %scan3A_1892 = arith.constant 125 : i32
    %mul3A_1893 = arith.constant 64 : i32
    %mul3A_1894 = arith.muli %arg0, %mul3A_1893 : i32
    "tpu.region"() ({
      %run_scoped3A = tpu.sem_alloc : memref<!tpu.dma_semaphore, #tpu.memory_space<semaphore_mem>>
      %dma_start3A_1931 = arith.constant 0 : i32
      %dma_start3A_1932 = arith.constant 0 : i32
      %dma_start3A_1933 = tpu.memref_slice %arg10[%dma_start3A_1931, %dma_start3A_1932] : memref<125x80xf32, #tpu.memory_space<vmem>> -> memref<125x64xf32, #tpu.memory_space<vmem>>
      %dma_start3A_1934 = tpu.memref_slice %arg5[%add3A_1887, %mul3A_1894] : memref<10000x128xf32, #tpu.memory_space<hbm>> -> memref<125x64xf32, #tpu.memory_space<hbm>>
      %dma_start3A_1935 = tpu.memref_slice %arg5[%add3A_1887, %mul3A_1894] : memref<10000x128xf32, #tpu.memory_space<hbm>> -> memref<125x64xf32, #tpu.memory_space<hbm>>
      %dma_start3A_1936 = arith.constant 0 : i32
      %dma_start3A_1937 = arith.constant 0 : i32
      %dma_start3A_1938 = tpu.memref_slice %arg10[%dma_start3A_1936, %dma_start3A_1937] : memref<125x80xf32, #tpu.memory_space<vmem>> -> memref<125x64xf32, #tpu.memory_space<vmem>>
      tpu.enqueue_dma source(%dma_start3A_1938 : memref<125x64xf32, #tpu.memory_space<vmem>>) target(%dma_start3A_1935 : memref<125x64xf32, #tpu.memory_space<hbm>>) target_semaphore(%run_scoped3A : memref<!tpu.dma_semaphore, #tpu.memory_space<semaphore_mem>>)
      %dma_wait3A_1939 = arith.constant 0 : i32
      %dma_wait3A_1940 = arith.constant 0 : i32
      %dma_wait3A_1941 = tpu.memref_slice %arg10[%dma_wait3A_1939, %dma_wait3A_1940] : memref<125x80xf32, #tpu.memory_space<vmem>> -> memref<125x64xf32, #tpu.memory_space<vmem>>
      %dma_wait3A_1942 = tpu.memref_slice %arg5[%add3A_1887, %mul3A_1894] : memref<10000x128xf32, #tpu.memory_space<hbm>> -> memref<125x64xf32, #tpu.memory_space<hbm>>
      %dma_wait3A_1943 = tpu.memref_slice %arg5[%add3A_1887, %mul3A_1894] : memref<10000x128xf32, #tpu.memory_space<hbm>> -> memref<125x64xf32, #tpu.memory_space<hbm>>
      %dma_wait3A_1944 = arith.constant 0 : i32
      %dma_wait3A_1945 = arith.constant 0 : i32
      %dma_wait3A_1946 = tpu.memref_slice %arg10[%dma_wait3A_1944, %dma_wait3A_1945] : memref<125x80xf32, #tpu.memory_space<vmem>> -> memref<125x64xf32, #tpu.memory_space<vmem>>
      tpu.wait_dma2 semaphore(%run_scoped3A : memref<!tpu.dma_semaphore, #tpu.memory_space<semaphore_mem>>) src(%dma_wait3A_1946 : memref<125x64xf32, #tpu.memory_space<vmem>>) dst(%dma_wait3A_1943 : memref<125x64xf32, #tpu.memory_space<hbm>>)
      tpu.yield
    }) : () -> ()
    %add3A_1895 = arith.constant 125 : i32
    %add3A_1896 = arith.addi %mul3A_0, %add3A_1895 : i32
    "tpu.region"() ({
      %run_scoped3A = tpu.sem_alloc : memref<!tpu.dma_semaphore, #tpu.memory_space<semaphore_mem>>
      %dma_start3A_1931 = arith.constant 0 : i32
      %dma_start3A_1932 = tpu.memref_slice %arg11[%add3A_1896, %dma_start3A_1931] : memref<10000x80xf32, #tpu.memory_space<vmem_shared>> -> memref<125x80xf32, #tpu.memory_space<vmem_shared>>
      %dma_start3A_1933 = arith.constant 0 : i32
      %dma_start3A_1934 = tpu.memref_slice %arg11[%add3A_1896, %dma_start3A_1933] : memref<10000x80xf32, #tpu.memory_space<vmem_shared>> -> memref<125x80xf32, #tpu.memory_space<vmem_shared>>
      tpu.enqueue_dma source(%dma_start3A_1934 : memref<125x80xf32, #tpu.memory_space<vmem_shared>>) target(%arg10 : memref<125x80xf32, #tpu.memory_space<vmem>>) target_semaphore(%run_scoped3A : memref<!tpu.dma_semaphore, #tpu.memory_space<semaphore_mem>>)
      %dma_wait3A_1935 = arith.constant 0 : i32
      %dma_wait3A_1936 = tpu.memref_slice %arg11[%add3A_1896, %dma_wait3A_1935] : memref<10000x80xf32, #tpu.memory_space<vmem_shared>> -> memref<125x80xf32, #tpu.memory_space<vmem_shared>>
      %dma_wait3A_1937 = arith.constant 0 : i32
      %dma_wait3A_1938 = tpu.memref_slice %arg11[%add3A_1896, %dma_wait3A_1937] : memref<10000x80xf32, #tpu.memory_space<vmem_shared>> -> memref<125x80xf32, #tpu.memory_space<vmem_shared>>
      tpu.wait_dma2 semaphore(%run_scoped3A : memref<!tpu.dma_semaphore, #tpu.memory_space<semaphore_mem>>) src(%dma_wait3A_1938 : memref<125x80xf32, #tpu.memory_space<vmem_shared>>) dst(%arg10 : memref<125x80xf32, #tpu.memory_space<vmem>>)
      tpu.yield
    }) : () -> ()
    %scan3A_1897 = arith.constant 0 : i32
    %scan3A_1898 = arith.constant 125 : i32
    %scan3A_1899 = arith.addi %scan3A_1897, %scan3A_1898 : i32
    %scan3A_1900 = arith.constant 1 : i32
    scf.for %scan3A_1931 = %scan3A_1897 to %scan3A_1899 step %scan3A_1900  : i32 {
      %get3A = arith.index_cast %scan3A_1931 : i32 to index
      %get3A_1932 = arith.constant 64 : index
      %get3A_1933 = tpu.vector_load %arg10[%get3A, %get3A_1932] {strides = array<i32>} : memref<125x80xf32, #tpu.memory_space<vmem>>, vector<1x16xf32>,
      %get3A_1934 = vector.shape_cast %get3A_1933 : vector<1x16xf32> to vector<16xf32>
      %div3A = arith.constant 1.000000e+00 : f32
      %div3A_1935 = vector.broadcast %div3A : f32 to vector<16xf32>
      %div3A_1936 = arith.divf %div3A_1935, %get3A_1934 : vector<16xf32>
      %get3A_1937 = arith.index_cast %scan3A_1931 : i32 to index
      %get3A_1938 = arith.constant 0 : index
      %get3A_1939 = tpu.vector_load %arg10[%get3A_1937, %get3A_1938] {strides = array<i32>} : memref<125x80xf32, #tpu.memory_space<vmem>>, vector<1x16xf32>,
      %get3A_1940 = vector.shape_cast %get3A_1939 : vector<1x16xf32> to vector<16xf32>
      %mul3A_1941 = arith.mulf %get3A_1940, %div3A_1936 : vector<16xf32>
      %swap3A = arith.index_cast %scan3A_1931 : i32 to index
      %swap3A_1942 = arith.constant 0 : index
      %swap3A_1943 = tpu.vector_load %arg10[%swap3A, %swap3A_1942] {strides = array<i32>} : memref<125x80xf32, #tpu.memory_space<vmem>>, vector<1x16xf32>,
      %swap3A_1944 = vector.shape_cast %swap3A_1943 : vector<1x16xf32> to vector<16xf32>
      %swap3A_1945 = vector.shape_cast %mul3A_1941 : vector<16xf32> to vector<1x16xf32>
      tpu.vector_store %arg10[%swap3A, %swap3A_1942], %swap3A_1945 {strides = array<i32>} : memref<125x80xf32, #tpu.memory_space<vmem>>, vector<1x16xf32>,
      %get3A_1946 = arith.index_cast %scan3A_1931 : i32 to index
      %get3A_1947 = arith.constant 16 : index
      %get3A_1948 = tpu.vector_load %arg10[%get3A_1946, %get3A_1947] {strides = array<i32>} : memref<125x80xf32, #tpu.memory_space<vmem>>, vector<1x16xf32>,
      %get3A_1949 = vector.shape_cast %get3A_1948 : vector<1x16xf32> to vector<16xf32>
      %mul3A_1950 = arith.mulf %get3A_1949, %div3A_1936 : vector<16xf32>
      %swap3A_1951 = arith.index_cast %scan3A_1931 : i32 to index
      %swap3A_1952 = arith.constant 16 : index
      %swap3A_1953 = tpu.vector_load %arg10[%swap3A_1951, %swap3A_1952] {strides = array<i32>} : memref<125x80xf32, #tpu.memory_space<vmem>>, vector<1x16xf32>,
      %swap3A_1954 = vector.shape_cast %swap3A_1953 : vector<1x16xf32> to vector<16xf32>
      %swap3A_1955 = vector.shape_cast %mul3A_1950 : vector<16xf32> to vector<1x16xf32>
      tpu.vector_store %arg10[%swap3A_1951, %swap3A_1952], %swap3A_1955 {strides = array<i32>} : memref<125x80xf32, #tpu.memory_space<vmem>>, vector<1x16xf32>,
      %get3A_1956 = arith.index_cast %scan3A_1931 : i32 to index
      %get3A_1957 = arith.constant 32 : index
      %get3A_1958 = tpu.vector_load %arg10[%get3A_1956, %get3A_1957] {strides = array<i32>} : memref<125x80xf32, #tpu.memory_space<vmem>>, vector<1x16xf32>,
      %get3A_1959 = vector.shape_cast %get3A_1958 : vector<1x16xf32> to vector<16xf32>
      %mul3A_1960 = arith.mulf %get3A_1959, %div3A_1936 : vector<16xf32>
      %swap3A_1961 = arith.index_cast %scan3A_1931 : i32 to index
      %swap3A_1962 = arith.constant 32 : index
      %swap3A_1963 = tpu.vector_load %arg10[%swap3A_1961, %swap3A_1962] {strides = array<i32>} : memref<125x80xf32, #tpu.memory_space<vmem>>, vector<1x16xf32>,
      %swap3A_1964 = vector.shape_cast %swap3A_1963 : vector<1x16xf32> to vector<16xf32>
      %swap3A_1965 = vector.shape_cast %mul3A_1960 : vector<16xf32> to vector<1x16xf32>
      tpu.vector_store %arg10[%swap3A_1961, %swap3A_1962], %swap3A_1965 {strides = array<i32>} : memref<125x80xf32, #tpu.memory_space<vmem>>, vector<1x16xf32>,
      %get3A_1966 = arith.index_cast %scan3A_1931 : i32 to index
      %get3A_1967 = arith.constant 48 : index
      %get3A_1968 = tpu.vector_load %arg10[%get3A_1966, %get3A_1967] {strides = array<i32>} : memref<125x80xf32, #tpu.memory_space<vmem>>, vector<1x16xf32>,
      %get3A_1969 = vector.shape_cast %get3A_1968 : vector<1x16xf32> to vector<16xf32>
      %mul3A_1970 = arith.mulf %get3A_1969, %div3A_1936 : vector<16xf32>
      %swap3A_1971 = arith.index_cast %scan3A_1931 : i32 to index
      %swap3A_1972 = arith.constant 48 : index
      %swap3A_1973 = tpu.vector_load %arg10[%swap3A_1971, %swap3A_1972] {strides = array<i32>} : memref<125x80xf32, #tpu.memory_space<vmem>>, vector<1x16xf32>,
      %swap3A_1974 = vector.shape_cast %swap3A_1973 : vector<1x16xf32> to vector<16xf32>
      %swap3A_1975 = vector.shape_cast %mul3A_1970 : vector<16xf32> to vector<1x16xf32>
      tpu.vector_store %arg10[%swap3A_1971, %swap3A_1972], %swap3A_1975 {strides = array<i32>} : memref<125x80xf32, #tpu.memory_space<vmem>>, vector<1x16xf32>,
    }
    %scan3A_1901 = arith.constant 125 : i32
    %mul3A_1902 = arith.constant 64 : i32
    %mul3A_1903 = arith.muli %arg0, %mul3A_1902 : i32
    "tpu.region"() ({
      %run_scoped3A = tpu.sem_alloc : memref<!tpu.dma_semaphore, #tpu.memory_space<semaphore_mem>>
      %dma_start3A_1931 = arith.constant 0 : i32
      %dma_start3A_1932 = arith.constant 0 : i32
      %dma_start3A_1933 = tpu.memref_slice %arg10[%dma_start3A_1931, %dma_start3A_1932] : memref<125x80xf32, #tpu.memory_space<vmem>> -> memref<125x64xf32, #tpu.memory_space<vmem>>
      %dma_start3A_1934 = tpu.memref_slice %arg5[%add3A_1896, %mul3A_1903] : memref<10000x128xf32, #tpu.memory_space<hbm>> -> memref<125x64xf32, #tpu.memory_space<hbm>>
      %dma_start3A_1935 = tpu.memref_slice %arg5[%add3A_1896, %mul3A_1903] : memref<10000x128xf32, #tpu.memory_space<hbm>> -> memref<125x64xf32, #tpu.memory_space<hbm>>
      %dma_start3A_1936 = arith.constant 0 : i32
      %dma_start3A_1937 = arith.constant 0 : i32
      %dma_start3A_1938 = tpu.memref_slice %arg10[%dma_start3A_1936, %dma_start3A_1937] : memref<125x80xf32, #tpu.memory_space<vmem>> -> memref<125x64xf32, #tpu.memory_space<vmem>>
      tpu.enqueue_dma source(%dma_start3A_1938 : memref<125x64xf32, #tpu.memory_space<vmem>>) target(%dma_start3A_1935 : memref<125x64xf32, #tpu.memory_space<hbm>>) target_semaphore(%run_scoped3A : memref<!tpu.dma_semaphore, #tpu.memory_space<semaphore_mem>>)
      %dma_wait3A_1939 = arith.constant 0 : i32
      %dma_wait3A_1940 = arith.constant 0 : i32
      %dma_wait3A_1941 = tpu.memref_slice %arg10[%dma_wait3A_1939, %dma_wait3A_1940] : memref<125x80xf32, #tpu.memory_space<vmem>> -> memref<125x64xf32, #tpu.memory_space<vmem>>
      %dma_wait3A_1942 = tpu.memref_slice %arg5[%add3A_1896, %mul3A_1903] : memref<10000x128xf32, #tpu.memory_space<hbm>> -> memref<125x64xf32, #tpu.memory_space<hbm>>
      %dma_wait3A_1943 = tpu.memref_slice %arg5[%add3A_1896, %mul3A_1903] : memref<10000x128xf32, #tpu.memory_space<hbm>> -> memref<125x64xf32, #tpu.memory_space<hbm>>
      %dma_wait3A_1944 = arith.constant 0 : i32
      %dma_wait3A_1945 = arith.constant 0 : i32
      %dma_wait3A_1946 = tpu.memref_slice %arg10[%dma_wait3A_1944, %dma_wait3A_1945] : memref<125x80xf32, #tpu.memory_space<vmem>> -> memref<125x64xf32, #tpu.memory_space<vmem>>
      tpu.wait_dma2 semaphore(%run_scoped3A : memref<!tpu.dma_semaphore, #tpu.memory_space<semaphore_mem>>) src(%dma_wait3A_1946 : memref<125x64xf32, #tpu.memory_space<vmem>>) dst(%dma_wait3A_1943 : memref<125x64xf32, #tpu.memory_space<hbm>>)
      tpu.yield
    }) : () -> ()
    %add3A_1904 = arith.constant 250 : i32
    %add3A_1905 = arith.addi %mul3A_0, %add3A_1904 : i32
    "tpu.region"() ({
      %run_scoped3A = tpu.sem_alloc : memref<!tpu.dma_semaphore, #tpu.memory_space<semaphore_mem>>
      %dma_start3A_1931 = arith.constant 0 : i32
      %dma_start3A_1932 = tpu.memref_slice %arg11[%add3A_1905, %dma_start3A_1931] : memref<10000x80xf32, #tpu.memory_space<vmem_shared>> -> memref<125x80xf32, #tpu.memory_space<vmem_shared>>
      %dma_start3A_1933 = arith.constant 0 : i32
      %dma_start3A_1934 = tpu.memref_slice %arg11[%add3A_1905, %dma_start3A_1933] : memref<10000x80xf32, #tpu.memory_space<vmem_shared>> -> memref<125x80xf32, #tpu.memory_space<vmem_shared>>
      tpu.enqueue_dma source(%dma_start3A_1934 : memref<125x80xf32, #tpu.memory_space<vmem_shared>>) target(%arg10 : memref<125x80xf32, #tpu.memory_space<vmem>>) target_semaphore(%run_scoped3A : memref<!tpu.dma_semaphore, #tpu.memory_space<semaphore_mem>>)
      %dma_wait3A_1935 = arith.constant 0 : i32
      %dma_wait3A_1936 = tpu.memref_slice %arg11[%add3A_1905, %dma_wait3A_1935] : memref<10000x80xf32, #tpu.memory_space<vmem_shared>> -> memref<125x80xf32, #tpu.memory_space<vmem_shared>>
      %dma_wait3A_1937 = arith.constant 0 : i32
      %dma_wait3A_1938 = tpu.memref_slice %arg11[%add3A_1905, %dma_wait3A_1937] : memref<10000x80xf32, #tpu.memory_space<vmem_shared>> -> memref<125x80xf32, #tpu.memory_space<vmem_shared>>
      tpu.wait_dma2 semaphore(%run_scoped3A : memref<!tpu.dma_semaphore, #tpu.memory_space<semaphore_mem>>) src(%dma_wait3A_1938 : memref<125x80xf32, #tpu.memory_space<vmem_shared>>) dst(%arg10 : memref<125x80xf32, #tpu.memory_space<vmem>>)
      tpu.yield
    }) : () -> ()
    %scan3A_1906 = arith.constant 0 : i32
    %scan3A_1907 = arith.constant 125 : i32
    %scan3A_1908 = arith.addi %scan3A_1906, %scan3A_1907 : i32
    %scan3A_1909 = arith.constant 1 : i32
    scf.for %scan3A_1931 = %scan3A_1906 to %scan3A_1908 step %scan3A_1909  : i32 {
      %get3A = arith.index_cast %scan3A_1931 : i32 to index
      %get3A_1932 = arith.constant 64 : index
      %get3A_1933 = tpu.vector_load %arg10[%get3A, %get3A_1932] {strides = array<i32>} : memref<125x80xf32, #tpu.memory_space<vmem>>, vector<1x16xf32>,
      %get3A_1934 = vector.shape_cast %get3A_1933 : vector<1x16xf32> to vector<16xf32>
      %div3A = arith.constant 1.000000e+00 : f32
      %div3A_1935 = vector.broadcast %div3A : f32 to vector<16xf32>
      %div3A_1936 = arith.divf %div3A_1935, %get3A_1934 : vector<16xf32>
      %get3A_1937 = arith.index_cast %scan3A_1931 : i32 to index
      %get3A_1938 = arith.constant 0 : index
      %get3A_1939 = tpu.vector_load %arg10[%get3A_1937, %get3A_1938] {strides = array<i32>} : memref<125x80xf32, #tpu.memory_space<vmem>>, vector<1x16xf32>,
      %get3A_1940 = vector.shape_cast %get3A_1939 : vector<1x16xf32> to vector<16xf32>
      %mul3A_1941 = arith.mulf %get3A_1940, %div3A_1936 : vector<16xf32>
      %swap3A = arith.index_cast %scan3A_1931 : i32 to index
      %swap3A_1942 = arith.constant 0 : index
      %swap3A_1943 = tpu.vector_load %arg10[%swap3A, %swap3A_1942] {strides = array<i32>} : memref<125x80xf32, #tpu.memory_space<vmem>>, vector<1x16xf32>,
      %swap3A_1944 = vector.shape_cast %swap3A_1943 : vector<1x16xf32> to vector<16xf32>
      %swap3A_1945 = vector.shape_cast %mul3A_1941 : vector<16xf32> to vector<1x16xf32>
      tpu.vector_store %arg10[%swap3A, %swap3A_1942], %swap3A_1945 {strides = array<i32>} : memref<125x80xf32, #tpu.memory_space<vmem>>, vector<1x16xf32>,
      %get3A_1946 = arith.index_cast %scan3A_1931 : i32 to index
      %get3A_1947 = arith.constant 16 : index
      %get3A_1948 = tpu.vector_load %arg10[%get3A_1946, %get3A_1947] {strides = array<i32>} : memref<125x80xf32, #tpu.memory_space<vmem>>, vector<1x16xf32>,
      %get3A_1949 = vector.shape_cast %get3A_1948 : vector<1x16xf32> to vector<16xf32>
      %mul3A_1950 = arith.mulf %get3A_1949, %div3A_1936 : vector<16xf32>
      %swap3A_1951 = arith.index_cast %scan3A_1931 : i32 to index
      %swap3A_1952 = arith.constant 16 : index
      %swap3A_1953 = tpu.vector_load %arg10[%swap3A_1951, %swap3A_1952] {strides = array<i32>} : memref<125x80xf32, #tpu.memory_space<vmem>>, vector<1x16xf32>,
      %swap3A_1954 = vector.shape_cast %swap3A_1953 : vector<1x16xf32> to vector<16xf32>
      %swap3A_1955 = vector.shape_cast %mul3A_1950 : vector<16xf32> to vector<1x16xf32>
      tpu.vector_store %arg10[%swap3A_1951, %swap3A_1952], %swap3A_1955 {strides = array<i32>} : memref<125x80xf32, #tpu.memory_space<vmem>>, vector<1x16xf32>,
      %get3A_1956 = arith.index_cast %scan3A_1931 : i32 to index
      %get3A_1957 = arith.constant 32 : index
      %get3A_1958 = tpu.vector_load %arg10[%get3A_1956, %get3A_1957] {strides = array<i32>} : memref<125x80xf32, #tpu.memory_space<vmem>>, vector<1x16xf32>,
      %get3A_1959 = vector.shape_cast %get3A_1958 : vector<1x16xf32> to vector<16xf32>
      %mul3A_1960 = arith.mulf %get3A_1959, %div3A_1936 : vector<16xf32>
      %swap3A_1961 = arith.index_cast %scan3A_1931 : i32 to index
      %swap3A_1962 = arith.constant 32 : index
      %swap3A_1963 = tpu.vector_load %arg10[%swap3A_1961, %swap3A_1962] {strides = array<i32>} : memref<125x80xf32, #tpu.memory_space<vmem>>, vector<1x16xf32>,
      %swap3A_1964 = vector.shape_cast %swap3A_1963 : vector<1x16xf32> to vector<16xf32>
      %swap3A_1965 = vector.shape_cast %mul3A_1960 : vector<16xf32> to vector<1x16xf32>
      tpu.vector_store %arg10[%swap3A_1961, %swap3A_1962], %swap3A_1965 {strides = array<i32>} : memref<125x80xf32, #tpu.memory_space<vmem>>, vector<1x16xf32>,
      %get3A_1966 = arith.index_cast %scan3A_1931 : i32 to index
      %get3A_1967 = arith.constant 48 : index
      %get3A_1968 = tpu.vector_load %arg10[%get3A_1966, %get3A_1967] {strides = array<i32>} : memref<125x80xf32, #tpu.memory_space<vmem>>, vector<1x16xf32>,
      %get3A_1969 = vector.shape_cast %get3A_1968 : vector<1x16xf32> to vector<16xf32>
      %mul3A_1970 = arith.mulf %get3A_1969, %div3A_1936 : vector<16xf32>
      %swap3A_1971 = arith.index_cast %scan3A_1931 : i32 to index
      %swap3A_1972 = arith.constant 48 : index
      %swap3A_1973 = tpu.vector_load %arg10[%swap3A_1971, %swap3A_1972] {strides = array<i32>} : memref<125x80xf32, #tpu.memory_space<vmem>>, vector<1x16xf32>,
      %swap3A_1974 = vector.shape_cast %swap3A_1973 : vector<1x16xf32> to vector<16xf32>
      %swap3A_1975 = vector.shape_cast %mul3A_1970 : vector<16xf32> to vector<1x16xf32>
      tpu.vector_store %arg10[%swap3A_1971, %swap3A_1972], %swap3A_1975 {strides = array<i32>} : memref<125x80xf32, #tpu.memory_space<vmem>>, vector<1x16xf32>,
    }
    %scan3A_1910 = arith.constant 125 : i32
    %mul3A_1911 = arith.constant 64 : i32
    %mul3A_1912 = arith.muli %arg0, %mul3A_1911 : i32
    "tpu.region"() ({
      %run_scoped3A = tpu.sem_alloc : memref<!tpu.dma_semaphore, #tpu.memory_space<semaphore_mem>>
      %dma_start3A_1931 = arith.constant 0 : i32
      %dma_start3A_1932 = arith.constant 0 : i32
      %dma_start3A_1933 = tpu.memref_slice %arg10[%dma_start3A_1931, %dma_start3A_1932] : memref<125x80xf32, #tpu.memory_space<vmem>> -> memref<125x64xf32, #tpu.memory_space<vmem>>
      %dma_start3A_1934 = tpu.memref_slice %arg5[%add3A_1905, %mul3A_1912] : memref<10000x128xf32, #tpu.memory_space<hbm>> -> memref<125x64xf32, #tpu.memory_space<hbm>>
      %dma_start3A_1935 = tpu.memref_slice %arg5[%add3A_1905, %mul3A_1912] : memref<10000x128xf32, #tpu.memory_space<hbm>> -> memref<125x64xf32, #tpu.memory_space<hbm>>
      %dma_start3A_1936 = arith.constant 0 : i32
      %dma_start3A_1937 = arith.constant 0 : i32
      %dma_start3A_1938 = tpu.memref_slice %arg10[%dma_start3A_1936, %dma_start3A_1937] : memref<125x80xf32, #tpu.memory_space<vmem>> -> memref<125x64xf32, #tpu.memory_space<vmem>>
      tpu.enqueue_dma source(%dma_start3A_1938 : memref<125x64xf32, #tpu.memory_space<vmem>>) target(%dma_start3A_1935 : memref<125x64xf32, #tpu.memory_space<hbm>>) target_semaphore(%run_scoped3A : memref<!tpu.dma_semaphore, #tpu.memory_space<semaphore_mem>>)
      %dma_wait3A_1939 = arith.constant 0 : i32
      %dma_wait3A_1940 = arith.constant 0 : i32
      %dma_wait3A_1941 = tpu.memref_slice %arg10[%dma_wait3A_1939, %dma_wait3A_1940] : memref<125x80xf32, #tpu.memory_space<vmem>> -> memref<125x64xf32, #tpu.memory_space<vmem>>
      %dma_wait3A_1942 = tpu.memref_slice %arg5[%add3A_1905, %mul3A_1912] : memref<10000x128xf32, #tpu.memory_space<hbm>> -> memref<125x64xf32, #tpu.memory_space<hbm>>
      %dma_wait3A_1943 = tpu.memref_slice %arg5[%add3A_1905, %mul3A_1912] : memref<10000x128xf32, #tpu.memory_space<hbm>> -> memref<125x64xf32, #tpu.memory_space<hbm>>
      %dma_wait3A_1944 = arith.constant 0 : i32
      %dma_wait3A_1945 = arith.constant 0 : i32
      %dma_wait3A_1946 = tpu.memref_slice %arg10[%dma_wait3A_1944, %dma_wait3A_1945] : memref<125x80xf32, #tpu.memory_space<vmem>> -> memref<125x64xf32, #tpu.memory_space<vmem>>
      tpu.wait_dma2 semaphore(%run_scoped3A : memref<!tpu.dma_semaphore, #tpu.memory_space<semaphore_mem>>) src(%dma_wait3A_1946 : memref<125x64xf32, #tpu.memory_space<vmem>>) dst(%dma_wait3A_1943 : memref<125x64xf32, #tpu.memory_space<hbm>>)
      tpu.yield
    }) : () -> ()
    %add3A_1913 = arith.constant 375 : i32
    %add3A_1914 = arith.addi %mul3A_0, %add3A_1913 : i32
    "tpu.region"() ({
      %run_scoped3A = tpu.sem_alloc : memref<!tpu.dma_semaphore, #tpu.memory_space<semaphore_mem>>
      %dma_start3A_1931 = arith.constant 0 : i32
      %dma_start3A_1932 = tpu.memref_slice %arg11[%add3A_1914, %dma_start3A_1931] : memref<10000x80xf32, #tpu.memory_space<vmem_shared>> -> memref<125x80xf32, #tpu.memory_space<vmem_shared>>
      %dma_start3A_1933 = arith.constant 0 : i32
      %dma_start3A_1934 = tpu.memref_slice %arg11[%add3A_1914, %dma_start3A_1933] : memref<10000x80xf32, #tpu.memory_space<vmem_shared>> -> memref<125x80xf32, #tpu.memory_space<vmem_shared>>
      tpu.enqueue_dma source(%dma_start3A_1934 : memref<125x80xf32, #tpu.memory_space<vmem_shared>>) target(%arg10 : memref<125x80xf32, #tpu.memory_space<vmem>>) target_semaphore(%run_scoped3A : memref<!tpu.dma_semaphore, #tpu.memory_space<semaphore_mem>>)
      %dma_wait3A_1935 = arith.constant 0 : i32
      %dma_wait3A_1936 = tpu.memref_slice %arg11[%add3A_1914, %dma_wait3A_1935] : memref<10000x80xf32, #tpu.memory_space<vmem_shared>> -> memref<125x80xf32, #tpu.memory_space<vmem_shared>>
      %dma_wait3A_1937 = arith.constant 0 : i32
      %dma_wait3A_1938 = tpu.memref_slice %arg11[%add3A_1914, %dma_wait3A_1937] : memref<10000x80xf32, #tpu.memory_space<vmem_shared>> -> memref<125x80xf32, #tpu.memory_space<vmem_shared>>
      tpu.wait_dma2 semaphore(%run_scoped3A : memref<!tpu.dma_semaphore, #tpu.memory_space<semaphore_mem>>) src(%dma_wait3A_1938 : memref<125x80xf32, #tpu.memory_space<vmem_shared>>) dst(%arg10 : memref<125x80xf32, #tpu.memory_space<vmem>>)
      tpu.yield
    }) : () -> ()
    %scan3A_1915 = arith.constant 0 : i32
    %scan3A_1916 = arith.constant 125 : i32
    %scan3A_1917 = arith.addi %scan3A_1915, %scan3A_1916 : i32
    %scan3A_1918 = arith.constant 1 : i32
    scf.for %scan3A_1931 = %scan3A_1915 to %scan3A_1917 step %scan3A_1918  : i32 {
      %get3A = arith.index_cast %scan3A_1931 : i32 to index
      %get3A_1932 = arith.constant 64 : index
      %get3A_1933 = tpu.vector_load %arg10[%get3A, %get3A_1932] {strides = array<i32>} : memref<125x80xf32, #tpu.memory_space<vmem>>, vector<1x16xf32>,
      %get3A_1934 = vector.shape_cast %get3A_1933 : vector<1x16xf32> to vector<16xf32>
      %div3A = arith.constant 1.000000e+00 : f32
      %div3A_1935 = vector.broadcast %div3A : f32 to vector<16xf32>
      %div3A_1936 = arith.divf %div3A_1935, %get3A_1934 : vector<16xf32>
      %get3A_1937 = arith.index_cast %scan3A_1931 : i32 to index
      %get3A_1938 = arith.constant 0 : index
      %get3A_1939 = tpu.vector_load %arg10[%get3A_1937, %get3A_1938] {strides = array<i32>} : memref<125x80xf32, #tpu.memory_space<vmem>>, vector<1x16xf32>,
      %get3A_1940 = vector.shape_cast %get3A_1939 : vector<1x16xf32> to vector<16xf32>
      %mul3A_1941 = arith.mulf %get3A_1940, %div3A_1936 : vector<16xf32>
      %swap3A = arith.index_cast %scan3A_1931 : i32 to index
      %swap3A_1942 = arith.constant 0 : index
      %swap3A_1943 = tpu.vector_load %arg10[%swap3A, %swap3A_1942] {strides = array<i32>} : memref<125x80xf32, #tpu.memory_space<vmem>>, vector<1x16xf32>,
      %swap3A_1944 = vector.shape_cast %swap3A_1943 : vector<1x16xf32> to vector<16xf32>
      %swap3A_1945 = vector.shape_cast %mul3A_1941 : vector<16xf32> to vector<1x16xf32>
      tpu.vector_store %arg10[%swap3A, %swap3A_1942], %swap3A_1945 {strides = array<i32>} : memref<125x80xf32, #tpu.memory_space<vmem>>, vector<1x16xf32>,
      %get3A_1946 = arith.index_cast %scan3A_1931 : i32 to index
      %get3A_1947 = arith.constant 16 : index
      %get3A_1948 = tpu.vector_load %arg10[%get3A_1946, %get3A_1947] {strides = array<i32>} : memref<125x80xf32, #tpu.memory_space<vmem>>, vector<1x16xf32>,
      %get3A_1949 = vector.shape_cast %get3A_1948 : vector<1x16xf32> to vector<16xf32>
      %mul3A_1950 = arith.mulf %get3A_1949, %div3A_1936 : vector<16xf32>
      %swap3A_1951 = arith.index_cast %scan3A_1931 : i32 to index
      %swap3A_1952 = arith.constant 16 : index
      %swap3A_1953 = tpu.vector_load %arg10[%swap3A_1951, %swap3A_1952] {strides = array<i32>} : memref<125x80xf32, #tpu.memory_space<vmem>>, vector<1x16xf32>,
      %swap3A_1954 = vector.shape_cast %swap3A_1953 : vector<1x16xf32> to vector<16xf32>
      %swap3A_1955 = vector.shape_cast %mul3A_1950 : vector<16xf32> to vector<1x16xf32>
      tpu.vector_store %arg10[%swap3A_1951, %swap3A_1952], %swap3A_1955 {strides = array<i32>} : memref<125x80xf32, #tpu.memory_space<vmem>>, vector<1x16xf32>,
      %get3A_1956 = arith.index_cast %scan3A_1931 : i32 to index
      %get3A_1957 = arith.constant 32 : index
      %get3A_1958 = tpu.vector_load %arg10[%get3A_1956, %get3A_1957] {strides = array<i32>} : memref<125x80xf32, #tpu.memory_space<vmem>>, vector<1x16xf32>,
      %get3A_1959 = vector.shape_cast %get3A_1958 : vector<1x16xf32> to vector<16xf32>
      %mul3A_1960 = arith.mulf %get3A_1959, %div3A_1936 : vector<16xf32>
      %swap3A_1961 = arith.index_cast %scan3A_1931 : i32 to index
      %swap3A_1962 = arith.constant 32 : index
      %swap3A_1963 = tpu.vector_load %arg10[%swap3A_1961, %swap3A_1962] {strides = array<i32>} : memref<125x80xf32, #tpu.memory_space<vmem>>, vector<1x16xf32>,
      %swap3A_1964 = vector.shape_cast %swap3A_1963 : vector<1x16xf32> to vector<16xf32>
      %swap3A_1965 = vector.shape_cast %mul3A_1960 : vector<16xf32> to vector<1x16xf32>
      tpu.vector_store %arg10[%swap3A_1961, %swap3A_1962], %swap3A_1965 {strides = array<i32>} : memref<125x80xf32, #tpu.memory_space<vmem>>, vector<1x16xf32>,
      %get3A_1966 = arith.index_cast %scan3A_1931 : i32 to index
      %get3A_1967 = arith.constant 48 : index
      %get3A_1968 = tpu.vector_load %arg10[%get3A_1966, %get3A_1967] {strides = array<i32>} : memref<125x80xf32, #tpu.memory_space<vmem>>, vector<1x16xf32>,
      %get3A_1969 = vector.shape_cast %get3A_1968 : vector<1x16xf32> to vector<16xf32>
      %mul3A_1970 = arith.mulf %get3A_1969, %div3A_1936 : vector<16xf32>
      %swap3A_1971 = arith.index_cast %scan3A_1931 : i32 to index
      %swap3A_1972 = arith.constant 48 : index
      %swap3A_1973 = tpu.vector_load %arg10[%swap3A_1971, %swap3A_1972] {strides = array<i32>} : memref<125x80xf32, #tpu.memory_space<vmem>>, vector<1x16xf32>,
      %swap3A_1974 = vector.shape_cast %swap3A_1973 : vector<1x16xf32> to vector<16xf32>
      %swap3A_1975 = vector.shape_cast %mul3A_1970 : vector<16xf32> to vector<1x16xf32>
      tpu.vector_store %arg10[%swap3A_1971, %swap3A_1972], %swap3A_1975 {strides = array<i32>} : memref<125x80xf32, #tpu.memory_space<vmem>>, vector<1x16xf32>,
    }
    %scan3A_1919 = arith.constant 125 : i32
    %mul3A_1920 = arith.constant 64 : i32
    %mul3A_1921 = arith.muli %arg0, %mul3A_1920 : i32
    "tpu.region"() ({
      %run_scoped3A = tpu.sem_alloc : memref<!tpu.dma_semaphore, #tpu.memory_space<semaphore_mem>>
      %dma_start3A_1931 = arith.constant 0 : i32
      %dma_start3A_1932 = arith.constant 0 : i32
      %dma_start3A_1933 = tpu.memref_slice %arg10[%dma_start3A_1931, %dma_start3A_1932] : memref<125x80xf32, #tpu.memory_space<vmem>> -> memref<125x64xf32, #tpu.memory_space<vmem>>
      %dma_start3A_1934 = tpu.memref_slice %arg5[%add3A_1914, %mul3A_1921] : memref<10000x128xf32, #tpu.memory_space<hbm>> -> memref<125x64xf32, #tpu.memory_space<hbm>>
      %dma_start3A_1935 = tpu.memref_slice %arg5[%add3A_1914, %mul3A_1921] : memref<10000x128xf32, #tpu.memory_space<hbm>> -> memref<125x64xf32, #tpu.memory_space<hbm>>
      %dma_start3A_1936 = arith.constant 0 : i32
      %dma_start3A_1937 = arith.constant 0 : i32
      %dma_start3A_1938 = tpu.memref_slice %arg10[%dma_start3A_1936, %dma_start3A_1937] : memref<125x80xf32, #tpu.memory_space<vmem>> -> memref<125x64xf32, #tpu.memory_space<vmem>>
      tpu.enqueue_dma source(%dma_start3A_1938 : memref<125x64xf32, #tpu.memory_space<vmem>>) target(%dma_start3A_1935 : memref<125x64xf32, #tpu.memory_space<hbm>>) target_semaphore(%run_scoped3A : memref<!tpu.dma_semaphore, #tpu.memory_space<semaphore_mem>>)
      %dma_wait3A_1939 = arith.constant 0 : i32
      %dma_wait3A_1940 = arith.constant 0 : i32
      %dma_wait3A_1941 = tpu.memref_slice %arg10[%dma_wait3A_1939, %dma_wait3A_1940] : memref<125x80xf32, #tpu.memory_space<vmem>> -> memref<125x64xf32, #tpu.memory_space<vmem>>
      %dma_wait3A_1942 = tpu.memref_slice %arg5[%add3A_1914, %mul3A_1921] : memref<10000x128xf32, #tpu.memory_space<hbm>> -> memref<125x64xf32, #tpu.memory_space<hbm>>
      %dma_wait3A_1943 = tpu.memref_slice %arg5[%add3A_1914, %mul3A_1921] : memref<10000x128xf32, #tpu.memory_space<hbm>> -> memref<125x64xf32, #tpu.memory_space<hbm>>
      %dma_wait3A_1944 = arith.constant 0 : i32
      %dma_wait3A_1945 = arith.constant 0 : i32
      %dma_wait3A_1946 = tpu.memref_slice %arg10[%dma_wait3A_1944, %dma_wait3A_1945] : memref<125x80xf32, #tpu.memory_space<vmem>> -> memref<125x64xf32, #tpu.memory_space<vmem>>
      tpu.wait_dma2 semaphore(%run_scoped3A : memref<!tpu.dma_semaphore, #tpu.memory_space<semaphore_mem>>) src(%dma_wait3A_1946 : memref<125x64xf32, #tpu.memory_space<vmem>>) dst(%dma_wait3A_1943 : memref<125x64xf32, #tpu.memory_space<hbm>>)
      tpu.yield
    }) : () -> ()
    %add3A_1922 = arith.constant 500 : i32
    %add3A_1923 = arith.addi %mul3A_0, %add3A_1922 : i32
    "tpu.region"() ({
      %run_scoped3A = tpu.sem_alloc : memref<!tpu.dma_semaphore, #tpu.memory_space<semaphore_mem>>
      %dma_start3A_1931 = arith.constant 0 : i32
      %dma_start3A_1932 = tpu.memref_slice %arg11[%add3A_1923, %dma_start3A_1931] : memref<10000x80xf32, #tpu.memory_space<vmem_shared>> -> memref<125x80xf32, #tpu.memory_space<vmem_shared>>
      %dma_start3A_1933 = arith.constant 0 : i32
      %dma_start3A_1934 = tpu.memref_slice %arg11[%add3A_1923, %dma_start3A_1933] : memref<10000x80xf32, #tpu.memory_space<vmem_shared>> -> memref<125x80xf32, #tpu.memory_space<vmem_shared>>
      tpu.enqueue_dma source(%dma_start3A_1934 : memref<125x80xf32, #tpu.memory_space<vmem_shared>>) target(%arg10 : memref<125x80xf32, #tpu.memory_space<vmem>>) target_semaphore(%run_scoped3A : memref<!tpu.dma_semaphore, #tpu.memory_space<semaphore_mem>>)
      %dma_wait3A_1935 = arith.constant 0 : i32
      %dma_wait3A_1936 = tpu.memref_slice %arg11[%add3A_1923, %dma_wait3A_1935] : memref<10000x80xf32, #tpu.memory_space<vmem_shared>> -> memref<125x80xf32, #tpu.memory_space<vmem_shared>>
      %dma_wait3A_1937 = arith.constant 0 : i32
      %dma_wait3A_1938 = tpu.memref_slice %arg11[%add3A_1923, %dma_wait3A_1937] : memref<10000x80xf32, #tpu.memory_space<vmem_shared>> -> memref<125x80xf32, #tpu.memory_space<vmem_shared>>
      tpu.wait_dma2 semaphore(%run_scoped3A : memref<!tpu.dma_semaphore, #tpu.memory_space<semaphore_mem>>) src(%dma_wait3A_1938 : memref<125x80xf32, #tpu.memory_space<vmem_shared>>) dst(%arg10 : memref<125x80xf32, #tpu.memory_space<vmem>>)
      tpu.yield
    }) : () -> ()
    %scan3A_1924 = arith.constant 0 : i32
    %scan3A_1925 = arith.constant 125 : i32
    %scan3A_1926 = arith.addi %scan3A_1924, %scan3A_1925 : i32
    %scan3A_1927 = arith.constant 1 : i32
    scf.for %scan3A_1931 = %scan3A_1924 to %scan3A_1926 step %scan3A_1927  : i32 {
      %get3A = arith.index_cast %scan3A_1931 : i32 to index
      %get3A_1932 = arith.constant 64 : index
      %get3A_1933 = tpu.vector_load %arg10[%get3A, %get3A_1932] {strides = array<i32>} : memref<125x80xf32, #tpu.memory_space<vmem>>, vector<1x16xf32>,
      %get3A_1934 = vector.shape_cast %get3A_1933 : vector<1x16xf32> to vector<16xf32>
      %div3A = arith.constant 1.000000e+00 : f32
      %div3A_1935 = vector.broadcast %div3A : f32 to vector<16xf32>
      %div3A_1936 = arith.divf %div3A_1935, %get3A_1934 : vector<16xf32>
      %get3A_1937 = arith.index_cast %scan3A_1931 : i32 to index
      %get3A_1938 = arith.constant 0 : index
      %get3A_1939 = tpu.vector_load %arg10[%get3A_1937, %get3A_1938] {strides = array<i32>} : memref<125x80xf32, #tpu.memory_space<vmem>>, vector<1x16xf32>,
      %get3A_1940 = vector.shape_cast %get3A_1939 : vector<1x16xf32> to vector<16xf32>
      %mul3A_1941 = arith.mulf %get3A_1940, %div3A_1936 : vector<16xf32>
      %swap3A = arith.index_cast %scan3A_1931 : i32 to index
      %swap3A_1942 = arith.constant 0 : index
      %swap3A_1943 = tpu.vector_load %arg10[%swap3A, %swap3A_1942] {strides = array<i32>} : memref<125x80xf32, #tpu.memory_space<vmem>>, vector<1x16xf32>,
      %swap3A_1944 = vector.shape_cast %swap3A_1943 : vector<1x16xf32> to vector<16xf32>
      %swap3A_1945 = vector.shape_cast %mul3A_1941 : vector<16xf32> to vector<1x16xf32>
      tpu.vector_store %arg10[%swap3A, %swap3A_1942], %swap3A_1945 {strides = array<i32>} : memref<125x80xf32, #tpu.memory_space<vmem>>, vector<1x16xf32>,
      %get3A_1946 = arith.index_cast %scan3A_1931 : i32 to index
      %get3A_1947 = arith.constant 16 : index
      %get3A_1948 = tpu.vector_load %arg10[%get3A_1946, %get3A_1947] {strides = array<i32>} : memref<125x80xf32, #tpu.memory_space<vmem>>, vector<1x16xf32>,
      %get3A_1949 = vector.shape_cast %get3A_1948 : vector<1x16xf32> to vector<16xf32>
      %mul3A_1950 = arith.mulf %get3A_1949, %div3A_1936 : vector<16xf32>
      %swap3A_1951 = arith.index_cast %scan3A_1931 : i32 to index
      %swap3A_1952 = arith.constant 16 : index
      %swap3A_1953 = tpu.vector_load %arg10[%swap3A_1951, %swap3A_1952] {strides = array<i32>} : memref<125x80xf32, #tpu.memory_space<vmem>>, vector<1x16xf32>,
      %swap3A_1954 = vector.shape_cast %swap3A_1953 : vector<1x16xf32> to vector<16xf32>
      %swap3A_1955 = vector.shape_cast %mul3A_1950 : vector<16xf32> to vector<1x16xf32>
      tpu.vector_store %arg10[%swap3A_1951, %swap3A_1952], %swap3A_1955 {strides = array<i32>} : memref<125x80xf32, #tpu.memory_space<vmem>>, vector<1x16xf32>,
      %get3A_1956 = arith.index_cast %scan3A_1931 : i32 to index
      %get3A_1957 = arith.constant 32 : index
      %get3A_1958 = tpu.vector_load %arg10[%get3A_1956, %get3A_1957] {strides = array<i32>} : memref<125x80xf32, #tpu.memory_space<vmem>>, vector<1x16xf32>,
      %get3A_1959 = vector.shape_cast %get3A_1958 : vector<1x16xf32> to vector<16xf32>
      %mul3A_1960 = arith.mulf %get3A_1959, %div3A_1936 : vector<16xf32>
      %swap3A_1961 = arith.index_cast %scan3A_1931 : i32 to index
      %swap3A_1962 = arith.constant 32 : index
      %swap3A_1963 = tpu.vector_load %arg10[%swap3A_1961, %swap3A_1962] {strides = array<i32>} : memref<125x80xf32, #tpu.memory_space<vmem>>, vector<1x16xf32>,
      %swap3A_1964 = vector.shape_cast %swap3A_1963 : vector<1x16xf32> to vector<16xf32>
      %swap3A_1965 = vector.shape_cast %mul3A_1960 : vector<16xf32> to vector<1x16xf32>
      tpu.vector_store %arg10[%swap3A_1961, %swap3A_1962], %swap3A_1965 {strides = array<i32>} : memref<125x80xf32, #tpu.memory_space<vmem>>, vector<1x16xf32>,
      %get3A_1966 = arith.index_cast %scan3A_1931 : i32 to index
      %get3A_1967 = arith.constant 48 : index
      %get3A_1968 = tpu.vector_load %arg10[%get3A_1966, %get3A_1967] {strides = array<i32>} : memref<125x80xf32, #tpu.memory_space<vmem>>, vector<1x16xf32>,
      %get3A_1969 = vector.shape_cast %get3A_1968 : vector<1x16xf32> to vector<16xf32>
      %mul3A_1970 = arith.mulf %get3A_1969, %div3A_1936 : vector<16xf32>
      %swap3A_1971 = arith.index_cast %scan3A_1931 : i32 to index
      %swap3A_1972 = arith.constant 48 : index
      %swap3A_1973 = tpu.vector_load %arg10[%swap3A_1971, %swap3A_1972] {strides = array<i32>} : memref<125x80xf32, #tpu.memory_space<vmem>>, vector<1x16xf32>,
      %swap3A_1974 = vector.shape_cast %swap3A_1973 : vector<1x16xf32> to vector<16xf32>
      %swap3A_1975 = vector.shape_cast %mul3A_1970 : vector<16xf32> to vector<1x16xf32>
      tpu.vector_store %arg10[%swap3A_1971, %swap3A_1972], %swap3A_1975 {strides = array<i32>} : memref<125x80xf32, #tpu.memory_space<vmem>>, vector<1x16xf32>,
    }
    %scan3A_1928 = arith.constant 125 : i32
    %mul3A_1929 = arith.constant 64 : i32
    %mul3A_1930 = arith.muli %arg0, %mul3A_1929 : i32
    "tpu.region"() ({
      %run_scoped3A = tpu.sem_alloc : memref<!tpu.dma_semaphore, #tpu.memory_space<semaphore_mem>>
      %dma_start3A_1931 = arith.constant 0 : i32
      %dma_start3A_1932 = arith.constant 0 : i32
      %dma_start3A_1933 = tpu.memref_slice %arg10[%dma_start3A_1931, %dma_start3A_1932] : memref<125x80xf32, #tpu.memory_space<vmem>> -> memref<125x64xf32, #tpu.memory_space<vmem>>
      %dma_start3A_1934 = tpu.memref_slice %arg5[%add3A_1923, %mul3A_1930] : memref<10000x128xf32, #tpu.memory_space<hbm>> -> memref<125x64xf32, #tpu.memory_space<hbm>>
      %dma_start3A_1935 = tpu.memref_slice %arg5[%add3A_1923, %mul3A_1930] : memref<10000x128xf32, #tpu.memory_space<hbm>> -> memref<125x64xf32, #tpu.memory_space<hbm>>
      %dma_start3A_1936 = arith.constant 0 : i32
      %dma_start3A_1937 = arith.constant 0 : i32
      %dma_start3A_1938 = tpu.memref_slice %arg10[%dma_start3A_1936, %dma_start3A_1937] : memref<125x80xf32, #tpu.memory_space<vmem>> -> memref<125x64xf32, #tpu.memory_space<vmem>>
      tpu.enqueue_dma source(%dma_start3A_1938 : memref<125x64xf32, #tpu.memory_space<vmem>>) target(%dma_start3A_1935 : memref<125x64xf32, #tpu.memory_space<hbm>>) target_semaphore(%run_scoped3A : memref<!tpu.dma_semaphore, #tpu.memory_space<semaphore_mem>>)
      %dma_wait3A_1939 = arith.constant 0 : i32
      %dma_wait3A_1940 = arith.constant 0 : i32
      %dma_wait3A_1941 = tpu.memref_slice %arg10[%dma_wait3A_1939, %dma_wait3A_1940] : memref<125x80xf32, #tpu.memory_space<vmem>> -> memref<125x64xf32, #tpu.memory_space<vmem>>
      %dma_wait3A_1942 = tpu.memref_slice %arg5[%add3A_1923, %mul3A_1930] : memref<10000x128xf32, #tpu.memory_space<hbm>> -> memref<125x64xf32, #tpu.memory_space<hbm>>
      %dma_wait3A_1943 = tpu.memref_slice %arg5[%add3A_1923, %mul3A_1930] : memref<10000x128xf32, #tpu.memory_space<hbm>> -> memref<125x64xf32, #tpu.memory_space<hbm>>
      %dma_wait3A_1944 = arith.constant 0 : i32
      %dma_wait3A_1945 = arith.constant 0 : i32
      %dma_wait3A_1946 = tpu.memref_slice %arg10[%dma_wait3A_1944, %dma_wait3A_1945] : memref<125x80xf32, #tpu.memory_space<vmem>> -> memref<125x64xf32, #tpu.memory_space<vmem>>
      tpu.wait_dma2 semaphore(%run_scoped3A : memref<!tpu.dma_semaphore, #tpu.memory_space<semaphore_mem>>) src(%dma_wait3A_1946 : memref<125x64xf32, #tpu.memory_space<vmem>>) dst(%dma_wait3A_1943 : memref<125x64xf32, #tpu.memory_space<hbm>>)
      tpu.yield
    }) : () -> ()
    return
  }
}

</mosaic_0001>

<sc_bundles>
// kernel: kernel.3.cloned.1.call-start
scs
__scs_entry_jumppad:
0x0: {  	(pc) =	sbr.rel $0x88, $3  }
0x1: {  	(tag) =	ssettag $0x0;
	lr =	simm.s32 $0x1  }
0x2: {  	[smem:$0x3F9F] =	sst lr;
	_ =	strace $0xD0000000  }
0x3: {  	_ = 	snop  }
0x4: {  	_ = 	snop  }
0x5: {  	_ = 	snop  }
0x6: {  	_ = 	snop  }
0x7: {  	_ = 	snop  }
__scs_overlays_trampoline_lowered:
0x8: {  	[smem:$0x3FAE] =	sst s0  }
0x9: {  	[smem:$0x3FAF] =	sst s1  }
0xa: {  	[smem:$0x3FB0] =	sst s2  }
0xb: {  	[smem:$0x3FB1] =	sst s3  }
0xc: {  	[smem:$0x3FB2] =	sst s4  }
0xd: {  	[smem:$0x3FB3] =	sst s5  }
0xe: {  	[smem:$0x3FB4] =	sst s6  }
0xf: {  	[smem:$0x3FB5] =	sst s7  }
0x10: {  	[smem:$0x3FB6] =	sst s8  }
0x11: {  	[smem:$0x3FB7] =	sst s9;
	s0 =	simm.s32 @!p0 $0x0  }
0x12: {  	s1 =	sld [smem:$0x3F9D];
	s0 =	simm.s32 @p0 $0x1  }
0x13: {  	[smem:$0x3FB8] =	sst s0;
	s0 =	simm.s32 @!p1 $0x0  }
0x14: {  	s2 =	sld [smem:$0x3F9C];
	s0 =	simm.s32 @p1 $0x1  }
0x15: {  	[smem:$0x3FB9] =	sst s0;
	s0 =	simm.s32 @!p2 $0x0  }
0x16: {  	s3 =	sld [smem:$0x3FDB];
	s0 =	simm.s32 @p2 $0x1  }
0x17: {  	s4 =	simm.s32 $0x1BF5;
	[smem:$0x3FBB] =	sst s0  }
0x18: {  	s0 =	sld [smem:$0x3F9E];
	_ =	swait.ge [sflag:s4], $0x0  }
0x19: {  	s7 =	sld [smem:$0x3F9F]  }
0x1a: {  	s8 =	sadd.s32 $0xFFFFE003, lr  }
0x1b: {  	s9 =	sadd.s32 $0xFFFFFEF7, lr;
	s5 =	simm.s32 $0xFFFFFFFF;
	p2 =	slt.u32 s8, $0xFFFFF086  }
0x1c: {  	p1 =	slt.u32 s9, $0xF7A;
	s5 =	simm.s32 @!p2 $0x0  }
0x1d: {  	s5 =	simm.s32 @p1 $0x1;
	p0 =	seq.s32 s7, s2  }
0x1e: {  	s7 =	smul.u32 @!p0 $0xF7A, s2;
	p2 =	seq.s32 @!p0 s5, $0x0  }
0x1f: {  	s9 =	smul.u32 $0xF7A, s1;
	s8 =	simm.s32 @!p0 $0x1BF5;
	p2 =	por !p2, p0  }
0x20: {  	[sflag:s8] =	ssyncset.s32 @!p0 $0xFFFFF086;
	s6 =	sadd.s32 @!p0 s3, s7;
	s7 =	simm.s32 @!p0 $0x108  }
0x21: {  	s3 =	sadd.s32 s3, s9;
	s6 =	sadd.s32 @!p0 $0x88, s6;
	s7 =	simm.s32 @p2 $0x1082  }
0x22: {  	[simem:s7], [sflag:s8] =	dma.local @!p0 [hbm:s6], $0xF7A  }
0x23: {  	s9 =	sor.u32 $0xD0000000, s2;
	s6 =	simm.s32 $0x108;
	_ =	swait.ge @!p0 [sflag:s8], $0x0  }
0x24: {  	s3 =	sadd.s32 $0x88, s3;
	s6 =	simm.s32 @!p1 $0x1082;
	[sflag:s4] =	ssyncset.s32 $0xFFFFF086  }
0x25: {  	[simem:s6], [sflag:s4] =	dma.local [hbm:s3], $0xF7A  }
0x26: {  	[smem:$0x3F9F] =	sst s1;
	(tag) =	ssettag s2;
	_ =	strace s9  }
0x27: {  	s1 =	sld [smem:$0x3FAF]  }
0x28: {  	s2 =	sld [smem:$0x3FB0]  }
0x29: {  	s4 =	sld [smem:$0x3FB2]  }
0x2a: {  	p0 =	seq.s32 s5, $0x0;
	s5 =	sld [smem:$0x3FB3]  }
0x2b: {  	s6 =	sld [smem:$0x3FB4]  }
0x2c: {  	s7 =	sld [smem:$0x3FB5]  }
0x2d: {  	s3 =	simm.s32 $0x108;
	s8 =	sld [smem:$0x3FB6]  }
0x2e: {  	s3 =	simm.s32 @!p0 $0x1082;
	s9 =	sld [smem:$0x3FB7]  }
0x2f: {  	lr =	sadd.s32 s0, s3;
	s0 =	sld [smem:$0x3FAE]  }
0x30: {  	s3 =	sld [smem:$0x3FB1]  }
0x31: {  	[smem:$0x3FBA] =	sst s10  }
0x32: {  	s10 =	sld [smem:$0x3FB8];
	_ =	sdelay $0x3  }
0x33: {  	p0 =	seq.s32 s10, $0x1;
	s10 =	sld [smem:$0x3FBA];
	_ =	sdelay $0x3  }
0x34: {  	[smem:$0x3FBA] =	sst s10  }
0x35: {  	s10 =	sld [smem:$0x3FB9];
	_ =	sdelay $0x3  }
0x36: {  	p1 =	seq.s32 s10, $0x1;
	s10 =	sld [smem:$0x3FBA];
	_ =	sdelay $0x3  }
0x37: {  	[smem:$0x3FBA] =	sst s10  }
0x38: {  	s10 =	sld [smem:$0x3FBB]  }
0x39: {  	_ = 	snop;
	(pc) =	sbr.ind lr, $3  }
0x3a: {  	_ = 	snop  }
0x3b: {  	_ = 	snop  }
0x3c: {  	p2 =	seq.s32 s10, $0x1;
	s10 =	sld [smem:$0x3FBA]  }
0x3d: {  	_ =	shalt  }
0x3e: {  	_ =	shalt  }
0x3f: {  	_ =	shalt  }
0x40: {  	_ =	shalt  }
0x41: {  	_ =	shalt  }
0x42: {  	_ =	shalt  }
0x43: {  	_ =	shalt  }
0x44: {  	_ =	shalt  }
0x45: {  	_ =	shalt  }
0x46: {  	_ =	shalt  }
0x47: {  	_ =	shalt  }
0x48: {  	_ =	shalt  }
0x49: {  	_ =	shalt  }
0x4a: {  	_ =	shalt  }
0x4b: {  	_ =	shalt  }
0x4c: {  	_ =	shalt  }
0x4d: {  	_ =	shalt  }
0x4e: {  	_ =	shalt  }
0x4f: {  	_ =	shalt  }
0x50: {  	_ =	shalt  }
0x51: {  	_ =	shalt  }
0x52: {  	_ =	shalt  }
0x53: {  	_ =	shalt  }
0x54: {  	_ =	shalt  }
0x55: {  	_ =	shalt  }
0x56: {  	_ =	shalt  }
0x57: {  	_ =	shalt  }
0x58: {  	_ =	shalt  }
0x59: {  	_ =	shalt  }
0x5a: {  	_ =	shalt  }
0x5b: {  	_ =	shalt  }
0x5c: {  	_ =	shalt  }
0x5d: {  	_ =	shalt  }
0x5e: {  	_ =	shalt  }
0x5f: {  	_ =	shalt  }
0x60: {  	_ =	shalt  }
0x61: {  	_ =	shalt  }
0x62: {  	_ =	shalt  }
0x63: {  	_ =	shalt  }
0x64: {  	_ =	shalt  }
0x65: {  	_ =	shalt  }
0x66: {  	_ =	shalt  }
0x67: {  	_ =	shalt  }
0x68: {  	_ =	shalt  }
0x69: {  	_ =	shalt  }
0x6a: {  	_ =	shalt  }
0x6b: {  	_ =	shalt  }
0x6c: {  	_ =	shalt  }
0x6d: {  	_ =	shalt  }
0x6e: {  	_ =	shalt  }
0x6f: {  	_ =	shalt  }
0x70: {  	_ =	shalt  }
0x71: {  	_ =	shalt  }
0x72: {  	_ =	shalt  }
0x73: {  	_ =	shalt  }
0x74: {  	_ =	shalt  }
0x75: {  	_ =	shalt  }
0x76: {  	_ =	shalt  }
0x77: {  	_ =	shalt  }
0x78: {  	_ =	shalt  }
0x79: {  	_ =	shalt  }
0x7a: {  	_ =	shalt  }
0x7b: {  	_ =	shalt  }
0x7c: {  	_ =	shalt  }
0x7d: {  	_ =	shalt  }
0x7e: {  	_ =	shalt  }
0x7f: {  	_ =	shalt  }
0x80: {  	_ =	shalt  }
0x81: {  	_ =	shalt  }
0x82: {  	_ =	shalt  }
0x83: {  	_ =	shalt  }
0x84: {  	_ =	shalt  }
0x85: {  	_ =	shalt  }
0x86: {  	_ =	shalt  }
0x87: {  	_ =	shalt  }
.Lfunc_end0:
.L_simem_size_0:
called_computation_lowered:
.L_overlay_start_0:
0x88: {  	s2 =	sld [smem:$0x3FD9]  }
0x89: {  	s3 =	sld [smem:$0x3FFE];
	_ =	sdelay $0x1  }
0x8a: {  	s1 =	srdreg.scid  }
0x8b: {  	s0 =	sand.u32 $0x1, s1  }
0x8c: {  	s17 =	sshll.u32 s0, $0xA;
	s2 =	sadd.s32 s3, s2  }
0x8d: {  	s2 =	sadd.s32 s2, s17  }
0x8e: {  	[smem:$0x3FC6] =	sst s2  }
0x8f: {  	_ = 	snop  }
0x90: {  	s2 =	sld [smem:$0x3FC9]  }
0x91: {  	s18 =	sld [smem:$0x3FD0];
	(tm) =	ssettm $0x1  }
0x92: {  	s4 =	sld [smem:$0x3FFB];
	_ =	sdelay $0x3  }
0x93: {  	_ =	strace s4  }
0x94: {  	s4 =	sld [smem:$0x3FFC];
	_ =	sdelay $0x3  }
0x95: {  	_ =	strace s4  }
0x96: {  	s4 =	sld [smem:$0x3FFD];
	_ =	sdelay $0x3  }
0x97: {  	_ =	strace s4  }
0x98: {  	_ =	strace $0x8FFFFFFF  }
0x99: {  	s19 =	sld [smem:$0x3FDB];
	_ =	sdelay $0x1  }
0x9a: {  	s5 =	simm.s32 $_scs_section_size  }
0x9b: {  	s6 =	simm.s32 $_size__tile_overlayer_lowered;
	s7 =	simm.s32 $_tile_overlayer_lowered  }
0x9c: {  	s22 =	simm.s32 $0x1BFF;
	s21 =	sshll.u32 s7, $0x1;
	s4 =	sadd.s32 s5, s19  }
0x9d: {  	s8 =	simm.s32 $0x0;
	s20 =	sshll.u32 s6, $0x1;
	s6 =	sadd.s32 s21, s4  }
0x9e: {  	[timem:s8], [sflag:s22] =	dma.local [hbm:s6], s20  }
0x9f: {  	_ =	swait.ge [sflag:s22], s20  }
0xa0: {  	s5 =	ssub.s32 $0x0, s20;
	[sflag:s22] =	ssyncset.done $0x0  }
0xa1: {  	[sflag:s22] =	ssyncadd.s32 s5;
	_ =	sdelay $0x1  }
0xa2: {  	s23 =	simm.s32 $0x1B8B  }
0xa3: {  	_ =	swait.ge [sflag:s23], $0x1  }
0xa4: {  	[sflag:s23] =	ssyncset.done $0x0  }
0xa5: {  	s25 =	simm.s32 $0x1B8E;
	s24 =	sld [smem:$0x3FFE];
	[sflag:s23] =	ssyncadd.s32 $0xFFFFFFFF  }
0xa6: {  	s26 =	simm.s32 $execute0_lowered;
	[smem:$0x3FD2] =	sst s25  }
0xa7: {  	s6 =	sshll.u32 s26, $0x1;
	_ =	strace $0x80000046;
	[dreg:$0x1] =	wrdreg $0xFFFFFFFF  }
0xa8: {  	s28 =	simm.s32 $_size_execute0_lowered;
	s4 =	sadd.s32 s4, s6;
	[dreg:$0x0] =	wrdreg $0x0  }
0xa9: {  	s6 =	sshll.u32 s28, $0x1;
	[dreg:$0x2] =	wrdreg s4  }
0xaa: {  	[dreg:$0x3] =	wrdreg s6  }
0xab: {  	[dreg:$0x4] =	wrdreg $0xC0  }
0xac: {  	_ =	task [dreg:s8], $0x5FFFF  }
0xad: {  	[dreg:$0x1] =	wrdreg $0xFFFFFFFF  }
0xae: {  	[dreg:$0x0] =	wrdreg $0x60  }
0xaf: {  	[dreg:$0x2] =	wrdreg s2  }
0xb0: {  	[dreg:$0x3] =	wrdreg s24  }
0xb1: {  	[dreg:$0x4] =	wrdreg s18  }
0xb2: {  	[dreg:$0x5] =	wrdreg $0x134900  }
0xb3: {  	[dreg:$0x6] =	wrdreg $0x9  }
0xb4: {  	_ =	task.clear_ibuf [dreg:s8], $0x7FFFF;
	_ =	strace $0x90000046  }
0xb5: {  	s29 =	simm.s32 $0x9;
	_ =	strace $0x80000048  }
0xb6: {  	_ =	swait.ge [sflag:s29], $0x1  }
0xb7: {  	[sflag:s29] =	ssyncadd.s32 $0xFFFFFFFF  }
0xb8: {  	_ =	strace $0x90000048  }
0xb9: {  	_ =	sfence  }
0xba: {  	s30 =	sld [smem:$0x0];
	_ =	sdelay $0x2  }
0xbb: {  	s31 =	sshll.u32 s1, $0xD;
	s1 =	sshrl.u32 s1, $0x2  }
0xbc: {  	s3 =	sand.u32 $0x4000, s31;
	s1 =	sadd.s32 s1, s30  }
0xbd: {  	s0 =	sor.u32 s3, s0;
	s1 =	sshll.u32 s1, $0x11  }
0xbe: {  	s0 =	sor.u32 s1, s0  }
0xbf: {  	s0 =	sadd.s32 $0x8F2B, s0  }
0xc0: {  	[sflag:s0] =	ssyncadd.remote.s32 $0x1  }
0xc1: {  	_ =	sfence.sel $0xFFFF  }
0xc2: {  	[dreg:$0x0] =	wrdreg $0xFFFFFFFF;
	(pc) =	sbr.abs _section_cstart, $3  }
0xc3: {  	[dreg:$0x1] =	wrdreg $0xFFFFFFFF  }
0xc4: {  	_ =	task.clear_ibuf [dreg:s8], $0x2FFFF;
	_ =	strace $0x9FFFFFFF  }
0xc5: {  	(tm) =	ssettm $0x7FFFFFFF  }
tec
execute0_lowered:
.L_overlay_start_1:
0x0: {  	(tag) =	ssettag $0x1  }
0x1: {  	s9 =	rddreg [dreg:$0x0]  }
0x2: {  	s4 =	rddreg [dreg:$0x1]  }
0x3: {  	s11 =	rddreg [dreg:$0x2]  }
0x4: {  	s0 =	srdreg.scid;
	s24 =	stileid.u32;
	s1 =	simm.s32 $0x0  }
0x5: {  	s28 =	rddreg [dreg:$0x3];
	s12 =	sand.u32 $0x1, s0;
	s13 =	smul.u32 $0x271, s24  }
0x6: {  	[smem:$0x7FF] =	sst s1;
	s10 =	sadd.s32 $0xA400, s4;
	s3 =	smul.u32 $0x13880, s24  }
0x7: {  	s14 =	sadd.s32 $0x14800, s4;
	s2 =	smul.u32 $0x2710, s12;
	s0 =	ssub.s32 $0x2, s12  }
0x8: {  	s15 =	sshll.u32 s12, $0x6;
	s12 =	smul.u32 $0x186A0, s12;
	s5 =	sshrl.u32 s0, $0x1  }
0x9: {  	s7 =	sor.u32 s15, s3;
	s21 =	sshll.u32 s13, $0x7;
	s0 =	ssub.s32 s0, s5  }
0xa: {  	s2 =	sadd.s32 s13, s2;
	s16 =	sshrl.u32 s7, $0x3;
	s3 =	sadd.s32 $0x3200, s7  }
0xb: {  	s6 =	sadd.s32 $0x6400, s7;
	s20 =	sadd.s32 $0x9600, s7;
	s17 =	sadd.s32 $0xC800, s7  }
0xc: {  	s12 =	sadd.s32 s14, s12;
	s18 =	smul.u32 $0xA, s2;
	s3 =	sshrl.u32 s3, $0x3  }
0xd: {  	s8 =	smul.u32 $0x50, s2;
	s2 =	sadd.s32 s9, s16;
	s6 =	sshrl.u32 s6, $0x3  }
0xe: {  	s22 =	sshrl.u32 s17, $0x3;
	s3 =	sadd.s32 s9, s3;
	s5 =	sadd.s32 s14, s18  }
0xf: {  	s19 =	sshrl.u32 s8, $0x3;
	[dreg:$0x5] =	wrdreg s5;
	s5 =	sadd.s32 s9, s6  }
0x10: {  	s18 =	sadd.s32 s14, s19;
	s6 =	sshrl.u32 s20, $0x3;
	s19 =	sor.u32 s15, s21  }
0x11: {  	s20 =	sadd.s32 $0x12C00, s7;
	s21 =	smul.u32 $0x5140, s24;
	s7 =	sadd.s32 s9, s22  }
0x12: {  	s22 =	sadd.s32 $0x7D, s13;
	s6 =	sadd.s32 s9, s6;
	s23 =	sadd.s32 $0xFA00, s19  }
0x13: {  	s20 =	sshrl.u32 s20, $0x3;
	s31 =	sshll.u32 s22, $0x7;
	s17 =	sshrl.u32 s23, $0x3  }
0x14: {  	s21 =	sshrl.u32 s21, $0x3;
	s14 =	sor.u32 s15, s31;
	s8 =	sadd.s32 s9, s17  }
0x15: {  	s9 =	sadd.s32 s9, s20;
	s20 =	smul.u32 $0x140, s22;
	s25 =	sadd.s32 $0x34, s21  }
0x16: {  	s26 =	sadd.s32 $0x68, s21;
	s14 =	sshrl.u32 s14, $0x3;
	s17 =	sadd.s32 s11, s17  }
0x17: {  	s23 =	sadd.s32 s10, s25;
	s13 =	sadd.s32 s4, s25;
	s14 =	sadd.s32 s11, s14  }
0x18: {  	s22 =	sadd.s32 s10, s26;
	s25 =	sadd.s32 $0x9C, s21;
	[dreg:$0x6] =	wrdreg s23  }
0x19: {  	s26 =	sadd.s32 s4, s26;
	[dreg:$0x7] =	wrdreg s13;
	s13 =	sadd.s32 s11, s16  }
0x1a: {  	s16 =	sadd.s32 $0x7D00, s19;
	s19 =	sadd.s32 $0xBB80, s19;
	[dreg:$0x8] =	wrdreg s22  }
0x1b: {  	[dreg:$0x9] =	wrdreg s26;
	s31 =	sadd.s32 s10, s25;
	s22 =	sadd.s32 s4, s21  }
0x1c: {  	s23 =	sadd.s32 $0xD0, s21;
	s15 =	sshrl.u32 s16, $0x3;
	[dreg:$0xa] =	wrdreg s31  }
0x1d: {  	s16 =	sshrl.u32 s19, $0x3;
	s19 =	sadd.s32 s10, s21;
	[dreg:$0xd] =	wrdreg s22  }
0x1e: {  	s26 =	sadd.s32 s10, s23;
	s15 =	sadd.s32 s11, s15;
	[dreg:$0xc] =	wrdreg s19  }
0x1f: {  	s16 =	sadd.s32 s11, s16;
	s11 =	sadd.s32 s4, s25;
	[dreg:$0xe] =	wrdreg s26  }
0x20: {  	s25 =	sadd.s32 $0x104, s21;
	[dreg:$0xb] =	wrdreg s11;
	s11 =	sadd.s32 s4, s23  }
0x21: {  	s29 =	simm.s32 $0xA;
	s22 =	sadd.s32 s10, s25;
	[dreg:$0xf] =	wrdreg s11  }
0x22: {  	s31 =	smul.u32 $0xA28, s24;
	s23 =	sadd.s32 s4, s25;
	[dreg:$0x10] =	wrdreg s22  }
0x23: {  	[dreg:$0x11] =	wrdreg s23;
	s11 =	smul.u32 $0x30D40, s24;
	s24 =	sadd.s32 $0x3E8, s18  }
0x24: {  	s25 =	sadd.s32 $0x7D0, s18;
	_ =	strace $0x80000047;
	[dreg:$0x12] =	wrdreg s24  }
0x25: {  	s26 =	sadd.s32 $0xBB8, s18;
	s4 =	sadd.s32 s31, s4;
	[dreg:$0x13] =	wrdreg s25  }
0x26: {  	s10 =	sadd.s32 s31, s10;
	s31 =	sadd.s32 $0xFA0, s18;
	[dreg:$0x14] =	wrdreg s26  }
0x27: {  	s30 =	simm.s32 $0x10D80;
	s21 =	sadd.s32 $0x1388, s18;
	[dreg:$0x15] =	wrdreg s31  }
0x28: {  	s18 =	sadd.s32 $0x1770, s18;
	s23 =	sshrl.u32 s20, $0x2;
	[dreg:$0x16] =	wrdreg s21  }
0x29: {  	s0 =	smax.u32 s0, $0x1;
	[dreg:$0x17] =	wrdreg s18;
	s20 =	sadd.s32 s23, s28  }
0x2a: {  	[dreg:$0x1d] =	wrdreg s0;
	s26 =	sadd.s32 $0x138, s4;
	s31 =	sadd.s32 $0x138, s10  }
0x2b: {  	s22 =	sshrl.u32 s11, $0x2;
	s24 =	sadd.s32 $0x13880, s11;
	[dreg:$0x1e] =	wrdreg s26  }
0x2c: {  	s25 =	sadd.s32 $0x1D4C0, s11;
	s11 =	sadd.s32 $0x27100, s11;
	[dreg:$0x1f] =	wrdreg s31  }
0x2d: {  	[dreg:$0x19] =	wrdreg s20;
	s21 =	sadd.s32 s22, s28;
	s18 =	sshrl.u32 s24, $0x2  }
0x2e: {  	s19 =	sshrl.u32 s25, $0x2;
	s22 =	sadd.s32 s18, s28;
	[dreg:$0x18] =	wrdreg s21  }
0x2f: {  	s11 =	sshrl.u32 s11, $0x2;
	s19 =	sadd.s32 s19, s28;
	[dreg:$0x1a] =	wrdreg s22  }
0x30: {  	s10 =	simm.s32 $0x0;
	s23 =	sadd.s32 s11, s28;
	[dreg:$0x1b] =	wrdreg s19  }
0x31: {  	v0 =	vimm.f32 $1.000000000e+00;
	v1 =	vimm.f32 $0.0e+00;
	s26 =	simm.s32 $0x64;
	s24 =	simm.s32 $0x9;
	[dreg:$0x1c] =	wrdreg s23  }
.LBB2_1:
0x32: {  	s0 =	simm.s32 $0x0  }
.LBB2_2:
0x33: {  	p0 =	sne.s32 s0, $0x7BC0  }
.Ltmp0:
0x34: {  	_ = 	snop;
	(pc) =	sbr.rel @p0 .LBB2_2-.Ltmp0, $4  }
0x35: {  	_ = 	snop  }
0x36: {  	s4 =	sshra.s32 s0, $0x2  }
0x37: {  	[tilespmem:s4+$0x13C0] =	vst v0  }
0x38: {  	s0 =	sadd.s32 $0x140, s0;
	[tilespmem:s4+$0x3300] =	vst v0  }
0x39: {  	s0 =	simm.s32 $0x1380  }
0x3a: {  	s4 =	simm.s32 $0x10;
	s18 =	sadd.s32 $0x0, s2;
	s11 =	simm.s32 $0x13D0  }
.LBB2_4:
0x3b: {  	[tilespmem:s0], [sflag:$0x1] =	stream.linear.gather [hbm4b:s18+s1], $0x40, $0x38;
	[tilespmem:$0x1F7E0] =	vst v63  }
0x3c: {  	s18 =	smov.u32 s4;
	s0 =	smov.u32 s11;
	p0 =	sne.s32 s4, $0x630  }
.Ltmp1:
0x3d: {  	s4 =	sadd.s32 $0x10, s4;
	(pc) =	sbr.rel @p0 .LBB2_4-.Ltmp1, $2  }
0x3e: {  	_ =	sdelay $0x2  }
0x3f: {  	s11 =	sadd.s32 $0x50, s11;
	s18 =	sadd.s32 s18, s2  }
0x40: {  	[tilespmem:s0], [sflag:$0x1] =	stream.linear.gather [hbm4b:s18+s1], $0x40, $0x38;
	[tilespmem:$0x1F7E0] =	vst v63  }
0x41: {  	[smem:$0x7FD] =	sst s10;
	s0 =	simm.s32 $0x32C0  }
0x42: {  	s4 =	simm.s32 $0x10;
	s18 =	sadd.s32 $0x0, s3;
	s11 =	simm.s32 $0x3310  }
.LBB2_6:
0x43: {  	[tilespmem:s0], [sflag:$0x2] =	stream.linear.gather [hbm4b:s18+s1], $0x40, $0x38;
	[tilespmem:$0x1F7E0] =	vst v63  }
0x44: {  	s18 =	smov.u32 s4;
	s0 =	smov.u32 s11;
	p0 =	sne.s32 s4, $0x630  }
.Ltmp2:
0x45: {  	s4 =	sadd.s32 $0x10, s4;
	(pc) =	sbr.rel @p0 .LBB2_6-.Ltmp2, $2  }
0x46: {  	_ =	sdelay $0x2  }
0x47: {  	s11 =	sadd.s32 $0x50, s11;
	s18 =	sadd.s32 s18, s3  }
0x48: {  	[tilespmem:s0], [sflag:$0x2] =	stream.linear.gather [hbm4b:s18+s1], $0x40, $0x38;
	[tilespmem:$0x1F7E0] =	vst v63  }
0x49: {  	s31 =	simm.s32 $0x1  }
0x4a: {  	_ =	swait.ge [sflag:s31], $0x1900  }
0x4b: {  	s4 =	simm.s32 $0x0;
	[sflag:s31] =	ssyncset.done $0x0  }
0x4c: {  	s0 =	simm.s32 $0x1380;
	s10 =	rddreg [dreg:$0x5];
	[sflag:s31] =	ssyncadd.s32 $0xFFFFE700  }
0x4d: {  	[hbm4b:s10+s4] =	stream.linear.scatter [tilespmem:s0], [sflag:$0x9], $0x1F40, $0x38;
	[tilespmem:$0x1F7E0] =	vst v63  }
0x4e: {  	_ =	swait.ge [sflag:s24], $0x1F40  }
0x4f: {  	s18 =	sadd.s32 $0x0, s5;
	[sflag:s24] =	ssyncset.done $0x0  }
0x50: {  	s11 =	simm.s32 $0x13D0;
	s4 =	simm.s32 $0x10;
	[sflag:s24] =	ssyncadd.s32 $0xFFFFE0C0  }
.LBB2_8:
0x51: {  	[tilespmem:s0], [sflag:$0x1] =	stream.linear.gather [hbm4b:s18+s1], $0x40, $0x38;
	[tilespmem:$0x1F7E0] =	vst v63  }
0x52: {  	s18 =	smov.u32 s4;
	s0 =	smov.u32 s11;
	p0 =	sne.s32 s4, $0x630  }
.Ltmp3:
0x53: {  	s4 =	sadd.s32 $0x10, s4;
	(pc) =	sbr.rel @p0 .LBB2_8-.Ltmp3, $2  }
0x54: {  	_ =	sdelay $0x2  }
0x55: {  	s11 =	sadd.s32 $0x50, s11;
	s18 =	sadd.s32 s18, s5  }
0x56: {  	[tilespmem:s0], [sflag:$0x1] =	stream.linear.gather [hbm4b:s18+s1], $0x40, $0x38;
	[tilespmem:$0x1F7E0] =	vst v63  }
0x57: {  	s31 =	simm.s32 $0x2  }
0x58: {  	_ =	swait.ge [sflag:s31], $0x1900  }
0x59: {  	s4 =	simm.s32 $0x0;
	[sflag:s31] =	ssyncset.done $0x0  }
0x5a: {  	s0 =	simm.s32 $0x32C0;
	s10 =	rddreg [dreg:$0x12];
	[sflag:s31] =	ssyncadd.s32 $0xFFFFE700  }
0x5b: {  	[hbm4b:s10+s4] =	stream.linear.scatter [tilespmem:s0], [sflag:$0xA], $0x1F40, $0x38;
	[tilespmem:$0x1F7E0] =	vst v63  }
0x5c: {  	_ =	swait.ge [sflag:s29], $0x1F40  }
0x5d: {  	s18 =	sadd.s32 $0x0, s6;
	[sflag:s29] =	ssyncset.done $0x0  }
0x5e: {  	s11 =	simm.s32 $0x3310;
	s4 =	simm.s32 $0x10;
	[sflag:s29] =	ssyncadd.s32 $0xFFFFE0C0  }
.LBB2_10:
0x5f: {  	[tilespmem:s0], [sflag:$0x2] =	stream.linear.gather [hbm4b:s18+s1], $0x40, $0x38;
	[tilespmem:$0x1F7E0] =	vst v63  }
0x60: {  	s18 =	smov.u32 s4;
	s0 =	smov.u32 s11;
	p0 =	sne.s32 s4, $0x630  }
.Ltmp4:
0x61: {  	s4 =	sadd.s32 $0x10, s4;
	(pc) =	sbr.rel @p0 .LBB2_10-.Ltmp4, $2  }
0x62: {  	_ =	sdelay $0x2  }
0x63: {  	s11 =	sadd.s32 $0x50, s11;
	s18 =	sadd.s32 s18, s6  }
0x64: {  	[tilespmem:s0], [sflag:$0x2] =	stream.linear.gather [hbm4b:s18+s1], $0x40, $0x38;
	[tilespmem:$0x1F7E0] =	vst v63  }
0x65: {  	s31 =	simm.s32 $0x1  }
0x66: {  	_ =	swait.ge [sflag:s31], $0x1900  }
0x67: {  	s4 =	simm.s32 $0x0;
	[sflag:s31] =	ssyncset.done $0x0  }
0x68: {  	s0 =	simm.s32 $0x1380;
	s10 =	rddreg [dreg:$0x13];
	[sflag:s31] =	ssyncadd.s32 $0xFFFFE700  }
0x69: {  	[hbm4b:s10+s4] =	stream.linear.scatter [tilespmem:s0], [sflag:$0x9], $0x1F40, $0x38;
	[tilespmem:$0x1F7E0] =	vst v63  }
0x6a: {  	_ =	swait.ge [sflag:s24], $0x1F40  }
0x6b: {  	s18 =	sadd.s32 $0x0, s7;
	[sflag:s24] =	ssyncset.done $0x0  }
0x6c: {  	s11 =	simm.s32 $0x13D0;
	s4 =	simm.s32 $0x10;
	[sflag:s24] =	ssyncadd.s32 $0xFFFFE0C0  }
.LBB2_12:
0x6d: {  	[tilespmem:s0], [sflag:$0x1] =	stream.linear.gather [hbm4b:s18+s1], $0x40, $0x38;
	[tilespmem:$0x1F7E0] =	vst v63  }
0x6e: {  	s18 =	smov.u32 s4;
	s0 =	smov.u32 s11;
	p0 =	sne.s32 s4, $0x630  }
.Ltmp5:
0x6f: {  	s4 =	sadd.s32 $0x10, s4;
	(pc) =	sbr.rel @p0 .LBB2_12-.Ltmp5, $2  }
0x70: {  	_ =	sdelay $0x2  }
0x71: {  	s11 =	sadd.s32 $0x50, s11;
	s18 =	sadd.s32 s18, s7  }
0x72: {  	[tilespmem:s0], [sflag:$0x1] =	stream.linear.gather [hbm4b:s18+s1], $0x40, $0x38;
	[tilespmem:$0x1F7E0] =	vst v63  }
0x73: {  	s31 =	simm.s32 $0x2  }
0x74: {  	_ =	swait.ge [sflag:s31], $0x1900  }
0x75: {  	s4 =	simm.s32 $0x0;
	[sflag:s31] =	ssyncset.done $0x0  }
0x76: {  	s0 =	simm.s32 $0x32C0;
	s10 =	rddreg [dreg:$0x14];
	[sflag:s31] =	ssyncadd.s32 $0xFFFFE700  }
0x77: {  	[hbm4b:s10+s4] =	stream.linear.scatter [tilespmem:s0], [sflag:$0xA], $0x1F40, $0x38;
	[tilespmem:$0x1F7E0] =	vst v63  }
0x78: {  	_ =	swait.ge [sflag:s29], $0x1F40  }
0x79: {  	s18 =	sadd.s32 $0x0, s8;
	[sflag:s29] =	ssyncset.done $0x0  }
0x7a: {  	s11 =	simm.s32 $0x3310;
	s4 =	simm.s32 $0x10;
	[sflag:s29] =	ssyncadd.s32 $0xFFFFE0C0  }
.LBB2_14:
0x7b: {  	[tilespmem:s0], [sflag:$0x2] =	stream.linear.gather [hbm4b:s18+s1], $0x40, $0x38;
	[tilespmem:$0x1F7E0] =	vst v63  }
0x7c: {  	s18 =	smov.u32 s4;
	s0 =	smov.u32 s11;
	p0 =	sne.s32 s4, $0x630  }
.Ltmp6:
0x7d: {  	s4 =	sadd.s32 $0x10, s4;
	(pc) =	sbr.rel @p0 .LBB2_14-.Ltmp6, $2  }
0x7e: {  	_ =	sdelay $0x2  }
0x7f: {  	s11 =	sadd.s32 $0x50, s11;
	s18 =	sadd.s32 s18, s8  }
0x80: {  	[tilespmem:s0], [sflag:$0x2] =	stream.linear.gather [hbm4b:s18+s1], $0x40, $0x38;
	[tilespmem:$0x1F7E0] =	vst v63  }
0x81: {  	s31 =	simm.s32 $0x1  }
0x82: {  	_ =	swait.ge [sflag:s31], $0x1900  }
0x83: {  	s4 =	simm.s32 $0x0;
	[sflag:s31] =	ssyncset.done $0x0  }
0x84: {  	s0 =	simm.s32 $0x1380;
	s10 =	rddreg [dreg:$0x15];
	[sflag:s31] =	ssyncadd.s32 $0xFFFFE700  }
0x85: {  	[hbm4b:s10+s4] =	stream.linear.scatter [tilespmem:s0], [sflag:$0x9], $0x1F40, $0x38;
	[tilespmem:$0x1F7E0] =	vst v63  }
0x86: {  	_ =	swait.ge [sflag:s24], $0x1F40  }
0x87: {  	s18 =	sadd.s32 $0x0, s9;
	[sflag:s24] =	ssyncset.done $0x0  }
0x88: {  	s11 =	simm.s32 $0x13D0;
	s4 =	simm.s32 $0x10;
	[sflag:s24] =	ssyncadd.s32 $0xFFFFE0C0  }
.LBB2_16:
0x89: {  	[tilespmem:s0], [sflag:$0x1] =	stream.linear.gather [hbm4b:s18+s1], $0x40, $0x38;
	[tilespmem:$0x1F7E0] =	vst v63  }
0x8a: {  	s18 =	smov.u32 s4;
	s0 =	smov.u32 s11;
	p0 =	sne.s32 s4, $0x180  }
.Ltmp7:
0x8b: {  	s4 =	sadd.s32 $0x10, s4;
	(pc) =	sbr.rel @p0 .LBB2_16-.Ltmp7, $2  }
0x8c: {  	_ =	sdelay $0x2  }
0x8d: {  	s11 =	sadd.s32 $0x50, s11;
	s18 =	sadd.s32 s18, s9  }
0x8e: {  	[tilespmem:s0], [sflag:$0x1] =	stream.linear.gather [hbm4b:s18+s1], $0x40, $0x38;
	[tilespmem:$0x1F7E0] =	vst v63  }
0x8f: {  	s10 =	simm.s32 $0x2  }
0x90: {  	_ =	swait.ge [sflag:s10], $0x1900  }
0x91: {  	s11 =	simm.s32 $0x0;
	s18 =	simm.s32 $0x1;
	[sflag:s10] =	ssyncset.done $0x0  }
0x92: {  	s4 =	rddreg [dreg:$0x16];
	[sflag:s10] =	ssyncadd.s32 $0xFFFFE700;
	s10 =	simm.s32 $0x32C0  }
0x93: {  	[hbm4b:s4+s11] =	stream.linear.scatter [tilespmem:s10], [sflag:$0xA], $0x1F40, $0x38;
	[tilespmem:$0x1F7E0] =	vst v63  }
0x94: {  	_ =	swait.ge [sflag:s18], $0x640  }
0x95: {  	[sflag:s18] =	ssyncset.done $0x0  }
0x96: {  	s31 =	simm.s32 $0x1380;
	s25 =	rddreg [dreg:$0x17];
	[sflag:s18] =	ssyncadd.s32 $0xFFFFF9C0  }
0x97: {  	[hbm4b:s25+s11] =	stream.linear.scatter [tilespmem:s31], [sflag:$0x9], $0x7D0, $0x38;
	[tilespmem:$0x1F7E0] =	vst v63  }
0x98: {  	_ =	swait.ge [sflag:s29], $0x1F40  }
0x99: {  	[sflag:s29] =	ssyncset.done $0x0  }
0x9a: {  	[sflag:s29] =	ssyncadd.s32 $0xFFFFE0C0  }
0x9b: {  	_ =	swait.ge [sflag:s24], $0x7D0  }
0x9c: {  	[sflag:s24] =	ssyncset.done $0x0  }
0x9d: {  	s0 =	simm.s32 $0x0;
	s4 =	simm.s32 $0x140;
	[sflag:s24] =	ssyncadd.s32 $0xFFFFF830  }
.LBB2_18:
0x9e: {  	p0 =	sne.s32 s4, $0x9B00;
	[tilespmem:s0+$0x10DC0] =	vst v1;
	s11 =	smov.u32 s4;
	s4 =	sadd.s32 $0x140, s4  }
.Ltmp8:
0x9f: {  	[tilespmem:s0+$0x10DB0] =	vst v1;
	(pc) =	sbr.rel @p0 .LBB2_18-.Ltmp8, $4  }
0xa0: {  	[tilespmem:s0+$0x10DA0] =	vst v1  }
0xa1: {  	[tilespmem:s0+$0x10D80] =	vst v1  }
0xa2: {  	[tilespmem:s0+$0x10D90] =	vst v1  }
0xa3: {  	s0 =	sshra.s32 s11, $0x2  }
0xa4: {  	[tilespmem:s0+$0x10DC0] =	vst v1  }
0xa5: {  	[tilespmem:s0+$0x10DB0] =	vst v1  }
0xa6: {  	[tilespmem:s0+$0x10DA0] =	vst v1  }
0xa7: {  	[tilespmem:s0+$0x10D80] =	vst v1  }
0xa8: {  	[tilespmem:s0+$0x10D90] =	vst v1;
	s4 =	simm.s32 $0x17  }
0xa9: {  	[spmem:s21] =	stream.linear.scatter [tilespmem:s30], [sflag:$0x17], $0x2710, $0x38;
	[tilespmem:$0x1F7E0] =	vst v63  }
0xaa: {  	_ =	swait.ge [sflag:s4], $0x2710  }
0xab: {  	[sflag:s4] =	ssyncset.done $0x0  }
0xac: {  	[sflag:s4] =	ssyncadd.s32 $0xFFFFD8F0  }
0xad: {  	[spmem:s20] =	stream.linear.scatter [tilespmem:s30], [sflag:$0x17], $0x2710, $0x38;
	[tilespmem:$0x1F7E0] =	vst v63  }
0xae: {  	_ =	swait.ge [sflag:s4], $0x2710  }
0xaf: {  	[sflag:s4] =	ssyncset.done $0x0  }
0xb0: {  	[sflag:s4] =	ssyncadd.s32 $0xFFFFD8F0  }
0xb1: {  	[spmem:s22] =	stream.linear.scatter [tilespmem:s30], [sflag:$0x17], $0x2710, $0x38;
	[tilespmem:$0x1F7E0] =	vst v63  }
0xb2: {  	_ =	swait.ge [sflag:s4], $0x2710  }
0xb3: {  	[sflag:s4] =	ssyncset.done $0x0  }
0xb4: {  	[sflag:s4] =	ssyncadd.s32 $0xFFFFD8F0  }
0xb5: {  	[spmem:s19] =	stream.linear.scatter [tilespmem:s30], [sflag:$0x17], $0x2710, $0x38;
	[tilespmem:$0x1F7E0] =	vst v63  }
0xb6: {  	_ =	swait.ge [sflag:s4], $0x2710  }
0xb7: {  	[sflag:s4] =	ssyncset.done $0x0  }
0xb8: {  	[sflag:s4] =	ssyncadd.s32 $0xFFFFD8F0  }
0xb9: {  	[spmem:s23] =	stream.linear.scatter [tilespmem:s30], [sflag:$0x17], $0x2710, $0x38;
	[tilespmem:$0x1F7E0] =	vst v63  }
0xba: {  	_ =	swait.ge [sflag:s4], $0x2710  }
0xbb: {  	[sflag:s4] =	ssyncset.done $0x0  }
0xbc: {  	s30 =	simm.s32 $0x0;
	s10 =	rddreg [dreg:$0xc];
	[sflag:s4] =	ssyncadd.s32 $0xFFFFD8F0  }
0xbd: {  	[tilespmem:s30], [sflag:$0x11] =	stream.linear.gather [hbm4b:s10+s30], $0x1A0, $0x38;
	[tilespmem:$0x1F7E0] =	vst v63  }
0xbe: {  	s11 =	rddreg [dreg:$0xd];
	s10 =	simm.s32 $0x9C0  }
0xbf: {  	[tilespmem:s10], [sflag:$0x11] =	stream.linear.gather [hbm4b:s11+s30], $0x1A0, $0x38;
	[tilespmem:$0x1F7E0] =	vst v63  }
0xc0: {  	s18 =	rddreg [dreg:$0x6];
	s11 =	simm.s32 $0x1A0  }
0xc1: {  	[tilespmem:s11], [sflag:$0x12] =	stream.linear.gather [hbm4b:s18+s30], $0x1A0, $0x38;
	[tilespmem:$0x1F7E0] =	vst v63  }
0xc2: {  	s31 =	simm.s32 $0xB60;
	s19 =	rddreg [dreg:$0x7]  }
0xc3: {  	[tilespmem:s31], [sflag:$0x12] =	stream.linear.gather [hbm4b:s19+s30], $0x1A0, $0x38;
	[tilespmem:$0x1F7E0] =	vst v63  }
0xc4: {  	s20 =	rddreg [dreg:$0x8];
	s19 =	simm.s32 $0x340  }
0xc5: {  	[tilespmem:s19], [sflag:$0x13] =	stream.linear.gather [hbm4b:s20+s30], $0x1A0, $0x38;
	[tilespmem:$0x1F7E0] =	vst v63  }
0xc6: {  	s21 =	rddreg [dreg:$0x9];
	s4 =	simm.s32 $0xD00  }
0xc7: {  	[tilespmem:s4], [sflag:$0x13] =	stream.linear.gather [hbm4b:s21+s30], $0x1A0, $0x38;
	[tilespmem:$0x1F7E0] =	vst v63  }
0xc8: {  	s22 =	rddreg [dreg:$0xa];
	s20 =	simm.s32 $0x4E0  }
0xc9: {  	[tilespmem:s20], [sflag:$0x14] =	stream.linear.gather [hbm4b:s22+s30], $0x1A0, $0x38;
	[tilespmem:$0x1F7E0] =	vst v63  }
0xca: {  	s25 =	simm.s32 $0xEA0;
	s23 =	rddreg [dreg:$0xb]  }
0xcb: {  	[tilespmem:s25], [sflag:$0x14] =	stream.linear.gather [hbm4b:s23+s30], $0x1A0, $0x38;
	[tilespmem:$0x1F7E0] =	vst v63  }
0xcc: {  	s18 =	simm.s32 $0x680;
	s4 =	rddreg [dreg:$0xe]  }
0xcd: {  	[tilespmem:s18], [sflag:$0x15] =	stream.linear.gather [hbm4b:s4+s30], $0x1A0, $0x38;
	[tilespmem:$0x1F7E0] =	vst v63  }
0xce: {  	s21 =	rddreg [dreg:$0xf];
	s22 =	simm.s32 $0x1040  }
0xcf: {  	[tilespmem:s22], [sflag:$0x15] =	stream.linear.gather [hbm4b:s21+s30], $0x1A0, $0x38;
	[tilespmem:$0x1F7E0] =	vst v63  }
0xd0: {  	s23 =	rddreg [dreg:$0x10];
	s25 =	simm.s32 $0x820  }
0xd1: {  	[tilespmem:s25], [sflag:$0x16] =	stream.linear.gather [hbm4b:s23+s30], $0x1A0, $0x38;
	[tilespmem:$0x1F7E0] =	vst v63  }
0xd2: {  	s4 =	rddreg [dreg:$0x11];
	s18 =	simm.s32 $0x11E0;
	s21 =	simm.s32 $0x11  }
0xd3: {  	[tilespmem:s18], [sflag:$0x16] =	stream.linear.gather [hbm4b:s4+s30], $0x1A0, $0x38;
	[tilespmem:$0x1F7E0] =	vst v63  }
0xd4: {  	_ =	swait.ge [sflag:s21], $0x1A0  }
0xd5: {  	[sflag:s21] =	ssyncset.done $0x0  }
0xd6: {  	[sflag:s21] =	ssyncadd.s32 $0xFFFFFE60  }
0xd7: {  	_ =	swait.ge [sflag:s21], $0x1A0  }
0xd8: {  	[sflag:s21] =	ssyncset.done $0x0  }
0xd9: {  	s22 =	simm.s32 $0x12;
	[sflag:s21] =	ssyncadd.s32 $0xFFFFFE60  }
0xda: {  	_ =	swait.ge [sflag:s22], $0x1A0  }
0xdb: {  	[sflag:s22] =	ssyncset.done $0x0  }
0xdc: {  	[sflag:s22] =	ssyncadd.s32 $0xFFFFFE60  }
0xdd: {  	_ =	swait.ge [sflag:s22], $0x1A0  }
0xde: {  	[sflag:s22] =	ssyncset.done $0x0  }
0xdf: {  	[sflag:s22] =	ssyncadd.s32 $0xFFFFFE60  }
0xe0: {  	s4 =	simm.s32 $0x1380;
	[bflag:$0x0] =	sbarrier.arrive $0xFFFF  }
0xe1: {  	[tilespmem:s4], [sflag:$0x1] =	stream.indirect.gather [hbm4b:s12+s26], $0x50, s30, s26, $0xb8;
	[tilespmem:$0x1F7E0] =	vst v63  }
0xe2: {  	s0 =	simm.s32 $0x32C0;
	s23 =	simm.s32 $0x68  }
0xe3: {  	[tilespmem:s0], [sflag:$0x2] =	stream.indirect.gather [hbm4b:s12+s26], $0x50, s23, s26, $0xb8;
	[tilespmem:$0x1F7E0] =	vst v63  }
0xe4: {  	s25 =	simm.s32 $0xD0;
	s22 =	simm.s32 $0x5200  }
0xe5: {  	[tilespmem:s22], [sflag:$0x3] =	stream.indirect.gather [hbm4b:s12+s26], $0x50, s25, s26, $0xb8;
	[tilespmem:$0x1F7E0] =	vst v63  }
0xe6: {  	s18 =	simm.s32 $0x138;
	s23 =	simm.s32 $0x7140  }
0xe7: {  	[tilespmem:s23], [sflag:$0x4] =	stream.indirect.gather [hbm4b:s12+s26], $0x50, s18, s26, $0xb8;
	[tilespmem:$0x1F7E0] =	vst v63  }
0xe8: {  	s25 =	simm.s32 $0x9080  }
0xe9: {  	[tilespmem:s25], [sflag:$0x5] =	stream.indirect.gather [hbm4b:s12+s26], $0x50, s11, s26, $0xb8;
	[tilespmem:$0x1F7E0] =	vst v63  }
0xea: {  	s21 =	simm.s32 $0x208;
	s18 =	simm.s32 $0xAFC0  }
0xeb: {  	[tilespmem:s18], [sflag:$0x6] =	stream.indirect.gather [hbm4b:s12+s26], $0x50, s21, s26, $0xb8;
	[tilespmem:$0x1F7E0] =	vst v63  }
0xec: {  	s21 =	simm.s32 $0x1  }
0xed: {  	_ =	swait.ge [sflag:s21], $0x1F40  }
0xee: {  	[sflag:s21] =	ssyncset.done $0x0  }
0xef: {  	[sflag:s21] =	ssyncadd.s32 $0xFFFFE0C0  }
0xf0: {  	[spmem:s28] =	stream.indirect.scatter.add.f32 [tilespmem:s4], [sflag:$0x9], $0x50, s10, s26, $0xb8;
	[tilespmem:$0x1F7E0] =	vst v63  }
0xf1: {  	s11 =	simm.s32 $0x270;
	s21 =	simm.s32 $0xCF00  }
0xf2: {  	[tilespmem:s21], [sflag:$0x7] =	stream.indirect.gather [hbm4b:s12+s26], $0x50, s11, s26, $0xb8;
	[tilespmem:$0x1F7E0] =	vst v63  }
0xf3: {  	s21 =	simm.s32 $0x2  }
0xf4: {  	_ =	swait.ge [sflag:s21], $0x1F40  }
0xf5: {  	[sflag:s21] =	ssyncset.done $0x0  }
0xf6: {  	s11 =	simm.s32 $0xA28;
	[sflag:s21] =	ssyncadd.s32 $0xFFFFE0C0  }
0xf7: {  	[spmem:s28] =	stream.indirect.scatter.add.f32 [tilespmem:s0], [sflag:$0xA], $0x50, s11, s26, $0xb8;
	[tilespmem:$0x1F7E0] =	vst v63  }
0xf8: {  	s21 =	simm.s32 $0x2D8;
	s11 =	simm.s32 $0xEE40  }
0xf9: {  	[tilespmem:s11], [sflag:$0x8] =	stream.indirect.gather [hbm4b:s12+s26], $0x50, s21, s26, $0xb8;
	[tilespmem:$0x1F7E0] =	vst v63  }
0xfa: {  	s21 =	simm.s32 $0x13  }
0xfb: {  	_ =	swait.ge [sflag:s21], $0x1A0  }
0xfc: {  	[sflag:s21] =	ssyncset.done $0x0  }
0xfd: {  	[sflag:s21] =	ssyncadd.s32 $0xFFFFFE60  }
0xfe: {  	_ =	swait.ge [sflag:s21], $0x1A0  }
0xff: {  	[sflag:s21] =	ssyncset.done $0x0  }
0x100: {  	[sflag:s21] =	ssyncadd.s32 $0xFFFFFE60;
	s21 =	simm.s32 $0x3  }
0x101: {  	_ =	swait.ge [sflag:s21], $0x1F40  }
0x102: {  	[sflag:s21] =	ssyncset.done $0x0  }
0x103: {  	[sflag:s21] =	ssyncadd.s32 $0xFFFFE0C0;
	s21 =	simm.s32 $0xA90  }
0x104: {  	[spmem:s28] =	stream.indirect.scatter.add.f32 [tilespmem:s22], [sflag:$0xB], $0x50, s21, s26, $0xb8;
	[tilespmem:$0x1F7E0] =	vst v63  }
0x105: {  	_ =	swait.ge [sflag:s24], $0x1F40  }
0x106: {  	[sflag:s24] =	ssyncset.done $0x0  }
0x107: {  	s10 =	simm.s32 $0x4;
	[sflag:s24] =	ssyncadd.s32 $0xFFFFE0C0  }
0x108: {  	[tilespmem:s4], [sflag:$0x1] =	stream.indirect.gather [hbm4b:s12+s26], $0x50, s19, s26, $0xb8;
	[tilespmem:$0x1F7E0] =	vst v63  }
0x109: {  	_ =	swait.ge [sflag:s10], $0x1F40  }
0x10a: {  	[sflag:s10] =	ssyncset.done $0x0  }
0x10b: {  	s19 =	simm.s32 $0xAF8;
	[sflag:s10] =	ssyncadd.s32 $0xFFFFE0C0  }
0x10c: {  	[spmem:s28] =	stream.indirect.scatter.add.f32 [tilespmem:s23], [sflag:$0xC], $0x50, s19, s26, $0xb8;
	[tilespmem:$0x1F7E0] =	vst v63  }
0x10d: {  	_ =	swait.ge [sflag:s29], $0x1F40  }
0x10e: {  	[sflag:s29] =	ssyncset.done $0x0  }
0x10f: {  	s21 =	simm.s32 $0x3A8;
	s24 =	simm.s32 $0x5;
	[sflag:s29] =	ssyncadd.s32 $0xFFFFE0C0  }
0x110: {  	[tilespmem:s0], [sflag:$0x2] =	stream.indirect.gather [hbm4b:s12+s26], $0x50, s21, s26, $0xb8;
	[tilespmem:$0x1F7E0] =	vst v63  }
0x111: {  	_ =	swait.ge [sflag:s24], $0x1F40  }
0x112: {  	[sflag:s24] =	ssyncset.done $0x0  }
0x113: {  	s4 =	simm.s32 $0xB;
	[sflag:s24] =	ssyncadd.s32 $0xFFFFE0C0  }
0x114: {  	[spmem:s28] =	stream.indirect.scatter.add.f32 [tilespmem:s25], [sflag:$0xD], $0x50, s31, s26, $0xb8;
	[tilespmem:$0x1F7E0] =	vst v63  }
0x115: {  	_ =	swait.ge [sflag:s4], $0x1F40  }
0x116: {  	[sflag:s4] =	ssyncset.done $0x0  }
0x117: {  	s10 =	simm.s32 $0x410;
	s19 =	simm.s32 $0x6;
	[sflag:s4] =	ssyncadd.s32 $0xFFFFE0C0  }
0x118: {  	[tilespmem:s22], [sflag:$0x3] =	stream.indirect.gather [hbm4b:s12+s26], $0x50, s10, s26, $0xb8;
	[tilespmem:$0x1F7E0] =	vst v63  }
0x119: {  	_ =	swait.ge [sflag:s19], $0x1F40  }
0x11a: {  	[sflag:s19] =	ssyncset.done $0x0  }
0x11b: {  	s21 =	simm.s32 $0xBC8;
	s22 =	simm.s32 $0xC;
	[sflag:s19] =	ssyncadd.s32 $0xFFFFE0C0  }
0x11c: {  	[spmem:s28] =	stream.indirect.scatter.add.f32 [tilespmem:s18], [sflag:$0xE], $0x50, s21, s26, $0xb8;
	[tilespmem:$0x1F7E0] =	vst v63  }
0x11d: {  	_ =	swait.ge [sflag:s22], $0x1F40  }
0x11e: {  	[sflag:s22] =	ssyncset.done $0x0  }
0x11f: {  	s24 =	simm.s32 $0x478;
	s4 =	simm.s32 $0x14;
	[sflag:s22] =	ssyncadd.s32 $0xFFFFE0C0  }
0x120: {  	[tilespmem:s23], [sflag:$0x4] =	stream.indirect.gather [hbm4b:s12+s26], $0x50, s24, s26, $0xb8;
	[tilespmem:$0x1F7E0] =	vst v63  }
0x121: {  	_ =	swait.ge [sflag:s4], $0x1A0  }
0x122: {  	[sflag:s4] =	ssyncset.done $0x0  }
0x123: {  	[sflag:s4] =	ssyncadd.s32 $0xFFFFFE60  }
0x124: {  	_ =	swait.ge [sflag:s4], $0x1A0  }
0x125: {  	[sflag:s4] =	ssyncset.done $0x0  }
0x126: {  	s21 =	simm.s32 $0x7;
	[sflag:s4] =	ssyncadd.s32 $0xFFFFFE60  }
0x127: {  	_ =	swait.ge [sflag:s21], $0x1F40  }
0x128: {  	s10 =	simm.s32 $0xC30;
	[sflag:s21] =	ssyncset.done $0x0  }
0x129: {  	s19 =	simm.s32 $0xD;
	s23 =	simm.s32 $0xCF00;
	[sflag:s21] =	ssyncadd.s32 $0xFFFFE0C0  }
0x12a: {  	[spmem:s28] =	stream.indirect.scatter.add.f32 [tilespmem:s23], [sflag:$0xF], $0x50, s10, s26, $0xb8;
	[tilespmem:$0x1F7E0] =	vst v63  }
0x12b: {  	_ =	swait.ge [sflag:s19], $0x1F40  }
0x12c: {  	[sflag:s19] =	ssyncset.done $0x0  }
0x12d: {  	[sflag:s19] =	ssyncadd.s32 $0xFFFFE0C0  }
0x12e: {  	[tilespmem:s25], [sflag:$0x5] =	stream.indirect.gather [hbm4b:s12+s26], $0x50, s20, s26, $0xb8;
	[tilespmem:$0x1F7E0] =	vst v63  }
0x12f: {  	s20 =	simm.s32 $0x8  }
0x130: {  	_ =	swait.ge [sflag:s20], $0x1F40  }
0x131: {  	[sflag:s20] =	ssyncset.done $0x0  }
0x132: {  	s22 =	simm.s32 $0xC98;
	s24 =	simm.s32 $0xE;
	[sflag:s20] =	ssyncadd.s32 $0xFFFFE0C0  }
0x133: {  	[spmem:s28] =	stream.indirect.scatter.add.f32 [tilespmem:s11], [sflag:$0x10], $0x50, s22, s26, $0xb8;
	[tilespmem:$0x1F7E0] =	vst v63  }
.Ltmp9:
0x134: {  	_ =	swait.ge [sflag:s24], $0x1F40;
	(pc) =	sbr.rel .LBB2_20-.Ltmp9, $4  }
0x135: {  	[sflag:s24] =	ssyncset.done $0x0  }
0x136: {  	s25 =	simm.s32 $0x548;
	s19 =	rddreg [dreg:$0x1e];
	[sflag:s24] =	ssyncadd.s32 $0xFFFFE0C0  }
0x137: {  	[tilespmem:s18], [sflag:$0x6] =	stream.indirect.gather [hbm4b:s12+s26], $0x50, s25, s26, $0xb8;
	[tilespmem:$0x1F7E0] =	vst v63  }
0x138: {  	s29 =	simm.s32 $0x9080;
	s31 =	simm.s32 $0xEE40;
	s18 =	rddreg [dreg:$0x1f]  }
.LBB2_21:
0x139: {  	s11 =	smul.u32 $0xAB, s21;
	_ =	sdelay $0x1  }
0x13a: {  	s11 =	sshrl.u32 s11, $0xA  }
0x13b: {  	s11 =	sand.u32 $0x3F, s11  }
0x13c: {  	s11 =	smul.u32 $0x6, s11;
	_ =	sdelay $0x1  }
0x13d: {  	s11 =	ssub.s32 s21, s11  }
0x13e: {  	s11 =	sand.u32 $0xFF, s11  }
0x13f: {  	s25 =	smul.u32 $0x1A0, s11  }
0x140: {  	s23 =	sadd.s32 $0x34, s18;
	s11 =	sadd.s32 $0x11, s11  }
0x141: {  	[tilespmem:s25], [sflag:s11] =	stream.linear.gather [hbm4b:s23+s1], $0x1A0, $0x38;
	[tilespmem:$0x1F7E0] =	vst v63  }
0x142: {  	s24 =	sadd.s32 $0x34, s19;
	s22 =	sadd.s32 $0x9C0, s25  }
0x143: {  	[tilespmem:s22], [sflag:s11] =	stream.linear.gather [hbm4b:s24+s1], $0x1A0, $0x38;
	[tilespmem:$0x1F7E0] =	vst v63  }
.LBB2_23:
0x144: {  	s11 =	sadd.s32 $0x2, s4  }
0x145: {  	s23 =	sand.u32 $0xFF, s11  }
0x146: {  	s23 =	smul.u32 $0xAB, s23;
	_ =	sdelay $0x1  }
0x147: {  	s23 =	sshrl.u32 s23, $0xA  }
0x148: {  	s23 =	smul.u32 $0x6, s23;
	_ =	sdelay $0x1  }
0x149: {  	s11 =	ssub.s32 s11, s23  }
0x14a: {  	s11 =	sand.u32 $0xFF, s11  }
0x14b: {  	s11 =	sadd.s32 $0x11, s11  }
0x14c: {  	_ =	swait.ge [sflag:s11], $0x1A0  }
0x14d: {  	[sflag:s11] =	ssyncset.done $0x0  }
0x14e: {  	[sflag:s11] =	ssyncadd.s32 $0xFFFFFE60  }
0x14f: {  	_ =	swait.ge [sflag:s11], $0x1A0  }
0x150: {  	[sflag:s11] =	ssyncset.done $0x0  }
0x151: {  	p0 =	por $0x0, $0x0;
	[sflag:s11] =	ssyncadd.s32 $0xFFFFFE60  }
.LBB2_24:
0x152: {  	s10 =	simm.s32 $0x3  }
0x153: {  	_ =	swait.ge [sflag:s10], $0x1F40  }
0x154: {  	[sflag:s10] =	ssyncset.done $0x0  }
0x155: {  	s11 =	sadd.s32 $0xA90, s20;
	s23 =	simm.s32 $0x5200;
	[sflag:s10] =	ssyncadd.s32 $0xFFFFE0C0  }
0x156: {  	[spmem:s28] =	stream.indirect.scatter.add.f32 [tilespmem:s23], [sflag:$0xB], $0x50, s11, s26, $0xb8;
	[tilespmem:$0x1F7E0] =	vst v63  }
0x157: {  	s11 =	sadd.s32 @!p0 $0xFFFFFFFD, s21  }
0x158: {  	s23 =	simm.s32 @p0 $0x4;
	s25 =	smul.u32 @!p0 $0xAB, s11  }
0x159: {  	_ =	swait.ge @p0 [sflag:s23], $0x1F40  }
0x15a: {  	[sflag:s23] =	ssyncset.done @p0 $0x0;
	s25 =	sshrl.u32 @!p0 s25, $0xA  }
0x15b: {  	s22 =	simm.s32 @p0 $0x7140;
	[sflag:s23] =	ssyncadd.s32 @p0 $0xFFFFE0C0;
	s24 =	sand.u32 @!p0 $0x3F, s25  }
0x15c: {  	s23 =	sadd.s32 @p0 $0xAF8, s20;
	s25 =	simm.s32 @p0 $0x64;
	s24 =	smul.u32 @!p0 $0x6, s24  }
0x15d: {  	[spmem:s28] =	stream.indirect.scatter.add.f32 @p0 [tilespmem:s22], [sflag:$0xC], $0x50, s23, s25, $0xb8;
	[tilespmem:$0x1F7E0] =	vst v63  }
0x15e: {  	s11 =	ssub.s32 @!p0 s11, s24  }
0x15f: {  	s22 =	simm.s32 @!p0 $0x9;
	s11 =	sand.u32 @!p0 $0xFF, s11  }
0x160: {  	_ =	swait.ge @!p0 [sflag:s22], $0x1F40;
	s11 =	smul.u32 @!p0 $0x680, s11  }
0x161: {  	s23 =	simm.s32 @!p0 $0x1380;
	[sflag:s22] =	ssyncset.done @!p0 $0x0  }
0x162: {  	[sflag:s22] =	ssyncadd.s32 @!p0 $0xFFFFE0C0;
	s22 =	sshrl.u32 @!p0 s11, $0x2;
	s11 =	simm.s32 @!p0 $0x64  }
0x163: {  	[tilespmem:s23], [sflag:$0x1] =	stream.indirect.gather @!p0 [hbm4b:s12+s11], $0x50, s22, s11, $0xb8;
	[tilespmem:$0x1F7E0] =	vst v63  }
0x164: {  	s23 =	simm.s32 @!p0 $0x4  }
0x165: {  	_ =	swait.ge @!p0 [sflag:s23], $0x1F40  }
0x166: {  	[sflag:s23] =	ssyncset.done @!p0 $0x0  }
0x167: {  	s20 =	sadd.s32 @!p0 $0xAF8, s20;
	[sflag:s23] =	ssyncadd.s32 @!p0 $0xFFFFE0C0;
	s23 =	simm.s32 @!p0 $0x7140  }
0x168: {  	[spmem:s28] =	stream.indirect.scatter.add.f32 @!p0 [tilespmem:s23], [sflag:$0xC], $0x50, s20, s11, $0xb8;
	[tilespmem:$0x1F7E0] =	vst v63  }
0x169: {  	s20 =	simm.s32 @!p0 $0xA  }
0x16a: {  	_ =	swait.ge @!p0 [sflag:s20], $0x1F40  }
0x16b: {  	[sflag:s20] =	ssyncset.done @!p0 $0x0  }
0x16c: {  	s24 =	simm.s32 @!p0 $0x32C0;
	[sflag:s20] =	ssyncadd.s32 @!p0 $0xFFFFE0C0;
	s20 =	sadd.s32 @!p0 $0x68, s22  }
0x16d: {  	[tilespmem:s24], [sflag:$0x2] =	stream.indirect.gather @!p0 [hbm4b:s12+s11], $0x50, s20, s11, $0xb8;
	[tilespmem:$0x1F7E0] =	vst v63  }
0x16e: {  	s24 =	simm.s32 $0x5  }
0x16f: {  	_ =	swait.ge [sflag:s24], $0x1F40  }
0x170: {  	[sflag:s24] =	ssyncset.done $0x0  }
0x171: {  	s10 =	sadd.s32 $0x9C0, s0;
	s20 =	simm.s32 @p0 $0x6;
	[sflag:s24] =	ssyncadd.s32 $0xFFFFE0C0  }
0x172: {  	[spmem:s28] =	stream.indirect.scatter.add.f32 [tilespmem:s29], [sflag:$0xD], $0x50, s10, s26, $0xb8;
	[tilespmem:$0x1F7E0] =	vst v63  }
0x173: {  	_ =	swait.ge @p0 [sflag:s20], $0x1F40  }
0x174: {  	[sflag:s20] =	ssyncset.done @p0 $0x0  }
0x175: {  	s24 =	simm.s32 @p0 $0xAFC0;
	[sflag:s20] =	ssyncadd.s32 @p0 $0xFFFFE0C0;
	s20 =	sadd.s32 @p0 $0xA28, s0  }
0x176: {  	[spmem:s28] =	stream.indirect.scatter.add.f32 @p0 [tilespmem:s24], [sflag:$0xE], $0x50, s20, s25, $0xb8;
	[tilespmem:$0x1F7E0] =	vst v63  }
0x177: {  	s20 =	simm.s32 @!p0 $0xB  }
0x178: {  	_ =	swait.ge @!p0 [sflag:s20], $0x1F40  }
0x179: {  	[sflag:s20] =	ssyncset.done @!p0 $0x0  }
0x17a: {  	s24 =	simm.s32 @!p0 $0x5200;
	[sflag:s20] =	ssyncadd.s32 @!p0 $0xFFFFE0C0;
	s20 =	sadd.s32 @!p0 $0xD0, s22  }
0x17b: {  	[tilespmem:s24], [sflag:$0x3] =	stream.indirect.gather @!p0 [hbm4b:s12+s11], $0x50, s20, s11, $0xb8;
	[tilespmem:$0x1F7E0] =	vst v63  }
0x17c: {  	s20 =	simm.s32 @!p0 $0x6  }
0x17d: {  	_ =	swait.ge @!p0 [sflag:s20], $0x1F40  }
0x17e: {  	s4 =	sadd.s32 @!p0 $0x3, s4;
	[sflag:s20] =	ssyncset.done @!p0 $0x0  }
0x17f: {  	s24 =	simm.s32 @!p0 $0xAFC0;
	[sflag:s20] =	ssyncadd.s32 @!p0 $0xFFFFE0C0;
	s20 =	sadd.s32 @!p0 $0xA28, s0  }
0x180: {  	[spmem:s28] =	stream.indirect.scatter.add.f32 @!p0 [tilespmem:s24], [sflag:$0xE], $0x50, s20, s11, $0xb8;
	[tilespmem:$0x1F7E0] =	vst v63  }
0x181: {  	s20 =	sand.u32 @!p0 $0xFF, s4  }
0x182: {  	s10 =	simm.s32 @!p0 $0xC;
	s20 =	smul.u32 @!p0 $0xAB, s20  }
0x183: {  	_ =	swait.ge @!p0 [sflag:s10], $0x1F40  }
0x184: {  	[sflag:s10] =	ssyncset.done @!p0 $0x0;
	s20 =	sshrl.u32 @!p0 s20, $0xA  }
0x185: {  	[sflag:s10] =	ssyncadd.s32 @!p0 $0xFFFFE0C0;
	s10 =	sadd.s32 @!p0 $0x138, s22;
	s20 =	smul.u32 @!p0 $0x6, s20  }
0x186: {  	[tilespmem:s23], [sflag:$0x4] =	stream.indirect.gather @!p0 [hbm4b:s12+s11], $0x50, s10, s11, $0xb8;
	[tilespmem:$0x1F7E0] =	vst v63  }
0x187: {  	s4 =	ssub.s32 @!p0 s4, s20  }
0x188: {  	s4 =	sand.u32 @!p0 $0xFF, s4  }
0x189: {  	s4 =	sadd.s32 @!p0 $0x11, s4  }
0x18a: {  	_ =	swait.ge @!p0 [sflag:s4], $0x1A0  }
0x18b: {  	[sflag:s4] =	ssyncset.done @!p0 $0x0  }
0x18c: {  	[sflag:s4] =	ssyncadd.s32 @!p0 $0xFFFFFE60  }
0x18d: {  	_ =	swait.ge @!p0 [sflag:s4], $0x1A0  }
0x18e: {  	[sflag:s4] =	ssyncset.done @!p0 $0x0  }
0x18f: {  	s20 =	simm.s32 $0x7;
	[sflag:s4] =	ssyncadd.s32 @!p0 $0xFFFFFE60  }
0x190: {  	s22 =	sadd.s32 $0xA90, s0;
	_ =	swait.ge [sflag:s20], $0x1F40  }
0x191: {  	s23 =	simm.s32 $0xCF00;
	s4 =	sadd.s32 @!p0 $0xFFFFFFFE, s21;
	[sflag:s20] =	ssyncset.done $0x0  }
0x192: {  	s10 =	simm.s32 @p0 $0x8;
	[sflag:s20] =	ssyncadd.s32 $0xFFFFE0C0;
	s20 =	smul.u32 @!p0 $0xAB, s4  }
0x193: {  	[spmem:s28] =	stream.indirect.scatter.add.f32 [tilespmem:s23], [sflag:$0xF], $0x50, s22, s26, $0xb8;
	[tilespmem:$0x1F7E0] =	vst v63  }
0x194: {  	_ =	swait.ge @p0 [sflag:s10], $0x1F40  }
0x195: {  	s20 =	sshrl.u32 @!p0 s20, $0xA;
	[sflag:s10] =	ssyncset.done @p0 $0x0  }
0x196: {  	[sflag:s10] =	ssyncadd.s32 @p0 $0xFFFFE0C0;
	s10 =	sand.u32 @!p0 $0x3F, s20  }
0x197: {  	s22 =	simm.s32 @p0 $0xEE40;
	s20 =	sadd.s32 @p0 $0xAF8, s0;
	s10 =	smul.u32 @!p0 $0x6, s10  }
0x198: {  	[spmem:s28] =	stream.indirect.scatter.add.f32 @p0 [tilespmem:s22], [sflag:$0x10], $0x50, s20, s25, $0xb8;
	[tilespmem:$0x1F7E0] =	vst v63  }
0x199: {  	s4 =	ssub.s32 @!p0 s4, s10  }
0x19a: {  	s10 =	simm.s32 @!p0 $0xD;
	s4 =	sand.u32 @!p0 $0xFF, s4  }
0x19b: {  	_ =	swait.ge @!p0 [sflag:s10], $0x1F40;
	s4 =	smul.u32 @!p0 $0x680, s4  }
0x19c: {  	[sflag:s10] =	ssyncset.done @!p0 $0x0  }
0x19d: {  	[sflag:s10] =	ssyncadd.s32 @!p0 $0xFFFFE0C0;
	s10 =	simm.s32 @!p0 $0x9080;
	s4 =	sshrl.u32 @!p0 s4, $0x2  }
0x19e: {  	[tilespmem:s10], [sflag:$0x5] =	stream.indirect.gather @!p0 [hbm4b:s12+s11], $0x50, s4, s11, $0xb8;
	[tilespmem:$0x1F7E0] =	vst v63  }
0x19f: {  	s10 =	simm.s32 @!p0 $0x8  }
0x1a0: {  	_ =	swait.ge @!p0 [sflag:s10], $0x1F40  }
0x1a1: {  	[sflag:s10] =	ssyncset.done @!p0 $0x0  }
0x1a2: {  	s0 =	sadd.s32 @!p0 $0xAF8, s0;
	[sflag:s10] =	ssyncadd.s32 @!p0 $0xFFFFE0C0;
	s10 =	simm.s32 @!p0 $0xEE40  }
0x1a3: {  	[spmem:s28] =	stream.indirect.scatter.add.f32 @!p0 [tilespmem:s10], [sflag:$0x10], $0x50, s0, s11, $0xb8;
	[tilespmem:$0x1F7E0] =	vst v63  }
0x1a4: {  	s0 =	simm.s32 @!p0 $0xE  }
0x1a5: {  	_ =	swait.ge @!p0 [sflag:s0], $0x1F40  }
0x1a6: {  	[sflag:s0] =	ssyncset.done @!p0 $0x0  }
0x1a7: {  	s21 =	sadd.s32 $0x2, s21;
	[sflag:s0] =	ssyncadd.s32 @!p0 $0xFFFFE0C0;
	s0 =	sadd.s32 @!p0 $0x68, s4  }
0x1a8: {  	[tilespmem:s24], [sflag:$0x6] =	stream.indirect.gather @!p0 [hbm4b:s12+s11], $0x50, s0, s11, $0xb8;
	[tilespmem:$0x1F7E0] =	vst v63  }
0x1a9: {  	p0 =	sne.s32 s21, $0x37  }
.Ltmp10:
0x1aa: {  	_ = 	snop;
	(pc) =	sbr.rel @!p0 .LBB2_25-.Ltmp10, $2  }
0x1ab: {  	_ =	sdelay $0x2  }
0x1ac: {  	s30 =	sadd.s32 $0x1, s30;
	s19 =	sadd.s32 $0x68, s19;
	s18 =	sadd.s32 $0x68, s18  }
.LBB2_20:
0x1ad: {  	p0 =	sgt.u32 s30, $0x15  }
0x1ae: {  	s0 =	sadd.s32 @!p0 $0xFFFFFFFF, s21  }
0x1af: {  	s4 =	smul.u32 @!p0 $0xAB, s0;
	_ =	sdelay $0x1  }
0x1b0: {  	s4 =	sshrl.u32 @!p0 s4, $0xA  }
0x1b1: {  	s4 =	sand.u32 @!p0 $0x3F, s4  }
0x1b2: {  	s4 =	smul.u32 @!p0 $0x6, s4;
	_ =	sdelay $0x1  }
0x1b3: {  	s0 =	ssub.s32 @!p0 s0, s4;
	s4 =	sadd.s32 $0xFFFFFFFB, s21  }
0x1b4: {  	s0 =	sand.u32 @!p0 $0xFF, s0;
	s25 =	smul.u32 $0xAB, s4  }
0x1b5: {  	s11 =	smul.u32 @!p0 $0x1A0, s0  }
0x1b6: {  	s20 =	simm.s32 @!p0 $0x0;
	s0 =	sadd.s32 @!p0 $0x11, s0;
	s25 =	sshrl.u32 s25, $0xA  }
0x1b7: {  	[tilespmem:s11], [sflag:s0] =	stream.linear.gather @!p0 [hbm4b:s18+s20], $0x1A0, $0x38;
	[tilespmem:$0x1F7E0] =	vst v63  }
0x1b8: {  	s25 =	sand.u32 $0x3F, s25  }
0x1b9: {  	s11 =	sadd.s32 @!p0 $0x9C0, s11;
	s25 =	smul.u32 $0x6, s25  }
0x1ba: {  	[tilespmem:s11], [sflag:s0] =	stream.linear.gather @!p0 [hbm4b:s19+s20], $0x1A0, $0x38;
	[tilespmem:$0x1F7E0] =	vst v63  }
0x1bb: {  	s11 =	sadd.s32 $0xFFFFFFFC, s21;
	s20 =	ssub.s32 s4, s25  }
0x1bc: {  	s10 =	simm.s32 $0x1;
	s22 =	smul.u32 $0xAB, s11;
	s0 =	sand.u32 $0xFF, s20  }
0x1bd: {  	_ =	swait.ge [sflag:s10], $0x1F40;
	s0 =	smul.u32 $0x680, s0  }
0x1be: {  	[sflag:s10] =	ssyncset.done $0x0;
	s24 =	sshrl.u32 s22, $0xA  }
0x1bf: {  	[sflag:s10] =	ssyncadd.s32 $0xFFFFE0C0;
	s25 =	sand.u32 $0x3F, s24;
	s20 =	sshrl.u32 s0, $0x2  }
0x1c0: {  	s24 =	simm.s32 $0x1380;
	s0 =	smul.u32 $0x6, s25;
	s22 =	sadd.s32 $0x9C0, s20  }
0x1c1: {  	[spmem:s28] =	stream.indirect.scatter.add.f32 [tilespmem:s24], [sflag:$0x9], $0x50, s22, s26, $0xb8;
	[tilespmem:$0x1F7E0] =	vst v63  }
0x1c2: {  	s0 =	ssub.s32 s11, s0  }
0x1c3: {  	s0 =	sand.u32 $0xFF, s0  }
0x1c4: {  	s25 =	simm.s32 $0xF;
	s0 =	smul.u32 $0x680, s0  }
0x1c5: {  	_ =	swait.ge [sflag:s25], $0x1F40  }
0x1c6: {  	[sflag:s25] =	ssyncset.done $0x0;
	s0 =	sshrl.u32 s0, $0x2  }
0x1c7: {  	s11 =	simm.s32 $0x2;
	[sflag:s25] =	ssyncadd.s32 $0xFFFFE0C0;
	s10 =	sadd.s32 $0xD0, s0  }
0x1c8: {  	[tilespmem:s23], [sflag:$0x7] =	stream.indirect.gather [hbm4b:s12+s26], $0x50, s10, s26, $0xb8;
	[tilespmem:$0x1F7E0] =	vst v63  }
0x1c9: {  	_ =	swait.ge [sflag:s11], $0x1F40  }
0x1ca: {  	[sflag:s11] =	ssyncset.done $0x0  }
0x1cb: {  	s22 =	sadd.s32 $0xA28, s20;
	s23 =	simm.s32 $0x32C0;
	[sflag:s11] =	ssyncadd.s32 $0xFFFFE0C0  }
0x1cc: {  	[spmem:s28] =	stream.indirect.scatter.add.f32 [tilespmem:s23], [sflag:$0xA], $0x50, s22, s26, $0xb8;
	[tilespmem:$0x1F7E0] =	vst v63  }
.Ltmp11:
0x1cd: {  	s24 =	simm.s32 $0x10;
	(pc) =	sbr.rel @!p0 .LBB2_21-.Ltmp11, $4  }
0x1ce: {  	_ =	swait.ge [sflag:s24], $0x1F40  }
0x1cf: {  	[sflag:s24] =	ssyncset.done $0x0  }
0x1d0: {  	s25 =	sadd.s32 $0x138, s0;
	[sflag:s24] =	ssyncadd.s32 $0xFFFFE0C0  }
0x1d1: {  	[tilespmem:s31], [sflag:$0x8] =	stream.indirect.gather [hbm4b:s12+s26], $0x50, s25, s26, $0xb8;
	[tilespmem:$0x1F7E0] =	vst v63  }
0x1d2: {  	p1 =	seq.s32 s21, $0x35  }
.Ltmp12:
0x1d3: {  	_ = 	snop;
	(pc) =	sbr.rel @p1 .LBB2_24-.Ltmp12, $4  }
.Ltmp13:
0x1d4: {  	_ = 	snop;
	(pc) =	sbr.rel @!p1 .LBB2_23-.Ltmp13, $4  }
0x1d5: {  	_ = 	snop  }
0x1d6: {  	_ = 	snop  }
0x1d7: {  	p0 =	por $0x1, $0x1  }
0x1d8: {  	_ = 	snop  }
.LBB2_25:
0x1d9: {  	s24 =	simm.s32 $0x9  }
0x1da: {  	_ =	swait.ge [sflag:s24], $0x1F40  }
0x1db: {  	[sflag:s24] =	ssyncset.done $0x0  }
0x1dc: {  	s29 =	simm.s32 $0xA;
	[sflag:s24] =	ssyncadd.s32 $0xFFFFE0C0  }
0x1dd: {  	_ =	swait.ge [sflag:s29], $0x1F40  }
0x1de: {  	[sflag:s29] =	ssyncset.done $0x0  }
0x1df: {  	s0 =	simm.s32 $0xB;
	[sflag:s29] =	ssyncadd.s32 $0xFFFFE0C0  }
0x1e0: {  	_ =	swait.ge [sflag:s0], $0x1F40  }
0x1e1: {  	[sflag:s0] =	ssyncset.done $0x0  }
0x1e2: {  	s20 =	simm.s32 $0xC;
	[sflag:s0] =	ssyncadd.s32 $0xFFFFE0C0  }
0x1e3: {  	_ =	swait.ge [sflag:s20], $0x1F40  }
0x1e4: {  	[sflag:s20] =	ssyncset.done $0x0  }
0x1e5: {  	s21 =	simm.s32 $0xD;
	[sflag:s20] =	ssyncadd.s32 $0xFFFFE0C0  }
0x1e6: {  	_ =	swait.ge [sflag:s21], $0x1F40  }
0x1e7: {  	[sflag:s21] =	ssyncset.done $0x0  }
0x1e8: {  	s22 =	simm.s32 $0xE;
	[sflag:s21] =	ssyncadd.s32 $0xFFFFE0C0  }
0x1e9: {  	_ =	swait.ge [sflag:s22], $0x1F40  }
0x1ea: {  	[sflag:s22] =	ssyncset.done $0x0  }
0x1eb: {  	s23 =	simm.s32 $0xF;
	[sflag:s22] =	ssyncadd.s32 $0xFFFFE0C0  }
0x1ec: {  	_ =	swait.ge [sflag:s23], $0x1F40  }
0x1ed: {  	[sflag:s23] =	ssyncset.done $0x0  }
0x1ee: {  	s25 =	simm.s32 $0x10;
	[sflag:s23] =	ssyncadd.s32 $0xFFFFE0C0  }
0x1ef: {  	_ =	swait.ge [sflag:s25], $0x1F40  }
0x1f0: {  	[sflag:s25] =	ssyncset.done $0x0  }
0x1f1: {  	[sflag:s25] =	ssyncadd.s32 $0xFFFFE0C0  }
0x1f2: {  	[bflag:$0x0] =	sbarrier.arrive $0xFFFF  }
0x1f3: {  	s30 =	simm.s32 $0x10D80;
	s31 =	simm.s32 $0x17;
	s21 =	rddreg [dreg:$0x18]  }
0x1f4: {  	[tilespmem:s30], [sflag:$0x17] =	stream.linear.gather [spmem:s21], $0x2710, $0x38;
	[tilespmem:$0x1F7E0] =	vst v63  }
0x1f5: {  	_ =	swait.ge [sflag:s31], $0x2710  }
0x1f6: {  	[sflag:s31] =	ssyncset.done $0x0  }
0x1f7: {  	s11 =	simm.s32 $0x0;
	[sflag:s31] =	ssyncadd.s32 $0xFFFFD8F0  }
0x1f8: {  	v2 =	vld [tilespmem:s11+$0x10DC0];
	_ =	sdelay $0x4  }
0x1f9: {  	(erf) = vrcp.f32 v2;
	_ =	sdelay $0x2  }
0x1fa: {  	s0 =	simm.s32 $0x50  }
0x1fb: {  	v3 =	vld [tilespmem:s0+$0x10DC0];
	_ =	sdelay $0x1  }
0x1fc: {  	v2 =	vld [tilespmem:s11+$0x10D80]  }
0x1fd: {  	v4 =	vld [tilespmem:s11+$0x10D90]  }
0x1fe: {  	v5 =	vld [tilespmem:s11+$0x10DA0]  }
0x1ff: {  	v6 =	vld [tilespmem:s11+$0x10DB0];
	v7 =	vpop (erf);
	(erf) = vrcp.f32 v3;
	_ =	sdelay $0x1  }
0x200: {  	s4 =	simm.s32 $0xA0;
	v8 =	vmul.f32 v7, v2  }
0x201: {  	v2 =	vld [tilespmem:s4+$0x10DC0];
	v63 =	vmul.f32 v4, v7  }
0x202: {  	v4 =	vmul.f32 v5, v7;
	[tilespmem:s11+$0x10D80] =	vst v8  }
0x203: {  	s18 =	simm.s32 $0x3C0;
	v5 =	vmul.f32 v6, v7;
	v3 =	vld [tilespmem:s0+$0x10D80];
	[tilespmem:s11+$0x10D90] =	vst v63  }
.LBB2_26:
0x204: {  	p0 =	sne.s32 s18, $0x9B00;
	v6 =	vld [tilespmem:s0+$0x10D90];
	[tilespmem:s11+$0x10DA0] =	vst v4  }
0x205: {  	v4 =	vld [tilespmem:s0+$0x10DA0];
	[tilespmem:s11+$0x10DB0] =	vst v5;
	s11 =	smov.u32 s0;
	s0 =	smov.u32 s4  }
0x206: {  	(erf) = vrcp.f32 v2;
	v5 =	vld [tilespmem:s11+$0x10DB0]  }
.Ltmp14:
0x207: {  	v7 =	vpop (erf);
	(pc) =	sbr.rel @p0 .LBB2_26-.Ltmp14, $4  }
0x208: {  	s4 =	sshra.s32 s18, $0x2;
	v3 =	vmul.f32 v7, v3  }
0x209: {  	v2 =	vld [tilespmem:s4+$0x10DC0];
	v6 =	vmul.f32 v6, v7  }
0x20a: {  	[tilespmem:s11+$0x10D80] =	vst v3;
	v4 =	vmul.f32 v4, v7  }
0x20b: {  	s18 =	sadd.s32 $0x140, s18;
	v3 =	vld [tilespmem:s0+$0x10D80];
	[tilespmem:s11+$0x10D90] =	vst v6;
	v5 =	vmul.f32 v5, v7  }
0x20c: {  	_ = 	snop  }
0x20d: {  	v6 =	vld [tilespmem:s0+$0x10D90];
	[tilespmem:s11+$0x10DA0] =	vst v4  }
0x20e: {  	v4 =	vld [tilespmem:s0+$0x10DA0];
	[tilespmem:s11+$0x10DB0] =	vst v5  }
0x20f: {  	v7 =	vpop (erf);
	(erf) = vrcp.f32 v2;
	v2 =	vld [tilespmem:s0+$0x10DB0];
	_ =	sdelay $0x1  }
0x210: {  	v3 =	vmul.f32 v7, v3  }
0x211: {  	v62 =	vmul.f32 v6, v7  }
0x212: {  	[tilespmem:s0+$0x10D80] =	vst v3;
	v4 =	vmul.f32 v4, v7  }
0x213: {  	v3 =	vld [tilespmem:s4+$0x10D80];
	[tilespmem:s0+$0x10D90] =	vst v62;
	v2 =	vmul.f32 v2, v7  }
0x214: {  	v5 =	vld [tilespmem:s4+$0x10D90];
	[tilespmem:s0+$0x10DA0] =	vst v4  }
0x215: {  	v4 =	vld [tilespmem:s4+$0x10DA0];
	[tilespmem:s0+$0x10DB0] =	vst v2  }
0x216: {  	v2 =	vld [tilespmem:s4+$0x10DB0]  }
0x217: {  	v63 =	vpop (erf)  }
0x218: {  	v3 =	vmul.f32 v63, v3  }
0x219: {  	v5 =	vmul.f32 v5, v63  }
0x21a: {  	s20 =	rddreg [dreg:$0x19];
	[tilespmem:s4+$0x10D80] =	vst v3;
	v3 =	vmul.f32 v4, v63  }
0x21b: {  	s19 =	rddreg [dreg:$0x1b];
	[tilespmem:s4+$0x10D90] =	vst v5;
	v2 =	vmul.f32 v2, v63  }
0x21c: {  	s18 =	sadd.s32 $0x0, s13;
	s23 =	rddreg [dreg:$0x1c];
	[tilespmem:s4+$0x10DA0] =	vst v3  }
0x21d: {  	s11 =	simm.s32 $0x10DD0;
	s0 =	simm.s32 $0x10D80;
	[tilespmem:s4+$0x10DB0] =	vst v2;
	s4 =	simm.s32 $0x10  }
.LBB2_28:
0x21e: {  	[hbm4b:s18+s1] =	stream.linear.scatter [tilespmem:s0], [sflag:$0x17], $0x40, $0x38;
	[tilespmem:$0x1F7E0] =	vst v63  }
0x21f: {  	s10 =	smov.u32 s4;
	s0 =	smov.u32 s11;
	p0 =	sne.s32 s4, $0x7C0  }
.Ltmp15:
0x220: {  	s4 =	sadd.s32 $0x10, s4;
	(pc) =	sbr.rel @p0 .LBB2_28-.Ltmp15, $2  }
0x221: {  	_ =	sdelay $0x2  }
0x222: {  	s11 =	sadd.s32 $0x50, s11;
	s18 =	sadd.s32 s10, s13  }
0x223: {  	[hbm4b:s18+s1] =	stream.linear.scatter [tilespmem:s0], [sflag:$0x17], $0x40, $0x38;
	[tilespmem:$0x1F7E0] =	vst v63  }
0x224: {  	s31 =	simm.s32 $0x17  }
0x225: {  	_ =	swait.ge [sflag:s31], $0x1F40  }
0x226: {  	[sflag:s31] =	ssyncset.done $0x0  }
0x227: {  	[sflag:s31] =	ssyncadd.s32 $0xFFFFE0C0  }
0x228: {  	[tilespmem:s30], [sflag:$0x17] =	stream.linear.gather [spmem:s20], $0x2710, $0x38;
	[tilespmem:$0x1F7E0] =	vst v63  }
0x229: {  	_ =	swait.ge [sflag:s31], $0x2710  }
0x22a: {  	[sflag:s31] =	ssyncset.done $0x0  }
0x22b: {  	s11 =	simm.s32 $0x0;
	[sflag:s31] =	ssyncadd.s32 $0xFFFFD8F0  }
0x22c: {  	v2 =	vld [tilespmem:s11+$0x10DC0];
	_ =	sdelay $0x4  }
0x22d: {  	(erf) = vrcp.f32 v2;
	_ =	sdelay $0x2  }
0x22e: {  	s0 =	simm.s32 $0x50  }
0x22f: {  	v3 =	vld [tilespmem:s0+$0x10DC0];
	_ =	sdelay $0x1  }
0x230: {  	v2 =	vld [tilespmem:s11+$0x10D80]  }
0x231: {  	v4 =	vld [tilespmem:s11+$0x10D90]  }
0x232: {  	v5 =	vld [tilespmem:s11+$0x10DA0]  }
0x233: {  	v6 =	vld [tilespmem:s11+$0x10DB0];
	v7 =	vpop (erf);
	(erf) = vrcp.f32 v3;
	_ =	sdelay $0x1  }
0x234: {  	s4 =	simm.s32 $0xA0;
	v8 =	vmul.f32 v7, v2  }
0x235: {  	v2 =	vld [tilespmem:s4+$0x10DC0];
	v63 =	vmul.f32 v4, v7  }
0x236: {  	v4 =	vmul.f32 v5, v7;
	[tilespmem:s11+$0x10D80] =	vst v8  }
0x237: {  	s18 =	simm.s32 $0x3C0;
	s22 =	rddreg [dreg:$0x1a];
	v5 =	vmul.f32 v6, v7;
	v3 =	vld [tilespmem:s0+$0x10D80];
	[tilespmem:s11+$0x10D90] =	vst v63  }
.LBB2_30:
0x238: {  	p0 =	sne.s32 s18, $0x9B00;
	v6 =	vld [tilespmem:s0+$0x10D90];
	[tilespmem:s11+$0x10DA0] =	vst v4  }
0x239: {  	v4 =	vld [tilespmem:s0+$0x10DA0];
	[tilespmem:s11+$0x10DB0] =	vst v5;
	s11 =	smov.u32 s0;
	s0 =	smov.u32 s4  }
0x23a: {  	(erf) = vrcp.f32 v2;
	v5 =	vld [tilespmem:s11+$0x10DB0]  }
.Ltmp16:
0x23b: {  	v7 =	vpop (erf);
	(pc) =	sbr.rel @p0 .LBB2_30-.Ltmp16, $4  }
0x23c: {  	s4 =	sshra.s32 s18, $0x2;
	v3 =	vmul.f32 v7, v3  }
0x23d: {  	v2 =	vld [tilespmem:s4+$0x10DC0];
	v6 =	vmul.f32 v6, v7  }
0x23e: {  	[tilespmem:s11+$0x10D80] =	vst v3;
	v4 =	vmul.f32 v4, v7  }
0x23f: {  	s18 =	sadd.s32 $0x140, s18;
	v3 =	vld [tilespmem:s0+$0x10D80];
	[tilespmem:s11+$0x10D90] =	vst v6;
	v5 =	vmul.f32 v5, v7  }
0x240: {  	_ = 	snop  }
0x241: {  	v6 =	vld [tilespmem:s0+$0x10D90];
	[tilespmem:s11+$0x10DA0] =	vst v4  }
0x242: {  	v4 =	vld [tilespmem:s0+$0x10DA0];
	[tilespmem:s11+$0x10DB0] =	vst v5  }
0x243: {  	v7 =	vpop (erf);
	(erf) = vrcp.f32 v2;
	v2 =	vld [tilespmem:s0+$0x10DB0];
	_ =	sdelay $0x1  }
0x244: {  	v3 =	vmul.f32 v7, v3  }
0x245: {  	v62 =	vmul.f32 v6, v7  }
0x246: {  	[tilespmem:s0+$0x10D80] =	vst v3;
	v4 =	vmul.f32 v4, v7  }
0x247: {  	v3 =	vld [tilespmem:s4+$0x10D80];
	[tilespmem:s0+$0x10D90] =	vst v62;
	v2 =	vmul.f32 v2, v7  }
0x248: {  	v5 =	vld [tilespmem:s4+$0x10D90];
	[tilespmem:s0+$0x10DA0] =	vst v4  }
0x249: {  	v4 =	vld [tilespmem:s4+$0x10DA0];
	[tilespmem:s0+$0x10DB0] =	vst v2  }
0x24a: {  	v2 =	vld [tilespmem:s4+$0x10DB0]  }
0x24b: {  	v63 =	vpop (erf)  }
0x24c: {  	v3 =	vmul.f32 v63, v3  }
0x24d: {  	v5 =	vmul.f32 v5, v63  }
0x24e: {  	[tilespmem:s4+$0x10D80] =	vst v3;
	v3 =	vmul.f32 v4, v63  }
0x24f: {  	[tilespmem:s4+$0x10D90] =	vst v5;
	v2 =	vmul.f32 v2, v63  }
0x250: {  	s18 =	sadd.s32 $0x0, s14;
	[tilespmem:s4+$0x10DA0] =	vst v3  }
0x251: {  	s11 =	simm.s32 $0x10DD0;
	s0 =	simm.s32 $0x10D80;
	[tilespmem:s4+$0x10DB0] =	vst v2;
	s4 =	simm.s32 $0x10  }
.LBB2_32:
0x252: {  	[hbm4b:s18+s1] =	stream.linear.scatter [tilespmem:s0], [sflag:$0x17], $0x40, $0x38;
	[tilespmem:$0x1F7E0] =	vst v63  }
0x253: {  	s10 =	smov.u32 s4;
	s0 =	smov.u32 s11;
	p0 =	sne.s32 s4, $0x7C0  }
.Ltmp17:
0x254: {  	s4 =	sadd.s32 $0x10, s4;
	(pc) =	sbr.rel @p0 .LBB2_32-.Ltmp17, $2  }
0x255: {  	_ =	sdelay $0x2  }
0x256: {  	s11 =	sadd.s32 $0x50, s11;
	s18 =	sadd.s32 s10, s14  }
0x257: {  	[hbm4b:s18+s1] =	stream.linear.scatter [tilespmem:s0], [sflag:$0x17], $0x40, $0x38;
	[tilespmem:$0x1F7E0] =	vst v63  }
0x258: {  	s31 =	simm.s32 $0x17  }
0x259: {  	_ =	swait.ge [sflag:s31], $0x1F40  }
0x25a: {  	[sflag:s31] =	ssyncset.done $0x0  }
0x25b: {  	[sflag:s31] =	ssyncadd.s32 $0xFFFFE0C0  }
0x25c: {  	[tilespmem:s30], [sflag:$0x17] =	stream.linear.gather [spmem:s22], $0x2710, $0x38;
	[tilespmem:$0x1F7E0] =	vst v63  }
0x25d: {  	_ =	swait.ge [sflag:s31], $0x2710  }
0x25e: {  	[sflag:s31] =	ssyncset.done $0x0  }
0x25f: {  	s11 =	simm.s32 $0x0;
	[sflag:s31] =	ssyncadd.s32 $0xFFFFD8F0  }
0x260: {  	v2 =	vld [tilespmem:s11+$0x10DC0];
	_ =	sdelay $0x4  }
0x261: {  	(erf) = vrcp.f32 v2;
	_ =	sdelay $0x2  }
0x262: {  	s0 =	simm.s32 $0x50  }
0x263: {  	v3 =	vld [tilespmem:s0+$0x10DC0];
	_ =	sdelay $0x1  }
0x264: {  	v2 =	vld [tilespmem:s11+$0x10D80]  }
0x265: {  	v4 =	vld [tilespmem:s11+$0x10D90]  }
0x266: {  	v5 =	vld [tilespmem:s11+$0x10DA0]  }
0x267: {  	v6 =	vld [tilespmem:s11+$0x10DB0];
	v7 =	vpop (erf);
	(erf) = vrcp.f32 v3;
	_ =	sdelay $0x1  }
0x268: {  	s4 =	simm.s32 $0xA0;
	v8 =	vmul.f32 v7, v2  }
0x269: {  	v2 =	vld [tilespmem:s4+$0x10DC0];
	v63 =	vmul.f32 v4, v7  }
0x26a: {  	v4 =	vmul.f32 v5, v7;
	[tilespmem:s11+$0x10D80] =	vst v8  }
0x26b: {  	s18 =	simm.s32 $0x3C0;
	v5 =	vmul.f32 v6, v7;
	v3 =	vld [tilespmem:s0+$0x10D80];
	[tilespmem:s11+$0x10D90] =	vst v63  }
.LBB2_34:
0x26c: {  	p0 =	sne.s32 s18, $0x9B00;
	v6 =	vld [tilespmem:s0+$0x10D90];
	[tilespmem:s11+$0x10DA0] =	vst v4  }
0x26d: {  	v4 =	vld [tilespmem:s0+$0x10DA0];
	[tilespmem:s11+$0x10DB0] =	vst v5;
	s11 =	smov.u32 s0;
	s0 =	smov.u32 s4  }
0x26e: {  	(erf) = vrcp.f32 v2;
	v5 =	vld [tilespmem:s11+$0x10DB0]  }
.Ltmp18:
0x26f: {  	v7 =	vpop (erf);
	(pc) =	sbr.rel @p0 .LBB2_34-.Ltmp18, $4  }
0x270: {  	s4 =	sshra.s32 s18, $0x2;
	v3 =	vmul.f32 v7, v3  }
0x271: {  	v2 =	vld [tilespmem:s4+$0x10DC0];
	v6 =	vmul.f32 v6, v7  }
0x272: {  	[tilespmem:s11+$0x10D80] =	vst v3;
	v4 =	vmul.f32 v4, v7  }
0x273: {  	s18 =	sadd.s32 $0x140, s18;
	v3 =	vld [tilespmem:s0+$0x10D80];
	[tilespmem:s11+$0x10D90] =	vst v6;
	v5 =	vmul.f32 v5, v7  }
0x274: {  	_ = 	snop  }
0x275: {  	v6 =	vld [tilespmem:s0+$0x10D90];
	[tilespmem:s11+$0x10DA0] =	vst v4  }
0x276: {  	v4 =	vld [tilespmem:s0+$0x10DA0];
	[tilespmem:s11+$0x10DB0] =	vst v5  }
0x277: {  	v7 =	vpop (erf);
	(erf) = vrcp.f32 v2;
	v2 =	vld [tilespmem:s0+$0x10DB0];
	_ =	sdelay $0x1  }
0x278: {  	v3 =	vmul.f32 v7, v3  }
0x279: {  	v62 =	vmul.f32 v6, v7  }
0x27a: {  	[tilespmem:s0+$0x10D80] =	vst v3;
	v4 =	vmul.f32 v4, v7  }
0x27b: {  	v3 =	vld [tilespmem:s4+$0x10D80];
	[tilespmem:s0+$0x10D90] =	vst v62;
	v2 =	vmul.f32 v2, v7  }
0x27c: {  	v5 =	vld [tilespmem:s4+$0x10D90];
	[tilespmem:s0+$0x10DA0] =	vst v4  }
0x27d: {  	v4 =	vld [tilespmem:s4+$0x10DA0];
	[tilespmem:s0+$0x10DB0] =	vst v2  }
0x27e: {  	v2 =	vld [tilespmem:s4+$0x10DB0]  }
0x27f: {  	v63 =	vpop (erf)  }
0x280: {  	v3 =	vmul.f32 v63, v3  }
0x281: {  	v5 =	vmul.f32 v5, v63  }
0x282: {  	[tilespmem:s4+$0x10D80] =	vst v3;
	v3 =	vmul.f32 v4, v63  }
0x283: {  	[tilespmem:s4+$0x10D90] =	vst v5;
	v2 =	vmul.f32 v2, v63  }
0x284: {  	s18 =	sadd.s32 $0x0, s15;
	[tilespmem:s4+$0x10DA0] =	vst v3  }
0x285: {  	s11 =	simm.s32 $0x10DD0;
	s0 =	simm.s32 $0x10D80;
	[tilespmem:s4+$0x10DB0] =	vst v2;
	s4 =	simm.s32 $0x10  }
.LBB2_36:
0x286: {  	[hbm4b:s18+s1] =	stream.linear.scatter [tilespmem:s0], [sflag:$0x17], $0x40, $0x38;
	[tilespmem:$0x1F7E0] =	vst v63  }
0x287: {  	s10 =	smov.u32 s4;
	s0 =	smov.u32 s11;
	p0 =	sne.s32 s4, $0x7C0  }
.Ltmp19:
0x288: {  	s4 =	sadd.s32 $0x10, s4;
	(pc) =	sbr.rel @p0 .LBB2_36-.Ltmp19, $2  }
0x289: {  	_ =	sdelay $0x2  }
0x28a: {  	s11 =	sadd.s32 $0x50, s11;
	s18 =	sadd.s32 s10, s15  }
0x28b: {  	[hbm4b:s18+s1] =	stream.linear.scatter [tilespmem:s0], [sflag:$0x17], $0x40, $0x38;
	[tilespmem:$0x1F7E0] =	vst v63  }
0x28c: {  	s31 =	simm.s32 $0x17  }
0x28d: {  	_ =	swait.ge [sflag:s31], $0x1F40  }
0x28e: {  	[sflag:s31] =	ssyncset.done $0x0  }
0x28f: {  	[sflag:s31] =	ssyncadd.s32 $0xFFFFE0C0  }
0x290: {  	[tilespmem:s30], [sflag:$0x17] =	stream.linear.gather [spmem:s19], $0x2710, $0x38;
	[tilespmem:$0x1F7E0] =	vst v63  }
0x291: {  	_ =	swait.ge [sflag:s31], $0x2710  }
0x292: {  	[sflag:s31] =	ssyncset.done $0x0  }
0x293: {  	s11 =	simm.s32 $0x0;
	[sflag:s31] =	ssyncadd.s32 $0xFFFFD8F0  }
0x294: {  	v2 =	vld [tilespmem:s11+$0x10DC0];
	_ =	sdelay $0x4  }
0x295: {  	(erf) = vrcp.f32 v2;
	_ =	sdelay $0x2  }
0x296: {  	s0 =	simm.s32 $0x50  }
0x297: {  	v3 =	vld [tilespmem:s0+$0x10DC0];
	_ =	sdelay $0x1  }
0x298: {  	v2 =	vld [tilespmem:s11+$0x10D80]  }
0x299: {  	v4 =	vld [tilespmem:s11+$0x10D90]  }
0x29a: {  	v5 =	vld [tilespmem:s11+$0x10DA0]  }
0x29b: {  	v6 =	vld [tilespmem:s11+$0x10DB0];
	v7 =	vpop (erf);
	(erf) = vrcp.f32 v3;
	_ =	sdelay $0x1  }
0x29c: {  	s4 =	simm.s32 $0xA0;
	v8 =	vmul.f32 v7, v2  }
0x29d: {  	v2 =	vld [tilespmem:s4+$0x10DC0];
	v63 =	vmul.f32 v4, v7  }
0x29e: {  	v4 =	vmul.f32 v5, v7;
	[tilespmem:s11+$0x10D80] =	vst v8  }
0x29f: {  	s18 =	simm.s32 $0x3C0;
	v5 =	vmul.f32 v6, v7;
	v3 =	vld [tilespmem:s0+$0x10D80];
	[tilespmem:s11+$0x10D90] =	vst v63  }
.LBB2_38:
0x2a0: {  	p0 =	sne.s32 s18, $0x9B00;
	v6 =	vld [tilespmem:s0+$0x10D90];
	[tilespmem:s11+$0x10DA0] =	vst v4  }
0x2a1: {  	v4 =	vld [tilespmem:s0+$0x10DA0];
	[tilespmem:s11+$0x10DB0] =	vst v5;
	s11 =	smov.u32 s0;
	s0 =	smov.u32 s4  }
0x2a2: {  	(erf) = vrcp.f32 v2;
	v5 =	vld [tilespmem:s11+$0x10DB0]  }
.Ltmp20:
0x2a3: {  	v7 =	vpop (erf);
	(pc) =	sbr.rel @p0 .LBB2_38-.Ltmp20, $4  }
0x2a4: {  	s4 =	sshra.s32 s18, $0x2;
	v3 =	vmul.f32 v7, v3  }
0x2a5: {  	v2 =	vld [tilespmem:s4+$0x10DC0];
	v6 =	vmul.f32 v6, v7  }
0x2a6: {  	[tilespmem:s11+$0x10D80] =	vst v3;
	v4 =	vmul.f32 v4, v7  }
0x2a7: {  	s18 =	sadd.s32 $0x140, s18;
	v3 =	vld [tilespmem:s0+$0x10D80];
	[tilespmem:s11+$0x10D90] =	vst v6;
	v5 =	vmul.f32 v5, v7  }
0x2a8: {  	_ = 	snop  }
0x2a9: {  	v6 =	vld [tilespmem:s0+$0x10D90];
	[tilespmem:s11+$0x10DA0] =	vst v4  }
0x2aa: {  	v4 =	vld [tilespmem:s0+$0x10DA0];
	[tilespmem:s11+$0x10DB0] =	vst v5  }
0x2ab: {  	v7 =	vpop (erf);
	(erf) = vrcp.f32 v2;
	v2 =	vld [tilespmem:s0+$0x10DB0];
	_ =	sdelay $0x1  }
0x2ac: {  	v3 =	vmul.f32 v7, v3  }
0x2ad: {  	v62 =	vmul.f32 v6, v7  }
0x2ae: {  	[tilespmem:s0+$0x10D80] =	vst v3;
	v4 =	vmul.f32 v4, v7  }
0x2af: {  	v3 =	vld [tilespmem:s4+$0x10D80];
	[tilespmem:s0+$0x10D90] =	vst v62;
	v2 =	vmul.f32 v2, v7  }
0x2b0: {  	v5 =	vld [tilespmem:s4+$0x10D90];
	[tilespmem:s0+$0x10DA0] =	vst v4  }
0x2b1: {  	v4 =	vld [tilespmem:s4+$0x10DA0];
	[tilespmem:s0+$0x10DB0] =	vst v2  }
0x2b2: {  	v2 =	vld [tilespmem:s4+$0x10DB0]  }
0x2b3: {  	v63 =	vpop (erf)  }
0x2b4: {  	v3 =	vmul.f32 v63, v3  }
0x2b5: {  	v5 =	vmul.f32 v5, v63  }
0x2b6: {  	[tilespmem:s4+$0x10D80] =	vst v3;
	v3 =	vmul.f32 v4, v63  }
0x2b7: {  	[tilespmem:s4+$0x10D90] =	vst v5;
	v2 =	vmul.f32 v2, v63  }
0x2b8: {  	s18 =	sadd.s32 $0x0, s16;
	[tilespmem:s4+$0x10DA0] =	vst v3  }
0x2b9: {  	s11 =	simm.s32 $0x10DD0;
	s0 =	simm.s32 $0x10D80;
	[tilespmem:s4+$0x10DB0] =	vst v2;
	s4 =	simm.s32 $0x10  }
.LBB2_40:
0x2ba: {  	[hbm4b:s18+s1] =	stream.linear.scatter [tilespmem:s0], [sflag:$0x17], $0x40, $0x38;
	[tilespmem:$0x1F7E0] =	vst v63  }
0x2bb: {  	s10 =	smov.u32 s4;
	s0 =	smov.u32 s11;
	p0 =	sne.s32 s4, $0x7C0  }
.Ltmp21:
0x2bc: {  	s4 =	sadd.s32 $0x10, s4;
	(pc) =	sbr.rel @p0 .LBB2_40-.Ltmp21, $2  }
0x2bd: {  	_ =	sdelay $0x2  }
0x2be: {  	s11 =	sadd.s32 $0x50, s11;
	s18 =	sadd.s32 s10, s16  }
0x2bf: {  	[hbm4b:s18+s1] =	stream.linear.scatter [tilespmem:s0], [sflag:$0x17], $0x40, $0x38;
	[tilespmem:$0x1F7E0] =	vst v63  }
0x2c0: {  	s31 =	simm.s32 $0x17  }
0x2c1: {  	_ =	swait.ge [sflag:s31], $0x1F40  }
0x2c2: {  	[sflag:s31] =	ssyncset.done $0x0  }
0x2c3: {  	[sflag:s31] =	ssyncadd.s32 $0xFFFFE0C0  }
0x2c4: {  	[tilespmem:s30], [sflag:$0x17] =	stream.linear.gather [spmem:s23], $0x2710, $0x38;
	[tilespmem:$0x1F7E0] =	vst v63  }
0x2c5: {  	_ =	swait.ge [sflag:s31], $0x2710  }
0x2c6: {  	[sflag:s31] =	ssyncset.done $0x0  }
0x2c7: {  	s11 =	simm.s32 $0x0;
	[sflag:s31] =	ssyncadd.s32 $0xFFFFD8F0  }
0x2c8: {  	v2 =	vld [tilespmem:s11+$0x10DC0];
	_ =	sdelay $0x4  }
0x2c9: {  	(erf) = vrcp.f32 v2;
	_ =	sdelay $0x2  }
0x2ca: {  	s0 =	simm.s32 $0x50  }
0x2cb: {  	v3 =	vld [tilespmem:s0+$0x10DC0];
	_ =	sdelay $0x1  }
0x2cc: {  	v2 =	vld [tilespmem:s11+$0x10D80]  }
0x2cd: {  	v4 =	vld [tilespmem:s11+$0x10D90]  }
0x2ce: {  	v5 =	vld [tilespmem:s11+$0x10DA0]  }
0x2cf: {  	v6 =	vld [tilespmem:s11+$0x10DB0];
	v7 =	vpop (erf);
	(erf) = vrcp.f32 v3;
	_ =	sdelay $0x1  }
0x2d0: {  	s4 =	simm.s32 $0xA0;
	v8 =	vmul.f32 v7, v2  }
0x2d1: {  	v2 =	vld [tilespmem:s4+$0x10DC0];
	v63 =	vmul.f32 v4, v7  }
0x2d2: {  	v4 =	vmul.f32 v5, v7;
	[tilespmem:s11+$0x10D80] =	vst v8  }
0x2d3: {  	s18 =	simm.s32 $0x3C0;
	v5 =	vmul.f32 v6, v7;
	v3 =	vld [tilespmem:s0+$0x10D80];
	[tilespmem:s11+$0x10D90] =	vst v63  }
.LBB2_42:
0x2d4: {  	p0 =	sne.s32 s18, $0x9B00;
	v6 =	vld [tilespmem:s0+$0x10D90];
	[tilespmem:s11+$0x10DA0] =	vst v4  }
0x2d5: {  	v4 =	vld [tilespmem:s0+$0x10DA0];
	[tilespmem:s11+$0x10DB0] =	vst v5;
	s11 =	smov.u32 s0;
	s0 =	smov.u32 s4  }
0x2d6: {  	(erf) = vrcp.f32 v2;
	v5 =	vld [tilespmem:s11+$0x10DB0]  }
.Ltmp22:
0x2d7: {  	v7 =	vpop (erf);
	(pc) =	sbr.rel @p0 .LBB2_42-.Ltmp22, $4  }
0x2d8: {  	s4 =	sshra.s32 s18, $0x2;
	v3 =	vmul.f32 v7, v3  }
0x2d9: {  	v2 =	vld [tilespmem:s4+$0x10DC0];
	v6 =	vmul.f32 v6, v7  }
0x2da: {  	[tilespmem:s11+$0x10D80] =	vst v3;
	v4 =	vmul.f32 v4, v7  }
0x2db: {  	s18 =	sadd.s32 $0x140, s18;
	v3 =	vld [tilespmem:s0+$0x10D80];
	[tilespmem:s11+$0x10D90] =	vst v6;
	v5 =	vmul.f32 v5, v7  }
0x2dc: {  	_ = 	snop  }
0x2dd: {  	v6 =	vld [tilespmem:s0+$0x10D90];
	[tilespmem:s11+$0x10DA0] =	vst v4  }
0x2de: {  	v4 =	vld [tilespmem:s0+$0x10DA0];
	[tilespmem:s11+$0x10DB0] =	vst v5  }
0x2df: {  	v7 =	vpop (erf);
	(erf) = vrcp.f32 v2;
	v2 =	vld [tilespmem:s0+$0x10DB0];
	_ =	sdelay $0x1  }
0x2e0: {  	v3 =	vmul.f32 v7, v3  }
0x2e1: {  	v62 =	vmul.f32 v6, v7  }
0x2e2: {  	[tilespmem:s0+$0x10D80] =	vst v3;
	v4 =	vmul.f32 v4, v7  }
0x2e3: {  	v3 =	vld [tilespmem:s4+$0x10D80];
	[tilespmem:s0+$0x10D90] =	vst v62;
	v2 =	vmul.f32 v2, v7  }
0x2e4: {  	v5 =	vld [tilespmem:s4+$0x10D90];
	[tilespmem:s0+$0x10DA0] =	vst v4  }
0x2e5: {  	v4 =	vld [tilespmem:s4+$0x10DA0];
	[tilespmem:s0+$0x10DB0] =	vst v2  }
0x2e6: {  	v2 =	vld [tilespmem:s4+$0x10DB0]  }
0x2e7: {  	v63 =	vpop (erf)  }
0x2e8: {  	v3 =	vmul.f32 v63, v3  }
0x2e9: {  	v5 =	vmul.f32 v5, v63  }
0x2ea: {  	[tilespmem:s4+$0x10D80] =	vst v3;
	v3 =	vmul.f32 v4, v63  }
0x2eb: {  	[tilespmem:s4+$0x10D90] =	vst v5;
	v2 =	vmul.f32 v2, v63  }
0x2ec: {  	s18 =	sadd.s32 $0x0, s17;
	[tilespmem:s4+$0x10DA0] =	vst v3  }
0x2ed: {  	s11 =	simm.s32 $0x10DD0;
	s0 =	simm.s32 $0x10D80;
	[tilespmem:s4+$0x10DB0] =	vst v2;
	s4 =	simm.s32 $0x10  }
.LBB2_44:
0x2ee: {  	[hbm4b:s18+s1] =	stream.linear.scatter [tilespmem:s0], [sflag:$0x17], $0x40, $0x38;
	[tilespmem:$0x1F7E0] =	vst v63  }
0x2ef: {  	s10 =	smov.u32 s4;
	s0 =	smov.u32 s11;
	p0 =	sne.s32 s4, $0x7C0  }
.Ltmp23:
0x2f0: {  	s4 =	sadd.s32 $0x10, s4;
	(pc) =	sbr.rel @p0 .LBB2_44-.Ltmp23, $2  }
0x2f1: {  	_ =	sdelay $0x2  }
0x2f2: {  	s11 =	sadd.s32 $0x50, s11;
	s18 =	sadd.s32 s10, s17  }
0x2f3: {  	[hbm4b:s18+s1] =	stream.linear.scatter [tilespmem:s0], [sflag:$0x17], $0x40, $0x38;
	[tilespmem:$0x1F7E0] =	vst v63  }
0x2f4: {  	s4 =	simm.s32 $0x17  }
0x2f5: {  	_ =	swait.ge [sflag:s4], $0x1F40  }
0x2f6: {  	s10 =	sld [smem:$0x7FD];
	_ =	sdelay $0x2  }
0x2f7: {  	s31 =	rddreg [dreg:$0x1d];
	s10 =	sadd.s32 $0x1, s10  }
0x2f8: {  	p0 =	sne.s32 s10, s31  }
.Ltmp24:
0x2f9: {  	_ = 	snop;
	(pc) =	sbr.rel @p0 .LBB2_1-.Ltmp24, $3  }
0x2fa: {  	_ =	sdelay $0x1  }
0x2fb: {  	[sflag:s4] =	ssyncset.done $0x0  }
0x2fc: {  	[sflag:s4] =	ssyncadd.s32 $0xFFFFE0C0  }
0x2fd: {  	_ =	sfence.sel $0x180000  }
0x2fe: {  	[bflag:$0x0] =	sbarrier.arrive $0xFFFF  }
0x2ff: {  	_ =	strace $0x90000047  }
0x300: {  	s0 =	stileid.u32;
	[bflag:$0x2] =	sbarrier.arrive $0xFFFF  }
0x301: {  	p0 =	sne.s32 s0, $0x0;
	s0 =	rddreg [dreg:$0x4]  }
0x302: {  	s0 =	sadd.s32 @!p0 $0x100000, s0  }
0x303: {  	[sflag:s0] =	ssyncadd.tile.s32 @!p0 $0x1;
	_ =	shalt  }
.Lfunc_end2:
_tile_overlayer_lowered:
.L_overlay_start_2:
0x304: {  	(tag) =	ssettag $0x2  }
0x305: {  	s0 =	rddreg [dreg:$0x0];
	s2 =	stileid.u32  }
0x306: {  	s1 =	rddreg [dreg:$0x1];
	p0 =	sne.s32 s2, $0x0  }
0x307: {  	s3 =	rddreg [dreg:$0x2];
	[bflag:$0x3] =	sbarrier.arrive $0xFFFF;
	s2 =	simm.s32 @!p0 $0x1C17  }
0x308: {  	[timem:s3], [sflag:s2] =	dma.local @!p0 [hbm:s0], s1  }
0x309: {  	s0 =	simm.s32 @!p0 $0x17  }
0x30a: {  	_ =	swait.ge @!p0 [sflag:s0], s1  }
0x30b: {  	s1 =	ssub.s32 @!p0 $0x0, s1;
	[sflag:s0] =	ssyncset.done @!p0 $0x0  }
0x30c: {  	[sflag:s0] =	ssyncadd.s32 @!p0 s1  }
0x30d: {  	[bflag:$0x3] =	sbarrier.arrive $0xFFFF  }
0x30e: {  	_ =	shalt  }

</sc_bundles>
